<compile_context>
chip_gen: v7x
topology: tpu7x:2x2x1
jax: 0.10.2.dev20260603
libtpu: 0.0.44.dev20260713+nightly
codegen_flags: <defaults>
</compile_context>

<pallas_src>
import jax
import jax.numpy as jnp
from jax import lax
from jax.experimental import pallas as pl
from jax.experimental.pallas import tpu as pltpu
from jax.experimental.pallas import tpu_sc as plsc

NU = 5000
NI = 5000
R = 5
IN_FEAT = 128
HID = 128
HALF = 64
QCOL = 32
NQ = IN_FEAT // QCOL

NC = 2
NS = 16
CHUNK = 128

ACC_ROWS = R * NU + 88
ROWS_PT = ACC_ROWS // NS


def _sc_mesh():
    return plsc.VectorSubcoreMesh(
        core_axis_name="c", subcore_axis_name="s", num_cores=NC, num_subcores=NS)


NBUF = 6
LAG = 3


def _sc_accumulate(xi_qs, xu_qs, gu, gv, ku, kv, ones_i, zf):
    nchunk = gu.shape[1]
    nq = len(xi_qs)

    def body(*refs):
        xi_t = refs[0:nq]
        xu_t = refs[nq:2 * nq]
        gu_h, gv_h, ku_h, kv_h, ones_h, zf_h = refs[2 * nq:2 * nq + 6]
        ou, ouc, ov, ovc = refs[2 * nq + 6:2 * nq + 10]
        (keys_t, gidx_t, rows_t, ones_t, acc_f, tab_sp,
         sem_g, sem_s) = refs[2 * nq + 10:]
        cid = lax.axis_index("c")
        sid = lax.axis_index("s")
        base = sid * ROWS_PT
        tail_rows = R * NU - (NS - 1) * ROWS_PT

        def dump(src, dst_cols):
            @pl.when(sid < NS - 1)
            def _():
                pltpu.sync_copy(src.at[pl.ds(base, ROWS_PT)],
                                dst_cols(pl.ds(base, ROWS_PT)))

            @pl.when(sid == NS - 1)
            def _():
                pltpu.sync_copy(src.at[pl.ds(base, tail_rows)],
                                dst_cols(pl.ds(base, tail_rows)))

        def run_side(tabs, gidx_hbm, keys_hbm, o, oc):
            pltpu.sync_copy(keys_hbm.at[sid], keys_t)
            pltpu.sync_copy(gidx_hbm.at[sid], gidx_t)
            pltpu.sync_copy(ones_h, ones_t)

            scope_cnt = jax.named_scope("cnt_pass")
            scope_cnt.__enter__()
            pltpu.sync_copy(zf_h, acc_f.at[pl.ds(base, ROWS_PT)])
            plsc.subcore_barrier()

            def cchunk(j, carry):
                pltpu.async_copy(ones_t, acc_f.at[keys_t.at[j]], sem_s, add=True)

                @pl.when(j >= LAG)
                def _():
                    pltpu.make_async_copy(
                        ones_t, acc_f.at[keys_t.at[0]], sem_s).wait()

                return carry

            lax.fori_loop(0, nchunk, cchunk, 0)
            for _ in range(LAG):
                pltpu.make_async_copy(
                    ones_t, acc_f.at[keys_t.at[0]], sem_s).wait()
            plsc.subcore_barrier()
            dump(acc_f, lambda rs: oc.at[rs])
            plsc.subcore_barrier()
            scope_cnt.__exit__(None, None, None)

            for q in range(nq):
                scope_q = jax.named_scope(f"feat_pass{q}")
                scope_q.__enter__()
                tab = tab_sp
                pltpu.sync_copy(zf_h, acc_f.at[pl.ds(base, ROWS_PT)])

                @pl.when(sid == 0)
                def _(q=q):
                    pltpu.sync_copy(tabs[q], tab_sp)

                plsc.subcore_barrier()

                for b in range(LAG):
                    pltpu.async_copy(tab.at[gidx_t.at[b]], rows_t.at[b], sem_g)

                def chunk(j, carry):
                    slot = lax.rem(j, NBUF)
                    pltpu.make_async_copy(
                        tab.at[gidx_t.at[j]], rows_t.at[slot], sem_g).wait()
                    pltpu.async_copy(
                        rows_t.at[slot], acc_f.at[keys_t.at[j]], sem_s, add=True)

                    @pl.when(j + LAG < nchunk)
                    def _():
                        @pl.when(j >= LAG)
                        def _():
                            pltpu.make_async_copy(
                                rows_t.at[0], acc_f.at[keys_t.at[0]],
                                sem_s).wait()

                        pltpu.async_copy(
                            tab.at[gidx_t.at[j + LAG]],
                            rows_t.at[lax.rem(j + LAG, NBUF)], sem_g)

                    return carry

                lax.fori_loop(0, nchunk, chunk, 0)
                for b in range(NBUF):
                    pltpu.make_async_copy(
                        rows_t.at[b], acc_f.at[keys_t.at[0]], sem_s).wait()
                plsc.subcore_barrier()
                dump(acc_f, lambda rs, q=q: o.at[rs, pl.ds(q * QCOL, QCOL)])
                plsc.subcore_barrier()
                scope_q.__exit__(None, None, None)

        @pl.when(cid == 0)
        def _():
            run_side(xi_t, gu_h, ku_h, ou, ouc)

        @pl.when(cid == 1)
        def _():
            run_side(xu_t, gv_h, kv_h, ov, ovc)

    f = pl.kernel(
        body,
        out_type=[
            jax.ShapeDtypeStruct((R * NU, IN_FEAT), jnp.float32),
            jax.ShapeDtypeStruct((R * NU, QCOL), jnp.float32),
            jax.ShapeDtypeStruct((R * NI, IN_FEAT), jnp.float32),
            jax.ShapeDtypeStruct((R * NI, QCOL), jnp.float32),
        ],
        mesh=_sc_mesh(),
        scratch_types=[
            pltpu.VMEM((nchunk, CHUNK), jnp.int32),
            pltpu.VMEM((nchunk, CHUNK), jnp.int32),
            pltpu.VMEM((NBUF, CHUNK, QCOL), jnp.float32),
            pltpu.VMEM((CHUNK, QCOL), jnp.float32),
            pltpu.VMEM_SHARED((ACC_ROWS, QCOL), jnp.float32),
            pltpu.VMEM_SHARED((NU, QCOL), jnp.float32),
            pltpu.SemaphoreType.DMA,
            pltpu.SemaphoreType.DMA,
        ],
        compiler_params=pltpu.CompilerParams(use_tc_tiling_on_sc=False),
    )
    return f(*xi_qs, *xu_qs, gu, gv, ku, kv, ones_i, zf)


def _tc_body(fu_ref, cu_ref, fv_ref, cv_ref, w_ref, hu_ref, hv_ref):
    for f_ref, cnt_ref, out_ref in ((fu_ref, cu_ref, hu_ref),
                                    (fv_ref, cv_ref, hv_ref)):
        acc = jnp.zeros(out_ref.shape, jnp.float32)
        for r in range(R):
            c = cnt_ref[r, :, 0:1]
            rc = jnp.where(c > 0.5, 1.0 / c, 0.0)
            acc = acc + jnp.dot(f_ref[r] * rc, w_ref[r],
                                preferred_element_type=jnp.float32)
        out_ref[...] = acc


def _tc_project(fu, cu, fv, cv, weight):
    blk = 1000
    grid = (NU // blk,)
    fspec = pl.BlockSpec((R, blk, IN_FEAT), lambda g: (0, g, 0))
    cspec = pl.BlockSpec((R, blk, QCOL), lambda g: (0, g, 0))
    ospec = pl.BlockSpec((blk, HID), lambda g: (g, 0))
    return pl.pallas_call(
        _tc_body,
        grid=grid,
        in_specs=[fspec, cspec, fspec, cspec,
                  pl.BlockSpec((R, IN_FEAT, HID), lambda g: (0, 0, 0))],
        out_specs=[ospec, ospec],
        out_shape=[jax.ShapeDtypeStruct((NU, HID), jnp.float32),
                   jax.ShapeDtypeStruct((NI, HID), jnp.float32)],
    )(fu, cu, fv, cv, weight)


def kernel(x_user, x_item, u_s, v_s, rate, weight):
    E = u_s.shape[0]
    nchunk = -(-E // (NS * CHUNK))
    e_pad = NS * nchunk * CHUNK
    pad = e_pad - E

    u_s = u_s.astype(jnp.int32)
    v_s = v_s.astype(jnp.int32)
    rate = rate.astype(jnp.int32)

    key_u = rate * NU + u_s
    key_v = rate * NI + v_s
    trash = jnp.full((pad,), R * NU, jnp.int32)
    zero_idx = jnp.zeros((pad,), jnp.int32)
    ku = jnp.concatenate([key_u, trash]).reshape(NS, nchunk, CHUNK)
    kv = jnp.concatenate([key_v, trash]).reshape(NS, nchunk, CHUNK)
    gu = jnp.concatenate([v_s, zero_idx]).reshape(NS, nchunk, CHUNK)
    gv = jnp.concatenate([u_s, zero_idx]).reshape(NS, nchunk, CHUNK)

    xi_qs = [x_item[:, q * QCOL:(q + 1) * QCOL] for q in range(NQ)]
    xu_qs = [x_user[:, q * QCOL:(q + 1) * QCOL] for q in range(NQ)]
    ones_i = jnp.ones((CHUNK, QCOL), jnp.float32)
    zf = jnp.zeros((ROWS_PT, QCOL), jnp.float32)

    ou, ouc, ov, ovc = _sc_accumulate(
        xi_qs, xu_qs, gu, gv, ku, kv, ones_i, zf)

    h_u, h_v = _tc_project(
        ou.reshape(R, NU, IN_FEAT), ouc.reshape(R, NU, QCOL),
        ov.reshape(R, NI, IN_FEAT), ovc.reshape(R, NI, QCOL), weight)
    return h_u, h_v

# --- scband reference (transcript-rebuilt; emitter-appended) ---
"""Pipeline reference for scband-graph-cov-layer-69483980914743 (READ-ONLY COPY).

The authoritative reference and input builder live on the scoring server;
editing this copy changes nothing except your own understanding.
"""

import jax, jax.numpy as jnp
import numpy as np

NU = 5000
NI = 5000
E = 320000
R = 5
IN_FEAT = 128
HID_FEAT = 128


def setup_inputs(seed: int = 0) -> dict:
    key = jax.random.key(seed)
    ks = jax.random.split(key, 6)
    x_user = jax.random.normal(ks[0], (NU, IN_FEAT), dtype=jnp.float32)
    x_item = jax.random.normal(ks[1], (NI, IN_FEAT), dtype=jnp.float32)
    u_s = jax.random.randint(ks[2], (E,), 0, NU)
    v_s = jax.random.randint(ks[3], (E,), 0, NI)
    rate = jax.random.randint(ks[4], (E,), 0, R)
    # xavier_uniform with gain=calculate_gain('relu')=sqrt(2) over last two dims
    gain = float(np.sqrt(2.0))
    limit = gain * float(np.sqrt(6.0 / (IN_FEAT + HID_FEAT)))
    weight = jax.random.uniform(ks[5], (R, IN_FEAT, HID_FEAT), dtype=jnp.float32, minval=-limit, maxval=limit)
    return {"x_user": x_user, "x_item": x_item, "u_s": u_s, "v_s": v_s, "rate": rate, "weight": weight}


def reference(x_user, x_item, u_s, v_s, rate, weight):
    # w_sharing=False -> use weight as-is
    # Per-rating projections of node features (same math as per-edge x @ weight[rate])
    proj_item = jnp.einsum('nf,rfh->rnh', x_item, weight)  # (R, NI, HID)
    proj_user = jnp.einsum('nf,rfh->rnh', x_user, weight)  # (R, NU, HID)
    # Per-edge messages: x_item[v_s[j]] @ weight[rate[j]]
    msg_u = proj_item[rate, v_s]  # (E, HID)
    msg_v = proj_user[rate, u_s]  # (E, HID)
    # c_ij = number of edges incident to node i with the same rating as edge j
    key_u = u_s * R + rate
    key_v = v_s * R + rate
    cnt_u = jnp.bincount(key_u, length=NU * R)
    cnt_v = jnp.bincount(key_v, length=NI * R)
    c_u = cnt_u[key_u].astype(jnp.float32)
    c_v = cnt_v[key_v].astype(jnp.float32)
    # Aggregate normalized messages per destination node (scatter-add)
    h_u = jax.ops.segment_sum(msg_u / c_u[:, None], u_s, num_segments=NU)
    h_v = jax.ops.segment_sum(msg_v / c_v[:, None], v_s, num_segments=NI)
    # activation=None, dropout=0.0 -> identity
    return h_u, h_v

if __name__ == "__main__":
    import jax
    _d = setup_inputs()
    print(jax.jit(kernel)(*tuple(_d.values())))

</pallas_src>

<mosaic_0001>
#map = affine_map<(d0, d1) -> (0, 0)>
#map1 = affine_map<(d0, d1) -> (0, 0, 0)>
module attributes {stable_mosaic.version = 14 : i64} {
  func.func @body(%arg0: i32, %arg1: i32, %arg2: memref<5000x32xf32, #tpu.memory_space<hbm>>, %arg3: memref<5000x32xf32, #tpu.memory_space<hbm>>, %arg4: memref<5000x32xf32, #tpu.memory_space<hbm>>, %arg5: memref<5000x32xf32, #tpu.memory_space<hbm>>, %arg6: memref<5000x32xf32, #tpu.memory_space<hbm>>, %arg7: memref<5000x32xf32, #tpu.memory_space<hbm>>, %arg8: memref<5000x32xf32, #tpu.memory_space<hbm>>, %arg9: memref<5000x32xf32, #tpu.memory_space<hbm>>, %arg10: memref<16x157x128xi32, #tpu.memory_space<hbm>>, %arg11: memref<16x157x128xi32, #tpu.memory_space<hbm>>, %arg12: memref<16x157x128xi32, #tpu.memory_space<hbm>>, %arg13: memref<16x157x128xi32, #tpu.memory_space<hbm>>, %arg14: memref<128x32xf32, #tpu.memory_space<hbm>>, %arg15: memref<1568x32xf32, #tpu.memory_space<hbm>>, %arg16: memref<25000x128xf32, #tpu.memory_space<hbm>>, %arg17: memref<25000x32xf32, #tpu.memory_space<hbm>>, %arg18: memref<25000x128xf32, #tpu.memory_space<hbm>>, %arg19: memref<25000x32xf32, #tpu.memory_space<hbm>>, %arg20: memref<157x128xi32, #tpu.memory_space<vmem>>, %arg21: memref<157x128xi32, #tpu.memory_space<vmem>>, %arg22: memref<6x128x32xf32, #tpu.memory_space<vmem>>, %arg23: memref<128x32xf32, #tpu.memory_space<vmem>>, %arg24: memref<25088x32xf32, #tpu.memory_space<vmem_shared>>, %arg25: memref<5000x32xf32, #tpu.memory_space<vmem_shared>>, %arg26: memref<!tpu.dma_semaphore, #tpu.memory_space<semaphore_mem>>, %arg27: memref<!tpu.dma_semaphore, #tpu.memory_space<semaphore_mem>>) attributes {dimension_semantics = [#tpu.dimension_semantics<core_parallel>, #tpu.dimension_semantics<subcore_parallel>], iteration_bounds = array<i64: 2, 16>, scalar_prefetch = 0 : i64, scratch_operands = 8 : i64, tpu.core_type = #tpu.core_type<sc_vector_subcore>, window_params = [{transform_indices = #map}, {transform_indices = #map}, {transform_indices = #map}, {transform_indices = #map}, {transform_indices = #map}, {transform_indices = #map}, {transform_indices = #map}, {transform_indices = #map}, {transform_indices = #map1}, {transform_indices = #map1}, {transform_indices = #map1}, {transform_indices = #map1}, {transform_indices = #map}, {transform_indices = #map}, {transform_indices = #map}, {transform_indices = #map}, {transform_indices = #map}, {transform_indices = #map}]} {
    %mul3A = arith.constant 1568 : i32
    %mul3A_0 = arith.muli %arg1, %mul3A : i32
    %eq3A = arith.constant 0 : i32
    %eq3A_1 = arith.cmpi eq, %arg0, %eq3A : i32
    %convert_element_type3A = arith.extui %eq3A_1 : i1 to i32
    %cond3A = arith.constant 0 : i32
    %cond3A_2 = arith.cmpi ne, %convert_element_type3A, %cond3A : i32
    scf.if %cond3A_2 {
      "tpu.region"() ({
        %run_scoped3A = tpu.sem_alloc : memref<!tpu.dma_semaphore, #tpu.memory_space<semaphore_mem>>
        %dma_start3A_571 = arith.constant 0 : i32
        %dma_start3A_572 = arith.constant 0 : i32
        %dma_start3A_573 = tpu.memref_slice %arg12[%arg1, %dma_start3A_571, %dma_start3A_572] : memref<16x157x128xi32, #tpu.memory_space<hbm>> -> memref<1x157x128xi32, #tpu.memory_space<hbm>>
        %dma_start3A_574 = tpu.memref_squeeze %dma_start3A_573 : memref<1x157x128xi32, #tpu.memory_space<hbm>> -> memref<157x128xi32, #tpu.memory_space<hbm>>
        %dma_start3A_575 = arith.constant 0 : i32
        %dma_start3A_576 = arith.constant 0 : i32
        %dma_start3A_577 = tpu.memref_slice %arg12[%arg1, %dma_start3A_575, %dma_start3A_576] : memref<16x157x128xi32, #tpu.memory_space<hbm>> -> memref<1x157x128xi32, #tpu.memory_space<hbm>>
        %dma_start3A_578 = tpu.memref_squeeze %dma_start3A_577 : memref<1x157x128xi32, #tpu.memory_space<hbm>> -> memref<157x128xi32, #tpu.memory_space<hbm>>
        tpu.enqueue_dma source(%dma_start3A_578 : memref<157x128xi32, #tpu.memory_space<hbm>>) target(%arg20 : memref<157x128xi32, #tpu.memory_space<vmem>>) target_semaphore(%run_scoped3A : memref<!tpu.dma_semaphore, #tpu.memory_space<semaphore_mem>>)
        %dma_wait3A_579 = arith.constant 0 : i32
        %dma_wait3A_580 = arith.constant 0 : i32
        %dma_wait3A_581 = tpu.memref_slice %arg12[%arg1, %dma_wait3A_579, %dma_wait3A_580] : memref<16x157x128xi32, #tpu.memory_space<hbm>> -> memref<1x157x128xi32, #tpu.memory_space<hbm>>
        %dma_wait3A_582 = tpu.memref_squeeze %dma_wait3A_581 : memref<1x157x128xi32, #tpu.memory_space<hbm>> -> memref<157x128xi32, #tpu.memory_space<hbm>>
        %dma_wait3A_583 = arith.constant 0 : i32
        %dma_wait3A_584 = arith.constant 0 : i32
        %dma_wait3A_585 = tpu.memref_slice %arg12[%arg1, %dma_wait3A_583, %dma_wait3A_584] : memref<16x157x128xi32, #tpu.memory_space<hbm>> -> memref<1x157x128xi32, #tpu.memory_space<hbm>>
        %dma_wait3A_586 = tpu.memref_squeeze %dma_wait3A_585 : memref<1x157x128xi32, #tpu.memory_space<hbm>> -> memref<157x128xi32, #tpu.memory_space<hbm>>
        tpu.wait_dma2 semaphore(%run_scoped3A : memref<!tpu.dma_semaphore, #tpu.memory_space<semaphore_mem>>) src(%dma_wait3A_586 : memref<157x128xi32, #tpu.memory_space<hbm>>) dst(%arg20 : memref<157x128xi32, #tpu.memory_space<vmem>>)
        tpu.yield
      }) : () -> ()
      "tpu.region"() ({
        %run_scoped3A = tpu.sem_alloc : memref<!tpu.dma_semaphore, #tpu.memory_space<semaphore_mem>>
        %dma_start3A_571 = arith.constant 0 : i32
        %dma_start3A_572 = arith.constant 0 : i32
        %dma_start3A_573 = tpu.memref_slice %arg10[%arg1, %dma_start3A_571, %dma_start3A_572] : memref<16x157x128xi32, #tpu.memory_space<hbm>> -> memref<1x157x128xi32, #tpu.memory_space<hbm>>
        %dma_start3A_574 = tpu.memref_squeeze %dma_start3A_573 : memref<1x157x128xi32, #tpu.memory_space<hbm>> -> memref<157x128xi32, #tpu.memory_space<hbm>>
        %dma_start3A_575 = arith.constant 0 : i32
        %dma_start3A_576 = arith.constant 0 : i32
        %dma_start3A_577 = tpu.memref_slice %arg10[%arg1, %dma_start3A_575, %dma_start3A_576] : memref<16x157x128xi32, #tpu.memory_space<hbm>> -> memref<1x157x128xi32, #tpu.memory_space<hbm>>
        %dma_start3A_578 = tpu.memref_squeeze %dma_start3A_577 : memref<1x157x128xi32, #tpu.memory_space<hbm>> -> memref<157x128xi32, #tpu.memory_space<hbm>>
        tpu.enqueue_dma source(%dma_start3A_578 : memref<157x128xi32, #tpu.memory_space<hbm>>) target(%arg21 : memref<157x128xi32, #tpu.memory_space<vmem>>) target_semaphore(%run_scoped3A : memref<!tpu.dma_semaphore, #tpu.memory_space<semaphore_mem>>)
        %dma_wait3A_579 = arith.constant 0 : i32
        %dma_wait3A_580 = arith.constant 0 : i32
        %dma_wait3A_581 = tpu.memref_slice %arg10[%arg1, %dma_wait3A_579, %dma_wait3A_580] : memref<16x157x128xi32, #tpu.memory_space<hbm>> -> memref<1x157x128xi32, #tpu.memory_space<hbm>>
        %dma_wait3A_582 = tpu.memref_squeeze %dma_wait3A_581 : memref<1x157x128xi32, #tpu.memory_space<hbm>> -> memref<157x128xi32, #tpu.memory_space<hbm>>
        %dma_wait3A_583 = arith.constant 0 : i32
        %dma_wait3A_584 = arith.constant 0 : i32
        %dma_wait3A_585 = tpu.memref_slice %arg10[%arg1, %dma_wait3A_583, %dma_wait3A_584] : memref<16x157x128xi32, #tpu.memory_space<hbm>> -> memref<1x157x128xi32, #tpu.memory_space<hbm>>
        %dma_wait3A_586 = tpu.memref_squeeze %dma_wait3A_585 : memref<1x157x128xi32, #tpu.memory_space<hbm>> -> memref<157x128xi32, #tpu.memory_space<hbm>>
        tpu.wait_dma2 semaphore(%run_scoped3A : memref<!tpu.dma_semaphore, #tpu.memory_space<semaphore_mem>>) src(%dma_wait3A_586 : memref<157x128xi32, #tpu.memory_space<hbm>>) dst(%arg21 : memref<157x128xi32, #tpu.memory_space<vmem>>)
        tpu.yield
      }) : () -> ()
      "tpu.region"() ({
        %run_scoped3A = tpu.sem_alloc : memref<!tpu.dma_semaphore, #tpu.memory_space<semaphore_mem>>
        tpu.enqueue_dma source(%arg14 : memref<128x32xf32, #tpu.memory_space<hbm>>) target(%arg23 : memref<128x32xf32, #tpu.memory_space<vmem>>) target_semaphore(%run_scoped3A : memref<!tpu.dma_semaphore, #tpu.memory_space<semaphore_mem>>)
        tpu.wait_dma2 semaphore(%run_scoped3A : memref<!tpu.dma_semaphore, #tpu.memory_space<semaphore_mem>>) src(%arg14 : memref<128x32xf32, #tpu.memory_space<hbm>>) dst(%arg23 : memref<128x32xf32, #tpu.memory_space<vmem>>)
        tpu.yield
      }) : () -> ()
      "tpu.trace_start"() <{level = 10 : i32, message = "cnt_pass"}> : () -> ()
      "tpu.region"() ({
        %run_scoped3A = tpu.sem_alloc : memref<!tpu.dma_semaphore, #tpu.memory_space<semaphore_mem>>
        %dma_start3A_571 = arith.constant 0 : i32
        %dma_start3A_572 = tpu.memref_slice %arg24[%mul3A_0, %dma_start3A_571] : memref<25088x32xf32, #tpu.memory_space<vmem_shared>> -> memref<1568x32xf32, #tpu.memory_space<vmem_shared>>
        tpu.enqueue_dma source(%arg15 : memref<1568x32xf32, #tpu.memory_space<hbm>>) target(%dma_start3A_572 : memref<1568x32xf32, #tpu.memory_space<vmem_shared>>) target_semaphore(%run_scoped3A : memref<!tpu.dma_semaphore, #tpu.memory_space<semaphore_mem>>)
        %dma_wait3A_573 = arith.constant 0 : i32
        %dma_wait3A_574 = tpu.memref_slice %arg24[%mul3A_0, %dma_wait3A_573] : memref<25088x32xf32, #tpu.memory_space<vmem_shared>> -> memref<1568x32xf32, #tpu.memory_space<vmem_shared>>
        tpu.wait_dma2 semaphore(%run_scoped3A : memref<!tpu.dma_semaphore, #tpu.memory_space<semaphore_mem>>) src(%arg15 : memref<1568x32xf32, #tpu.memory_space<hbm>>) dst(%dma_wait3A_574 : memref<1568x32xf32, #tpu.memory_space<vmem_shared>>)
        tpu.yield
      }) : () -> ()
      %barrier3A = arith.constant 0 : index
      tpu.barrier barrier_id(%barrier3A)
      %scan3A = arith.constant 0 : i32
      %scan3A_8 = arith.constant 0 : i32
      %scan3A_9 = arith.constant 157 : i32
      %scan3A_10 = arith.addi %scan3A_8, %scan3A_9 : i32
      %scan3A_11 = arith.constant 1 : i32
      scf.for %scan3A_571 = %scan3A_8 to %scan3A_10 step %scan3A_11  : i32 {
        %dma_start3A_572 = arith.constant 0 : i32
        %dma_start3A_573 = tpu.memref_slice %arg20[%scan3A_571, %dma_start3A_572] : memref<157x128xi32, #tpu.memory_space<vmem>> -> memref<1x128xi32, #tpu.memory_space<vmem>>
        %dma_start3A_574 = tpu.memref_squeeze %dma_start3A_573 : memref<1x128xi32, #tpu.memory_space<vmem>> -> memref<128xi32, #tpu.memory_space<vmem>>
        %dma_start3A_575 = arith.constant 0 : i32
        %dma_start3A_576 = arith.constant 0 : i32
        %dma_start3A_577 = tpu.memref_slice %arg24[%dma_start3A_575, %dma_start3A_576] : memref<25088x32xf32, #tpu.memory_space<vmem_shared>> -> memref<25088x32xf32, #tpu.memory_space<vmem_shared>>
        tpu.enqueue_indirect_dma source(%arg23 : memref<128x32xf32, #tpu.memory_space<vmem>>) target(%dma_start3A_577 : memref<25088x32xf32, #tpu.memory_space<vmem_shared>>) offsets(%dma_start3A_574 : memref<128xi32, #tpu.memory_space<vmem>>) semaphore(%arg27 : memref<!tpu.dma_semaphore, #tpu.memory_space<semaphore_mem>>) {add = true}
        %ge3A = arith.constant 3 : i32
        %ge3A_578 = arith.cmpi sge, %scan3A_571, %ge3A : i32
        %convert_element_type3A_579 = arith.extui %ge3A_578 : i1 to i32
        %cond3A_580 = arith.constant 0 : i32
        %cond3A_581 = arith.cmpi ne, %convert_element_type3A_579, %cond3A_580 : i32
        scf.if %cond3A_581 {
          %dma_wait3A_582 = arith.constant 0 : i32
          %dma_wait3A_583 = arith.constant 0 : i32
          %dma_wait3A_584 = tpu.memref_slice %arg20[%dma_wait3A_582, %dma_wait3A_583] : memref<157x128xi32, #tpu.memory_space<vmem>> -> memref<1x128xi32, #tpu.memory_space<vmem>>
          %dma_wait3A_585 = tpu.memref_squeeze %dma_wait3A_584 : memref<1x128xi32, #tpu.memory_space<vmem>> -> memref<128xi32, #tpu.memory_space<vmem>>
          %dma_wait3A_586 = arith.constant 0 : i32
          %dma_wait3A_587 = arith.constant 0 : i32
          %dma_wait3A_588 = tpu.memref_slice %arg24[%dma_wait3A_586, %dma_wait3A_587] : memref<25088x32xf32, #tpu.memory_space<vmem_shared>> -> memref<25088x32xf32, #tpu.memory_space<vmem_shared>>
          tpu.wait_indirect_dma semaphore(%arg27 : memref<!tpu.dma_semaphore, #tpu.memory_space<semaphore_mem>>) src(%arg23 : memref<128x32xf32, #tpu.memory_space<vmem>>) dst(%dma_wait3A_588 : memref<25088x32xf32, #tpu.memory_space<vmem_shared>>)
        } else {
        }
      }
      %scan3A_12 = arith.constant 157 : i32
      %dma_wait3A = arith.constant 0 : i32
      %dma_wait3A_13 = arith.constant 0 : i32
      %dma_wait3A_14 = tpu.memref_slice %arg20[%dma_wait3A, %dma_wait3A_13] : memref<157x128xi32, #tpu.memory_space<vmem>> -> memref<1x128xi32, #tpu.memory_space<vmem>>
      %dma_wait3A_15 = tpu.memref_squeeze %dma_wait3A_14 : memref<1x128xi32, #tpu.memory_space<vmem>> -> memref<128xi32, #tpu.memory_space<vmem>>
      %dma_wait3A_16 = arith.constant 0 : i32
      %dma_wait3A_17 = arith.constant 0 : i32
      %dma_wait3A_18 = tpu.memref_slice %arg24[%dma_wait3A_16, %dma_wait3A_17] : memref<25088x32xf32, #tpu.memory_space<vmem_shared>> -> memref<25088x32xf32, #tpu.memory_space<vmem_shared>>
      tpu.wait_indirect_dma semaphore(%arg27 : memref<!tpu.dma_semaphore, #tpu.memory_space<semaphore_mem>>) src(%arg23 : memref<128x32xf32, #tpu.memory_space<vmem>>) dst(%dma_wait3A_18 : memref<25088x32xf32, #tpu.memory_space<vmem_shared>>)
      %dma_wait3A_19 = arith.constant 0 : i32
      %dma_wait3A_20 = arith.constant 0 : i32
      %dma_wait3A_21 = tpu.memref_slice %arg20[%dma_wait3A_19, %dma_wait3A_20] : memref<157x128xi32, #tpu.memory_space<vmem>> -> memref<1x128xi32, #tpu.memory_space<vmem>>
      %dma_wait3A_22 = tpu.memref_squeeze %dma_wait3A_21 : memref<1x128xi32, #tpu.memory_space<vmem>> -> memref<128xi32, #tpu.memory_space<vmem>>
      %dma_wait3A_23 = arith.constant 0 : i32
      %dma_wait3A_24 = arith.constant 0 : i32
      %dma_wait3A_25 = tpu.memref_slice %arg24[%dma_wait3A_23, %dma_wait3A_24] : memref<25088x32xf32, #tpu.memory_space<vmem_shared>> -> memref<25088x32xf32, #tpu.memory_space<vmem_shared>>
      tpu.wait_indirect_dma semaphore(%arg27 : memref<!tpu.dma_semaphore, #tpu.memory_space<semaphore_mem>>) src(%arg23 : memref<128x32xf32, #tpu.memory_space<vmem>>) dst(%dma_wait3A_25 : memref<25088x32xf32, #tpu.memory_space<vmem_shared>>)
      %dma_wait3A_26 = arith.constant 0 : i32
      %dma_wait3A_27 = arith.constant 0 : i32
      %dma_wait3A_28 = tpu.memref_slice %arg20[%dma_wait3A_26, %dma_wait3A_27] : memref<157x128xi32, #tpu.memory_space<vmem>> -> memref<1x128xi32, #tpu.memory_space<vmem>>
      %dma_wait3A_29 = tpu.memref_squeeze %dma_wait3A_28 : memref<1x128xi32, #tpu.memory_space<vmem>> -> memref<128xi32, #tpu.memory_space<vmem>>
      %dma_wait3A_30 = arith.constant 0 : i32
      %dma_wait3A_31 = arith.constant 0 : i32
      %dma_wait3A_32 = tpu.memref_slice %arg24[%dma_wait3A_30, %dma_wait3A_31] : memref<25088x32xf32, #tpu.memory_space<vmem_shared>> -> memref<25088x32xf32, #tpu.memory_space<vmem_shared>>
      tpu.wait_indirect_dma semaphore(%arg27 : memref<!tpu.dma_semaphore, #tpu.memory_space<semaphore_mem>>) src(%arg23 : memref<128x32xf32, #tpu.memory_space<vmem>>) dst(%dma_wait3A_32 : memref<25088x32xf32, #tpu.memory_space<vmem_shared>>)
      %barrier3A_33 = arith.constant 0 : index
      tpu.barrier barrier_id(%barrier3A_33)
      %lt3A = arith.constant 15 : i32
      %lt3A_34 = arith.cmpi slt, %arg1, %lt3A : i32
      %convert_element_type3A_35 = arith.extui %lt3A_34 : i1 to i32
      %cond3A_36 = arith.constant 0 : i32
      %cond3A_37 = arith.cmpi ne, %convert_element_type3A_35, %cond3A_36 : i32
      scf.if %cond3A_37 {
        "tpu.region"() ({
          %run_scoped3A = tpu.sem_alloc : memref<!tpu.dma_semaphore, #tpu.memory_space<semaphore_mem>>
          %dma_start3A_571 = arith.constant 0 : i32
          %dma_start3A_572 = tpu.memref_slice %arg17[%mul3A_0, %dma_start3A_571] : memref<25000x32xf32, #tpu.memory_space<hbm>> -> memref<1568x32xf32, #tpu.memory_space<hbm>>
          %dma_start3A_573 = arith.constant 0 : i32
          %dma_start3A_574 = tpu.memref_slice %arg24[%mul3A_0, %dma_start3A_573] : memref<25088x32xf32, #tpu.memory_space<vmem_shared>> -> memref<1568x32xf32, #tpu.memory_space<vmem_shared>>
          tpu.enqueue_dma source(%dma_start3A_574 : memref<1568x32xf32, #tpu.memory_space<vmem_shared>>) target(%dma_start3A_572 : memref<1568x32xf32, #tpu.memory_space<hbm>>) target_semaphore(%run_scoped3A : memref<!tpu.dma_semaphore, #tpu.memory_space<semaphore_mem>>)
          %dma_wait3A_575 = arith.constant 0 : i32
          %dma_wait3A_576 = tpu.memref_slice %arg17[%mul3A_0, %dma_wait3A_575] : memref<25000x32xf32, #tpu.memory_space<hbm>> -> memref<1568x32xf32, #tpu.memory_space<hbm>>
          %dma_wait3A_577 = arith.constant 0 : i32
          %dma_wait3A_578 = tpu.memref_slice %arg24[%mul3A_0, %dma_wait3A_577] : memref<25088x32xf32, #tpu.memory_space<vmem_shared>> -> memref<1568x32xf32, #tpu.memory_space<vmem_shared>>
          tpu.wait_dma2 semaphore(%run_scoped3A : memref<!tpu.dma_semaphore, #tpu.memory_space<semaphore_mem>>) src(%dma_wait3A_578 : memref<1568x32xf32, #tpu.memory_space<vmem_shared>>) dst(%dma_wait3A_576 : memref<1568x32xf32, #tpu.memory_space<hbm>>)
          tpu.yield
        }) : () -> ()
      } else {
      }
      %eq3A_38 = arith.constant 15 : i32
      %eq3A_39 = arith.cmpi eq, %arg1, %eq3A_38 : i32
      %convert_element_type3A_40 = arith.extui %eq3A_39 : i1 to i32
      %cond3A_41 = arith.constant 0 : i32
      %cond3A_42 = arith.cmpi ne, %convert_element_type3A_40, %cond3A_41 : i32
      scf.if %cond3A_42 {
        "tpu.region"() ({
          %run_scoped3A = tpu.sem_alloc : memref<!tpu.dma_semaphore, #tpu.memory_space<semaphore_mem>>
          %dma_start3A_571 = arith.constant 0 : i32
          %dma_start3A_572 = tpu.memref_slice %arg17[%mul3A_0, %dma_start3A_571] : memref<25000x32xf32, #tpu.memory_space<hbm>> -> memref<1480x32xf32, #tpu.memory_space<hbm>>
          %dma_start3A_573 = arith.constant 0 : i32
          %dma_start3A_574 = tpu.memref_slice %arg24[%mul3A_0, %dma_start3A_573] : memref<25088x32xf32, #tpu.memory_space<vmem_shared>> -> memref<1480x32xf32, #tpu.memory_space<vmem_shared>>
          tpu.enqueue_dma source(%dma_start3A_574 : memref<1480x32xf32, #tpu.memory_space<vmem_shared>>) target(%dma_start3A_572 : memref<1480x32xf32, #tpu.memory_space<hbm>>) target_semaphore(%run_scoped3A : memref<!tpu.dma_semaphore, #tpu.memory_space<semaphore_mem>>)
          %dma_wait3A_575 = arith.constant 0 : i32
          %dma_wait3A_576 = tpu.memref_slice %arg17[%mul3A_0, %dma_wait3A_575] : memref<25000x32xf32, #tpu.memory_space<hbm>> -> memref<1480x32xf32, #tpu.memory_space<hbm>>
          %dma_wait3A_577 = arith.constant 0 : i32
          %dma_wait3A_578 = tpu.memref_slice %arg24[%mul3A_0, %dma_wait3A_577] : memref<25088x32xf32, #tpu.memory_space<vmem_shared>> -> memref<1480x32xf32, #tpu.memory_space<vmem_shared>>
          tpu.wait_dma2 semaphore(%run_scoped3A : memref<!tpu.dma_semaphore, #tpu.memory_space<semaphore_mem>>) src(%dma_wait3A_578 : memref<1480x32xf32, #tpu.memory_space<vmem_shared>>) dst(%dma_wait3A_576 : memref<1480x32xf32, #tpu.memory_space<hbm>>)
          tpu.yield
        }) : () -> ()
      } else {
      }
      %barrier3A_43 = arith.constant 0 : index
      tpu.barrier barrier_id(%barrier3A_43)
      "tpu.trace_stop"() : () -> ()
      "tpu.trace_start"() <{level = 10 : i32, message = "feat_pass0"}> : () -> ()
      "tpu.region"() ({
        %run_scoped3A = tpu.sem_alloc : memref<!tpu.dma_semaphore, #tpu.memory_space<semaphore_mem>>
        %dma_start3A_571 = arith.constant 0 : i32
        %dma_start3A_572 = tpu.memref_slice %arg24[%mul3A_0, %dma_start3A_571] : memref<25088x32xf32, #tpu.memory_space<vmem_shared>> -> memref<1568x32xf32, #tpu.memory_space<vmem_shared>>
        tpu.enqueue_dma source(%arg15 : memref<1568x32xf32, #tpu.memory_space<hbm>>) target(%dma_start3A_572 : memref<1568x32xf32, #tpu.memory_space<vmem_shared>>) target_semaphore(%run_scoped3A : memref<!tpu.dma_semaphore, #tpu.memory_space<semaphore_mem>>)
        %dma_wait3A_573 = arith.constant 0 : i32
        %dma_wait3A_574 = tpu.memref_slice %arg24[%mul3A_0, %dma_wait3A_573] : memref<25088x32xf32, #tpu.memory_space<vmem_shared>> -> memref<1568x32xf32, #tpu.memory_space<vmem_shared>>
        tpu.wait_dma2 semaphore(%run_scoped3A : memref<!tpu.dma_semaphore, #tpu.memory_space<semaphore_mem>>) src(%arg15 : memref<1568x32xf32, #tpu.memory_space<hbm>>) dst(%dma_wait3A_574 : memref<1568x32xf32, #tpu.memory_space<vmem_shared>>)
        tpu.yield
      }) : () -> ()
      %eq3A_44 = arith.constant 0 : i32
      %eq3A_45 = arith.cmpi eq, %arg1, %eq3A_44 : i32
      %convert_element_type3A_46 = arith.extui %eq3A_45 : i1 to i32
      %cond3A_47 = arith.constant 0 : i32
      %cond3A_48 = arith.cmpi ne, %convert_element_type3A_46, %cond3A_47 : i32
      scf.if %cond3A_48 {
        "tpu.region"() ({
          %run_scoped3A = tpu.sem_alloc : memref<!tpu.dma_semaphore, #tpu.memory_space<semaphore_mem>>
          tpu.enqueue_dma source(%arg2 : memref<5000x32xf32, #tpu.memory_space<hbm>>) target(%arg25 : memref<5000x32xf32, #tpu.memory_space<vmem_shared>>) target_semaphore(%run_scoped3A : memref<!tpu.dma_semaphore, #tpu.memory_space<semaphore_mem>>)
          tpu.wait_dma2 semaphore(%run_scoped3A : memref<!tpu.dma_semaphore, #tpu.memory_space<semaphore_mem>>) src(%arg2 : memref<5000x32xf32, #tpu.memory_space<hbm>>) dst(%arg25 : memref<5000x32xf32, #tpu.memory_space<vmem_shared>>)
          tpu.yield
        }) : () -> ()
      } else {
      }
      %barrier3A_49 = arith.constant 0 : index
      tpu.barrier barrier_id(%barrier3A_49)
      %dma_start3A = arith.constant 0 : i32
      %dma_start3A_50 = arith.constant 0 : i32
      %dma_start3A_51 = arith.constant 0 : i32
      %dma_start3A_52 = arith.constant 0 : i32
      %dma_start3A_53 = tpu.memref_slice %arg22[%dma_start3A_50, %dma_start3A_51, %dma_start3A_52] : memref<6x128x32xf32, #tpu.memory_space<vmem>> -> memref<1x128x32xf32, #tpu.memory_space<vmem>>
      %dma_start3A_54 = tpu.memref_squeeze %dma_start3A_53 : memref<1x128x32xf32, #tpu.memory_space<vmem>> -> memref<128x32xf32, #tpu.memory_space<vmem>>
      %dma_start3A_55 = arith.constant 0 : i32
      %dma_start3A_56 = tpu.memref_slice %arg21[%dma_start3A, %dma_start3A_55] : memref<157x128xi32, #tpu.memory_space<vmem>> -> memref<1x128xi32, #tpu.memory_space<vmem>>
      %dma_start3A_57 = tpu.memref_squeeze %dma_start3A_56 : memref<1x128xi32, #tpu.memory_space<vmem>> -> memref<128xi32, #tpu.memory_space<vmem>>
      %dma_start3A_58 = arith.constant 0 : i32
      %dma_start3A_59 = arith.constant 0 : i32
      %dma_start3A_60 = tpu.memref_slice %arg25[%dma_start3A_58, %dma_start3A_59] : memref<5000x32xf32, #tpu.memory_space<vmem_shared>> -> memref<5000x32xf32, #tpu.memory_space<vmem_shared>>
      tpu.enqueue_indirect_dma source(%dma_start3A_60 : memref<5000x32xf32, #tpu.memory_space<vmem_shared>>) target(%dma_start3A_54 : memref<128x32xf32, #tpu.memory_space<vmem>>) offsets(%dma_start3A_57 : memref<128xi32, #tpu.memory_space<vmem>>) semaphore(%arg26 : memref<!tpu.dma_semaphore, #tpu.memory_space<semaphore_mem>>)
      %dma_start3A_61 = arith.constant 1 : i32
      %dma_start3A_62 = arith.constant 1 : i32
      %dma_start3A_63 = arith.constant 0 : i32
      %dma_start3A_64 = arith.constant 0 : i32
      %dma_start3A_65 = tpu.memref_slice %arg22[%dma_start3A_62, %dma_start3A_63, %dma_start3A_64] : memref<6x128x32xf32, #tpu.memory_space<vmem>> -> memref<1x128x32xf32, #tpu.memory_space<vmem>>
      %dma_start3A_66 = tpu.memref_squeeze %dma_start3A_65 : memref<1x128x32xf32, #tpu.memory_space<vmem>> -> memref<128x32xf32, #tpu.memory_space<vmem>>
      %dma_start3A_67 = arith.constant 0 : i32
      %dma_start3A_68 = tpu.memref_slice %arg21[%dma_start3A_61, %dma_start3A_67] : memref<157x128xi32, #tpu.memory_space<vmem>> -> memref<1x128xi32, #tpu.memory_space<vmem>>
      %dma_start3A_69 = tpu.memref_squeeze %dma_start3A_68 : memref<1x128xi32, #tpu.memory_space<vmem>> -> memref<128xi32, #tpu.memory_space<vmem>>
      %dma_start3A_70 = arith.constant 0 : i32
      %dma_start3A_71 = arith.constant 0 : i32
      %dma_start3A_72 = tpu.memref_slice %arg25[%dma_start3A_70, %dma_start3A_71] : memref<5000x32xf32, #tpu.memory_space<vmem_shared>> -> memref<5000x32xf32, #tpu.memory_space<vmem_shared>>
      tpu.enqueue_indirect_dma source(%dma_start3A_72 : memref<5000x32xf32, #tpu.memory_space<vmem_shared>>) target(%dma_start3A_66 : memref<128x32xf32, #tpu.memory_space<vmem>>) offsets(%dma_start3A_69 : memref<128xi32, #tpu.memory_space<vmem>>) semaphore(%arg26 : memref<!tpu.dma_semaphore, #tpu.memory_space<semaphore_mem>>)
      %dma_start3A_73 = arith.constant 2 : i32
      %dma_start3A_74 = arith.constant 2 : i32
      %dma_start3A_75 = arith.constant 0 : i32
      %dma_start3A_76 = arith.constant 0 : i32
      %dma_start3A_77 = tpu.memref_slice %arg22[%dma_start3A_74, %dma_start3A_75, %dma_start3A_76] : memref<6x128x32xf32, #tpu.memory_space<vmem>> -> memref<1x128x32xf32, #tpu.memory_space<vmem>>
      %dma_start3A_78 = tpu.memref_squeeze %dma_start3A_77 : memref<1x128x32xf32, #tpu.memory_space<vmem>> -> memref<128x32xf32, #tpu.memory_space<vmem>>
      %dma_start3A_79 = arith.constant 0 : i32
      %dma_start3A_80 = tpu.memref_slice %arg21[%dma_start3A_73, %dma_start3A_79] : memref<157x128xi32, #tpu.memory_space<vmem>> -> memref<1x128xi32, #tpu.memory_space<vmem>>
      %dma_start3A_81 = tpu.memref_squeeze %dma_start3A_80 : memref<1x128xi32, #tpu.memory_space<vmem>> -> memref<128xi32, #tpu.memory_space<vmem>>
      %dma_start3A_82 = arith.constant 0 : i32
      %dma_start3A_83 = arith.constant 0 : i32
      %dma_start3A_84 = tpu.memref_slice %arg25[%dma_start3A_82, %dma_start3A_83] : memref<5000x32xf32, #tpu.memory_space<vmem_shared>> -> memref<5000x32xf32, #tpu.memory_space<vmem_shared>>
      tpu.enqueue_indirect_dma source(%dma_start3A_84 : memref<5000x32xf32, #tpu.memory_space<vmem_shared>>) target(%dma_start3A_78 : memref<128x32xf32, #tpu.memory_space<vmem>>) offsets(%dma_start3A_81 : memref<128xi32, #tpu.memory_space<vmem>>) semaphore(%arg26 : memref<!tpu.dma_semaphore, #tpu.memory_space<semaphore_mem>>)
      %scan3A_85 = arith.constant 0 : i32
      %scan3A_86 = arith.constant 0 : i32
      %scan3A_87 = arith.constant 157 : i32
      %scan3A_88 = arith.addi %scan3A_86, %scan3A_87 : i32
      %scan3A_89 = arith.constant 1 : i32
      scf.for %scan3A_571 = %scan3A_86 to %scan3A_88 step %scan3A_89  : i32 {
        %rem3A = arith.constant 6 : i32
        %rem3A_572 = arith.remsi %scan3A_571, %rem3A : i32
        %dma_wait3A_573 = arith.constant 0 : i32
        %dma_wait3A_574 = arith.constant 0 : i32
        %dma_wait3A_575 = tpu.memref_slice %arg22[%rem3A_572, %dma_wait3A_573, %dma_wait3A_574] : memref<6x128x32xf32, #tpu.memory_space<vmem>> -> memref<1x128x32xf32, #tpu.memory_space<vmem>>
        %dma_wait3A_576 = tpu.memref_squeeze %dma_wait3A_575 : memref<1x128x32xf32, #tpu.memory_space<vmem>> -> memref<128x32xf32, #tpu.memory_space<vmem>>
        %dma_wait3A_577 = arith.constant 0 : i32
        %dma_wait3A_578 = tpu.memref_slice %arg21[%scan3A_571, %dma_wait3A_577] : memref<157x128xi32, #tpu.memory_space<vmem>> -> memref<1x128xi32, #tpu.memory_space<vmem>>
        %dma_wait3A_579 = tpu.memref_squeeze %dma_wait3A_578 : memref<1x128xi32, #tpu.memory_space<vmem>> -> memref<128xi32, #tpu.memory_space<vmem>>
        %dma_wait3A_580 = arith.constant 0 : i32
        %dma_wait3A_581 = arith.constant 0 : i32
        %dma_wait3A_582 = tpu.memref_slice %arg25[%dma_wait3A_580, %dma_wait3A_581] : memref<5000x32xf32, #tpu.memory_space<vmem_shared>> -> memref<5000x32xf32, #tpu.memory_space<vmem_shared>>
        tpu.wait_indirect_dma semaphore(%arg26 : memref<!tpu.dma_semaphore, #tpu.memory_space<semaphore_mem>>) src(%dma_wait3A_582 : memref<5000x32xf32, #tpu.memory_space<vmem_shared>>) dst(%dma_wait3A_576 : memref<128x32xf32, #tpu.memory_space<vmem>>)
        %dma_start3A_583 = arith.constant 0 : i32
        %dma_start3A_584 = arith.constant 0 : i32
        %dma_start3A_585 = tpu.memref_slice %arg22[%rem3A_572, %dma_start3A_583, %dma_start3A_584] : memref<6x128x32xf32, #tpu.memory_space<vmem>> -> memref<1x128x32xf32, #tpu.memory_space<vmem>>
        %dma_start3A_586 = tpu.memref_squeeze %dma_start3A_585 : memref<1x128x32xf32, #tpu.memory_space<vmem>> -> memref<128x32xf32, #tpu.memory_space<vmem>>
        %dma_start3A_587 = arith.constant 0 : i32
        %dma_start3A_588 = tpu.memref_slice %arg20[%scan3A_571, %dma_start3A_587] : memref<157x128xi32, #tpu.memory_space<vmem>> -> memref<1x128xi32, #tpu.memory_space<vmem>>
        %dma_start3A_589 = tpu.memref_squeeze %dma_start3A_588 : memref<1x128xi32, #tpu.memory_space<vmem>> -> memref<128xi32, #tpu.memory_space<vmem>>
        %dma_start3A_590 = arith.constant 0 : i32
        %dma_start3A_591 = arith.constant 0 : i32
        %dma_start3A_592 = tpu.memref_slice %arg24[%dma_start3A_590, %dma_start3A_591] : memref<25088x32xf32, #tpu.memory_space<vmem_shared>> -> memref<25088x32xf32, #tpu.memory_space<vmem_shared>>
        tpu.enqueue_indirect_dma source(%dma_start3A_586 : memref<128x32xf32, #tpu.memory_space<vmem>>) target(%dma_start3A_592 : memref<25088x32xf32, #tpu.memory_space<vmem_shared>>) offsets(%dma_start3A_589 : memref<128xi32, #tpu.memory_space<vmem>>) semaphore(%arg27 : memref<!tpu.dma_semaphore, #tpu.memory_space<semaphore_mem>>) {add = true}
        %add3A = arith.constant 3 : i32
        %add3A_593 = arith.addi %scan3A_571, %add3A : i32
        %lt3A_594 = arith.constant 157 : i32
        %lt3A_595 = arith.cmpi slt, %add3A_593, %lt3A_594 : i32
        %convert_element_type3A_596 = arith.extui %lt3A_595 : i1 to i32
        %cond3A_597 = arith.constant 0 : i32
        %cond3A_598 = arith.cmpi ne, %convert_element_type3A_596, %cond3A_597 : i32
        scf.if %cond3A_598 {
          %ge3A = arith.constant 3 : i32
          %ge3A_599 = arith.cmpi sge, %scan3A_571, %ge3A : i32
          %convert_element_type3A_600 = arith.extui %ge3A_599 : i1 to i32
          %cond3A_601 = arith.constant 0 : i32
          %cond3A_602 = arith.cmpi ne, %convert_element_type3A_600, %cond3A_601 : i32
          scf.if %cond3A_602 {
            %dma_wait3A_619 = arith.constant 0 : i32
            %dma_wait3A_620 = arith.constant 0 : i32
            %dma_wait3A_621 = arith.constant 0 : i32
            %dma_wait3A_622 = arith.constant 0 : i32
            %dma_wait3A_623 = tpu.memref_slice %arg22[%dma_wait3A_619, %dma_wait3A_621, %dma_wait3A_622] : memref<6x128x32xf32, #tpu.memory_space<vmem>> -> memref<1x128x32xf32, #tpu.memory_space<vmem>>
            %dma_wait3A_624 = tpu.memref_squeeze %dma_wait3A_623 : memref<1x128x32xf32, #tpu.memory_space<vmem>> -> memref<128x32xf32, #tpu.memory_space<vmem>>
            %dma_wait3A_625 = arith.constant 0 : i32
            %dma_wait3A_626 = tpu.memref_slice %arg20[%dma_wait3A_620, %dma_wait3A_625] : memref<157x128xi32, #tpu.memory_space<vmem>> -> memref<1x128xi32, #tpu.memory_space<vmem>>
            %dma_wait3A_627 = tpu.memref_squeeze %dma_wait3A_626 : memref<1x128xi32, #tpu.memory_space<vmem>> -> memref<128xi32, #tpu.memory_space<vmem>>
            %dma_wait3A_628 = arith.constant 0 : i32
            %dma_wait3A_629 = arith.constant 0 : i32
            %dma_wait3A_630 = tpu.memref_slice %arg24[%dma_wait3A_628, %dma_wait3A_629] : memref<25088x32xf32, #tpu.memory_space<vmem_shared>> -> memref<25088x32xf32, #tpu.memory_space<vmem_shared>>
            tpu.wait_indirect_dma semaphore(%arg27 : memref<!tpu.dma_semaphore, #tpu.memory_space<semaphore_mem>>) src(%dma_wait3A_624 : memref<128x32xf32, #tpu.memory_space<vmem>>) dst(%dma_wait3A_630 : memref<25088x32xf32, #tpu.memory_space<vmem_shared>>)
          } else {
          }
          %add3A_603 = arith.constant 3 : i32
          %add3A_604 = arith.addi %scan3A_571, %add3A_603 : i32
          %add3A_605 = arith.constant 3 : i32
          %add3A_606 = arith.addi %scan3A_571, %add3A_605 : i32
          %rem3A_607 = arith.constant 6 : i32
          %rem3A_608 = arith.remsi %add3A_606, %rem3A_607 : i32
          %dma_start3A_609 = arith.constant 0 : i32
          %dma_start3A_610 = arith.constant 0 : i32
          %dma_start3A_611 = tpu.memref_slice %arg22[%rem3A_608, %dma_start3A_609, %dma_start3A_610] : memref<6x128x32xf32, #tpu.memory_space<vmem>> -> memref<1x128x32xf32, #tpu.memory_space<vmem>>
          %dma_start3A_612 = tpu.memref_squeeze %dma_start3A_611 : memref<1x128x32xf32, #tpu.memory_space<vmem>> -> memref<128x32xf32, #tpu.memory_space<vmem>>
          %dma_start3A_613 = arith.constant 0 : i32
          %dma_start3A_614 = tpu.memref_slice %arg21[%add3A_604, %dma_start3A_613] : memref<157x128xi32, #tpu.memory_space<vmem>> -> memref<1x128xi32, #tpu.memory_space<vmem>>
          %dma_start3A_615 = tpu.memref_squeeze %dma_start3A_614 : memref<1x128xi32, #tpu.memory_space<vmem>> -> memref<128xi32, #tpu.memory_space<vmem>>
          %dma_start3A_616 = arith.constant 0 : i32
          %dma_start3A_617 = arith.constant 0 : i32
          %dma_start3A_618 = tpu.memref_slice %arg25[%dma_start3A_616, %dma_start3A_617] : memref<5000x32xf32, #tpu.memory_space<vmem_shared>> -> memref<5000x32xf32, #tpu.memory_space<vmem_shared>>
          tpu.enqueue_indirect_dma source(%dma_start3A_618 : memref<5000x32xf32, #tpu.memory_space<vmem_shared>>) target(%dma_start3A_612 : memref<128x32xf32, #tpu.memory_space<vmem>>) offsets(%dma_start3A_615 : memref<128xi32, #tpu.memory_space<vmem>>) semaphore(%arg26 : memref<!tpu.dma_semaphore, #tpu.memory_space<semaphore_mem>>)
        } else {
        }
      }
      %scan3A_90 = arith.constant 157 : i32
      %dma_wait3A_91 = arith.constant 0 : i32
      %dma_wait3A_92 = arith.constant 0 : i32
      %dma_wait3A_93 = arith.constant 0 : i32
      %dma_wait3A_94 = arith.constant 0 : i32
      %dma_wait3A_95 = tpu.memref_slice %arg22[%dma_wait3A_91, %dma_wait3A_93, %dma_wait3A_94] : memref<6x128x32xf32, #tpu.memory_space<vmem>> -> memref<1x128x32xf32, #tpu.memory_space<vmem>>
      %dma_wait3A_96 = tpu.memref_squeeze %dma_wait3A_95 : memref<1x128x32xf32, #tpu.memory_space<vmem>> -> memref<128x32xf32, #tpu.memory_space<vmem>>
      %dma_wait3A_97 = arith.constant 0 : i32
      %dma_wait3A_98 = tpu.memref_slice %arg20[%dma_wait3A_92, %dma_wait3A_97] : memref<157x128xi32, #tpu.memory_space<vmem>> -> memref<1x128xi32, #tpu.memory_space<vmem>>
      %dma_wait3A_99 = tpu.memref_squeeze %dma_wait3A_98 : memref<1x128xi32, #tpu.memory_space<vmem>> -> memref<128xi32, #tpu.memory_space<vmem>>
      %dma_wait3A_100 = arith.constant 0 : i32
      %dma_wait3A_101 = arith.constant 0 : i32
      %dma_wait3A_102 = tpu.memref_slice %arg24[%dma_wait3A_100, %dma_wait3A_101] : memref<25088x32xf32, #tpu.memory_space<vmem_shared>> -> memref<25088x32xf32, #tpu.memory_space<vmem_shared>>
      tpu.wait_indirect_dma semaphore(%arg27 : memref<!tpu.dma_semaphore, #tpu.memory_space<semaphore_mem>>) src(%dma_wait3A_96 : memref<128x32xf32, #tpu.memory_space<vmem>>) dst(%dma_wait3A_102 : memref<25088x32xf32, #tpu.memory_space<vmem_shared>>)
      %dma_wait3A_103 = arith.constant 1 : i32
      %dma_wait3A_104 = arith.constant 0 : i32
      %dma_wait3A_105 = arith.constant 0 : i32
      %dma_wait3A_106 = arith.constant 0 : i32
      %dma_wait3A_107 = tpu.memref_slice %arg22[%dma_wait3A_103, %dma_wait3A_105, %dma_wait3A_106] : memref<6x128x32xf32, #tpu.memory_space<vmem>> -> memref<1x128x32xf32, #tpu.memory_space<vmem>>
      %dma_wait3A_108 = tpu.memref_squeeze %dma_wait3A_107 : memref<1x128x32xf32, #tpu.memory_space<vmem>> -> memref<128x32xf32, #tpu.memory_space<vmem>>
      %dma_wait3A_109 = arith.constant 0 : i32
      %dma_wait3A_110 = tpu.memref_slice %arg20[%dma_wait3A_104, %dma_wait3A_109] : memref<157x128xi32, #tpu.memory_space<vmem>> -> memref<1x128xi32, #tpu.memory_space<vmem>>
      %dma_wait3A_111 = tpu.memref_squeeze %dma_wait3A_110 : memref<1x128xi32, #tpu.memory_space<vmem>> -> memref<128xi32, #tpu.memory_space<vmem>>
      %dma_wait3A_112 = arith.constant 0 : i32
      %dma_wait3A_113 = arith.constant 0 : i32
      %dma_wait3A_114 = tpu.memref_slice %arg24[%dma_wait3A_112, %dma_wait3A_113] : memref<25088x32xf32, #tpu.memory_space<vmem_shared>> -> memref<25088x32xf32, #tpu.memory_space<vmem_shared>>
      tpu.wait_indirect_dma semaphore(%arg27 : memref<!tpu.dma_semaphore, #tpu.memory_space<semaphore_mem>>) src(%dma_wait3A_108 : memref<128x32xf32, #tpu.memory_space<vmem>>) dst(%dma_wait3A_114 : memref<25088x32xf32, #tpu.memory_space<vmem_shared>>)
      %dma_wait3A_115 = arith.constant 2 : i32
      %dma_wait3A_116 = arith.constant 0 : i32
      %dma_wait3A_117 = arith.constant 0 : i32
      %dma_wait3A_118 = arith.constant 0 : i32
      %dma_wait3A_119 = tpu.memref_slice %arg22[%dma_wait3A_115, %dma_wait3A_117, %dma_wait3A_118] : memref<6x128x32xf32, #tpu.memory_space<vmem>> -> memref<1x128x32xf32, #tpu.memory_space<vmem>>
      %dma_wait3A_120 = tpu.memref_squeeze %dma_wait3A_119 : memref<1x128x32xf32, #tpu.memory_space<vmem>> -> memref<128x32xf32, #tpu.memory_space<vmem>>
      %dma_wait3A_121 = arith.constant 0 : i32
      %dma_wait3A_122 = tpu.memref_slice %arg20[%dma_wait3A_116, %dma_wait3A_121] : memref<157x128xi32, #tpu.memory_space<vmem>> -> memref<1x128xi32, #tpu.memory_space<vmem>>
      %dma_wait3A_123 = tpu.memref_squeeze %dma_wait3A_122 : memref<1x128xi32, #tpu.memory_space<vmem>> -> memref<128xi32, #tpu.memory_space<vmem>>
      %dma_wait3A_124 = arith.constant 0 : i32
      %dma_wait3A_125 = arith.constant 0 : i32
      %dma_wait3A_126 = tpu.memref_slice %arg24[%dma_wait3A_124, %dma_wait3A_125] : memref<25088x32xf32, #tpu.memory_space<vmem_shared>> -> memref<25088x32xf32, #tpu.memory_space<vmem_shared>>
      tpu.wait_indirect_dma semaphore(%arg27 : memref<!tpu.dma_semaphore, #tpu.memory_space<semaphore_mem>>) src(%dma_wait3A_120 : memref<128x32xf32, #tpu.memory_space<vmem>>) dst(%dma_wait3A_126 : memref<25088x32xf32, #tpu.memory_space<vmem_shared>>)
      %dma_wait3A_127 = arith.constant 3 : i32
      %dma_wait3A_128 = arith.constant 0 : i32
      %dma_wait3A_129 = arith.constant 0 : i32
      %dma_wait3A_130 = arith.constant 0 : i32
      %dma_wait3A_131 = tpu.memref_slice %arg22[%dma_wait3A_127, %dma_wait3A_129, %dma_wait3A_130] : memref<6x128x32xf32, #tpu.memory_space<vmem>> -> memref<1x128x32xf32, #tpu.memory_space<vmem>>
      %dma_wait3A_132 = tpu.memref_squeeze %dma_wait3A_131 : memref<1x128x32xf32, #tpu.memory_space<vmem>> -> memref<128x32xf32, #tpu.memory_space<vmem>>
      %dma_wait3A_133 = arith.constant 0 : i32
      %dma_wait3A_134 = tpu.memref_slice %arg20[%dma_wait3A_128, %dma_wait3A_133] : memref<157x128xi32, #tpu.memory_space<vmem>> -> memref<1x128xi32, #tpu.memory_space<vmem>>
      %dma_wait3A_135 = tpu.memref_squeeze %dma_wait3A_134 : memref<1x128xi32, #tpu.memory_space<vmem>> -> memref<128xi32, #tpu.memory_space<vmem>>
      %dma_wait3A_136 = arith.constant 0 : i32
      %dma_wait3A_137 = arith.constant 0 : i32
      %dma_wait3A_138 = tpu.memref_slice %arg24[%dma_wait3A_136, %dma_wait3A_137] : memref<25088x32xf32, #tpu.memory_space<vmem_shared>> -> memref<25088x32xf32, #tpu.memory_space<vmem_shared>>
      tpu.wait_indirect_dma semaphore(%arg27 : memref<!tpu.dma_semaphore, #tpu.memory_space<semaphore_mem>>) src(%dma_wait3A_132 : memref<128x32xf32, #tpu.memory_space<vmem>>) dst(%dma_wait3A_138 : memref<25088x32xf32, #tpu.memory_space<vmem_shared>>)
      %dma_wait3A_139 = arith.constant 4 : i32
      %dma_wait3A_140 = arith.constant 0 : i32
      %dma_wait3A_141 = arith.constant 0 : i32
      %dma_wait3A_142 = arith.constant 0 : i32
      %dma_wait3A_143 = tpu.memref_slice %arg22[%dma_wait3A_139, %dma_wait3A_141, %dma_wait3A_142] : memref<6x128x32xf32, #tpu.memory_space<vmem>> -> memref<1x128x32xf32, #tpu.memory_space<vmem>>
      %dma_wait3A_144 = tpu.memref_squeeze %dma_wait3A_143 : memref<1x128x32xf32, #tpu.memory_space<vmem>> -> memref<128x32xf32, #tpu.memory_space<vmem>>
      %dma_wait3A_145 = arith.constant 0 : i32
      %dma_wait3A_146 = tpu.memref_slice %arg20[%dma_wait3A_140, %dma_wait3A_145] : memref<157x128xi32, #tpu.memory_space<vmem>> -> memref<1x128xi32, #tpu.memory_space<vmem>>
      %dma_wait3A_147 = tpu.memref_squeeze %dma_wait3A_146 : memref<1x128xi32, #tpu.memory_space<vmem>> -> memref<128xi32, #tpu.memory_space<vmem>>
      %dma_wait3A_148 = arith.constant 0 : i32
      %dma_wait3A_149 = arith.constant 0 : i32
      %dma_wait3A_150 = tpu.memref_slice %arg24[%dma_wait3A_148, %dma_wait3A_149] : memref<25088x32xf32, #tpu.memory_space<vmem_shared>> -> memref<25088x32xf32, #tpu.memory_space<vmem_shared>>
      tpu.wait_indirect_dma semaphore(%arg27 : memref<!tpu.dma_semaphore, #tpu.memory_space<semaphore_mem>>) src(%dma_wait3A_144 : memref<128x32xf32, #tpu.memory_space<vmem>>) dst(%dma_wait3A_150 : memref<25088x32xf32, #tpu.memory_space<vmem_shared>>)
      %dma_wait3A_151 = arith.constant 5 : i32
      %dma_wait3A_152 = arith.constant 0 : i32
      %dma_wait3A_153 = arith.constant 0 : i32
      %dma_wait3A_154 = arith.constant 0 : i32
      %dma_wait3A_155 = tpu.memref_slice %arg22[%dma_wait3A_151, %dma_wait3A_153, %dma_wait3A_154] : memref<6x128x32xf32, #tpu.memory_space<vmem>> -> memref<1x128x32xf32, #tpu.memory_space<vmem>>
      %dma_wait3A_156 = tpu.memref_squeeze %dma_wait3A_155 : memref<1x128x32xf32, #tpu.memory_space<vmem>> -> memref<128x32xf32, #tpu.memory_space<vmem>>
      %dma_wait3A_157 = arith.constant 0 : i32
      %dma_wait3A_158 = tpu.memref_slice %arg20[%dma_wait3A_152, %dma_wait3A_157] : memref<157x128xi32, #tpu.memory_space<vmem>> -> memref<1x128xi32, #tpu.memory_space<vmem>>
      %dma_wait3A_159 = tpu.memref_squeeze %dma_wait3A_158 : memref<1x128xi32, #tpu.memory_space<vmem>> -> memref<128xi32, #tpu.memory_space<vmem>>
      %dma_wait3A_160 = arith.constant 0 : i32
      %dma_wait3A_161 = arith.constant 0 : i32
      %dma_wait3A_162 = tpu.memref_slice %arg24[%dma_wait3A_160, %dma_wait3A_161] : memref<25088x32xf32, #tpu.memory_space<vmem_shared>> -> memref<25088x32xf32, #tpu.memory_space<vmem_shared>>
      tpu.wait_indirect_dma semaphore(%arg27 : memref<!tpu.dma_semaphore, #tpu.memory_space<semaphore_mem>>) src(%dma_wait3A_156 : memref<128x32xf32, #tpu.memory_space<vmem>>) dst(%dma_wait3A_162 : memref<25088x32xf32, #tpu.memory_space<vmem_shared>>)
      %barrier3A_163 = arith.constant 0 : index
      tpu.barrier barrier_id(%barrier3A_163)
      %lt3A_164 = arith.constant 15 : i32
      %lt3A_165 = arith.cmpi slt, %arg1, %lt3A_164 : i32
      %convert_element_type3A_166 = arith.extui %lt3A_165 : i1 to i32
      %cond3A_167 = arith.constant 0 : i32
      %cond3A_168 = arith.cmpi ne, %convert_element_type3A_166, %cond3A_167 : i32
      scf.if %cond3A_168 {
        "tpu.region"() ({
          %run_scoped3A = tpu.sem_alloc : memref<!tpu.dma_semaphore, #tpu.memory_space<semaphore_mem>>
          %dma_start3A_571 = arith.constant 0 : i32
          %dma_start3A_572 = tpu.memref_slice %arg16[%mul3A_0, %dma_start3A_571] : memref<25000x128xf32, #tpu.memory_space<hbm>> -> memref<1568x32xf32, #tpu.memory_space<hbm>>
          %dma_start3A_573 = arith.constant 0 : i32
          %dma_start3A_574 = tpu.memref_slice %arg24[%mul3A_0, %dma_start3A_573] : memref<25088x32xf32, #tpu.memory_space<vmem_shared>> -> memref<1568x32xf32, #tpu.memory_space<vmem_shared>>
          tpu.enqueue_dma source(%dma_start3A_574 : memref<1568x32xf32, #tpu.memory_space<vmem_shared>>) target(%dma_start3A_572 : memref<1568x32xf32, #tpu.memory_space<hbm>>) target_semaphore(%run_scoped3A : memref<!tpu.dma_semaphore, #tpu.memory_space<semaphore_mem>>)
          %dma_wait3A_575 = arith.constant 0 : i32
          %dma_wait3A_576 = tpu.memref_slice %arg16[%mul3A_0, %dma_wait3A_575] : memref<25000x128xf32, #tpu.memory_space<hbm>> -> memref<1568x32xf32, #tpu.memory_space<hbm>>
          %dma_wait3A_577 = arith.constant 0 : i32
          %dma_wait3A_578 = tpu.memref_slice %arg24[%mul3A_0, %dma_wait3A_577] : memref<25088x32xf32, #tpu.memory_space<vmem_shared>> -> memref<1568x32xf32, #tpu.memory_space<vmem_shared>>
          tpu.wait_dma2 semaphore(%run_scoped3A : memref<!tpu.dma_semaphore, #tpu.memory_space<semaphore_mem>>) src(%dma_wait3A_578 : memref<1568x32xf32, #tpu.memory_space<vmem_shared>>) dst(%dma_wait3A_576 : memref<1568x32xf32, #tpu.memory_space<hbm>>)
          tpu.yield
        }) : () -> ()
      } else {
      }
      %eq3A_169 = arith.constant 15 : i32
      %eq3A_170 = arith.cmpi eq, %arg1, %eq3A_169 : i32
      %convert_element_type3A_171 = arith.extui %eq3A_170 : i1 to i32
      %cond3A_172 = arith.constant 0 : i32
      %cond3A_173 = arith.cmpi ne, %convert_element_type3A_171, %cond3A_172 : i32
      scf.if %cond3A_173 {
        "tpu.region"() ({
          %run_scoped3A = tpu.sem_alloc : memref<!tpu.dma_semaphore, #tpu.memory_space<semaphore_mem>>
          %dma_start3A_571 = arith.constant 0 : i32
          %dma_start3A_572 = tpu.memref_slice %arg16[%mul3A_0, %dma_start3A_571] : memref<25000x128xf32, #tpu.memory_space<hbm>> -> memref<1480x32xf32, #tpu.memory_space<hbm>>
          %dma_start3A_573 = arith.constant 0 : i32
          %dma_start3A_574 = tpu.memref_slice %arg24[%mul3A_0, %dma_start3A_573] : memref<25088x32xf32, #tpu.memory_space<vmem_shared>> -> memref<1480x32xf32, #tpu.memory_space<vmem_shared>>
          tpu.enqueue_dma source(%dma_start3A_574 : memref<1480x32xf32, #tpu.memory_space<vmem_shared>>) target(%dma_start3A_572 : memref<1480x32xf32, #tpu.memory_space<hbm>>) target_semaphore(%run_scoped3A : memref<!tpu.dma_semaphore, #tpu.memory_space<semaphore_mem>>)
          %dma_wait3A_575 = arith.constant 0 : i32
          %dma_wait3A_576 = tpu.memref_slice %arg16[%mul3A_0, %dma_wait3A_575] : memref<25000x128xf32, #tpu.memory_space<hbm>> -> memref<1480x32xf32, #tpu.memory_space<hbm>>
          %dma_wait3A_577 = arith.constant 0 : i32
          %dma_wait3A_578 = tpu.memref_slice %arg24[%mul3A_0, %dma_wait3A_577] : memref<25088x32xf32, #tpu.memory_space<vmem_shared>> -> memref<1480x32xf32, #tpu.memory_space<vmem_shared>>
          tpu.wait_dma2 semaphore(%run_scoped3A : memref<!tpu.dma_semaphore, #tpu.memory_space<semaphore_mem>>) src(%dma_wait3A_578 : memref<1480x32xf32, #tpu.memory_space<vmem_shared>>) dst(%dma_wait3A_576 : memref<1480x32xf32, #tpu.memory_space<hbm>>)
          tpu.yield
        }) : () -> ()
      } else {
      }
      %barrier3A_174 = arith.constant 0 : index
      tpu.barrier barrier_id(%barrier3A_174)
      "tpu.trace_stop"() : () -> ()
      "tpu.trace_start"() <{level = 10 : i32, message = "feat_pass1"}> : () -> ()
      "tpu.region"() ({
        %run_scoped3A = tpu.sem_alloc : memref<!tpu.dma_semaphore, #tpu.memory_space<semaphore_mem>>
        %dma_start3A_571 = arith.constant 0 : i32
        %dma_start3A_572 = tpu.memref_slice %arg24[%mul3A_0, %dma_start3A_571] : memref<25088x32xf32, #tpu.memory_space<vmem_shared>> -> memref<1568x32xf32, #tpu.memory_space<vmem_shared>>
        tpu.enqueue_dma source(%arg15 : memref<1568x32xf32, #tpu.memory_space<hbm>>) target(%dma_start3A_572 : memref<1568x32xf32, #tpu.memory_space<vmem_shared>>) target_semaphore(%run_scoped3A : memref<!tpu.dma_semaphore, #tpu.memory_space<semaphore_mem>>)
        %dma_wait3A_573 = arith.constant 0 : i32
        %dma_wait3A_574 = tpu.memref_slice %arg24[%mul3A_0, %dma_wait3A_573] : memref<25088x32xf32, #tpu.memory_space<vmem_shared>> -> memref<1568x32xf32, #tpu.memory_space<vmem_shared>>
        tpu.wait_dma2 semaphore(%run_scoped3A : memref<!tpu.dma_semaphore, #tpu.memory_space<semaphore_mem>>) src(%arg15 : memref<1568x32xf32, #tpu.memory_space<hbm>>) dst(%dma_wait3A_574 : memref<1568x32xf32, #tpu.memory_space<vmem_shared>>)
        tpu.yield
      }) : () -> ()
      %eq3A_175 = arith.constant 0 : i32
      %eq3A_176 = arith.cmpi eq, %arg1, %eq3A_175 : i32
      %convert_element_type3A_177 = arith.extui %eq3A_176 : i1 to i32
      %cond3A_178 = arith.constant 0 : i32
      %cond3A_179 = arith.cmpi ne, %convert_element_type3A_177, %cond3A_178 : i32
      scf.if %cond3A_179 {
        "tpu.region"() ({
          %run_scoped3A = tpu.sem_alloc : memref<!tpu.dma_semaphore, #tpu.memory_space<semaphore_mem>>
          tpu.enqueue_dma source(%arg3 : memref<5000x32xf32, #tpu.memory_space<hbm>>) target(%arg25 : memref<5000x32xf32, #tpu.memory_space<vmem_shared>>) target_semaphore(%run_scoped3A : memref<!tpu.dma_semaphore, #tpu.memory_space<semaphore_mem>>)
          tpu.wait_dma2 semaphore(%run_scoped3A : memref<!tpu.dma_semaphore, #tpu.memory_space<semaphore_mem>>) src(%arg3 : memref<5000x32xf32, #tpu.memory_space<hbm>>) dst(%arg25 : memref<5000x32xf32, #tpu.memory_space<vmem_shared>>)
          tpu.yield
        }) : () -> ()
      } else {
      }
      %barrier3A_180 = arith.constant 0 : index
      tpu.barrier barrier_id(%barrier3A_180)
      %dma_start3A_181 = arith.constant 0 : i32
      %dma_start3A_182 = arith.constant 0 : i32
      %dma_start3A_183 = arith.constant 0 : i32
      %dma_start3A_184 = arith.constant 0 : i32
      %dma_start3A_185 = tpu.memref_slice %arg22[%dma_start3A_182, %dma_start3A_183, %dma_start3A_184] : memref<6x128x32xf32, #tpu.memory_space<vmem>> -> memref<1x128x32xf32, #tpu.memory_space<vmem>>
      %dma_start3A_186 = tpu.memref_squeeze %dma_start3A_185 : memref<1x128x32xf32, #tpu.memory_space<vmem>> -> memref<128x32xf32, #tpu.memory_space<vmem>>
      %dma_start3A_187 = arith.constant 0 : i32
      %dma_start3A_188 = tpu.memref_slice %arg21[%dma_start3A_181, %dma_start3A_187] : memref<157x128xi32, #tpu.memory_space<vmem>> -> memref<1x128xi32, #tpu.memory_space<vmem>>
      %dma_start3A_189 = tpu.memref_squeeze %dma_start3A_188 : memref<1x128xi32, #tpu.memory_space<vmem>> -> memref<128xi32, #tpu.memory_space<vmem>>
      %dma_start3A_190 = arith.constant 0 : i32
      %dma_start3A_191 = arith.constant 0 : i32
      %dma_start3A_192 = tpu.memref_slice %arg25[%dma_start3A_190, %dma_start3A_191] : memref<5000x32xf32, #tpu.memory_space<vmem_shared>> -> memref<5000x32xf32, #tpu.memory_space<vmem_shared>>
      tpu.enqueue_indirect_dma source(%dma_start3A_192 : memref<5000x32xf32, #tpu.memory_space<vmem_shared>>) target(%dma_start3A_186 : memref<128x32xf32, #tpu.memory_space<vmem>>) offsets(%dma_start3A_189 : memref<128xi32, #tpu.memory_space<vmem>>) semaphore(%arg26 : memref<!tpu.dma_semaphore, #tpu.memory_space<semaphore_mem>>)
      %dma_start3A_193 = arith.constant 1 : i32
      %dma_start3A_194 = arith.constant 1 : i32
      %dma_start3A_195 = arith.constant 0 : i32
      %dma_start3A_196 = arith.constant 0 : i32
      %dma_start3A_197 = tpu.memref_slice %arg22[%dma_start3A_194, %dma_start3A_195, %dma_start3A_196] : memref<6x128x32xf32, #tpu.memory_space<vmem>> -> memref<1x128x32xf32, #tpu.memory_space<vmem>>
      %dma_start3A_198 = tpu.memref_squeeze %dma_start3A_197 : memref<1x128x32xf32, #tpu.memory_space<vmem>> -> memref<128x32xf32, #tpu.memory_space<vmem>>
      %dma_start3A_199 = arith.constant 0 : i32
      %dma_start3A_200 = tpu.memref_slice %arg21[%dma_start3A_193, %dma_start3A_199] : memref<157x128xi32, #tpu.memory_space<vmem>> -> memref<1x128xi32, #tpu.memory_space<vmem>>
      %dma_start3A_201 = tpu.memref_squeeze %dma_start3A_200 : memref<1x128xi32, #tpu.memory_space<vmem>> -> memref<128xi32, #tpu.memory_space<vmem>>
      %dma_start3A_202 = arith.constant 0 : i32
      %dma_start3A_203 = arith.constant 0 : i32
      %dma_start3A_204 = tpu.memref_slice %arg25[%dma_start3A_202, %dma_start3A_203] : memref<5000x32xf32, #tpu.memory_space<vmem_shared>> -> memref<5000x32xf32, #tpu.memory_space<vmem_shared>>
      tpu.enqueue_indirect_dma source(%dma_start3A_204 : memref<5000x32xf32, #tpu.memory_space<vmem_shared>>) target(%dma_start3A_198 : memref<128x32xf32, #tpu.memory_space<vmem>>) offsets(%dma_start3A_201 : memref<128xi32, #tpu.memory_space<vmem>>) semaphore(%arg26 : memref<!tpu.dma_semaphore, #tpu.memory_space<semaphore_mem>>)
      %dma_start3A_205 = arith.constant 2 : i32
      %dma_start3A_206 = arith.constant 2 : i32
      %dma_start3A_207 = arith.constant 0 : i32
      %dma_start3A_208 = arith.constant 0 : i32
      %dma_start3A_209 = tpu.memref_slice %arg22[%dma_start3A_206, %dma_start3A_207, %dma_start3A_208] : memref<6x128x32xf32, #tpu.memory_space<vmem>> -> memref<1x128x32xf32, #tpu.memory_space<vmem>>
      %dma_start3A_210 = tpu.memref_squeeze %dma_start3A_209 : memref<1x128x32xf32, #tpu.memory_space<vmem>> -> memref<128x32xf32, #tpu.memory_space<vmem>>
      %dma_start3A_211 = arith.constant 0 : i32
      %dma_start3A_212 = tpu.memref_slice %arg21[%dma_start3A_205, %dma_start3A_211] : memref<157x128xi32, #tpu.memory_space<vmem>> -> memref<1x128xi32, #tpu.memory_space<vmem>>
      %dma_start3A_213 = tpu.memref_squeeze %dma_start3A_212 : memref<1x128xi32, #tpu.memory_space<vmem>> -> memref<128xi32, #tpu.memory_space<vmem>>
      %dma_start3A_214 = arith.constant 0 : i32
      %dma_start3A_215 = arith.constant 0 : i32
      %dma_start3A_216 = tpu.memref_slice %arg25[%dma_start3A_214, %dma_start3A_215] : memref<5000x32xf32, #tpu.memory_space<vmem_shared>> -> memref<5000x32xf32, #tpu.memory_space<vmem_shared>>
      tpu.enqueue_indirect_dma source(%dma_start3A_216 : memref<5000x32xf32, #tpu.memory_space<vmem_shared>>) target(%dma_start3A_210 : memref<128x32xf32, #tpu.memory_space<vmem>>) offsets(%dma_start3A_213 : memref<128xi32, #tpu.memory_space<vmem>>) semaphore(%arg26 : memref<!tpu.dma_semaphore, #tpu.memory_space<semaphore_mem>>)
      %scan3A_217 = arith.constant 0 : i32
      %scan3A_218 = arith.constant 0 : i32
      %scan3A_219 = arith.constant 157 : i32
      %scan3A_220 = arith.addi %scan3A_218, %scan3A_219 : i32
      %scan3A_221 = arith.constant 1 : i32
      scf.for %scan3A_571 = %scan3A_218 to %scan3A_220 step %scan3A_221  : i32 {
        %rem3A = arith.constant 6 : i32
        %rem3A_572 = arith.remsi %scan3A_571, %rem3A : i32
        %dma_wait3A_573 = arith.constant 0 : i32
        %dma_wait3A_574 = arith.constant 0 : i32
        %dma_wait3A_575 = tpu.memref_slice %arg22[%rem3A_572, %dma_wait3A_573, %dma_wait3A_574] : memref<6x128x32xf32, #tpu.memory_space<vmem>> -> memref<1x128x32xf32, #tpu.memory_space<vmem>>
        %dma_wait3A_576 = tpu.memref_squeeze %dma_wait3A_575 : memref<1x128x32xf32, #tpu.memory_space<vmem>> -> memref<128x32xf32, #tpu.memory_space<vmem>>
        %dma_wait3A_577 = arith.constant 0 : i32
        %dma_wait3A_578 = tpu.memref_slice %arg21[%scan3A_571, %dma_wait3A_577] : memref<157x128xi32, #tpu.memory_space<vmem>> -> memref<1x128xi32, #tpu.memory_space<vmem>>
        %dma_wait3A_579 = tpu.memref_squeeze %dma_wait3A_578 : memref<1x128xi32, #tpu.memory_space<vmem>> -> memref<128xi32, #tpu.memory_space<vmem>>
        %dma_wait3A_580 = arith.constant 0 : i32
        %dma_wait3A_581 = arith.constant 0 : i32
        %dma_wait3A_582 = tpu.memref_slice %arg25[%dma_wait3A_580, %dma_wait3A_581] : memref<5000x32xf32, #tpu.memory_space<vmem_shared>> -> memref<5000x32xf32, #tpu.memory_space<vmem_shared>>
        tpu.wait_indirect_dma semaphore(%arg26 : memref<!tpu.dma_semaphore, #tpu.memory_space<semaphore_mem>>) src(%dma_wait3A_582 : memref<5000x32xf32, #tpu.memory_space<vmem_shared>>) dst(%dma_wait3A_576 : memref<128x32xf32, #tpu.memory_space<vmem>>)
        %dma_start3A_583 = arith.constant 0 : i32
        %dma_start3A_584 = arith.constant 0 : i32
        %dma_start3A_585 = tpu.memref_slice %arg22[%rem3A_572, %dma_start3A_583, %dma_start3A_584] : memref<6x128x32xf32, #tpu.memory_space<vmem>> -> memref<1x128x32xf32, #tpu.memory_space<vmem>>
        %dma_start3A_586 = tpu.memref_squeeze %dma_start3A_585 : memref<1x128x32xf32, #tpu.memory_space<vmem>> -> memref<128x32xf32, #tpu.memory_space<vmem>>
        %dma_start3A_587 = arith.constant 0 : i32
        %dma_start3A_588 = tpu.memref_slice %arg20[%scan3A_571, %dma_start3A_587] : memref<157x128xi32, #tpu.memory_space<vmem>> -> memref<1x128xi32, #tpu.memory_space<vmem>>
        %dma_start3A_589 = tpu.memref_squeeze %dma_start3A_588 : memref<1x128xi32, #tpu.memory_space<vmem>> -> memref<128xi32, #tpu.memory_space<vmem>>
        %dma_start3A_590 = arith.constant 0 : i32
        %dma_start3A_591 = arith.constant 0 : i32
        %dma_start3A_592 = tpu.memref_slice %arg24[%dma_start3A_590, %dma_start3A_591] : memref<25088x32xf32, #tpu.memory_space<vmem_shared>> -> memref<25088x32xf32, #tpu.memory_space<vmem_shared>>
        tpu.enqueue_indirect_dma source(%dma_start3A_586 : memref<128x32xf32, #tpu.memory_space<vmem>>) target(%dma_start3A_592 : memref<25088x32xf32, #tpu.memory_space<vmem_shared>>) offsets(%dma_start3A_589 : memref<128xi32, #tpu.memory_space<vmem>>) semaphore(%arg27 : memref<!tpu.dma_semaphore, #tpu.memory_space<semaphore_mem>>) {add = true}
        %add3A = arith.constant 3 : i32
        %add3A_593 = arith.addi %scan3A_571, %add3A : i32
        %lt3A_594 = arith.constant 157 : i32
        %lt3A_595 = arith.cmpi slt, %add3A_593, %lt3A_594 : i32
        %convert_element_type3A_596 = arith.extui %lt3A_595 : i1 to i32
        %cond3A_597 = arith.constant 0 : i32
        %cond3A_598 = arith.cmpi ne, %convert_element_type3A_596, %cond3A_597 : i32
        scf.if %cond3A_598 {
          %ge3A = arith.constant 3 : i32
          %ge3A_599 = arith.cmpi sge, %scan3A_571, %ge3A : i32
          %convert_element_type3A_600 = arith.extui %ge3A_599 : i1 to i32
          %cond3A_601 = arith.constant 0 : i32
          %cond3A_602 = arith.cmpi ne, %convert_element_type3A_600, %cond3A_601 : i32
          scf.if %cond3A_602 {
            %dma_wait3A_619 = arith.constant 0 : i32
            %dma_wait3A_620 = arith.constant 0 : i32
            %dma_wait3A_621 = arith.constant 0 : i32
            %dma_wait3A_622 = arith.constant 0 : i32
            %dma_wait3A_623 = tpu.memref_slice %arg22[%dma_wait3A_619, %dma_wait3A_621, %dma_wait3A_622] : memref<6x128x32xf32, #tpu.memory_space<vmem>> -> memref<1x128x32xf32, #tpu.memory_space<vmem>>
            %dma_wait3A_624 = tpu.memref_squeeze %dma_wait3A_623 : memref<1x128x32xf32, #tpu.memory_space<vmem>> -> memref<128x32xf32, #tpu.memory_space<vmem>>
            %dma_wait3A_625 = arith.constant 0 : i32
            %dma_wait3A_626 = tpu.memref_slice %arg20[%dma_wait3A_620, %dma_wait3A_625] : memref<157x128xi32, #tpu.memory_space<vmem>> -> memref<1x128xi32, #tpu.memory_space<vmem>>
            %dma_wait3A_627 = tpu.memref_squeeze %dma_wait3A_626 : memref<1x128xi32, #tpu.memory_space<vmem>> -> memref<128xi32, #tpu.memory_space<vmem>>
            %dma_wait3A_628 = arith.constant 0 : i32
            %dma_wait3A_629 = arith.constant 0 : i32
            %dma_wait3A_630 = tpu.memref_slice %arg24[%dma_wait3A_628, %dma_wait3A_629] : memref<25088x32xf32, #tpu.memory_space<vmem_shared>> -> memref<25088x32xf32, #tpu.memory_space<vmem_shared>>
            tpu.wait_indirect_dma semaphore(%arg27 : memref<!tpu.dma_semaphore, #tpu.memory_space<semaphore_mem>>) src(%dma_wait3A_624 : memref<128x32xf32, #tpu.memory_space<vmem>>) dst(%dma_wait3A_630 : memref<25088x32xf32, #tpu.memory_space<vmem_shared>>)
          } else {
          }
          %add3A_603 = arith.constant 3 : i32
          %add3A_604 = arith.addi %scan3A_571, %add3A_603 : i32
          %add3A_605 = arith.constant 3 : i32
          %add3A_606 = arith.addi %scan3A_571, %add3A_605 : i32
          %rem3A_607 = arith.constant 6 : i32
          %rem3A_608 = arith.remsi %add3A_606, %rem3A_607 : i32
          %dma_start3A_609 = arith.constant 0 : i32
          %dma_start3A_610 = arith.constant 0 : i32
          %dma_start3A_611 = tpu.memref_slice %arg22[%rem3A_608, %dma_start3A_609, %dma_start3A_610] : memref<6x128x32xf32, #tpu.memory_space<vmem>> -> memref<1x128x32xf32, #tpu.memory_space<vmem>>
          %dma_start3A_612 = tpu.memref_squeeze %dma_start3A_611 : memref<1x128x32xf32, #tpu.memory_space<vmem>> -> memref<128x32xf32, #tpu.memory_space<vmem>>
          %dma_start3A_613 = arith.constant 0 : i32
          %dma_start3A_614 = tpu.memref_slice %arg21[%add3A_604, %dma_start3A_613] : memref<157x128xi32, #tpu.memory_space<vmem>> -> memref<1x128xi32, #tpu.memory_space<vmem>>
          %dma_start3A_615 = tpu.memref_squeeze %dma_start3A_614 : memref<1x128xi32, #tpu.memory_space<vmem>> -> memref<128xi32, #tpu.memory_space<vmem>>
          %dma_start3A_616 = arith.constant 0 : i32
          %dma_start3A_617 = arith.constant 0 : i32
          %dma_start3A_618 = tpu.memref_slice %arg25[%dma_start3A_616, %dma_start3A_617] : memref<5000x32xf32, #tpu.memory_space<vmem_shared>> -> memref<5000x32xf32, #tpu.memory_space<vmem_shared>>
          tpu.enqueue_indirect_dma source(%dma_start3A_618 : memref<5000x32xf32, #tpu.memory_space<vmem_shared>>) target(%dma_start3A_612 : memref<128x32xf32, #tpu.memory_space<vmem>>) offsets(%dma_start3A_615 : memref<128xi32, #tpu.memory_space<vmem>>) semaphore(%arg26 : memref<!tpu.dma_semaphore, #tpu.memory_space<semaphore_mem>>)
        } else {
        }
      }
      %scan3A_222 = arith.constant 157 : i32
      %dma_wait3A_223 = arith.constant 0 : i32
      %dma_wait3A_224 = arith.constant 0 : i32
      %dma_wait3A_225 = arith.constant 0 : i32
      %dma_wait3A_226 = arith.constant 0 : i32
      %dma_wait3A_227 = tpu.memref_slice %arg22[%dma_wait3A_223, %dma_wait3A_225, %dma_wait3A_226] : memref<6x128x32xf32, #tpu.memory_space<vmem>> -> memref<1x128x32xf32, #tpu.memory_space<vmem>>
      %dma_wait3A_228 = tpu.memref_squeeze %dma_wait3A_227 : memref<1x128x32xf32, #tpu.memory_space<vmem>> -> memref<128x32xf32, #tpu.memory_space<vmem>>
      %dma_wait3A_229 = arith.constant 0 : i32
      %dma_wait3A_230 = tpu.memref_slice %arg20[%dma_wait3A_224, %dma_wait3A_229] : memref<157x128xi32, #tpu.memory_space<vmem>> -> memref<1x128xi32, #tpu.memory_space<vmem>>
      %dma_wait3A_231 = tpu.memref_squeeze %dma_wait3A_230 : memref<1x128xi32, #tpu.memory_space<vmem>> -> memref<128xi32, #tpu.memory_space<vmem>>
      %dma_wait3A_232 = arith.constant 0 : i32
      %dma_wait3A_233 = arith.constant 0 : i32
      %dma_wait3A_234 = tpu.memref_slice %arg24[%dma_wait3A_232, %dma_wait3A_233] : memref<25088x32xf32, #tpu.memory_space<vmem_shared>> -> memref<25088x32xf32, #tpu.memory_space<vmem_shared>>
      tpu.wait_indirect_dma semaphore(%arg27 : memref<!tpu.dma_semaphore, #tpu.memory_space<semaphore_mem>>) src(%dma_wait3A_228 : memref<128x32xf32, #tpu.memory_space<vmem>>) dst(%dma_wait3A_234 : memref<25088x32xf32, #tpu.memory_space<vmem_shared>>)
      %dma_wait3A_235 = arith.constant 1 : i32
      %dma_wait3A_236 = arith.constant 0 : i32
      %dma_wait3A_237 = arith.constant 0 : i32
      %dma_wait3A_238 = arith.constant 0 : i32
      %dma_wait3A_239 = tpu.memref_slice %arg22[%dma_wait3A_235, %dma_wait3A_237, %dma_wait3A_238] : memref<6x128x32xf32, #tpu.memory_space<vmem>> -> memref<1x128x32xf32, #tpu.memory_space<vmem>>
      %dma_wait3A_240 = tpu.memref_squeeze %dma_wait3A_239 : memref<1x128x32xf32, #tpu.memory_space<vmem>> -> memref<128x32xf32, #tpu.memory_space<vmem>>
      %dma_wait3A_241 = arith.constant 0 : i32
      %dma_wait3A_242 = tpu.memref_slice %arg20[%dma_wait3A_236, %dma_wait3A_241] : memref<157x128xi32, #tpu.memory_space<vmem>> -> memref<1x128xi32, #tpu.memory_space<vmem>>
      %dma_wait3A_243 = tpu.memref_squeeze %dma_wait3A_242 : memref<1x128xi32, #tpu.memory_space<vmem>> -> memref<128xi32, #tpu.memory_space<vmem>>
      %dma_wait3A_244 = arith.constant 0 : i32
      %dma_wait3A_245 = arith.constant 0 : i32
      %dma_wait3A_246 = tpu.memref_slice %arg24[%dma_wait3A_244, %dma_wait3A_245] : memref<25088x32xf32, #tpu.memory_space<vmem_shared>> -> memref<25088x32xf32, #tpu.memory_space<vmem_shared>>
      tpu.wait_indirect_dma semaphore(%arg27 : memref<!tpu.dma_semaphore, #tpu.memory_space<semaphore_mem>>) src(%dma_wait3A_240 : memref<128x32xf32, #tpu.memory_space<vmem>>) dst(%dma_wait3A_246 : memref<25088x32xf32, #tpu.memory_space<vmem_shared>>)
      %dma_wait3A_247 = arith.constant 2 : i32
      %dma_wait3A_248 = arith.constant 0 : i32
      %dma_wait3A_249 = arith.constant 0 : i32
      %dma_wait3A_250 = arith.constant 0 : i32
      %dma_wait3A_251 = tpu.memref_slice %arg22[%dma_wait3A_247, %dma_wait3A_249, %dma_wait3A_250] : memref<6x128x32xf32, #tpu.memory_space<vmem>> -> memref<1x128x32xf32, #tpu.memory_space<vmem>>
      %dma_wait3A_252 = tpu.memref_squeeze %dma_wait3A_251 : memref<1x128x32xf32, #tpu.memory_space<vmem>> -> memref<128x32xf32, #tpu.memory_space<vmem>>
      %dma_wait3A_253 = arith.constant 0 : i32
      %dma_wait3A_254 = tpu.memref_slice %arg20[%dma_wait3A_248, %dma_wait3A_253] : memref<157x128xi32, #tpu.memory_space<vmem>> -> memref<1x128xi32, #tpu.memory_space<vmem>>
      %dma_wait3A_255 = tpu.memref_squeeze %dma_wait3A_254 : memref<1x128xi32, #tpu.memory_space<vmem>> -> memref<128xi32, #tpu.memory_space<vmem>>
      %dma_wait3A_256 = arith.constant 0 : i32
      %dma_wait3A_257 = arith.constant 0 : i32
      %dma_wait3A_258 = tpu.memref_slice %arg24[%dma_wait3A_256, %dma_wait3A_257] : memref<25088x32xf32, #tpu.memory_space<vmem_shared>> -> memref<25088x32xf32, #tpu.memory_space<vmem_shared>>
      tpu.wait_indirect_dma semaphore(%arg27 : memref<!tpu.dma_semaphore, #tpu.memory_space<semaphore_mem>>) src(%dma_wait3A_252 : memref<128x32xf32, #tpu.memory_space<vmem>>) dst(%dma_wait3A_258 : memref<25088x32xf32, #tpu.memory_space<vmem_shared>>)
      %dma_wait3A_259 = arith.constant 3 : i32
      %dma_wait3A_260 = arith.constant 0 : i32
      %dma_wait3A_261 = arith.constant 0 : i32
      %dma_wait3A_262 = arith.constant 0 : i32
      %dma_wait3A_263 = tpu.memref_slice %arg22[%dma_wait3A_259, %dma_wait3A_261, %dma_wait3A_262] : memref<6x128x32xf32, #tpu.memory_space<vmem>> -> memref<1x128x32xf32, #tpu.memory_space<vmem>>
      %dma_wait3A_264 = tpu.memref_squeeze %dma_wait3A_263 : memref<1x128x32xf32, #tpu.memory_space<vmem>> -> memref<128x32xf32, #tpu.memory_space<vmem>>
      %dma_wait3A_265 = arith.constant 0 : i32
      %dma_wait3A_266 = tpu.memref_slice %arg20[%dma_wait3A_260, %dma_wait3A_265] : memref<157x128xi32, #tpu.memory_space<vmem>> -> memref<1x128xi32, #tpu.memory_space<vmem>>
      %dma_wait3A_267 = tpu.memref_squeeze %dma_wait3A_266 : memref<1x128xi32, #tpu.memory_space<vmem>> -> memref<128xi32, #tpu.memory_space<vmem>>
      %dma_wait3A_268 = arith.constant 0 : i32
      %dma_wait3A_269 = arith.constant 0 : i32
      %dma_wait3A_270 = tpu.memref_slice %arg24[%dma_wait3A_268, %dma_wait3A_269] : memref<25088x32xf32, #tpu.memory_space<vmem_shared>> -> memref<25088x32xf32, #tpu.memory_space<vmem_shared>>
      tpu.wait_indirect_dma semaphore(%arg27 : memref<!tpu.dma_semaphore, #tpu.memory_space<semaphore_mem>>) src(%dma_wait3A_264 : memref<128x32xf32, #tpu.memory_space<vmem>>) dst(%dma_wait3A_270 : memref<25088x32xf32, #tpu.memory_space<vmem_shared>>)
      %dma_wait3A_271 = arith.constant 4 : i32
      %dma_wait3A_272 = arith.constant 0 : i32
      %dma_wait3A_273 = arith.constant 0 : i32
      %dma_wait3A_274 = arith.constant 0 : i32
      %dma_wait3A_275 = tpu.memref_slice %arg22[%dma_wait3A_271, %dma_wait3A_273, %dma_wait3A_274] : memref<6x128x32xf32, #tpu.memory_space<vmem>> -> memref<1x128x32xf32, #tpu.memory_space<vmem>>
      %dma_wait3A_276 = tpu.memref_squeeze %dma_wait3A_275 : memref<1x128x32xf32, #tpu.memory_space<vmem>> -> memref<128x32xf32, #tpu.memory_space<vmem>>
      %dma_wait3A_277 = arith.constant 0 : i32
      %dma_wait3A_278 = tpu.memref_slice %arg20[%dma_wait3A_272, %dma_wait3A_277] : memref<157x128xi32, #tpu.memory_space<vmem>> -> memref<1x128xi32, #tpu.memory_space<vmem>>
      %dma_wait3A_279 = tpu.memref_squeeze %dma_wait3A_278 : memref<1x128xi32, #tpu.memory_space<vmem>> -> memref<128xi32, #tpu.memory_space<vmem>>
      %dma_wait3A_280 = arith.constant 0 : i32
      %dma_wait3A_281 = arith.constant 0 : i32
      %dma_wait3A_282 = tpu.memref_slice %arg24[%dma_wait3A_280, %dma_wait3A_281] : memref<25088x32xf32, #tpu.memory_space<vmem_shared>> -> memref<25088x32xf32, #tpu.memory_space<vmem_shared>>
      tpu.wait_indirect_dma semaphore(%arg27 : memref<!tpu.dma_semaphore, #tpu.memory_space<semaphore_mem>>) src(%dma_wait3A_276 : memref<128x32xf32, #tpu.memory_space<vmem>>) dst(%dma_wait3A_282 : memref<25088x32xf32, #tpu.memory_space<vmem_shared>>)
      %dma_wait3A_283 = arith.constant 5 : i32
      %dma_wait3A_284 = arith.constant 0 : i32
      %dma_wait3A_285 = arith.constant 0 : i32
      %dma_wait3A_286 = arith.constant 0 : i32
      %dma_wait3A_287 = tpu.memref_slice %arg22[%dma_wait3A_283, %dma_wait3A_285, %dma_wait3A_286] : memref<6x128x32xf32, #tpu.memory_space<vmem>> -> memref<1x128x32xf32, #tpu.memory_space<vmem>>
      %dma_wait3A_288 = tpu.memref_squeeze %dma_wait3A_287 : memref<1x128x32xf32, #tpu.memory_space<vmem>> -> memref<128x32xf32, #tpu.memory_space<vmem>>
      %dma_wait3A_289 = arith.constant 0 : i32
      %dma_wait3A_290 = tpu.memref_slice %arg20[%dma_wait3A_284, %dma_wait3A_289] : memref<157x128xi32, #tpu.memory_space<vmem>> -> memref<1x128xi32, #tpu.memory_space<vmem>>
      %dma_wait3A_291 = tpu.memref_squeeze %dma_wait3A_290 : memref<1x128xi32, #tpu.memory_space<vmem>> -> memref<128xi32, #tpu.memory_space<vmem>>
      %dma_wait3A_292 = arith.constant 0 : i32
      %dma_wait3A_293 = arith.constant 0 : i32
      %dma_wait3A_294 = tpu.memref_slice %arg24[%dma_wait3A_292, %dma_wait3A_293] : memref<25088x32xf32, #tpu.memory_space<vmem_shared>> -> memref<25088x32xf32, #tpu.memory_space<vmem_shared>>
      tpu.wait_indirect_dma semaphore(%arg27 : memref<!tpu.dma_semaphore, #tpu.memory_space<semaphore_mem>>) src(%dma_wait3A_288 : memref<128x32xf32, #tpu.memory_space<vmem>>) dst(%dma_wait3A_294 : memref<25088x32xf32, #tpu.memory_space<vmem_shared>>)
      %barrier3A_295 = arith.constant 0 : index
      tpu.barrier barrier_id(%barrier3A_295)
      %lt3A_296 = arith.constant 15 : i32
      %lt3A_297 = arith.cmpi slt, %arg1, %lt3A_296 : i32
      %convert_element_type3A_298 = arith.extui %lt3A_297 : i1 to i32
      %cond3A_299 = arith.constant 0 : i32
      %cond3A_300 = arith.cmpi ne, %convert_element_type3A_298, %cond3A_299 : i32
      scf.if %cond3A_300 {
        "tpu.region"() ({
          %run_scoped3A = tpu.sem_alloc : memref<!tpu.dma_semaphore, #tpu.memory_space<semaphore_mem>>
          %dma_start3A_571 = arith.constant 32 : i32
          %dma_start3A_572 = tpu.memref_slice %arg16[%mul3A_0, %dma_start3A_571] : memref<25000x128xf32, #tpu.memory_space<hbm>> -> memref<1568x32xf32, #tpu.memory_space<hbm>>
          %dma_start3A_573 = arith.constant 0 : i32
          %dma_start3A_574 = tpu.memref_slice %arg24[%mul3A_0, %dma_start3A_573] : memref<25088x32xf32, #tpu.memory_space<vmem_shared>> -> memref<1568x32xf32, #tpu.memory_space<vmem_shared>>
          tpu.enqueue_dma source(%dma_start3A_574 : memref<1568x32xf32, #tpu.memory_space<vmem_shared>>) target(%dma_start3A_572 : memref<1568x32xf32, #tpu.memory_space<hbm>>) target_semaphore(%run_scoped3A : memref<!tpu.dma_semaphore, #tpu.memory_space<semaphore_mem>>)
          %dma_wait3A_575 = arith.constant 32 : i32
          %dma_wait3A_576 = tpu.memref_slice %arg16[%mul3A_0, %dma_wait3A_575] : memref<25000x128xf32, #tpu.memory_space<hbm>> -> memref<1568x32xf32, #tpu.memory_space<hbm>>
          %dma_wait3A_577 = arith.constant 0 : i32
          %dma_wait3A_578 = tpu.memref_slice %arg24[%mul3A_0, %dma_wait3A_577] : memref<25088x32xf32, #tpu.memory_space<vmem_shared>> -> memref<1568x32xf32, #tpu.memory_space<vmem_shared>>
          tpu.wait_dma2 semaphore(%run_scoped3A : memref<!tpu.dma_semaphore, #tpu.memory_space<semaphore_mem>>) src(%dma_wait3A_578 : memref<1568x32xf32, #tpu.memory_space<vmem_shared>>) dst(%dma_wait3A_576 : memref<1568x32xf32, #tpu.memory_space<hbm>>)
          tpu.yield
        }) : () -> ()
      } else {
      }
      %eq3A_301 = arith.constant 15 : i32
      %eq3A_302 = arith.cmpi eq, %arg1, %eq3A_301 : i32
      %convert_element_type3A_303 = arith.extui %eq3A_302 : i1 to i32
      %cond3A_304 = arith.constant 0 : i32
      %cond3A_305 = arith.cmpi ne, %convert_element_type3A_303, %cond3A_304 : i32
      scf.if %cond3A_305 {
        "tpu.region"() ({
          %run_scoped3A = tpu.sem_alloc : memref<!tpu.dma_semaphore, #tpu.memory_space<semaphore_mem>>
          %dma_start3A_571 = arith.constant 32 : i32
          %dma_start3A_572 = tpu.memref_slice %arg16[%mul3A_0, %dma_start3A_571] : memref<25000x128xf32, #tpu.memory_space<hbm>> -> memref<1480x32xf32, #tpu.memory_space<hbm>>
          %dma_start3A_573 = arith.constant 0 : i32
          %dma_start3A_574 = tpu.memref_slice %arg24[%mul3A_0, %dma_start3A_573] : memref<25088x32xf32, #tpu.memory_space<vmem_shared>> -> memref<1480x32xf32, #tpu.memory_space<vmem_shared>>
          tpu.enqueue_dma source(%dma_start3A_574 : memref<1480x32xf32, #tpu.memory_space<vmem_shared>>) target(%dma_start3A_572 : memref<1480x32xf32, #tpu.memory_space<hbm>>) target_semaphore(%run_scoped3A : memref<!tpu.dma_semaphore, #tpu.memory_space<semaphore_mem>>)
          %dma_wait3A_575 = arith.constant 32 : i32
          %dma_wait3A_576 = tpu.memref_slice %arg16[%mul3A_0, %dma_wait3A_575] : memref<25000x128xf32, #tpu.memory_space<hbm>> -> memref<1480x32xf32, #tpu.memory_space<hbm>>
          %dma_wait3A_577 = arith.constant 0 : i32
          %dma_wait3A_578 = tpu.memref_slice %arg24[%mul3A_0, %dma_wait3A_577] : memref<25088x32xf32, #tpu.memory_space<vmem_shared>> -> memref<1480x32xf32, #tpu.memory_space<vmem_shared>>
          tpu.wait_dma2 semaphore(%run_scoped3A : memref<!tpu.dma_semaphore, #tpu.memory_space<semaphore_mem>>) src(%dma_wait3A_578 : memref<1480x32xf32, #tpu.memory_space<vmem_shared>>) dst(%dma_wait3A_576 : memref<1480x32xf32, #tpu.memory_space<hbm>>)
          tpu.yield
        }) : () -> ()
      } else {
      }
      %barrier3A_306 = arith.constant 0 : index
      tpu.barrier barrier_id(%barrier3A_306)
      "tpu.trace_stop"() : () -> ()
      "tpu.trace_start"() <{level = 10 : i32, message = "feat_pass2"}> : () -> ()
      "tpu.region"() ({
        %run_scoped3A = tpu.sem_alloc : memref<!tpu.dma_semaphore, #tpu.memory_space<semaphore_mem>>
        %dma_start3A_571 = arith.constant 0 : i32
        %dma_start3A_572 = tpu.memref_slice %arg24[%mul3A_0, %dma_start3A_571] : memref<25088x32xf32, #tpu.memory_space<vmem_shared>> -> memref<1568x32xf32, #tpu.memory_space<vmem_shared>>
        tpu.enqueue_dma source(%arg15 : memref<1568x32xf32, #tpu.memory_space<hbm>>) target(%dma_start3A_572 : memref<1568x32xf32, #tpu.memory_space<vmem_shared>>) target_semaphore(%run_scoped3A : memref<!tpu.dma_semaphore, #tpu.memory_space<semaphore_mem>>)
        %dma_wait3A_573 = arith.constant 0 : i32
        %dma_wait3A_574 = tpu.memref_slice %arg24[%mul3A_0, %dma_wait3A_573] : memref<25088x32xf32, #tpu.memory_space<vmem_shared>> -> memref<1568x32xf32, #tpu.memory_space<vmem_shared>>
        tpu.wait_dma2 semaphore(%run_scoped3A : memref<!tpu.dma_semaphore, #tpu.memory_space<semaphore_mem>>) src(%arg15 : memref<1568x32xf32, #tpu.memory_space<hbm>>) dst(%dma_wait3A_574 : memref<1568x32xf32, #tpu.memory_space<vmem_shared>>)
        tpu.yield
      }) : () -> ()
      %eq3A_307 = arith.constant 0 : i32
      %eq3A_308 = arith.cmpi eq, %arg1, %eq3A_307 : i32
      %convert_element_type3A_309 = arith.extui %eq3A_308 : i1 to i32
      %cond3A_310 = arith.constant 0 : i32
      %cond3A_311 = arith.cmpi ne, %convert_element_type3A_309, %cond3A_310 : i32
      scf.if %cond3A_311 {
        "tpu.region"() ({
          %run_scoped3A = tpu.sem_alloc : memref<!tpu.dma_semaphore, #tpu.memory_space<semaphore_mem>>
          tpu.enqueue_dma source(%arg4 : memref<5000x32xf32, #tpu.memory_space<hbm>>) target(%arg25 : memref<5000x32xf32, #tpu.memory_space<vmem_shared>>) target_semaphore(%run_scoped3A : memref<!tpu.dma_semaphore, #tpu.memory_space<semaphore_mem>>)
          tpu.wait_dma2 semaphore(%run_scoped3A : memref<!tpu.dma_semaphore, #tpu.memory_space<semaphore_mem>>) src(%arg4 : memref<5000x32xf32, #tpu.memory_space<hbm>>) dst(%arg25 : memref<5000x32xf32, #tpu.memory_space<vmem_shared>>)
          tpu.yield
        }) : () -> ()
      } else {
      }
      %barrier3A_312 = arith.constant 0 : index
      tpu.barrier barrier_id(%barrier3A_312)
      %dma_start3A_313 = arith.constant 0 : i32
      %dma_start3A_314 = arith.constant 0 : i32
      %dma_start3A_315 = arith.constant 0 : i32
      %dma_start3A_316 = arith.constant 0 : i32
      %dma_start3A_317 = tpu.memref_slice %arg22[%dma_start3A_314, %dma_start3A_315, %dma_start3A_316] : memref<6x128x32xf32, #tpu.memory_space<vmem>> -> memref<1x128x32xf32, #tpu.memory_space<vmem>>
      %dma_start3A_318 = tpu.memref_squeeze %dma_start3A_317 : memref<1x128x32xf32, #tpu.memory_space<vmem>> -> memref<128x32xf32, #tpu.memory_space<vmem>>
      %dma_start3A_319 = arith.constant 0 : i32
      %dma_start3A_320 = tpu.memref_slice %arg21[%dma_start3A_313, %dma_start3A_319] : memref<157x128xi32, #tpu.memory_space<vmem>> -> memref<1x128xi32, #tpu.memory_space<vmem>>
      %dma_start3A_321 = tpu.memref_squeeze %dma_start3A_320 : memref<1x128xi32, #tpu.memory_space<vmem>> -> memref<128xi32, #tpu.memory_space<vmem>>
      %dma_start3A_322 = arith.constant 0 : i32
      %dma_start3A_323 = arith.constant 0 : i32
      %dma_start3A_324 = tpu.memref_slice %arg25[%dma_start3A_322, %dma_start3A_323] : memref<5000x32xf32, #tpu.memory_space<vmem_shared>> -> memref<5000x32xf32, #tpu.memory_space<vmem_shared>>
      tpu.enqueue_indirect_dma source(%dma_start3A_324 : memref<5000x32xf32, #tpu.memory_space<vmem_shared>>) target(%dma_start3A_318 : memref<128x32xf32, #tpu.memory_space<vmem>>) offsets(%dma_start3A_321 : memref<128xi32, #tpu.memory_space<vmem>>) semaphore(%arg26 : memref<!tpu.dma_semaphore, #tpu.memory_space<semaphore_mem>>)
      %dma_start3A_325 = arith.constant 1 : i32
      %dma_start3A_326 = arith.constant 1 : i32
      %dma_start3A_327 = arith.constant 0 : i32
      %dma_start3A_328 = arith.constant 0 : i32
      %dma_start3A_329 = tpu.memref_slice %arg22[%dma_start3A_326, %dma_start3A_327, %dma_start3A_328] : memref<6x128x32xf32, #tpu.memory_space<vmem>> -> memref<1x128x32xf32, #tpu.memory_space<vmem>>
      %dma_start3A_330 = tpu.memref_squeeze %dma_start3A_329 : memref<1x128x32xf32, #tpu.memory_space<vmem>> -> memref<128x32xf32, #tpu.memory_space<vmem>>
      %dma_start3A_331 = arith.constant 0 : i32
      %dma_start3A_332 = tpu.memref_slice %arg21[%dma_start3A_325, %dma_start3A_331] : memref<157x128xi32, #tpu.memory_space<vmem>> -> memref<1x128xi32, #tpu.memory_space<vmem>>
      %dma_start3A_333 = tpu.memref_squeeze %dma_start3A_332 : memref<1x128xi32, #tpu.memory_space<vmem>> -> memref<128xi32, #tpu.memory_space<vmem>>
      %dma_start3A_334 = arith.constant 0 : i32
      %dma_start3A_335 = arith.constant 0 : i32
      %dma_start3A_336 = tpu.memref_slice %arg25[%dma_start3A_334, %dma_start3A_335] : memref<5000x32xf32, #tpu.memory_space<vmem_shared>> -> memref<5000x32xf32, #tpu.memory_space<vmem_shared>>
      tpu.enqueue_indirect_dma source(%dma_start3A_336 : memref<5000x32xf32, #tpu.memory_space<vmem_shared>>) target(%dma_start3A_330 : memref<128x32xf32, #tpu.memory_space<vmem>>) offsets(%dma_start3A_333 : memref<128xi32, #tpu.memory_space<vmem>>) semaphore(%arg26 : memref<!tpu.dma_semaphore, #tpu.memory_space<semaphore_mem>>)
      %dma_start3A_337 = arith.constant 2 : i32
      %dma_start3A_338 = arith.constant 2 : i32
      %dma_start3A_339 = arith.constant 0 : i32
      %dma_start3A_340 = arith.constant 0 : i32
      %dma_start3A_341 = tpu.memref_slice %arg22[%dma_start3A_338, %dma_start3A_339, %dma_start3A_340] : memref<6x128x32xf32, #tpu.memory_space<vmem>> -> memref<1x128x32xf32, #tpu.memory_space<vmem>>
      %dma_start3A_342 = tpu.memref_squeeze %dma_start3A_341 : memref<1x128x32xf32, #tpu.memory_space<vmem>> -> memref<128x32xf32, #tpu.memory_space<vmem>>
      %dma_start3A_343 = arith.constant 0 : i32
      %dma_start3A_344 = tpu.memref_slice %arg21[%dma_start3A_337, %dma_start3A_343] : memref<157x128xi32, #tpu.memory_space<vmem>> -> memref<1x128xi32, #tpu.memory_space<vmem>>
      %dma_start3A_345 = tpu.memref_squeeze %dma_start3A_344 : memref<1x128xi32, #tpu.memory_space<vmem>> -> memref<128xi32, #tpu.memory_space<vmem>>
      %dma_start3A_346 = arith.constant 0 : i32
      %dma_start3A_347 = arith.constant 0 : i32
      %dma_start3A_348 = tpu.memref_slice %arg25[%dma_start3A_346, %dma_start3A_347] : memref<5000x32xf32, #tpu.memory_space<vmem_shared>> -> memref<5000x32xf32, #tpu.memory_space<vmem_shared>>
      tpu.enqueue_indirect_dma source(%dma_start3A_348 : memref<5000x32xf32, #tpu.memory_space<vmem_shared>>) target(%dma_start3A_342 : memref<128x32xf32, #tpu.memory_space<vmem>>) offsets(%dma_start3A_345 : memref<128xi32, #tpu.memory_space<vmem>>) semaphore(%arg26 : memref<!tpu.dma_semaphore, #tpu.memory_space<semaphore_mem>>)
      %scan3A_349 = arith.constant 0 : i32
      %scan3A_350 = arith.constant 0 : i32
      %scan3A_351 = arith.constant 157 : i32
      %scan3A_352 = arith.addi %scan3A_350, %scan3A_351 : i32
      %scan3A_353 = arith.constant 1 : i32
      scf.for %scan3A_571 = %scan3A_350 to %scan3A_352 step %scan3A_353  : i32 {
        %rem3A = arith.constant 6 : i32
        %rem3A_572 = arith.remsi %scan3A_571, %rem3A : i32
        %dma_wait3A_573 = arith.constant 0 : i32
        %dma_wait3A_574 = arith.constant 0 : i32
        %dma_wait3A_575 = tpu.memref_slice %arg22[%rem3A_572, %dma_wait3A_573, %dma_wait3A_574] : memref<6x128x32xf32, #tpu.memory_space<vmem>> -> memref<1x128x32xf32, #tpu.memory_space<vmem>>
        %dma_wait3A_576 = tpu.memref_squeeze %dma_wait3A_575 : memref<1x128x32xf32, #tpu.memory_space<vmem>> -> memref<128x32xf32, #tpu.memory_space<vmem>>
        %dma_wait3A_577 = arith.constant 0 : i32
        %dma_wait3A_578 = tpu.memref_slice %arg21[%scan3A_571, %dma_wait3A_577] : memref<157x128xi32, #tpu.memory_space<vmem>> -> memref<1x128xi32, #tpu.memory_space<vmem>>
        %dma_wait3A_579 = tpu.memref_squeeze %dma_wait3A_578 : memref<1x128xi32, #tpu.memory_space<vmem>> -> memref<128xi32, #tpu.memory_space<vmem>>
        %dma_wait3A_580 = arith.constant 0 : i32
        %dma_wait3A_581 = arith.constant 0 : i32
        %dma_wait3A_582 = tpu.memref_slice %arg25[%dma_wait3A_580, %dma_wait3A_581] : memref<5000x32xf32, #tpu.memory_space<vmem_shared>> -> memref<5000x32xf32, #tpu.memory_space<vmem_shared>>
        tpu.wait_indirect_dma semaphore(%arg26 : memref<!tpu.dma_semaphore, #tpu.memory_space<semaphore_mem>>) src(%dma_wait3A_582 : memref<5000x32xf32, #tpu.memory_space<vmem_shared>>) dst(%dma_wait3A_576 : memref<128x32xf32, #tpu.memory_space<vmem>>)
        %dma_start3A_583 = arith.constant 0 : i32
        %dma_start3A_584 = arith.constant 0 : i32
        %dma_start3A_585 = tpu.memref_slice %arg22[%rem3A_572, %dma_start3A_583, %dma_start3A_584] : memref<6x128x32xf32, #tpu.memory_space<vmem>> -> memref<1x128x32xf32, #tpu.memory_space<vmem>>
        %dma_start3A_586 = tpu.memref_squeeze %dma_start3A_585 : memref<1x128x32xf32, #tpu.memory_space<vmem>> -> memref<128x32xf32, #tpu.memory_space<vmem>>
        %dma_start3A_587 = arith.constant 0 : i32
        %dma_start3A_588 = tpu.memref_slice %arg20[%scan3A_571, %dma_start3A_587] : memref<157x128xi32, #tpu.memory_space<vmem>> -> memref<1x128xi32, #tpu.memory_space<vmem>>
        %dma_start3A_589 = tpu.memref_squeeze %dma_start3A_588 : memref<1x128xi32, #tpu.memory_space<vmem>> -> memref<128xi32, #tpu.memory_space<vmem>>
        %dma_start3A_590 = arith.constant 0 : i32
        %dma_start3A_591 = arith.constant 0 : i32
        %dma_start3A_592 = tpu.memref_slice %arg24[%dma_start3A_590, %dma_start3A_591] : memref<25088x32xf32, #tpu.memory_space<vmem_shared>> -> memref<25088x32xf32, #tpu.memory_space<vmem_shared>>
        tpu.enqueue_indirect_dma source(%dma_start3A_586 : memref<128x32xf32, #tpu.memory_space<vmem>>) target(%dma_start3A_592 : memref<25088x32xf32, #tpu.memory_space<vmem_shared>>) offsets(%dma_start3A_589 : memref<128xi32, #tpu.memory_space<vmem>>) semaphore(%arg27 : memref<!tpu.dma_semaphore, #tpu.memory_space<semaphore_mem>>) {add = true}
        %add3A = arith.constant 3 : i32
        %add3A_593 = arith.addi %scan3A_571, %add3A : i32
        %lt3A_594 = arith.constant 157 : i32
        %lt3A_595 = arith.cmpi slt, %add3A_593, %lt3A_594 : i32
        %convert_element_type3A_596 = arith.extui %lt3A_595 : i1 to i32
        %cond3A_597 = arith.constant 0 : i32
        %cond3A_598 = arith.cmpi ne, %convert_element_type3A_596, %cond3A_597 : i32
        scf.if %cond3A_598 {
          %ge3A = arith.constant 3 : i32
          %ge3A_599 = arith.cmpi sge, %scan3A_571, %ge3A : i32
          %convert_element_type3A_600 = arith.extui %ge3A_599 : i1 to i32
          %cond3A_601 = arith.constant 0 : i32
          %cond3A_602 = arith.cmpi ne, %convert_element_type3A_600, %cond3A_601 : i32
          scf.if %cond3A_602 {
            %dma_wait3A_619 = arith.constant 0 : i32
            %dma_wait3A_620 = arith.constant 0 : i32
            %dma_wait3A_621 = arith.constant 0 : i32
            %dma_wait3A_622 = arith.constant 0 : i32
            %dma_wait3A_623 = tpu.memref_slice %arg22[%dma_wait3A_619, %dma_wait3A_621, %dma_wait3A_622] : memref<6x128x32xf32, #tpu.memory_space<vmem>> -> memref<1x128x32xf32, #tpu.memory_space<vmem>>
            %dma_wait3A_624 = tpu.memref_squeeze %dma_wait3A_623 : memref<1x128x32xf32, #tpu.memory_space<vmem>> -> memref<128x32xf32, #tpu.memory_space<vmem>>
            %dma_wait3A_625 = arith.constant 0 : i32
            %dma_wait3A_626 = tpu.memref_slice %arg20[%dma_wait3A_620, %dma_wait3A_625] : memref<157x128xi32, #tpu.memory_space<vmem>> -> memref<1x128xi32, #tpu.memory_space<vmem>>
            %dma_wait3A_627 = tpu.memref_squeeze %dma_wait3A_626 : memref<1x128xi32, #tpu.memory_space<vmem>> -> memref<128xi32, #tpu.memory_space<vmem>>
            %dma_wait3A_628 = arith.constant 0 : i32
            %dma_wait3A_629 = arith.constant 0 : i32
            %dma_wait3A_630 = tpu.memref_slice %arg24[%dma_wait3A_628, %dma_wait3A_629] : memref<25088x32xf32, #tpu.memory_space<vmem_shared>> -> memref<25088x32xf32, #tpu.memory_space<vmem_shared>>
            tpu.wait_indirect_dma semaphore(%arg27 : memref<!tpu.dma_semaphore, #tpu.memory_space<semaphore_mem>>) src(%dma_wait3A_624 : memref<128x32xf32, #tpu.memory_space<vmem>>) dst(%dma_wait3A_630 : memref<25088x32xf32, #tpu.memory_space<vmem_shared>>)
          } else {
          }
          %add3A_603 = arith.constant 3 : i32
          %add3A_604 = arith.addi %scan3A_571, %add3A_603 : i32
          %add3A_605 = arith.constant 3 : i32
          %add3A_606 = arith.addi %scan3A_571, %add3A_605 : i32
          %rem3A_607 = arith.constant 6 : i32
          %rem3A_608 = arith.remsi %add3A_606, %rem3A_607 : i32
          %dma_start3A_609 = arith.constant 0 : i32
          %dma_start3A_610 = arith.constant 0 : i32
          %dma_start3A_611 = tpu.memref_slice %arg22[%rem3A_608, %dma_start3A_609, %dma_start3A_610] : memref<6x128x32xf32, #tpu.memory_space<vmem>> -> memref<1x128x32xf32, #tpu.memory_space<vmem>>
          %dma_start3A_612 = tpu.memref_squeeze %dma_start3A_611 : memref<1x128x32xf32, #tpu.memory_space<vmem>> -> memref<128x32xf32, #tpu.memory_space<vmem>>
          %dma_start3A_613 = arith.constant 0 : i32
          %dma_start3A_614 = tpu.memref_slice %arg21[%add3A_604, %dma_start3A_613] : memref<157x128xi32, #tpu.memory_space<vmem>> -> memref<1x128xi32, #tpu.memory_space<vmem>>
          %dma_start3A_615 = tpu.memref_squeeze %dma_start3A_614 : memref<1x128xi32, #tpu.memory_space<vmem>> -> memref<128xi32, #tpu.memory_space<vmem>>
          %dma_start3A_616 = arith.constant 0 : i32
          %dma_start3A_617 = arith.constant 0 : i32
          %dma_start3A_618 = tpu.memref_slice %arg25[%dma_start3A_616, %dma_start3A_617] : memref<5000x32xf32, #tpu.memory_space<vmem_shared>> -> memref<5000x32xf32, #tpu.memory_space<vmem_shared>>
          tpu.enqueue_indirect_dma source(%dma_start3A_618 : memref<5000x32xf32, #tpu.memory_space<vmem_shared>>) target(%dma_start3A_612 : memref<128x32xf32, #tpu.memory_space<vmem>>) offsets(%dma_start3A_615 : memref<128xi32, #tpu.memory_space<vmem>>) semaphore(%arg26 : memref<!tpu.dma_semaphore, #tpu.memory_space<semaphore_mem>>)
        } else {
        }
      }
      %scan3A_354 = arith.constant 157 : i32
      %dma_wait3A_355 = arith.constant 0 : i32
      %dma_wait3A_356 = arith.constant 0 : i32
      %dma_wait3A_357 = arith.constant 0 : i32
      %dma_wait3A_358 = arith.constant 0 : i32
      %dma_wait3A_359 = tpu.memref_slice %arg22[%dma_wait3A_355, %dma_wait3A_357, %dma_wait3A_358] : memref<6x128x32xf32, #tpu.memory_space<vmem>> -> memref<1x128x32xf32, #tpu.memory_space<vmem>>
      %dma_wait3A_360 = tpu.memref_squeeze %dma_wait3A_359 : memref<1x128x32xf32, #tpu.memory_space<vmem>> -> memref<128x32xf32, #tpu.memory_space<vmem>>
      %dma_wait3A_361 = arith.constant 0 : i32
      %dma_wait3A_362 = tpu.memref_slice %arg20[%dma_wait3A_356, %dma_wait3A_361] : memref<157x128xi32, #tpu.memory_space<vmem>> -> memref<1x128xi32, #tpu.memory_space<vmem>>
      %dma_wait3A_363 = tpu.memref_squeeze %dma_wait3A_362 : memref<1x128xi32, #tpu.memory_space<vmem>> -> memref<128xi32, #tpu.memory_space<vmem>>
      %dma_wait3A_364 = arith.constant 0 : i32
      %dma_wait3A_365 = arith.constant 0 : i32
      %dma_wait3A_366 = tpu.memref_slice %arg24[%dma_wait3A_364, %dma_wait3A_365] : memref<25088x32xf32, #tpu.memory_space<vmem_shared>> -> memref<25088x32xf32, #tpu.memory_space<vmem_shared>>
      tpu.wait_indirect_dma semaphore(%arg27 : memref<!tpu.dma_semaphore, #tpu.memory_space<semaphore_mem>>) src(%dma_wait3A_360 : memref<128x32xf32, #tpu.memory_space<vmem>>) dst(%dma_wait3A_366 : memref<25088x32xf32, #tpu.memory_space<vmem_shared>>)
      %dma_wait3A_367 = arith.constant 1 : i32
      %dma_wait3A_368 = arith.constant 0 : i32
      %dma_wait3A_369 = arith.constant 0 : i32
      %dma_wait3A_370 = arith.constant 0 : i32
      %dma_wait3A_371 = tpu.memref_slice %arg22[%dma_wait3A_367, %dma_wait3A_369, %dma_wait3A_370] : memref<6x128x32xf32, #tpu.memory_space<vmem>> -> memref<1x128x32xf32, #tpu.memory_space<vmem>>
      %dma_wait3A_372 = tpu.memref_squeeze %dma_wait3A_371 : memref<1x128x32xf32, #tpu.memory_space<vmem>> -> memref<128x32xf32, #tpu.memory_space<vmem>>
      %dma_wait3A_373 = arith.constant 0 : i32
      %dma_wait3A_374 = tpu.memref_slice %arg20[%dma_wait3A_368, %dma_wait3A_373] : memref<157x128xi32, #tpu.memory_space<vmem>> -> memref<1x128xi32, #tpu.memory_space<vmem>>
      %dma_wait3A_375 = tpu.memref_squeeze %dma_wait3A_374 : memref<1x128xi32, #tpu.memory_space<vmem>> -> memref<128xi32, #tpu.memory_space<vmem>>
      %dma_wait3A_376 = arith.constant 0 : i32
      %dma_wait3A_377 = arith.constant 0 : i32
      %dma_wait3A_378 = tpu.memref_slice %arg24[%dma_wait3A_376, %dma_wait3A_377] : memref<25088x32xf32, #tpu.memory_space<vmem_shared>> -> memref<25088x32xf32, #tpu.memory_space<vmem_shared>>
      tpu.wait_indirect_dma semaphore(%arg27 : memref<!tpu.dma_semaphore, #tpu.memory_space<semaphore_mem>>) src(%dma_wait3A_372 : memref<128x32xf32, #tpu.memory_space<vmem>>) dst(%dma_wait3A_378 : memref<25088x32xf32, #tpu.memory_space<vmem_shared>>)
      %dma_wait3A_379 = arith.constant 2 : i32
      %dma_wait3A_380 = arith.constant 0 : i32
      %dma_wait3A_381 = arith.constant 0 : i32
      %dma_wait3A_382 = arith.constant 0 : i32
      %dma_wait3A_383 = tpu.memref_slice %arg22[%dma_wait3A_379, %dma_wait3A_381, %dma_wait3A_382] : memref<6x128x32xf32, #tpu.memory_space<vmem>> -> memref<1x128x32xf32, #tpu.memory_space<vmem>>
      %dma_wait3A_384 = tpu.memref_squeeze %dma_wait3A_383 : memref<1x128x32xf32, #tpu.memory_space<vmem>> -> memref<128x32xf32, #tpu.memory_space<vmem>>
      %dma_wait3A_385 = arith.constant 0 : i32
      %dma_wait3A_386 = tpu.memref_slice %arg20[%dma_wait3A_380, %dma_wait3A_385] : memref<157x128xi32, #tpu.memory_space<vmem>> -> memref<1x128xi32, #tpu.memory_space<vmem>>
      %dma_wait3A_387 = tpu.memref_squeeze %dma_wait3A_386 : memref<1x128xi32, #tpu.memory_space<vmem>> -> memref<128xi32, #tpu.memory_space<vmem>>
      %dma_wait3A_388 = arith.constant 0 : i32
      %dma_wait3A_389 = arith.constant 0 : i32
      %dma_wait3A_390 = tpu.memref_slice %arg24[%dma_wait3A_388, %dma_wait3A_389] : memref<25088x32xf32, #tpu.memory_space<vmem_shared>> -> memref<25088x32xf32, #tpu.memory_space<vmem_shared>>
      tpu.wait_indirect_dma semaphore(%arg27 : memref<!tpu.dma_semaphore, #tpu.memory_space<semaphore_mem>>) src(%dma_wait3A_384 : memref<128x32xf32, #tpu.memory_space<vmem>>) dst(%dma_wait3A_390 : memref<25088x32xf32, #tpu.memory_space<vmem_shared>>)
      %dma_wait3A_391 = arith.constant 3 : i32
      %dma_wait3A_392 = arith.constant 0 : i32
      %dma_wait3A_393 = arith.constant 0 : i32
      %dma_wait3A_394 = arith.constant 0 : i32
      %dma_wait3A_395 = tpu.memref_slice %arg22[%dma_wait3A_391, %dma_wait3A_393, %dma_wait3A_394] : memref<6x128x32xf32, #tpu.memory_space<vmem>> -> memref<1x128x32xf32, #tpu.memory_space<vmem>>
      %dma_wait3A_396 = tpu.memref_squeeze %dma_wait3A_395 : memref<1x128x32xf32, #tpu.memory_space<vmem>> -> memref<128x32xf32, #tpu.memory_space<vmem>>
      %dma_wait3A_397 = arith.constant 0 : i32
      %dma_wait3A_398 = tpu.memref_slice %arg20[%dma_wait3A_392, %dma_wait3A_397] : memref<157x128xi32, #tpu.memory_space<vmem>> -> memref<1x128xi32, #tpu.memory_space<vmem>>
      %dma_wait3A_399 = tpu.memref_squeeze %dma_wait3A_398 : memref<1x128xi32, #tpu.memory_space<vmem>> -> memref<128xi32, #tpu.memory_space<vmem>>
      %dma_wait3A_400 = arith.constant 0 : i32
      %dma_wait3A_401 = arith.constant 0 : i32
      %dma_wait3A_402 = tpu.memref_slice %arg24[%dma_wait3A_400, %dma_wait3A_401] : memref<25088x32xf32, #tpu.memory_space<vmem_shared>> -> memref<25088x32xf32, #tpu.memory_space<vmem_shared>>
      tpu.wait_indirect_dma semaphore(%arg27 : memref<!tpu.dma_semaphore, #tpu.memory_space<semaphore_mem>>) src(%dma_wait3A_396 : memref<128x32xf32, #tpu.memory_space<vmem>>) dst(%dma_wait3A_402 : memref<25088x32xf32, #tpu.memory_space<vmem_shared>>)
      %dma_wait3A_403 = arith.constant 4 : i32
      %dma_wait3A_404 = arith.constant 0 : i32
      %dma_wait3A_405 = arith.constant 0 : i32
      %dma_wait3A_406 = arith.constant 0 : i32
      %dma_wait3A_407 = tpu.memref_slice %arg22[%dma_wait3A_403, %dma_wait3A_405, %dma_wait3A_406] : memref<6x128x32xf32, #tpu.memory_space<vmem>> -> memref<1x128x32xf32, #tpu.memory_space<vmem>>
      %dma_wait3A_408 = tpu.memref_squeeze %dma_wait3A_407 : memref<1x128x32xf32, #tpu.memory_space<vmem>> -> memref<128x32xf32, #tpu.memory_space<vmem>>
      %dma_wait3A_409 = arith.constant 0 : i32
      %dma_wait3A_410 = tpu.memref_slice %arg20[%dma_wait3A_404, %dma_wait3A_409] : memref<157x128xi32, #tpu.memory_space<vmem>> -> memref<1x128xi32, #tpu.memory_space<vmem>>
      %dma_wait3A_411 = tpu.memref_squeeze %dma_wait3A_410 : memref<1x128xi32, #tpu.memory_space<vmem>> -> memref<128xi32, #tpu.memory_space<vmem>>
      %dma_wait3A_412 = arith.constant 0 : i32
      %dma_wait3A_413 = arith.constant 0 : i32
      %dma_wait3A_414 = tpu.memref_slice %arg24[%dma_wait3A_412, %dma_wait3A_413] : memref<25088x32xf32, #tpu.memory_space<vmem_shared>> -> memref<25088x32xf32, #tpu.memory_space<vmem_shared>>
      tpu.wait_indirect_dma semaphore(%arg27 : memref<!tpu.dma_semaphore, #tpu.memory_space<semaphore_mem>>) src(%dma_wait3A_408 : memref<128x32xf32, #tpu.memory_space<vmem>>) dst(%dma_wait3A_414 : memref<25088x32xf32, #tpu.memory_space<vmem_shared>>)
      %dma_wait3A_415 = arith.constant 5 : i32
      %dma_wait3A_416 = arith.constant 0 : i32
      %dma_wait3A_417 = arith.constant 0 : i32
      %dma_wait3A_418 = arith.constant 0 : i32
      %dma_wait3A_419 = tpu.memref_slice %arg22[%dma_wait3A_415, %dma_wait3A_417, %dma_wait3A_418] : memref<6x128x32xf32, #tpu.memory_space<vmem>> -> memref<1x128x32xf32, #tpu.memory_space<vmem>>
      %dma_wait3A_420 = tpu.memref_squeeze %dma_wait3A_419 : memref<1x128x32xf32, #tpu.memory_space<vmem>> -> memref<128x32xf32, #tpu.memory_space<vmem>>
      %dma_wait3A_421 = arith.constant 0 : i32
      %dma_wait3A_422 = tpu.memref_slice %arg20[%dma_wait3A_416, %dma_wait3A_421] : memref<157x128xi32, #tpu.memory_space<vmem>> -> memref<1x128xi32, #tpu.memory_space<vmem>>
      %dma_wait3A_423 = tpu.memref_squeeze %dma_wait3A_422 : memref<1x128xi32, #tpu.memory_space<vmem>> -> memref<128xi32, #tpu.memory_space<vmem>>
      %dma_wait3A_424 = arith.constant 0 : i32
      %dma_wait3A_425 = arith.constant 0 : i32
      %dma_wait3A_426 = tpu.memref_slice %arg24[%dma_wait3A_424, %dma_wait3A_425] : memref<25088x32xf32, #tpu.memory_space<vmem_shared>> -> memref<25088x32xf32, #tpu.memory_space<vmem_shared>>
      tpu.wait_indirect_dma semaphore(%arg27 : memref<!tpu.dma_semaphore, #tpu.memory_space<semaphore_mem>>) src(%dma_wait3A_420 : memref<128x32xf32, #tpu.memory_space<vmem>>) dst(%dma_wait3A_426 : memref<25088x32xf32, #tpu.memory_space<vmem_shared>>)
      %barrier3A_427 = arith.constant 0 : index
      tpu.barrier barrier_id(%barrier3A_427)
      %lt3A_428 = arith.constant 15 : i32
      %lt3A_429 = arith.cmpi slt, %arg1, %lt3A_428 : i32
      %convert_element_type3A_430 = arith.extui %lt3A_429 : i1 to i32
      %cond3A_431 = arith.constant 0 : i32
      %cond3A_432 = arith.cmpi ne, %convert_element_type3A_430, %cond3A_431 : i32
      scf.if %cond3A_432 {
        "tpu.region"() ({
          %run_scoped3A = tpu.sem_alloc : memref<!tpu.dma_semaphore, #tpu.memory_space<semaphore_mem>>
          %dma_start3A_571 = arith.constant 64 : i32
          %dma_start3A_572 = tpu.memref_slice %arg16[%mul3A_0, %dma_start3A_571] : memref<25000x128xf32, #tpu.memory_space<hbm>> -> memref<1568x32xf32, #tpu.memory_space<hbm>>
          %dma_start3A_573 = arith.constant 0 : i32
          %dma_start3A_574 = tpu.memref_slice %arg24[%mul3A_0, %dma_start3A_573] : memref<25088x32xf32, #tpu.memory_space<vmem_shared>> -> memref<1568x32xf32, #tpu.memory_space<vmem_shared>>
          tpu.enqueue_dma source(%dma_start3A_574 : memref<1568x32xf32, #tpu.memory_space<vmem_shared>>) target(%dma_start3A_572 : memref<1568x32xf32, #tpu.memory_space<hbm>>) target_semaphore(%run_scoped3A : memref<!tpu.dma_semaphore, #tpu.memory_space<semaphore_mem>>)
          %dma_wait3A_575 = arith.constant 64 : i32
          %dma_wait3A_576 = tpu.memref_slice %arg16[%mul3A_0, %dma_wait3A_575] : memref<25000x128xf32, #tpu.memory_space<hbm>> -> memref<1568x32xf32, #tpu.memory_space<hbm>>
          %dma_wait3A_577 = arith.constant 0 : i32
          %dma_wait3A_578 = tpu.memref_slice %arg24[%mul3A_0, %dma_wait3A_577] : memref<25088x32xf32, #tpu.memory_space<vmem_shared>> -> memref<1568x32xf32, #tpu.memory_space<vmem_shared>>
          tpu.wait_dma2 semaphore(%run_scoped3A : memref<!tpu.dma_semaphore, #tpu.memory_space<semaphore_mem>>) src(%dma_wait3A_578 : memref<1568x32xf32, #tpu.memory_space<vmem_shared>>) dst(%dma_wait3A_576 : memref<1568x32xf32, #tpu.memory_space<hbm>>)
          tpu.yield
        }) : () -> ()
      } else {
      }
      %eq3A_433 = arith.constant 15 : i32
      %eq3A_434 = arith.cmpi eq, %arg1, %eq3A_433 : i32
      %convert_element_type3A_435 = arith.extui %eq3A_434 : i1 to i32
      %cond3A_436 = arith.constant 0 : i32
      %cond3A_437 = arith.cmpi ne, %convert_element_type3A_435, %cond3A_436 : i32
      scf.if %cond3A_437 {
        "tpu.region"() ({
          %run_scoped3A = tpu.sem_alloc : memref<!tpu.dma_semaphore, #tpu.memory_space<semaphore_mem>>
          %dma_start3A_571 = arith.constant 64 : i32
          %dma_start3A_572 = tpu.memref_slice %arg16[%mul3A_0, %dma_start3A_571] : memref<25000x128xf32, #tpu.memory_space<hbm>> -> memref<1480x32xf32, #tpu.memory_space<hbm>>
          %dma_start3A_573 = arith.constant 0 : i32
          %dma_start3A_574 = tpu.memref_slice %arg24[%mul3A_0, %dma_start3A_573] : memref<25088x32xf32, #tpu.memory_space<vmem_shared>> -> memref<1480x32xf32, #tpu.memory_space<vmem_shared>>
          tpu.enqueue_dma source(%dma_start3A_574 : memref<1480x32xf32, #tpu.memory_space<vmem_shared>>) target(%dma_start3A_572 : memref<1480x32xf32, #tpu.memory_space<hbm>>) target_semaphore(%run_scoped3A : memref<!tpu.dma_semaphore, #tpu.memory_space<semaphore_mem>>)
          %dma_wait3A_575 = arith.constant 64 : i32
          %dma_wait3A_576 = tpu.memref_slice %arg16[%mul3A_0, %dma_wait3A_575] : memref<25000x128xf32, #tpu.memory_space<hbm>> -> memref<1480x32xf32, #tpu.memory_space<hbm>>
          %dma_wait3A_577 = arith.constant 0 : i32
          %dma_wait3A_578 = tpu.memref_slice %arg24[%mul3A_0, %dma_wait3A_577] : memref<25088x32xf32, #tpu.memory_space<vmem_shared>> -> memref<1480x32xf32, #tpu.memory_space<vmem_shared>>
          tpu.wait_dma2 semaphore(%run_scoped3A : memref<!tpu.dma_semaphore, #tpu.memory_space<semaphore_mem>>) src(%dma_wait3A_578 : memref<1480x32xf32, #tpu.memory_space<vmem_shared>>) dst(%dma_wait3A_576 : memref<1480x32xf32, #tpu.memory_space<hbm>>)
          tpu.yield
        }) : () -> ()
      } else {
      }
      %barrier3A_438 = arith.constant 0 : index
      tpu.barrier barrier_id(%barrier3A_438)
      "tpu.trace_stop"() : () -> ()
      "tpu.trace_start"() <{level = 10 : i32, message = "feat_pass3"}> : () -> ()
      "tpu.region"() ({
        %run_scoped3A = tpu.sem_alloc : memref<!tpu.dma_semaphore, #tpu.memory_space<semaphore_mem>>
        %dma_start3A_571 = arith.constant 0 : i32
        %dma_start3A_572 = tpu.memref_slice %arg24[%mul3A_0, %dma_start3A_571] : memref<25088x32xf32, #tpu.memory_space<vmem_shared>> -> memref<1568x32xf32, #tpu.memory_space<vmem_shared>>
        tpu.enqueue_dma source(%arg15 : memref<1568x32xf32, #tpu.memory_space<hbm>>) target(%dma_start3A_572 : memref<1568x32xf32, #tpu.memory_space<vmem_shared>>) target_semaphore(%run_scoped3A : memref<!tpu.dma_semaphore, #tpu.memory_space<semaphore_mem>>)
        %dma_wait3A_573 = arith.constant 0 : i32
        %dma_wait3A_574 = tpu.memref_slice %arg24[%mul3A_0, %dma_wait3A_573] : memref<25088x32xf32, #tpu.memory_space<vmem_shared>> -> memref<1568x32xf32, #tpu.memory_space<vmem_shared>>
        tpu.wait_dma2 semaphore(%run_scoped3A : memref<!tpu.dma_semaphore, #tpu.memory_space<semaphore_mem>>) src(%arg15 : memref<1568x32xf32, #tpu.memory_space<hbm>>) dst(%dma_wait3A_574 : memref<1568x32xf32, #tpu.memory_space<vmem_shared>>)
        tpu.yield
      }) : () -> ()
      %eq3A_439 = arith.constant 0 : i32
      %eq3A_440 = arith.cmpi eq, %arg1, %eq3A_439 : i32
      %convert_element_type3A_441 = arith.extui %eq3A_440 : i1 to i32
      %cond3A_442 = arith.constant 0 : i32
      %cond3A_443 = arith.cmpi ne, %convert_element_type3A_441, %cond3A_442 : i32
      scf.if %cond3A_443 {
        "tpu.region"() ({
          %run_scoped3A = tpu.sem_alloc : memref<!tpu.dma_semaphore, #tpu.memory_space<semaphore_mem>>
          tpu.enqueue_dma source(%arg5 : memref<5000x32xf32, #tpu.memory_space<hbm>>) target(%arg25 : memref<5000x32xf32, #tpu.memory_space<vmem_shared>>) target_semaphore(%run_scoped3A : memref<!tpu.dma_semaphore, #tpu.memory_space<semaphore_mem>>)
          tpu.wait_dma2 semaphore(%run_scoped3A : memref<!tpu.dma_semaphore, #tpu.memory_space<semaphore_mem>>) src(%arg5 : memref<5000x32xf32, #tpu.memory_space<hbm>>) dst(%arg25 : memref<5000x32xf32, #tpu.memory_space<vmem_shared>>)
          tpu.yield
        }) : () -> ()
      } else {
      }
      %barrier3A_444 = arith.constant 0 : index
      tpu.barrier barrier_id(%barrier3A_444)
      %dma_start3A_445 = arith.constant 0 : i32
      %dma_start3A_446 = arith.constant 0 : i32
      %dma_start3A_447 = arith.constant 0 : i32
      %dma_start3A_448 = arith.constant 0 : i32
      %dma_start3A_449 = tpu.memref_slice %arg22[%dma_start3A_446, %dma_start3A_447, %dma_start3A_448] : memref<6x128x32xf32, #tpu.memory_space<vmem>> -> memref<1x128x32xf32, #tpu.memory_space<vmem>>
      %dma_start3A_450 = tpu.memref_squeeze %dma_start3A_449 : memref<1x128x32xf32, #tpu.memory_space<vmem>> -> memref<128x32xf32, #tpu.memory_space<vmem>>
      %dma_start3A_451 = arith.constant 0 : i32
      %dma_start3A_452 = tpu.memref_slice %arg21[%dma_start3A_445, %dma_start3A_451] : memref<157x128xi32, #tpu.memory_space<vmem>> -> memref<1x128xi32, #tpu.memory_space<vmem>>
      %dma_start3A_453 = tpu.memref_squeeze %dma_start3A_452 : memref<1x128xi32, #tpu.memory_space<vmem>> -> memref<128xi32, #tpu.memory_space<vmem>>
      %dma_start3A_454 = arith.constant 0 : i32
      %dma_start3A_455 = arith.constant 0 : i32
      %dma_start3A_456 = tpu.memref_slice %arg25[%dma_start3A_454, %dma_start3A_455] : memref<5000x32xf32, #tpu.memory_space<vmem_shared>> -> memref<5000x32xf32, #tpu.memory_space<vmem_shared>>
      tpu.enqueue_indirect_dma source(%dma_start3A_456 : memref<5000x32xf32, #tpu.memory_space<vmem_shared>>) target(%dma_start3A_450 : memref<128x32xf32, #tpu.memory_space<vmem>>) offsets(%dma_start3A_453 : memref<128xi32, #tpu.memory_space<vmem>>) semaphore(%arg26 : memref<!tpu.dma_semaphore, #tpu.memory_space<semaphore_mem>>)
      %dma_start3A_457 = arith.constant 1 : i32
      %dma_start3A_458 = arith.constant 1 : i32
      %dma_start3A_459 = arith.constant 0 : i32
      %dma_start3A_460 = arith.constant 0 : i32
      %dma_start3A_461 = tpu.memref_slice %arg22[%dma_start3A_458, %dma_start3A_459, %dma_start3A_460] : memref<6x128x32xf32, #tpu.memory_space<vmem>> -> memref<1x128x32xf32, #tpu.memory_space<vmem>>
      %dma_start3A_462 = tpu.memref_squeeze %dma_start3A_461 : memref<1x128x32xf32, #tpu.memory_space<vmem>> -> memref<128x32xf32, #tpu.memory_space<vmem>>
      %dma_start3A_463 = arith.constant 0 : i32
      %dma_start3A_464 = tpu.memref_slice %arg21[%dma_start3A_457, %dma_start3A_463] : memref<157x128xi32, #tpu.memory_space<vmem>> -> memref<1x128xi32, #tpu.memory_space<vmem>>
      %dma_start3A_465 = tpu.memref_squeeze %dma_start3A_464 : memref<1x128xi32, #tpu.memory_space<vmem>> -> memref<128xi32, #tpu.memory_space<vmem>>
      %dma_start3A_466 = arith.constant 0 : i32
      %dma_start3A_467 = arith.constant 0 : i32
      %dma_start3A_468 = tpu.memref_slice %arg25[%dma_start3A_466, %dma_start3A_467] : memref<5000x32xf32, #tpu.memory_space<vmem_shared>> -> memref<5000x32xf32, #tpu.memory_space<vmem_shared>>
      tpu.enqueue_indirect_dma source(%dma_start3A_468 : memref<5000x32xf32, #tpu.memory_space<vmem_shared>>) target(%dma_start3A_462 : memref<128x32xf32, #tpu.memory_space<vmem>>) offsets(%dma_start3A_465 : memref<128xi32, #tpu.memory_space<vmem>>) semaphore(%arg26 : memref<!tpu.dma_semaphore, #tpu.memory_space<semaphore_mem>>)
      %dma_start3A_469 = arith.constant 2 : i32
      %dma_start3A_470 = arith.constant 2 : i32
      %dma_start3A_471 = arith.constant 0 : i32
      %dma_start3A_472 = arith.constant 0 : i32
      %dma_start3A_473 = tpu.memref_slice %arg22[%dma_start3A_470, %dma_start3A_471, %dma_start3A_472] : memref<6x128x32xf32, #tpu.memory_space<vmem>> -> memref<1x128x32xf32, #tpu.memory_space<vmem>>
      %dma_start3A_474 = tpu.memref_squeeze %dma_start3A_473 : memref<1x128x32xf32, #tpu.memory_space<vmem>> -> memref<128x32xf32, #tpu.memory_space<vmem>>
      %dma_start3A_475 = arith.constant 0 : i32
      %dma_start3A_476 = tpu.memref_slice %arg21[%dma_start3A_469, %dma_start3A_475] : memref<157x128xi32, #tpu.memory_space<vmem>> -> memref<1x128xi32, #tpu.memory_space<vmem>>
      %dma_start3A_477 = tpu.memref_squeeze %dma_start3A_476 : memref<1x128xi32, #tpu.memory_space<vmem>> -> memref<128xi32, #tpu.memory_space<vmem>>
      %dma_start3A_478 = arith.constant 0 : i32
      %dma_start3A_479 = arith.constant 0 : i32
      %dma_start3A_480 = tpu.memref_slice %arg25[%dma_start3A_478, %dma_start3A_479] : memref<5000x32xf32, #tpu.memory_space<vmem_shared>> -> memref<5000x32xf32, #tpu.memory_space<vmem_shared>>
      tpu.enqueue_indirect_dma source(%dma_start3A_480 : memref<5000x32xf32, #tpu.memory_space<vmem_shared>>) target(%dma_start3A_474 : memref<128x32xf32, #tpu.memory_space<vmem>>) offsets(%dma_start3A_477 : memref<128xi32, #tpu.memory_space<vmem>>) semaphore(%arg26 : memref<!tpu.dma_semaphore, #tpu.memory_space<semaphore_mem>>)
      %scan3A_481 = arith.constant 0 : i32
      %scan3A_482 = arith.constant 0 : i32
      %scan3A_483 = arith.constant 157 : i32
      %scan3A_484 = arith.addi %scan3A_482, %scan3A_483 : i32
      %scan3A_485 = arith.constant 1 : i32
      scf.for %scan3A_571 = %scan3A_482 to %scan3A_484 step %scan3A_485  : i32 {
        %rem3A = arith.constant 6 : i32
        %rem3A_572 = arith.remsi %scan3A_571, %rem3A : i32
        %dma_wait3A_573 = arith.constant 0 : i32
        %dma_wait3A_574 = arith.constant 0 : i32
        %dma_wait3A_575 = tpu.memref_slice %arg22[%rem3A_572, %dma_wait3A_573, %dma_wait3A_574] : memref<6x128x32xf32, #tpu.memory_space<vmem>> -> memref<1x128x32xf32, #tpu.memory_space<vmem>>
        %dma_wait3A_576 = tpu.memref_squeeze %dma_wait3A_575 : memref<1x128x32xf32, #tpu.memory_space<vmem>> -> memref<128x32xf32, #tpu.memory_space<vmem>>
        %dma_wait3A_577 = arith.constant 0 : i32
        %dma_wait3A_578 = tpu.memref_slice %arg21[%scan3A_571, %dma_wait3A_577] : memref<157x128xi32, #tpu.memory_space<vmem>> -> memref<1x128xi32, #tpu.memory_space<vmem>>
        %dma_wait3A_579 = tpu.memref_squeeze %dma_wait3A_578 : memref<1x128xi32, #tpu.memory_space<vmem>> -> memref<128xi32, #tpu.memory_space<vmem>>
        %dma_wait3A_580 = arith.constant 0 : i32
        %dma_wait3A_581 = arith.constant 0 : i32
        %dma_wait3A_582 = tpu.memref_slice %arg25[%dma_wait3A_580, %dma_wait3A_581] : memref<5000x32xf32, #tpu.memory_space<vmem_shared>> -> memref<5000x32xf32, #tpu.memory_space<vmem_shared>>
        tpu.wait_indirect_dma semaphore(%arg26 : memref<!tpu.dma_semaphore, #tpu.memory_space<semaphore_mem>>) src(%dma_wait3A_582 : memref<5000x32xf32, #tpu.memory_space<vmem_shared>>) dst(%dma_wait3A_576 : memref<128x32xf32, #tpu.memory_space<vmem>>)
        %dma_start3A_583 = arith.constant 0 : i32
        %dma_start3A_584 = arith.constant 0 : i32
        %dma_start3A_585 = tpu.memref_slice %arg22[%rem3A_572, %dma_start3A_583, %dma_start3A_584] : memref<6x128x32xf32, #tpu.memory_space<vmem>> -> memref<1x128x32xf32, #tpu.memory_space<vmem>>
        %dma_start3A_586 = tpu.memref_squeeze %dma_start3A_585 : memref<1x128x32xf32, #tpu.memory_space<vmem>> -> memref<128x32xf32, #tpu.memory_space<vmem>>
        %dma_start3A_587 = arith.constant 0 : i32
        %dma_start3A_588 = tpu.memref_slice %arg20[%scan3A_571, %dma_start3A_587] : memref<157x128xi32, #tpu.memory_space<vmem>> -> memref<1x128xi32, #tpu.memory_space<vmem>>
        %dma_start3A_589 = tpu.memref_squeeze %dma_start3A_588 : memref<1x128xi32, #tpu.memory_space<vmem>> -> memref<128xi32, #tpu.memory_space<vmem>>
        %dma_start3A_590 = arith.constant 0 : i32
        %dma_start3A_591 = arith.constant 0 : i32
        %dma_start3A_592 = tpu.memref_slice %arg24[%dma_start3A_590, %dma_start3A_591] : memref<25088x32xf32, #tpu.memory_space<vmem_shared>> -> memref<25088x32xf32, #tpu.memory_space<vmem_shared>>
        tpu.enqueue_indirect_dma source(%dma_start3A_586 : memref<128x32xf32, #tpu.memory_space<vmem>>) target(%dma_start3A_592 : memref<25088x32xf32, #tpu.memory_space<vmem_shared>>) offsets(%dma_start3A_589 : memref<128xi32, #tpu.memory_space<vmem>>) semaphore(%arg27 : memref<!tpu.dma_semaphore, #tpu.memory_space<semaphore_mem>>) {add = true}
        %add3A = arith.constant 3 : i32
        %add3A_593 = arith.addi %scan3A_571, %add3A : i32
        %lt3A_594 = arith.constant 157 : i32
        %lt3A_595 = arith.cmpi slt, %add3A_593, %lt3A_594 : i32
        %convert_element_type3A_596 = arith.extui %lt3A_595 : i1 to i32
        %cond3A_597 = arith.constant 0 : i32
        %cond3A_598 = arith.cmpi ne, %convert_element_type3A_596, %cond3A_597 : i32
        scf.if %cond3A_598 {
          %ge3A = arith.constant 3 : i32
          %ge3A_599 = arith.cmpi sge, %scan3A_571, %ge3A : i32
          %convert_element_type3A_600 = arith.extui %ge3A_599 : i1 to i32
          %cond3A_601 = arith.constant 0 : i32
          %cond3A_602 = arith.cmpi ne, %convert_element_type3A_600, %cond3A_601 : i32
          scf.if %cond3A_602 {
            %dma_wait3A_619 = arith.constant 0 : i32
            %dma_wait3A_620 = arith.constant 0 : i32
            %dma_wait3A_621 = arith.constant 0 : i32
            %dma_wait3A_622 = arith.constant 0 : i32
            %dma_wait3A_623 = tpu.memref_slice %arg22[%dma_wait3A_619, %dma_wait3A_621, %dma_wait3A_622] : memref<6x128x32xf32, #tpu.memory_space<vmem>> -> memref<1x128x32xf32, #tpu.memory_space<vmem>>
            %dma_wait3A_624 = tpu.memref_squeeze %dma_wait3A_623 : memref<1x128x32xf32, #tpu.memory_space<vmem>> -> memref<128x32xf32, #tpu.memory_space<vmem>>
            %dma_wait3A_625 = arith.constant 0 : i32
            %dma_wait3A_626 = tpu.memref_slice %arg20[%dma_wait3A_620, %dma_wait3A_625] : memref<157x128xi32, #tpu.memory_space<vmem>> -> memref<1x128xi32, #tpu.memory_space<vmem>>
            %dma_wait3A_627 = tpu.memref_squeeze %dma_wait3A_626 : memref<1x128xi32, #tpu.memory_space<vmem>> -> memref<128xi32, #tpu.memory_space<vmem>>
            %dma_wait3A_628 = arith.constant 0 : i32
            %dma_wait3A_629 = arith.constant 0 : i32
            %dma_wait3A_630 = tpu.memref_slice %arg24[%dma_wait3A_628, %dma_wait3A_629] : memref<25088x32xf32, #tpu.memory_space<vmem_shared>> -> memref<25088x32xf32, #tpu.memory_space<vmem_shared>>
            tpu.wait_indirect_dma semaphore(%arg27 : memref<!tpu.dma_semaphore, #tpu.memory_space<semaphore_mem>>) src(%dma_wait3A_624 : memref<128x32xf32, #tpu.memory_space<vmem>>) dst(%dma_wait3A_630 : memref<25088x32xf32, #tpu.memory_space<vmem_shared>>)
          } else {
          }
          %add3A_603 = arith.constant 3 : i32
          %add3A_604 = arith.addi %scan3A_571, %add3A_603 : i32
          %add3A_605 = arith.constant 3 : i32
          %add3A_606 = arith.addi %scan3A_571, %add3A_605 : i32
          %rem3A_607 = arith.constant 6 : i32
          %rem3A_608 = arith.remsi %add3A_606, %rem3A_607 : i32
          %dma_start3A_609 = arith.constant 0 : i32
          %dma_start3A_610 = arith.constant 0 : i32
          %dma_start3A_611 = tpu.memref_slice %arg22[%rem3A_608, %dma_start3A_609, %dma_start3A_610] : memref<6x128x32xf32, #tpu.memory_space<vmem>> -> memref<1x128x32xf32, #tpu.memory_space<vmem>>
          %dma_start3A_612 = tpu.memref_squeeze %dma_start3A_611 : memref<1x128x32xf32, #tpu.memory_space<vmem>> -> memref<128x32xf32, #tpu.memory_space<vmem>>
          %dma_start3A_613 = arith.constant 0 : i32
          %dma_start3A_614 = tpu.memref_slice %arg21[%add3A_604, %dma_start3A_613] : memref<157x128xi32, #tpu.memory_space<vmem>> -> memref<1x128xi32, #tpu.memory_space<vmem>>
          %dma_start3A_615 = tpu.memref_squeeze %dma_start3A_614 : memref<1x128xi32, #tpu.memory_space<vmem>> -> memref<128xi32, #tpu.memory_space<vmem>>
          %dma_start3A_616 = arith.constant 0 : i32
          %dma_start3A_617 = arith.constant 0 : i32
          %dma_start3A_618 = tpu.memref_slice %arg25[%dma_start3A_616, %dma_start3A_617] : memref<5000x32xf32, #tpu.memory_space<vmem_shared>> -> memref<5000x32xf32, #tpu.memory_space<vmem_shared>>
          tpu.enqueue_indirect_dma source(%dma_start3A_618 : memref<5000x32xf32, #tpu.memory_space<vmem_shared>>) target(%dma_start3A_612 : memref<128x32xf32, #tpu.memory_space<vmem>>) offsets(%dma_start3A_615 : memref<128xi32, #tpu.memory_space<vmem>>) semaphore(%arg26 : memref<!tpu.dma_semaphore, #tpu.memory_space<semaphore_mem>>)
        } else {
        }
      }
      %scan3A_486 = arith.constant 157 : i32
      %dma_wait3A_487 = arith.constant 0 : i32
      %dma_wait3A_488 = arith.constant 0 : i32
      %dma_wait3A_489 = arith.constant 0 : i32
      %dma_wait3A_490 = arith.constant 0 : i32
      %dma_wait3A_491 = tpu.memref_slice %arg22[%dma_wait3A_487, %dma_wait3A_489, %dma_wait3A_490] : memref<6x128x32xf32, #tpu.memory_space<vmem>> -> memref<1x128x32xf32, #tpu.memory_space<vmem>>
      %dma_wait3A_492 = tpu.memref_squeeze %dma_wait3A_491 : memref<1x128x32xf32, #tpu.memory_space<vmem>> -> memref<128x32xf32, #tpu.memory_space<vmem>>
      %dma_wait3A_493 = arith.constant 0 : i32
      %dma_wait3A_494 = tpu.memref_slice %arg20[%dma_wait3A_488, %dma_wait3A_493] : memref<157x128xi32, #tpu.memory_space<vmem>> -> memref<1x128xi32, #tpu.memory_space<vmem>>
      %dma_wait3A_495 = tpu.memref_squeeze %dma_wait3A_494 : memref<1x128xi32, #tpu.memory_space<vmem>> -> memref<128xi32, #tpu.memory_space<vmem>>
      %dma_wait3A_496 = arith.constant 0 : i32
      %dma_wait3A_497 = arith.constant 0 : i32
      %dma_wait3A_498 = tpu.memref_slice %arg24[%dma_wait3A_496, %dma_wait3A_497] : memref<25088x32xf32, #tpu.memory_space<vmem_shared>> -> memref<25088x32xf32, #tpu.memory_space<vmem_shared>>
      tpu.wait_indirect_dma semaphore(%arg27 : memref<!tpu.dma_semaphore, #tpu.memory_space<semaphore_mem>>) src(%dma_wait3A_492 : memref<128x32xf32, #tpu.memory_space<vmem>>) dst(%dma_wait3A_498 : memref<25088x32xf32, #tpu.memory_space<vmem_shared>>)
      %dma_wait3A_499 = arith.constant 1 : i32
      %dma_wait3A_500 = arith.constant 0 : i32
      %dma_wait3A_501 = arith.constant 0 : i32
      %dma_wait3A_502 = arith.constant 0 : i32
      %dma_wait3A_503 = tpu.memref_slice %arg22[%dma_wait3A_499, %dma_wait3A_501, %dma_wait3A_502] : memref<6x128x32xf32, #tpu.memory_space<vmem>> -> memref<1x128x32xf32, #tpu.memory_space<vmem>>
      %dma_wait3A_504 = tpu.memref_squeeze %dma_wait3A_503 : memref<1x128x32xf32, #tpu.memory_space<vmem>> -> memref<128x32xf32, #tpu.memory_space<vmem>>
      %dma_wait3A_505 = arith.constant 0 : i32
      %dma_wait3A_506 = tpu.memref_slice %arg20[%dma_wait3A_500, %dma_wait3A_505] : memref<157x128xi32, #tpu.memory_space<vmem>> -> memref<1x128xi32, #tpu.memory_space<vmem>>
      %dma_wait3A_507 = tpu.memref_squeeze %dma_wait3A_506 : memref<1x128xi32, #tpu.memory_space<vmem>> -> memref<128xi32, #tpu.memory_space<vmem>>
      %dma_wait3A_508 = arith.constant 0 : i32
      %dma_wait3A_509 = arith.constant 0 : i32
      %dma_wait3A_510 = tpu.memref_slice %arg24[%dma_wait3A_508, %dma_wait3A_509] : memref<25088x32xf32, #tpu.memory_space<vmem_shared>> -> memref<25088x32xf32, #tpu.memory_space<vmem_shared>>
      tpu.wait_indirect_dma semaphore(%arg27 : memref<!tpu.dma_semaphore, #tpu.memory_space<semaphore_mem>>) src(%dma_wait3A_504 : memref<128x32xf32, #tpu.memory_space<vmem>>) dst(%dma_wait3A_510 : memref<25088x32xf32, #tpu.memory_space<vmem_shared>>)
      %dma_wait3A_511 = arith.constant 2 : i32
      %dma_wait3A_512 = arith.constant 0 : i32
      %dma_wait3A_513 = arith.constant 0 : i32
      %dma_wait3A_514 = arith.constant 0 : i32
      %dma_wait3A_515 = tpu.memref_slice %arg22[%dma_wait3A_511, %dma_wait3A_513, %dma_wait3A_514] : memref<6x128x32xf32, #tpu.memory_space<vmem>> -> memref<1x128x32xf32, #tpu.memory_space<vmem>>
      %dma_wait3A_516 = tpu.memref_squeeze %dma_wait3A_515 : memref<1x128x32xf32, #tpu.memory_space<vmem>> -> memref<128x32xf32, #tpu.memory_space<vmem>>
      %dma_wait3A_517 = arith.constant 0 : i32
      %dma_wait3A_518 = tpu.memref_slice %arg20[%dma_wait3A_512, %dma_wait3A_517] : memref<157x128xi32, #tpu.memory_space<vmem>> -> memref<1x128xi32, #tpu.memory_space<vmem>>
      %dma_wait3A_519 = tpu.memref_squeeze %dma_wait3A_518 : memref<1x128xi32, #tpu.memory_space<vmem>> -> memref<128xi32, #tpu.memory_space<vmem>>
      %dma_wait3A_520 = arith.constant 0 : i32
      %dma_wait3A_521 = arith.constant 0 : i32
      %dma_wait3A_522 = tpu.memref_slice %arg24[%dma_wait3A_520, %dma_wait3A_521] : memref<25088x32xf32, #tpu.memory_space<vmem_shared>> -> memref<25088x32xf32, #tpu.memory_space<vmem_shared>>
      tpu.wait_indirect_dma semaphore(%arg27 : memref<!tpu.dma_semaphore, #tpu.memory_space<semaphore_mem>>) src(%dma_wait3A_516 : memref<128x32xf32, #tpu.memory_space<vmem>>) dst(%dma_wait3A_522 : memref<25088x32xf32, #tpu.memory_space<vmem_shared>>)
      %dma_wait3A_523 = arith.constant 3 : i32
      %dma_wait3A_524 = arith.constant 0 : i32
      %dma_wait3A_525 = arith.constant 0 : i32
      %dma_wait3A_526 = arith.constant 0 : i32
      %dma_wait3A_527 = tpu.memref_slice %arg22[%dma_wait3A_523, %dma_wait3A_525, %dma_wait3A_526] : memref<6x128x32xf32, #tpu.memory_space<vmem>> -> memref<1x128x32xf32, #tpu.memory_space<vmem>>
      %dma_wait3A_528 = tpu.memref_squeeze %dma_wait3A_527 : memref<1x128x32xf32, #tpu.memory_space<vmem>> -> memref<128x32xf32, #tpu.memory_space<vmem>>
      %dma_wait3A_529 = arith.constant 0 : i32
      %dma_wait3A_530 = tpu.memref_slice %arg20[%dma_wait3A_524, %dma_wait3A_529] : memref<157x128xi32, #tpu.memory_space<vmem>> -> memref<1x128xi32, #tpu.memory_space<vmem>>
      %dma_wait3A_531 = tpu.memref_squeeze %dma_wait3A_530 : memref<1x128xi32, #tpu.memory_space<vmem>> -> memref<128xi32, #tpu.memory_space<vmem>>
      %dma_wait3A_532 = arith.constant 0 : i32
      %dma_wait3A_533 = arith.constant 0 : i32
      %dma_wait3A_534 = tpu.memref_slice %arg24[%dma_wait3A_532, %dma_wait3A_533] : memref<25088x32xf32, #tpu.memory_space<vmem_shared>> -> memref<25088x32xf32, #tpu.memory_space<vmem_shared>>
      tpu.wait_indirect_dma semaphore(%arg27 : memref<!tpu.dma_semaphore, #tpu.memory_space<semaphore_mem>>) src(%dma_wait3A_528 : memref<128x32xf32, #tpu.memory_space<vmem>>) dst(%dma_wait3A_534 : memref<25088x32xf32, #tpu.memory_space<vmem_shared>>)
      %dma_wait3A_535 = arith.constant 4 : i32
      %dma_wait3A_536 = arith.constant 0 : i32
      %dma_wait3A_537 = arith.constant 0 : i32
      %dma_wait3A_538 = arith.constant 0 : i32
      %dma_wait3A_539 = tpu.memref_slice %arg22[%dma_wait3A_535, %dma_wait3A_537, %dma_wait3A_538] : memref<6x128x32xf32, #tpu.memory_space<vmem>> -> memref<1x128x32xf32, #tpu.memory_space<vmem>>
      %dma_wait3A_540 = tpu.memref_squeeze %dma_wait3A_539 : memref<1x128x32xf32, #tpu.memory_space<vmem>> -> memref<128x32xf32, #tpu.memory_space<vmem>>
      %dma_wait3A_541 = arith.constant 0 : i32
      %dma_wait3A_542 = tpu.memref_slice %arg20[%dma_wait3A_536, %dma_wait3A_541] : memref<157x128xi32, #tpu.memory_space<vmem>> -> memref<1x128xi32, #tpu.memory_space<vmem>>
      %dma_wait3A_543 = tpu.memref_squeeze %dma_wait3A_542 : memref<1x128xi32, #tpu.memory_space<vmem>> -> memref<128xi32, #tpu.memory_space<vmem>>
      %dma_wait3A_544 = arith.constant 0 : i32
      %dma_wait3A_545 = arith.constant 0 : i32
      %dma_wait3A_546 = tpu.memref_slice %arg24[%dma_wait3A_544, %dma_wait3A_545] : memref<25088x32xf32, #tpu.memory_space<vmem_shared>> -> memref<25088x32xf32, #tpu.memory_space<vmem_shared>>
      tpu.wait_indirect_dma semaphore(%arg27 : memref<!tpu.dma_semaphore, #tpu.memory_space<semaphore_mem>>) src(%dma_wait3A_540 : memref<128x32xf32, #tpu.memory_space<vmem>>) dst(%dma_wait3A_546 : memref<25088x32xf32, #tpu.memory_space<vmem_shared>>)
      %dma_wait3A_547 = arith.constant 5 : i32
      %dma_wait3A_548 = arith.constant 0 : i32
      %dma_wait3A_549 = arith.constant 0 : i32
      %dma_wait3A_550 = arith.constant 0 : i32
      %dma_wait3A_551 = tpu.memref_slice %arg22[%dma_wait3A_547, %dma_wait3A_549, %dma_wait3A_550] : memref<6x128x32xf32, #tpu.memory_space<vmem>> -> memref<1x128x32xf32, #tpu.memory_space<vmem>>
      %dma_wait3A_552 = tpu.memref_squeeze %dma_wait3A_551 : memref<1x128x32xf32, #tpu.memory_space<vmem>> -> memref<128x32xf32, #tpu.memory_space<vmem>>
      %dma_wait3A_553 = arith.constant 0 : i32
      %dma_wait3A_554 = tpu.memref_slice %arg20[%dma_wait3A_548, %dma_wait3A_553] : memref<157x128xi32, #tpu.memory_space<vmem>> -> memref<1x128xi32, #tpu.memory_space<vmem>>
      %dma_wait3A_555 = tpu.memref_squeeze %dma_wait3A_554 : memref<1x128xi32, #tpu.memory_space<vmem>> -> memref<128xi32, #tpu.memory_space<vmem>>
      %dma_wait3A_556 = arith.constant 0 : i32
      %dma_wait3A_557 = arith.constant 0 : i32
      %dma_wait3A_558 = tpu.memref_slice %arg24[%dma_wait3A_556, %dma_wait3A_557] : memref<25088x32xf32, #tpu.memory_space<vmem_shared>> -> memref<25088x32xf32, #tpu.memory_space<vmem_shared>>
      tpu.wait_indirect_dma semaphore(%arg27 : memref<!tpu.dma_semaphore, #tpu.memory_space<semaphore_mem>>) src(%dma_wait3A_552 : memref<128x32xf32, #tpu.memory_space<vmem>>) dst(%dma_wait3A_558 : memref<25088x32xf32, #tpu.memory_space<vmem_shared>>)
      %barrier3A_559 = arith.constant 0 : index
      tpu.barrier barrier_id(%barrier3A_559)
      %lt3A_560 = arith.constant 15 : i32
      %lt3A_561 = arith.cmpi slt, %arg1, %lt3A_560 : i32
      %convert_element_type3A_562 = arith.extui %lt3A_561 : i1 to i32
      %cond3A_563 = arith.constant 0 : i32
      %cond3A_564 = arith.cmpi ne, %convert_element_type3A_562, %cond3A_563 : i32
      scf.if %cond3A_564 {
        "tpu.region"() ({
          %run_scoped3A = tpu.sem_alloc : memref<!tpu.dma_semaphore, #tpu.memory_space<semaphore_mem>>
          %dma_start3A_571 = arith.constant 96 : i32
          %dma_start3A_572 = tpu.memref_slice %arg16[%mul3A_0, %dma_start3A_571] : memref<25000x128xf32, #tpu.memory_space<hbm>> -> memref<1568x32xf32, #tpu.memory_space<hbm>>
          %dma_start3A_573 = arith.constant 0 : i32
          %dma_start3A_574 = tpu.memref_slice %arg24[%mul3A_0, %dma_start3A_573] : memref<25088x32xf32, #tpu.memory_space<vmem_shared>> -> memref<1568x32xf32, #tpu.memory_space<vmem_shared>>
          tpu.enqueue_dma source(%dma_start3A_574 : memref<1568x32xf32, #tpu.memory_space<vmem_shared>>) target(%dma_start3A_572 : memref<1568x32xf32, #tpu.memory_space<hbm>>) target_semaphore(%run_scoped3A : memref<!tpu.dma_semaphore, #tpu.memory_space<semaphore_mem>>)
          %dma_wait3A_575 = arith.constant 96 : i32
          %dma_wait3A_576 = tpu.memref_slice %arg16[%mul3A_0, %dma_wait3A_575] : memref<25000x128xf32, #tpu.memory_space<hbm>> -> memref<1568x32xf32, #tpu.memory_space<hbm>>
          %dma_wait3A_577 = arith.constant 0 : i32
          %dma_wait3A_578 = tpu.memref_slice %arg24[%mul3A_0, %dma_wait3A_577] : memref<25088x32xf32, #tpu.memory_space<vmem_shared>> -> memref<1568x32xf32, #tpu.memory_space<vmem_shared>>
          tpu.wait_dma2 semaphore(%run_scoped3A : memref<!tpu.dma_semaphore, #tpu.memory_space<semaphore_mem>>) src(%dma_wait3A_578 : memref<1568x32xf32, #tpu.memory_space<vmem_shared>>) dst(%dma_wait3A_576 : memref<1568x32xf32, #tpu.memory_space<hbm>>)
          tpu.yield
        }) : () -> ()
      } else {
      }
      %eq3A_565 = arith.constant 15 : i32
      %eq3A_566 = arith.cmpi eq, %arg1, %eq3A_565 : i32
      %convert_element_type3A_567 = arith.extui %eq3A_566 : i1 to i32
      %cond3A_568 = arith.constant 0 : i32
      %cond3A_569 = arith.cmpi ne, %convert_element_type3A_567, %cond3A_568 : i32
      scf.if %cond3A_569 {
        "tpu.region"() ({
          %run_scoped3A = tpu.sem_alloc : memref<!tpu.dma_semaphore, #tpu.memory_space<semaphore_mem>>
          %dma_start3A_571 = arith.constant 96 : i32
          %dma_start3A_572 = tpu.memref_slice %arg16[%mul3A_0, %dma_start3A_571] : memref<25000x128xf32, #tpu.memory_space<hbm>> -> memref<1480x32xf32, #tpu.memory_space<hbm>>
          %dma_start3A_573 = arith.constant 0 : i32
          %dma_start3A_574 = tpu.memref_slice %arg24[%mul3A_0, %dma_start3A_573] : memref<25088x32xf32, #tpu.memory_space<vmem_shared>> -> memref<1480x32xf32, #tpu.memory_space<vmem_shared>>
          tpu.enqueue_dma source(%dma_start3A_574 : memref<1480x32xf32, #tpu.memory_space<vmem_shared>>) target(%dma_start3A_572 : memref<1480x32xf32, #tpu.memory_space<hbm>>) target_semaphore(%run_scoped3A : memref<!tpu.dma_semaphore, #tpu.memory_space<semaphore_mem>>)
          %dma_wait3A_575 = arith.constant 96 : i32
          %dma_wait3A_576 = tpu.memref_slice %arg16[%mul3A_0, %dma_wait3A_575] : memref<25000x128xf32, #tpu.memory_space<hbm>> -> memref<1480x32xf32, #tpu.memory_space<hbm>>
          %dma_wait3A_577 = arith.constant 0 : i32
          %dma_wait3A_578 = tpu.memref_slice %arg24[%mul3A_0, %dma_wait3A_577] : memref<25088x32xf32, #tpu.memory_space<vmem_shared>> -> memref<1480x32xf32, #tpu.memory_space<vmem_shared>>
          tpu.wait_dma2 semaphore(%run_scoped3A : memref<!tpu.dma_semaphore, #tpu.memory_space<semaphore_mem>>) src(%dma_wait3A_578 : memref<1480x32xf32, #tpu.memory_space<vmem_shared>>) dst(%dma_wait3A_576 : memref<1480x32xf32, #tpu.memory_space<hbm>>)
          tpu.yield
        }) : () -> ()
      } else {
      }
      %barrier3A_570 = arith.constant 0 : index
      tpu.barrier barrier_id(%barrier3A_570)
      "tpu.trace_stop"() : () -> ()
    } else {
    }
    %eq3A_3 = arith.constant 1 : i32
    %eq3A_4 = arith.cmpi eq, %arg0, %eq3A_3 : i32
    %convert_element_type3A_5 = arith.extui %eq3A_4 : i1 to i32
    %cond3A_6 = arith.constant 0 : i32
    %cond3A_7 = arith.cmpi ne, %convert_element_type3A_5, %cond3A_6 : i32
    scf.if %cond3A_7 {
      "tpu.region"() ({
        %run_scoped3A = tpu.sem_alloc : memref<!tpu.dma_semaphore, #tpu.memory_space<semaphore_mem>>
        %dma_start3A_571 = arith.constant 0 : i32
        %dma_start3A_572 = arith.constant 0 : i32
        %dma_start3A_573 = tpu.memref_slice %arg13[%arg1, %dma_start3A_571, %dma_start3A_572] : memref<16x157x128xi32, #tpu.memory_space<hbm>> -> memref<1x157x128xi32, #tpu.memory_space<hbm>>
        %dma_start3A_574 = tpu.memref_squeeze %dma_start3A_573 : memref<1x157x128xi32, #tpu.memory_space<hbm>> -> memref<157x128xi32, #tpu.memory_space<hbm>>
        %dma_start3A_575 = arith.constant 0 : i32
        %dma_start3A_576 = arith.constant 0 : i32
        %dma_start3A_577 = tpu.memref_slice %arg13[%arg1, %dma_start3A_575, %dma_start3A_576] : memref<16x157x128xi32, #tpu.memory_space<hbm>> -> memref<1x157x128xi32, #tpu.memory_space<hbm>>
        %dma_start3A_578 = tpu.memref_squeeze %dma_start3A_577 : memref<1x157x128xi32, #tpu.memory_space<hbm>> -> memref<157x128xi32, #tpu.memory_space<hbm>>
        tpu.enqueue_dma source(%dma_start3A_578 : memref<157x128xi32, #tpu.memory_space<hbm>>) target(%arg20 : memref<157x128xi32, #tpu.memory_space<vmem>>) target_semaphore(%run_scoped3A : memref<!tpu.dma_semaphore, #tpu.memory_space<semaphore_mem>>)
        %dma_wait3A_579 = arith.constant 0 : i32
        %dma_wait3A_580 = arith.constant 0 : i32
        %dma_wait3A_581 = tpu.memref_slice %arg13[%arg1, %dma_wait3A_579, %dma_wait3A_580] : memref<16x157x128xi32, #tpu.memory_space<hbm>> -> memref<1x157x128xi32, #tpu.memory_space<hbm>>
        %dma_wait3A_582 = tpu.memref_squeeze %dma_wait3A_581 : memref<1x157x128xi32, #tpu.memory_space<hbm>> -> memref<157x128xi32, #tpu.memory_space<hbm>>
        %dma_wait3A_583 = arith.constant 0 : i32
        %dma_wait3A_584 = arith.constant 0 : i32
        %dma_wait3A_585 = tpu.memref_slice %arg13[%arg1, %dma_wait3A_583, %dma_wait3A_584] : memref<16x157x128xi32, #tpu.memory_space<hbm>> -> memref<1x157x128xi32, #tpu.memory_space<hbm>>
        %dma_wait3A_586 = tpu.memref_squeeze %dma_wait3A_585 : memref<1x157x128xi32, #tpu.memory_space<hbm>> -> memref<157x128xi32, #tpu.memory_space<hbm>>
        tpu.wait_dma2 semaphore(%run_scoped3A : memref<!tpu.dma_semaphore, #tpu.memory_space<semaphore_mem>>) src(%dma_wait3A_586 : memref<157x128xi32, #tpu.memory_space<hbm>>) dst(%arg20 : memref<157x128xi32, #tpu.memory_space<vmem>>)
        tpu.yield
      }) : () -> ()
      "tpu.region"() ({
        %run_scoped3A = tpu.sem_alloc : memref<!tpu.dma_semaphore, #tpu.memory_space<semaphore_mem>>
        %dma_start3A_571 = arith.constant 0 : i32
        %dma_start3A_572 = arith.constant 0 : i32
        %dma_start3A_573 = tpu.memref_slice %arg11[%arg1, %dma_start3A_571, %dma_start3A_572] : memref<16x157x128xi32, #tpu.memory_space<hbm>> -> memref<1x157x128xi32, #tpu.memory_space<hbm>>
        %dma_start3A_574 = tpu.memref_squeeze %dma_start3A_573 : memref<1x157x128xi32, #tpu.memory_space<hbm>> -> memref<157x128xi32, #tpu.memory_space<hbm>>
        %dma_start3A_575 = arith.constant 0 : i32
        %dma_start3A_576 = arith.constant 0 : i32
        %dma_start3A_577 = tpu.memref_slice %arg11[%arg1, %dma_start3A_575, %dma_start3A_576] : memref<16x157x128xi32, #tpu.memory_space<hbm>> -> memref<1x157x128xi32, #tpu.memory_space<hbm>>
        %dma_start3A_578 = tpu.memref_squeeze %dma_start3A_577 : memref<1x157x128xi32, #tpu.memory_space<hbm>> -> memref<157x128xi32, #tpu.memory_space<hbm>>
        tpu.enqueue_dma source(%dma_start3A_578 : memref<157x128xi32, #tpu.memory_space<hbm>>) target(%arg21 : memref<157x128xi32, #tpu.memory_space<vmem>>) target_semaphore(%run_scoped3A : memref<!tpu.dma_semaphore, #tpu.memory_space<semaphore_mem>>)
        %dma_wait3A_579 = arith.constant 0 : i32
        %dma_wait3A_580 = arith.constant 0 : i32
        %dma_wait3A_581 = tpu.memref_slice %arg11[%arg1, %dma_wait3A_579, %dma_wait3A_580] : memref<16x157x128xi32, #tpu.memory_space<hbm>> -> memref<1x157x128xi32, #tpu.memory_space<hbm>>
        %dma_wait3A_582 = tpu.memref_squeeze %dma_wait3A_581 : memref<1x157x128xi32, #tpu.memory_space<hbm>> -> memref<157x128xi32, #tpu.memory_space<hbm>>
        %dma_wait3A_583 = arith.constant 0 : i32
        %dma_wait3A_584 = arith.constant 0 : i32
        %dma_wait3A_585 = tpu.memref_slice %arg11[%arg1, %dma_wait3A_583, %dma_wait3A_584] : memref<16x157x128xi32, #tpu.memory_space<hbm>> -> memref<1x157x128xi32, #tpu.memory_space<hbm>>
        %dma_wait3A_586 = tpu.memref_squeeze %dma_wait3A_585 : memref<1x157x128xi32, #tpu.memory_space<hbm>> -> memref<157x128xi32, #tpu.memory_space<hbm>>
        tpu.wait_dma2 semaphore(%run_scoped3A : memref<!tpu.dma_semaphore, #tpu.memory_space<semaphore_mem>>) src(%dma_wait3A_586 : memref<157x128xi32, #tpu.memory_space<hbm>>) dst(%arg21 : memref<157x128xi32, #tpu.memory_space<vmem>>)
        tpu.yield
      }) : () -> ()
      "tpu.region"() ({
        %run_scoped3A = tpu.sem_alloc : memref<!tpu.dma_semaphore, #tpu.memory_space<semaphore_mem>>
        tpu.enqueue_dma source(%arg14 : memref<128x32xf32, #tpu.memory_space<hbm>>) target(%arg23 : memref<128x32xf32, #tpu.memory_space<vmem>>) target_semaphore(%run_scoped3A : memref<!tpu.dma_semaphore, #tpu.memory_space<semaphore_mem>>)
        tpu.wait_dma2 semaphore(%run_scoped3A : memref<!tpu.dma_semaphore, #tpu.memory_space<semaphore_mem>>) src(%arg14 : memref<128x32xf32, #tpu.memory_space<hbm>>) dst(%arg23 : memref<128x32xf32, #tpu.memory_space<vmem>>)
        tpu.yield
      }) : () -> ()
      "tpu.trace_start"() <{level = 10 : i32, message = "cnt_pass"}> : () -> ()
      "tpu.region"() ({
        %run_scoped3A = tpu.sem_alloc : memref<!tpu.dma_semaphore, #tpu.memory_space<semaphore_mem>>
        %dma_start3A_571 = arith.constant 0 : i32
        %dma_start3A_572 = tpu.memref_slice %arg24[%mul3A_0, %dma_start3A_571] : memref<25088x32xf32, #tpu.memory_space<vmem_shared>> -> memref<1568x32xf32, #tpu.memory_space<vmem_shared>>
        tpu.enqueue_dma source(%arg15 : memref<1568x32xf32, #tpu.memory_space<hbm>>) target(%dma_start3A_572 : memref<1568x32xf32, #tpu.memory_space<vmem_shared>>) target_semaphore(%run_scoped3A : memref<!tpu.dma_semaphore, #tpu.memory_space<semaphore_mem>>)
        %dma_wait3A_573 = arith.constant 0 : i32
        %dma_wait3A_574 = tpu.memref_slice %arg24[%mul3A_0, %dma_wait3A_573] : memref<25088x32xf32, #tpu.memory_space<vmem_shared>> -> memref<1568x32xf32, #tpu.memory_space<vmem_shared>>
        tpu.wait_dma2 semaphore(%run_scoped3A : memref<!tpu.dma_semaphore, #tpu.memory_space<semaphore_mem>>) src(%arg15 : memref<1568x32xf32, #tpu.memory_space<hbm>>) dst(%dma_wait3A_574 : memref<1568x32xf32, #tpu.memory_space<vmem_shared>>)
        tpu.yield
      }) : () -> ()
      %barrier3A = arith.constant 0 : index
      tpu.barrier barrier_id(%barrier3A)
      %scan3A = arith.constant 0 : i32
      %scan3A_8 = arith.constant 0 : i32
      %scan3A_9 = arith.constant 157 : i32
      %scan3A_10 = arith.addi %scan3A_8, %scan3A_9 : i32
      %scan3A_11 = arith.constant 1 : i32
      scf.for %scan3A_571 = %scan3A_8 to %scan3A_10 step %scan3A_11  : i32 {
        %dma_start3A_572 = arith.constant 0 : i32
        %dma_start3A_573 = tpu.memref_slice %arg20[%scan3A_571, %dma_start3A_572] : memref<157x128xi32, #tpu.memory_space<vmem>> -> memref<1x128xi32, #tpu.memory_space<vmem>>
        %dma_start3A_574 = tpu.memref_squeeze %dma_start3A_573 : memref<1x128xi32, #tpu.memory_space<vmem>> -> memref<128xi32, #tpu.memory_space<vmem>>
        %dma_start3A_575 = arith.constant 0 : i32
        %dma_start3A_576 = arith.constant 0 : i32
        %dma_start3A_577 = tpu.memref_slice %arg24[%dma_start3A_575, %dma_start3A_576] : memref<25088x32xf32, #tpu.memory_space<vmem_shared>> -> memref<25088x32xf32, #tpu.memory_space<vmem_shared>>
        tpu.enqueue_indirect_dma source(%arg23 : memref<128x32xf32, #tpu.memory_space<vmem>>) target(%dma_start3A_577 : memref<25088x32xf32, #tpu.memory_space<vmem_shared>>) offsets(%dma_start3A_574 : memref<128xi32, #tpu.memory_space<vmem>>) semaphore(%arg27 : memref<!tpu.dma_semaphore, #tpu.memory_space<semaphore_mem>>) {add = true}
        %ge3A = arith.constant 3 : i32
        %ge3A_578 = arith.cmpi sge, %scan3A_571, %ge3A : i32
        %convert_element_type3A_579 = arith.extui %ge3A_578 : i1 to i32
        %cond3A_580 = arith.constant 0 : i32
        %cond3A_581 = arith.cmpi ne, %convert_element_type3A_579, %cond3A_580 : i32
        scf.if %cond3A_581 {
          %dma_wait3A_582 = arith.constant 0 : i32
          %dma_wait3A_583 = arith.constant 0 : i32
          %dma_wait3A_584 = tpu.memref_slice %arg20[%dma_wait3A_582, %dma_wait3A_583] : memref<157x128xi32, #tpu.memory_space<vmem>> -> memref<1x128xi32, #tpu.memory_space<vmem>>
          %dma_wait3A_585 = tpu.memref_squeeze %dma_wait3A_584 : memref<1x128xi32, #tpu.memory_space<vmem>> -> memref<128xi32, #tpu.memory_space<vmem>>
          %dma_wait3A_586 = arith.constant 0 : i32
          %dma_wait3A_587 = arith.constant 0 : i32
          %dma_wait3A_588 = tpu.memref_slice %arg24[%dma_wait3A_586, %dma_wait3A_587] : memref<25088x32xf32, #tpu.memory_space<vmem_shared>> -> memref<25088x32xf32, #tpu.memory_space<vmem_shared>>
          tpu.wait_indirect_dma semaphore(%arg27 : memref<!tpu.dma_semaphore, #tpu.memory_space<semaphore_mem>>) src(%arg23 : memref<128x32xf32, #tpu.memory_space<vmem>>) dst(%dma_wait3A_588 : memref<25088x32xf32, #tpu.memory_space<vmem_shared>>)
        } else {
        }
      }
      %scan3A_12 = arith.constant 157 : i32
      %dma_wait3A = arith.constant 0 : i32
      %dma_wait3A_13 = arith.constant 0 : i32
      %dma_wait3A_14 = tpu.memref_slice %arg20[%dma_wait3A, %dma_wait3A_13] : memref<157x128xi32, #tpu.memory_space<vmem>> -> memref<1x128xi32, #tpu.memory_space<vmem>>
      %dma_wait3A_15 = tpu.memref_squeeze %dma_wait3A_14 : memref<1x128xi32, #tpu.memory_space<vmem>> -> memref<128xi32, #tpu.memory_space<vmem>>
      %dma_wait3A_16 = arith.constant 0 : i32
      %dma_wait3A_17 = arith.constant 0 : i32
      %dma_wait3A_18 = tpu.memref_slice %arg24[%dma_wait3A_16, %dma_wait3A_17] : memref<25088x32xf32, #tpu.memory_space<vmem_shared>> -> memref<25088x32xf32, #tpu.memory_space<vmem_shared>>
      tpu.wait_indirect_dma semaphore(%arg27 : memref<!tpu.dma_semaphore, #tpu.memory_space<semaphore_mem>>) src(%arg23 : memref<128x32xf32, #tpu.memory_space<vmem>>) dst(%dma_wait3A_18 : memref<25088x32xf32, #tpu.memory_space<vmem_shared>>)
      %dma_wait3A_19 = arith.constant 0 : i32
      %dma_wait3A_20 = arith.constant 0 : i32
      %dma_wait3A_21 = tpu.memref_slice %arg20[%dma_wait3A_19, %dma_wait3A_20] : memref<157x128xi32, #tpu.memory_space<vmem>> -> memref<1x128xi32, #tpu.memory_space<vmem>>
      %dma_wait3A_22 = tpu.memref_squeeze %dma_wait3A_21 : memref<1x128xi32, #tpu.memory_space<vmem>> -> memref<128xi32, #tpu.memory_space<vmem>>
      %dma_wait3A_23 = arith.constant 0 : i32
      %dma_wait3A_24 = arith.constant 0 : i32
      %dma_wait3A_25 = tpu.memref_slice %arg24[%dma_wait3A_23, %dma_wait3A_24] : memref<25088x32xf32, #tpu.memory_space<vmem_shared>> -> memref<25088x32xf32, #tpu.memory_space<vmem_shared>>
      tpu.wait_indirect_dma semaphore(%arg27 : memref<!tpu.dma_semaphore, #tpu.memory_space<semaphore_mem>>) src(%arg23 : memref<128x32xf32, #tpu.memory_space<vmem>>) dst(%dma_wait3A_25 : memref<25088x32xf32, #tpu.memory_space<vmem_shared>>)
      %dma_wait3A_26 = arith.constant 0 : i32
      %dma_wait3A_27 = arith.constant 0 : i32
      %dma_wait3A_28 = tpu.memref_slice %arg20[%dma_wait3A_26, %dma_wait3A_27] : memref<157x128xi32, #tpu.memory_space<vmem>> -> memref<1x128xi32, #tpu.memory_space<vmem>>
      %dma_wait3A_29 = tpu.memref_squeeze %dma_wait3A_28 : memref<1x128xi32, #tpu.memory_space<vmem>> -> memref<128xi32, #tpu.memory_space<vmem>>
      %dma_wait3A_30 = arith.constant 0 : i32
      %dma_wait3A_31 = arith.constant 0 : i32
      %dma_wait3A_32 = tpu.memref_slice %arg24[%dma_wait3A_30, %dma_wait3A_31] : memref<25088x32xf32, #tpu.memory_space<vmem_shared>> -> memref<25088x32xf32, #tpu.memory_space<vmem_shared>>
      tpu.wait_indirect_dma semaphore(%arg27 : memref<!tpu.dma_semaphore, #tpu.memory_space<semaphore_mem>>) src(%arg23 : memref<128x32xf32, #tpu.memory_space<vmem>>) dst(%dma_wait3A_32 : memref<25088x32xf32, #tpu.memory_space<vmem_shared>>)
      %barrier3A_33 = arith.constant 0 : index
      tpu.barrier barrier_id(%barrier3A_33)
      %lt3A = arith.constant 15 : i32
      %lt3A_34 = arith.cmpi slt, %arg1, %lt3A : i32
      %convert_element_type3A_35 = arith.extui %lt3A_34 : i1 to i32
      %cond3A_36 = arith.constant 0 : i32
      %cond3A_37 = arith.cmpi ne, %convert_element_type3A_35, %cond3A_36 : i32
      scf.if %cond3A_37 {
        "tpu.region"() ({
          %run_scoped3A = tpu.sem_alloc : memref<!tpu.dma_semaphore, #tpu.memory_space<semaphore_mem>>
          %dma_start3A_571 = arith.constant 0 : i32
          %dma_start3A_572 = tpu.memref_slice %arg19[%mul3A_0, %dma_start3A_571] : memref<25000x32xf32, #tpu.memory_space<hbm>> -> memref<1568x32xf32, #tpu.memory_space<hbm>>
          %dma_start3A_573 = arith.constant 0 : i32
          %dma_start3A_574 = tpu.memref_slice %arg24[%mul3A_0, %dma_start3A_573] : memref<25088x32xf32, #tpu.memory_space<vmem_shared>> -> memref<1568x32xf32, #tpu.memory_space<vmem_shared>>
          tpu.enqueue_dma source(%dma_start3A_574 : memref<1568x32xf32, #tpu.memory_space<vmem_shared>>) target(%dma_start3A_572 : memref<1568x32xf32, #tpu.memory_space<hbm>>) target_semaphore(%run_scoped3A : memref<!tpu.dma_semaphore, #tpu.memory_space<semaphore_mem>>)
          %dma_wait3A_575 = arith.constant 0 : i32
          %dma_wait3A_576 = tpu.memref_slice %arg19[%mul3A_0, %dma_wait3A_575] : memref<25000x32xf32, #tpu.memory_space<hbm>> -> memref<1568x32xf32, #tpu.memory_space<hbm>>
          %dma_wait3A_577 = arith.constant 0 : i32
          %dma_wait3A_578 = tpu.memref_slice %arg24[%mul3A_0, %dma_wait3A_577] : memref<25088x32xf32, #tpu.memory_space<vmem_shared>> -> memref<1568x32xf32, #tpu.memory_space<vmem_shared>>
          tpu.wait_dma2 semaphore(%run_scoped3A : memref<!tpu.dma_semaphore, #tpu.memory_space<semaphore_mem>>) src(%dma_wait3A_578 : memref<1568x32xf32, #tpu.memory_space<vmem_shared>>) dst(%dma_wait3A_576 : memref<1568x32xf32, #tpu.memory_space<hbm>>)
          tpu.yield
        }) : () -> ()
      } else {
      }
      %eq3A_38 = arith.constant 15 : i32
      %eq3A_39 = arith.cmpi eq, %arg1, %eq3A_38 : i32
      %convert_element_type3A_40 = arith.extui %eq3A_39 : i1 to i32
      %cond3A_41 = arith.constant 0 : i32
      %cond3A_42 = arith.cmpi ne, %convert_element_type3A_40, %cond3A_41 : i32
      scf.if %cond3A_42 {
        "tpu.region"() ({
          %run_scoped3A = tpu.sem_alloc : memref<!tpu.dma_semaphore, #tpu.memory_space<semaphore_mem>>
          %dma_start3A_571 = arith.constant 0 : i32
          %dma_start3A_572 = tpu.memref_slice %arg19[%mul3A_0, %dma_start3A_571] : memref<25000x32xf32, #tpu.memory_space<hbm>> -> memref<1480x32xf32, #tpu.memory_space<hbm>>
          %dma_start3A_573 = arith.constant 0 : i32
          %dma_start3A_574 = tpu.memref_slice %arg24[%mul3A_0, %dma_start3A_573] : memref<25088x32xf32, #tpu.memory_space<vmem_shared>> -> memref<1480x32xf32, #tpu.memory_space<vmem_shared>>
          tpu.enqueue_dma source(%dma_start3A_574 : memref<1480x32xf32, #tpu.memory_space<vmem_shared>>) target(%dma_start3A_572 : memref<1480x32xf32, #tpu.memory_space<hbm>>) target_semaphore(%run_scoped3A : memref<!tpu.dma_semaphore, #tpu.memory_space<semaphore_mem>>)
          %dma_wait3A_575 = arith.constant 0 : i32
          %dma_wait3A_576 = tpu.memref_slice %arg19[%mul3A_0, %dma_wait3A_575] : memref<25000x32xf32, #tpu.memory_space<hbm>> -> memref<1480x32xf32, #tpu.memory_space<hbm>>
          %dma_wait3A_577 = arith.constant 0 : i32
          %dma_wait3A_578 = tpu.memref_slice %arg24[%mul3A_0, %dma_wait3A_577] : memref<25088x32xf32, #tpu.memory_space<vmem_shared>> -> memref<1480x32xf32, #tpu.memory_space<vmem_shared>>
          tpu.wait_dma2 semaphore(%run_scoped3A : memref<!tpu.dma_semaphore, #tpu.memory_space<semaphore_mem>>) src(%dma_wait3A_578 : memref<1480x32xf32, #tpu.memory_space<vmem_shared>>) dst(%dma_wait3A_576 : memref<1480x32xf32, #tpu.memory_space<hbm>>)
          tpu.yield
        }) : () -> ()
      } else {
      }
      %barrier3A_43 = arith.constant 0 : index
      tpu.barrier barrier_id(%barrier3A_43)
      "tpu.trace_stop"() : () -> ()
      "tpu.trace_start"() <{level = 10 : i32, message = "feat_pass0"}> : () -> ()
      "tpu.region"() ({
        %run_scoped3A = tpu.sem_alloc : memref<!tpu.dma_semaphore, #tpu.memory_space<semaphore_mem>>
        %dma_start3A_571 = arith.constant 0 : i32
        %dma_start3A_572 = tpu.memref_slice %arg24[%mul3A_0, %dma_start3A_571] : memref<25088x32xf32, #tpu.memory_space<vmem_shared>> -> memref<1568x32xf32, #tpu.memory_space<vmem_shared>>
        tpu.enqueue_dma source(%arg15 : memref<1568x32xf32, #tpu.memory_space<hbm>>) target(%dma_start3A_572 : memref<1568x32xf32, #tpu.memory_space<vmem_shared>>) target_semaphore(%run_scoped3A : memref<!tpu.dma_semaphore, #tpu.memory_space<semaphore_mem>>)
        %dma_wait3A_573 = arith.constant 0 : i32
        %dma_wait3A_574 = tpu.memref_slice %arg24[%mul3A_0, %dma_wait3A_573] : memref<25088x32xf32, #tpu.memory_space<vmem_shared>> -> memref<1568x32xf32, #tpu.memory_space<vmem_shared>>
        tpu.wait_dma2 semaphore(%run_scoped3A : memref<!tpu.dma_semaphore, #tpu.memory_space<semaphore_mem>>) src(%arg15 : memref<1568x32xf32, #tpu.memory_space<hbm>>) dst(%dma_wait3A_574 : memref<1568x32xf32, #tpu.memory_space<vmem_shared>>)
        tpu.yield
      }) : () -> ()
      %eq3A_44 = arith.constant 0 : i32
      %eq3A_45 = arith.cmpi eq, %arg1, %eq3A_44 : i32
      %convert_element_type3A_46 = arith.extui %eq3A_45 : i1 to i32
      %cond3A_47 = arith.constant 0 : i32
      %cond3A_48 = arith.cmpi ne, %convert_element_type3A_46, %cond3A_47 : i32
      scf.if %cond3A_48 {
        "tpu.region"() ({
          %run_scoped3A = tpu.sem_alloc : memref<!tpu.dma_semaphore, #tpu.memory_space<semaphore_mem>>
          tpu.enqueue_dma source(%arg6 : memref<5000x32xf32, #tpu.memory_space<hbm>>) target(%arg25 : memref<5000x32xf32, #tpu.memory_space<vmem_shared>>) target_semaphore(%run_scoped3A : memref<!tpu.dma_semaphore, #tpu.memory_space<semaphore_mem>>)
          tpu.wait_dma2 semaphore(%run_scoped3A : memref<!tpu.dma_semaphore, #tpu.memory_space<semaphore_mem>>) src(%arg6 : memref<5000x32xf32, #tpu.memory_space<hbm>>) dst(%arg25 : memref<5000x32xf32, #tpu.memory_space<vmem_shared>>)
          tpu.yield
        }) : () -> ()
      } else {
      }
      %barrier3A_49 = arith.constant 0 : index
      tpu.barrier barrier_id(%barrier3A_49)
      %dma_start3A = arith.constant 0 : i32
      %dma_start3A_50 = arith.constant 0 : i32
      %dma_start3A_51 = arith.constant 0 : i32
      %dma_start3A_52 = arith.constant 0 : i32
      %dma_start3A_53 = tpu.memref_slice %arg22[%dma_start3A_50, %dma_start3A_51, %dma_start3A_52] : memref<6x128x32xf32, #tpu.memory_space<vmem>> -> memref<1x128x32xf32, #tpu.memory_space<vmem>>
      %dma_start3A_54 = tpu.memref_squeeze %dma_start3A_53 : memref<1x128x32xf32, #tpu.memory_space<vmem>> -> memref<128x32xf32, #tpu.memory_space<vmem>>
      %dma_start3A_55 = arith.constant 0 : i32
      %dma_start3A_56 = tpu.memref_slice %arg21[%dma_start3A, %dma_start3A_55] : memref<157x128xi32, #tpu.memory_space<vmem>> -> memref<1x128xi32, #tpu.memory_space<vmem>>
      %dma_start3A_57 = tpu.memref_squeeze %dma_start3A_56 : memref<1x128xi32, #tpu.memory_space<vmem>> -> memref<128xi32, #tpu.memory_space<vmem>>
      %dma_start3A_58 = arith.constant 0 : i32
      %dma_start3A_59 = arith.constant 0 : i32
      %dma_start3A_60 = tpu.memref_slice %arg25[%dma_start3A_58, %dma_start3A_59] : memref<5000x32xf32, #tpu.memory_space<vmem_shared>> -> memref<5000x32xf32, #tpu.memory_space<vmem_shared>>
      tpu.enqueue_indirect_dma source(%dma_start3A_60 : memref<5000x32xf32, #tpu.memory_space<vmem_shared>>) target(%dma_start3A_54 : memref<128x32xf32, #tpu.memory_space<vmem>>) offsets(%dma_start3A_57 : memref<128xi32, #tpu.memory_space<vmem>>) semaphore(%arg26 : memref<!tpu.dma_semaphore, #tpu.memory_space<semaphore_mem>>)
      %dma_start3A_61 = arith.constant 1 : i32
      %dma_start3A_62 = arith.constant 1 : i32
      %dma_start3A_63 = arith.constant 0 : i32
      %dma_start3A_64 = arith.constant 0 : i32
      %dma_start3A_65 = tpu.memref_slice %arg22[%dma_start3A_62, %dma_start3A_63, %dma_start3A_64] : memref<6x128x32xf32, #tpu.memory_space<vmem>> -> memref<1x128x32xf32, #tpu.memory_space<vmem>>
      %dma_start3A_66 = tpu.memref_squeeze %dma_start3A_65 : memref<1x128x32xf32, #tpu.memory_space<vmem>> -> memref<128x32xf32, #tpu.memory_space<vmem>>
      %dma_start3A_67 = arith.constant 0 : i32
      %dma_start3A_68 = tpu.memref_slice %arg21[%dma_start3A_61, %dma_start3A_67] : memref<157x128xi32, #tpu.memory_space<vmem>> -> memref<1x128xi32, #tpu.memory_space<vmem>>
      %dma_start3A_69 = tpu.memref_squeeze %dma_start3A_68 : memref<1x128xi32, #tpu.memory_space<vmem>> -> memref<128xi32, #tpu.memory_space<vmem>>
      %dma_start3A_70 = arith.constant 0 : i32
      %dma_start3A_71 = arith.constant 0 : i32
      %dma_start3A_72 = tpu.memref_slice %arg25[%dma_start3A_70, %dma_start3A_71] : memref<5000x32xf32, #tpu.memory_space<vmem_shared>> -> memref<5000x32xf32, #tpu.memory_space<vmem_shared>>
      tpu.enqueue_indirect_dma source(%dma_start3A_72 : memref<5000x32xf32, #tpu.memory_space<vmem_shared>>) target(%dma_start3A_66 : memref<128x32xf32, #tpu.memory_space<vmem>>) offsets(%dma_start3A_69 : memref<128xi32, #tpu.memory_space<vmem>>) semaphore(%arg26 : memref<!tpu.dma_semaphore, #tpu.memory_space<semaphore_mem>>)
      %dma_start3A_73 = arith.constant 2 : i32
      %dma_start3A_74 = arith.constant 2 : i32
      %dma_start3A_75 = arith.constant 0 : i32
      %dma_start3A_76 = arith.constant 0 : i32
      %dma_start3A_77 = tpu.memref_slice %arg22[%dma_start3A_74, %dma_start3A_75, %dma_start3A_76] : memref<6x128x32xf32, #tpu.memory_space<vmem>> -> memref<1x128x32xf32, #tpu.memory_space<vmem>>
      %dma_start3A_78 = tpu.memref_squeeze %dma_start3A_77 : memref<1x128x32xf32, #tpu.memory_space<vmem>> -> memref<128x32xf32, #tpu.memory_space<vmem>>
      %dma_start3A_79 = arith.constant 0 : i32
      %dma_start3A_80 = tpu.memref_slice %arg21[%dma_start3A_73, %dma_start3A_79] : memref<157x128xi32, #tpu.memory_space<vmem>> -> memref<1x128xi32, #tpu.memory_space<vmem>>
      %dma_start3A_81 = tpu.memref_squeeze %dma_start3A_80 : memref<1x128xi32, #tpu.memory_space<vmem>> -> memref<128xi32, #tpu.memory_space<vmem>>
      %dma_start3A_82 = arith.constant 0 : i32
      %dma_start3A_83 = arith.constant 0 : i32
      %dma_start3A_84 = tpu.memref_slice %arg25[%dma_start3A_82, %dma_start3A_83] : memref<5000x32xf32, #tpu.memory_space<vmem_shared>> -> memref<5000x32xf32, #tpu.memory_space<vmem_shared>>
      tpu.enqueue_indirect_dma source(%dma_start3A_84 : memref<5000x32xf32, #tpu.memory_space<vmem_shared>>) target(%dma_start3A_78 : memref<128x32xf32, #tpu.memory_space<vmem>>) offsets(%dma_start3A_81 : memref<128xi32, #tpu.memory_space<vmem>>) semaphore(%arg26 : memref<!tpu.dma_semaphore, #tpu.memory_space<semaphore_mem>>)
      %scan3A_85 = arith.constant 0 : i32
      %scan3A_86 = arith.constant 0 : i32
      %scan3A_87 = arith.constant 157 : i32
      %scan3A_88 = arith.addi %scan3A_86, %scan3A_87 : i32
      %scan3A_89 = arith.constant 1 : i32
      scf.for %scan3A_571 = %scan3A_86 to %scan3A_88 step %scan3A_89  : i32 {
        %rem3A = arith.constant 6 : i32
        %rem3A_572 = arith.remsi %scan3A_571, %rem3A : i32
        %dma_wait3A_573 = arith.constant 0 : i32
        %dma_wait3A_574 = arith.constant 0 : i32
        %dma_wait3A_575 = tpu.memref_slice %arg22[%rem3A_572, %dma_wait3A_573, %dma_wait3A_574] : memref<6x128x32xf32, #tpu.memory_space<vmem>> -> memref<1x128x32xf32, #tpu.memory_space<vmem>>
        %dma_wait3A_576 = tpu.memref_squeeze %dma_wait3A_575 : memref<1x128x32xf32, #tpu.memory_space<vmem>> -> memref<128x32xf32, #tpu.memory_space<vmem>>
        %dma_wait3A_577 = arith.constant 0 : i32
        %dma_wait3A_578 = tpu.memref_slice %arg21[%scan3A_571, %dma_wait3A_577] : memref<157x128xi32, #tpu.memory_space<vmem>> -> memref<1x128xi32, #tpu.memory_space<vmem>>
        %dma_wait3A_579 = tpu.memref_squeeze %dma_wait3A_578 : memref<1x128xi32, #tpu.memory_space<vmem>> -> memref<128xi32, #tpu.memory_space<vmem>>
        %dma_wait3A_580 = arith.constant 0 : i32
        %dma_wait3A_581 = arith.constant 0 : i32
        %dma_wait3A_582 = tpu.memref_slice %arg25[%dma_wait3A_580, %dma_wait3A_581] : memref<5000x32xf32, #tpu.memory_space<vmem_shared>> -> memref<5000x32xf32, #tpu.memory_space<vmem_shared>>
        tpu.wait_indirect_dma semaphore(%arg26 : memref<!tpu.dma_semaphore, #tpu.memory_space<semaphore_mem>>) src(%dma_wait3A_582 : memref<5000x32xf32, #tpu.memory_space<vmem_shared>>) dst(%dma_wait3A_576 : memref<128x32xf32, #tpu.memory_space<vmem>>)
        %dma_start3A_583 = arith.constant 0 : i32
        %dma_start3A_584 = arith.constant 0 : i32
        %dma_start3A_585 = tpu.memref_slice %arg22[%rem3A_572, %dma_start3A_583, %dma_start3A_584] : memref<6x128x32xf32, #tpu.memory_space<vmem>> -> memref<1x128x32xf32, #tpu.memory_space<vmem>>
        %dma_start3A_586 = tpu.memref_squeeze %dma_start3A_585 : memref<1x128x32xf32, #tpu.memory_space<vmem>> -> memref<128x32xf32, #tpu.memory_space<vmem>>
        %dma_start3A_587 = arith.constant 0 : i32
        %dma_start3A_588 = tpu.memref_slice %arg20[%scan3A_571, %dma_start3A_587] : memref<157x128xi32, #tpu.memory_space<vmem>> -> memref<1x128xi32, #tpu.memory_space<vmem>>
        %dma_start3A_589 = tpu.memref_squeeze %dma_start3A_588 : memref<1x128xi32, #tpu.memory_space<vmem>> -> memref<128xi32, #tpu.memory_space<vmem>>
        %dma_start3A_590 = arith.constant 0 : i32
        %dma_start3A_591 = arith.constant 0 : i32
        %dma_start3A_592 = tpu.memref_slice %arg24[%dma_start3A_590, %dma_start3A_591] : memref<25088x32xf32, #tpu.memory_space<vmem_shared>> -> memref<25088x32xf32, #tpu.memory_space<vmem_shared>>
        tpu.enqueue_indirect_dma source(%dma_start3A_586 : memref<128x32xf32, #tpu.memory_space<vmem>>) target(%dma_start3A_592 : memref<25088x32xf32, #tpu.memory_space<vmem_shared>>) offsets(%dma_start3A_589 : memref<128xi32, #tpu.memory_space<vmem>>) semaphore(%arg27 : memref<!tpu.dma_semaphore, #tpu.memory_space<semaphore_mem>>) {add = true}
        %add3A = arith.constant 3 : i32
        %add3A_593 = arith.addi %scan3A_571, %add3A : i32
        %lt3A_594 = arith.constant 157 : i32
        %lt3A_595 = arith.cmpi slt, %add3A_593, %lt3A_594 : i32
        %convert_element_type3A_596 = arith.extui %lt3A_595 : i1 to i32
        %cond3A_597 = arith.constant 0 : i32
        %cond3A_598 = arith.cmpi ne, %convert_element_type3A_596, %cond3A_597 : i32
        scf.if %cond3A_598 {
          %ge3A = arith.constant 3 : i32
          %ge3A_599 = arith.cmpi sge, %scan3A_571, %ge3A : i32
          %convert_element_type3A_600 = arith.extui %ge3A_599 : i1 to i32
          %cond3A_601 = arith.constant 0 : i32
          %cond3A_602 = arith.cmpi ne, %convert_element_type3A_600, %cond3A_601 : i32
          scf.if %cond3A_602 {
            %dma_wait3A_619 = arith.constant 0 : i32
            %dma_wait3A_620 = arith.constant 0 : i32
            %dma_wait3A_621 = arith.constant 0 : i32
            %dma_wait3A_622 = arith.constant 0 : i32
            %dma_wait3A_623 = tpu.memref_slice %arg22[%dma_wait3A_619, %dma_wait3A_621, %dma_wait3A_622] : memref<6x128x32xf32, #tpu.memory_space<vmem>> -> memref<1x128x32xf32, #tpu.memory_space<vmem>>
            %dma_wait3A_624 = tpu.memref_squeeze %dma_wait3A_623 : memref<1x128x32xf32, #tpu.memory_space<vmem>> -> memref<128x32xf32, #tpu.memory_space<vmem>>
            %dma_wait3A_625 = arith.constant 0 : i32
            %dma_wait3A_626 = tpu.memref_slice %arg20[%dma_wait3A_620, %dma_wait3A_625] : memref<157x128xi32, #tpu.memory_space<vmem>> -> memref<1x128xi32, #tpu.memory_space<vmem>>
            %dma_wait3A_627 = tpu.memref_squeeze %dma_wait3A_626 : memref<1x128xi32, #tpu.memory_space<vmem>> -> memref<128xi32, #tpu.memory_space<vmem>>
            %dma_wait3A_628 = arith.constant 0 : i32
            %dma_wait3A_629 = arith.constant 0 : i32
            %dma_wait3A_630 = tpu.memref_slice %arg24[%dma_wait3A_628, %dma_wait3A_629] : memref<25088x32xf32, #tpu.memory_space<vmem_shared>> -> memref<25088x32xf32, #tpu.memory_space<vmem_shared>>
            tpu.wait_indirect_dma semaphore(%arg27 : memref<!tpu.dma_semaphore, #tpu.memory_space<semaphore_mem>>) src(%dma_wait3A_624 : memref<128x32xf32, #tpu.memory_space<vmem>>) dst(%dma_wait3A_630 : memref<25088x32xf32, #tpu.memory_space<vmem_shared>>)
          } else {
          }
          %add3A_603 = arith.constant 3 : i32
          %add3A_604 = arith.addi %scan3A_571, %add3A_603 : i32
          %add3A_605 = arith.constant 3 : i32
          %add3A_606 = arith.addi %scan3A_571, %add3A_605 : i32
          %rem3A_607 = arith.constant 6 : i32
          %rem3A_608 = arith.remsi %add3A_606, %rem3A_607 : i32
          %dma_start3A_609 = arith.constant 0 : i32
          %dma_start3A_610 = arith.constant 0 : i32
          %dma_start3A_611 = tpu.memref_slice %arg22[%rem3A_608, %dma_start3A_609, %dma_start3A_610] : memref<6x128x32xf32, #tpu.memory_space<vmem>> -> memref<1x128x32xf32, #tpu.memory_space<vmem>>
          %dma_start3A_612 = tpu.memref_squeeze %dma_start3A_611 : memref<1x128x32xf32, #tpu.memory_space<vmem>> -> memref<128x32xf32, #tpu.memory_space<vmem>>
          %dma_start3A_613 = arith.constant 0 : i32
          %dma_start3A_614 = tpu.memref_slice %arg21[%add3A_604, %dma_start3A_613] : memref<157x128xi32, #tpu.memory_space<vmem>> -> memref<1x128xi32, #tpu.memory_space<vmem>>
          %dma_start3A_615 = tpu.memref_squeeze %dma_start3A_614 : memref<1x128xi32, #tpu.memory_space<vmem>> -> memref<128xi32, #tpu.memory_space<vmem>>
          %dma_start3A_616 = arith.constant 0 : i32
          %dma_start3A_617 = arith.constant 0 : i32
          %dma_start3A_618 = tpu.memref_slice %arg25[%dma_start3A_616, %dma_start3A_617] : memref<5000x32xf32, #tpu.memory_space<vmem_shared>> -> memref<5000x32xf32, #tpu.memory_space<vmem_shared>>
          tpu.enqueue_indirect_dma source(%dma_start3A_618 : memref<5000x32xf32, #tpu.memory_space<vmem_shared>>) target(%dma_start3A_612 : memref<128x32xf32, #tpu.memory_space<vmem>>) offsets(%dma_start3A_615 : memref<128xi32, #tpu.memory_space<vmem>>) semaphore(%arg26 : memref<!tpu.dma_semaphore, #tpu.memory_space<semaphore_mem>>)
        } else {
        }
      }
      %scan3A_90 = arith.constant 157 : i32
      %dma_wait3A_91 = arith.constant 0 : i32
      %dma_wait3A_92 = arith.constant 0 : i32
      %dma_wait3A_93 = arith.constant 0 : i32
      %dma_wait3A_94 = arith.constant 0 : i32
      %dma_wait3A_95 = tpu.memref_slice %arg22[%dma_wait3A_91, %dma_wait3A_93, %dma_wait3A_94] : memref<6x128x32xf32, #tpu.memory_space<vmem>> -> memref<1x128x32xf32, #tpu.memory_space<vmem>>
      %dma_wait3A_96 = tpu.memref_squeeze %dma_wait3A_95 : memref<1x128x32xf32, #tpu.memory_space<vmem>> -> memref<128x32xf32, #tpu.memory_space<vmem>>
      %dma_wait3A_97 = arith.constant 0 : i32
      %dma_wait3A_98 = tpu.memref_slice %arg20[%dma_wait3A_92, %dma_wait3A_97] : memref<157x128xi32, #tpu.memory_space<vmem>> -> memref<1x128xi32, #tpu.memory_space<vmem>>
      %dma_wait3A_99 = tpu.memref_squeeze %dma_wait3A_98 : memref<1x128xi32, #tpu.memory_space<vmem>> -> memref<128xi32, #tpu.memory_space<vmem>>
      %dma_wait3A_100 = arith.constant 0 : i32
      %dma_wait3A_101 = arith.constant 0 : i32
      %dma_wait3A_102 = tpu.memref_slice %arg24[%dma_wait3A_100, %dma_wait3A_101] : memref<25088x32xf32, #tpu.memory_space<vmem_shared>> -> memref<25088x32xf32, #tpu.memory_space<vmem_shared>>
      tpu.wait_indirect_dma semaphore(%arg27 : memref<!tpu.dma_semaphore, #tpu.memory_space<semaphore_mem>>) src(%dma_wait3A_96 : memref<128x32xf32, #tpu.memory_space<vmem>>) dst(%dma_wait3A_102 : memref<25088x32xf32, #tpu.memory_space<vmem_shared>>)
      %dma_wait3A_103 = arith.constant 1 : i32
      %dma_wait3A_104 = arith.constant 0 : i32
      %dma_wait3A_105 = arith.constant 0 : i32
      %dma_wait3A_106 = arith.constant 0 : i32
      %dma_wait3A_107 = tpu.memref_slice %arg22[%dma_wait3A_103, %dma_wait3A_105, %dma_wait3A_106] : memref<6x128x32xf32, #tpu.memory_space<vmem>> -> memref<1x128x32xf32, #tpu.memory_space<vmem>>
      %dma_wait3A_108 = tpu.memref_squeeze %dma_wait3A_107 : memref<1x128x32xf32, #tpu.memory_space<vmem>> -> memref<128x32xf32, #tpu.memory_space<vmem>>
      %dma_wait3A_109 = arith.constant 0 : i32
      %dma_wait3A_110 = tpu.memref_slice %arg20[%dma_wait3A_104, %dma_wait3A_109] : memref<157x128xi32, #tpu.memory_space<vmem>> -> memref<1x128xi32, #tpu.memory_space<vmem>>
      %dma_wait3A_111 = tpu.memref_squeeze %dma_wait3A_110 : memref<1x128xi32, #tpu.memory_space<vmem>> -> memref<128xi32, #tpu.memory_space<vmem>>
      %dma_wait3A_112 = arith.constant 0 : i32
      %dma_wait3A_113 = arith.constant 0 : i32
      %dma_wait3A_114 = tpu.memref_slice %arg24[%dma_wait3A_112, %dma_wait3A_113] : memref<25088x32xf32, #tpu.memory_space<vmem_shared>> -> memref<25088x32xf32, #tpu.memory_space<vmem_shared>>
      tpu.wait_indirect_dma semaphore(%arg27 : memref<!tpu.dma_semaphore, #tpu.memory_space<semaphore_mem>>) src(%dma_wait3A_108 : memref<128x32xf32, #tpu.memory_space<vmem>>) dst(%dma_wait3A_114 : memref<25088x32xf32, #tpu.memory_space<vmem_shared>>)
      %dma_wait3A_115 = arith.constant 2 : i32
      %dma_wait3A_116 = arith.constant 0 : i32
      %dma_wait3A_117 = arith.constant 0 : i32
      %dma_wait3A_118 = arith.constant 0 : i32
      %dma_wait3A_119 = tpu.memref_slice %arg22[%dma_wait3A_115, %dma_wait3A_117, %dma_wait3A_118] : memref<6x128x32xf32, #tpu.memory_space<vmem>> -> memref<1x128x32xf32, #tpu.memory_space<vmem>>
      %dma_wait3A_120 = tpu.memref_squeeze %dma_wait3A_119 : memref<1x128x32xf32, #tpu.memory_space<vmem>> -> memref<128x32xf32, #tpu.memory_space<vmem>>
      %dma_wait3A_121 = arith.constant 0 : i32
      %dma_wait3A_122 = tpu.memref_slice %arg20[%dma_wait3A_116, %dma_wait3A_121] : memref<157x128xi32, #tpu.memory_space<vmem>> -> memref<1x128xi32, #tpu.memory_space<vmem>>
      %dma_wait3A_123 = tpu.memref_squeeze %dma_wait3A_122 : memref<1x128xi32, #tpu.memory_space<vmem>> -> memref<128xi32, #tpu.memory_space<vmem>>
      %dma_wait3A_124 = arith.constant 0 : i32
      %dma_wait3A_125 = arith.constant 0 : i32
      %dma_wait3A_126 = tpu.memref_slice %arg24[%dma_wait3A_124, %dma_wait3A_125] : memref<25088x32xf32, #tpu.memory_space<vmem_shared>> -> memref<25088x32xf32, #tpu.memory_space<vmem_shared>>
      tpu.wait_indirect_dma semaphore(%arg27 : memref<!tpu.dma_semaphore, #tpu.memory_space<semaphore_mem>>) src(%dma_wait3A_120 : memref<128x32xf32, #tpu.memory_space<vmem>>) dst(%dma_wait3A_126 : memref<25088x32xf32, #tpu.memory_space<vmem_shared>>)
      %dma_wait3A_127 = arith.constant 3 : i32
      %dma_wait3A_128 = arith.constant 0 : i32
      %dma_wait3A_129 = arith.constant 0 : i32
      %dma_wait3A_130 = arith.constant 0 : i32
      %dma_wait3A_131 = tpu.memref_slice %arg22[%dma_wait3A_127, %dma_wait3A_129, %dma_wait3A_130] : memref<6x128x32xf32, #tpu.memory_space<vmem>> -> memref<1x128x32xf32, #tpu.memory_space<vmem>>
      %dma_wait3A_132 = tpu.memref_squeeze %dma_wait3A_131 : memref<1x128x32xf32, #tpu.memory_space<vmem>> -> memref<128x32xf32, #tpu.memory_space<vmem>>
      %dma_wait3A_133 = arith.constant 0 : i32
      %dma_wait3A_134 = tpu.memref_slice %arg20[%dma_wait3A_128, %dma_wait3A_133] : memref<157x128xi32, #tpu.memory_space<vmem>> -> memref<1x128xi32, #tpu.memory_space<vmem>>
      %dma_wait3A_135 = tpu.memref_squeeze %dma_wait3A_134 : memref<1x128xi32, #tpu.memory_space<vmem>> -> memref<128xi32, #tpu.memory_space<vmem>>
      %dma_wait3A_136 = arith.constant 0 : i32
      %dma_wait3A_137 = arith.constant 0 : i32
      %dma_wait3A_138 = tpu.memref_slice %arg24[%dma_wait3A_136, %dma_wait3A_137] : memref<25088x32xf32, #tpu.memory_space<vmem_shared>> -> memref<25088x32xf32, #tpu.memory_space<vmem_shared>>
      tpu.wait_indirect_dma semaphore(%arg27 : memref<!tpu.dma_semaphore, #tpu.memory_space<semaphore_mem>>) src(%dma_wait3A_132 : memref<128x32xf32, #tpu.memory_space<vmem>>) dst(%dma_wait3A_138 : memref<25088x32xf32, #tpu.memory_space<vmem_shared>>)
      %dma_wait3A_139 = arith.constant 4 : i32
      %dma_wait3A_140 = arith.constant 0 : i32
      %dma_wait3A_141 = arith.constant 0 : i32
      %dma_wait3A_142 = arith.constant 0 : i32
      %dma_wait3A_143 = tpu.memref_slice %arg22[%dma_wait3A_139, %dma_wait3A_141, %dma_wait3A_142] : memref<6x128x32xf32, #tpu.memory_space<vmem>> -> memref<1x128x32xf32, #tpu.memory_space<vmem>>
      %dma_wait3A_144 = tpu.memref_squeeze %dma_wait3A_143 : memref<1x128x32xf32, #tpu.memory_space<vmem>> -> memref<128x32xf32, #tpu.memory_space<vmem>>
      %dma_wait3A_145 = arith.constant 0 : i32
      %dma_wait3A_146 = tpu.memref_slice %arg20[%dma_wait3A_140, %dma_wait3A_145] : memref<157x128xi32, #tpu.memory_space<vmem>> -> memref<1x128xi32, #tpu.memory_space<vmem>>
      %dma_wait3A_147 = tpu.memref_squeeze %dma_wait3A_146 : memref<1x128xi32, #tpu.memory_space<vmem>> -> memref<128xi32, #tpu.memory_space<vmem>>
      %dma_wait3A_148 = arith.constant 0 : i32
      %dma_wait3A_149 = arith.constant 0 : i32
      %dma_wait3A_150 = tpu.memref_slice %arg24[%dma_wait3A_148, %dma_wait3A_149] : memref<25088x32xf32, #tpu.memory_space<vmem_shared>> -> memref<25088x32xf32, #tpu.memory_space<vmem_shared>>
      tpu.wait_indirect_dma semaphore(%arg27 : memref<!tpu.dma_semaphore, #tpu.memory_space<semaphore_mem>>) src(%dma_wait3A_144 : memref<128x32xf32, #tpu.memory_space<vmem>>) dst(%dma_wait3A_150 : memref<25088x32xf32, #tpu.memory_space<vmem_shared>>)
      %dma_wait3A_151 = arith.constant 5 : i32
      %dma_wait3A_152 = arith.constant 0 : i32
      %dma_wait3A_153 = arith.constant 0 : i32
      %dma_wait3A_154 = arith.constant 0 : i32
      %dma_wait3A_155 = tpu.memref_slice %arg22[%dma_wait3A_151, %dma_wait3A_153, %dma_wait3A_154] : memref<6x128x32xf32, #tpu.memory_space<vmem>> -> memref<1x128x32xf32, #tpu.memory_space<vmem>>
      %dma_wait3A_156 = tpu.memref_squeeze %dma_wait3A_155 : memref<1x128x32xf32, #tpu.memory_space<vmem>> -> memref<128x32xf32, #tpu.memory_space<vmem>>
      %dma_wait3A_157 = arith.constant 0 : i32
      %dma_wait3A_158 = tpu.memref_slice %arg20[%dma_wait3A_152, %dma_wait3A_157] : memref<157x128xi32, #tpu.memory_space<vmem>> -> memref<1x128xi32, #tpu.memory_space<vmem>>
      %dma_wait3A_159 = tpu.memref_squeeze %dma_wait3A_158 : memref<1x128xi32, #tpu.memory_space<vmem>> -> memref<128xi32, #tpu.memory_space<vmem>>
      %dma_wait3A_160 = arith.constant 0 : i32
      %dma_wait3A_161 = arith.constant 0 : i32
      %dma_wait3A_162 = tpu.memref_slice %arg24[%dma_wait3A_160, %dma_wait3A_161] : memref<25088x32xf32, #tpu.memory_space<vmem_shared>> -> memref<25088x32xf32, #tpu.memory_space<vmem_shared>>
      tpu.wait_indirect_dma semaphore(%arg27 : memref<!tpu.dma_semaphore, #tpu.memory_space<semaphore_mem>>) src(%dma_wait3A_156 : memref<128x32xf32, #tpu.memory_space<vmem>>) dst(%dma_wait3A_162 : memref<25088x32xf32, #tpu.memory_space<vmem_shared>>)
      %barrier3A_163 = arith.constant 0 : index
      tpu.barrier barrier_id(%barrier3A_163)
      %lt3A_164 = arith.constant 15 : i32
      %lt3A_165 = arith.cmpi slt, %arg1, %lt3A_164 : i32
      %convert_element_type3A_166 = arith.extui %lt3A_165 : i1 to i32
      %cond3A_167 = arith.constant 0 : i32
      %cond3A_168 = arith.cmpi ne, %convert_element_type3A_166, %cond3A_167 : i32
      scf.if %cond3A_168 {
        "tpu.region"() ({
          %run_scoped3A = tpu.sem_alloc : memref<!tpu.dma_semaphore, #tpu.memory_space<semaphore_mem>>
          %dma_start3A_571 = arith.constant 0 : i32
          %dma_start3A_572 = tpu.memref_slice %arg18[%mul3A_0, %dma_start3A_571] : memref<25000x128xf32, #tpu.memory_space<hbm>> -> memref<1568x32xf32, #tpu.memory_space<hbm>>
          %dma_start3A_573 = arith.constant 0 : i32
          %dma_start3A_574 = tpu.memref_slice %arg24[%mul3A_0, %dma_start3A_573] : memref<25088x32xf32, #tpu.memory_space<vmem_shared>> -> memref<1568x32xf32, #tpu.memory_space<vmem_shared>>
          tpu.enqueue_dma source(%dma_start3A_574 : memref<1568x32xf32, #tpu.memory_space<vmem_shared>>) target(%dma_start3A_572 : memref<1568x32xf32, #tpu.memory_space<hbm>>) target_semaphore(%run_scoped3A : memref<!tpu.dma_semaphore, #tpu.memory_space<semaphore_mem>>)
          %dma_wait3A_575 = arith.constant 0 : i32
          %dma_wait3A_576 = tpu.memref_slice %arg18[%mul3A_0, %dma_wait3A_575] : memref<25000x128xf32, #tpu.memory_space<hbm>> -> memref<1568x32xf32, #tpu.memory_space<hbm>>
          %dma_wait3A_577 = arith.constant 0 : i32
          %dma_wait3A_578 = tpu.memref_slice %arg24[%mul3A_0, %dma_wait3A_577] : memref<25088x32xf32, #tpu.memory_space<vmem_shared>> -> memref<1568x32xf32, #tpu.memory_space<vmem_shared>>
          tpu.wait_dma2 semaphore(%run_scoped3A : memref<!tpu.dma_semaphore, #tpu.memory_space<semaphore_mem>>) src(%dma_wait3A_578 : memref<1568x32xf32, #tpu.memory_space<vmem_shared>>) dst(%dma_wait3A_576 : memref<1568x32xf32, #tpu.memory_space<hbm>>)
          tpu.yield
        }) : () -> ()
      } else {
      }
      %eq3A_169 = arith.constant 15 : i32
      %eq3A_170 = arith.cmpi eq, %arg1, %eq3A_169 : i32
      %convert_element_type3A_171 = arith.extui %eq3A_170 : i1 to i32
      %cond3A_172 = arith.constant 0 : i32
      %cond3A_173 = arith.cmpi ne, %convert_element_type3A_171, %cond3A_172 : i32
      scf.if %cond3A_173 {
        "tpu.region"() ({
          %run_scoped3A = tpu.sem_alloc : memref<!tpu.dma_semaphore, #tpu.memory_space<semaphore_mem>>
          %dma_start3A_571 = arith.constant 0 : i32
          %dma_start3A_572 = tpu.memref_slice %arg18[%mul3A_0, %dma_start3A_571] : memref<25000x128xf32, #tpu.memory_space<hbm>> -> memref<1480x32xf32, #tpu.memory_space<hbm>>
          %dma_start3A_573 = arith.constant 0 : i32
          %dma_start3A_574 = tpu.memref_slice %arg24[%mul3A_0, %dma_start3A_573] : memref<25088x32xf32, #tpu.memory_space<vmem_shared>> -> memref<1480x32xf32, #tpu.memory_space<vmem_shared>>
          tpu.enqueue_dma source(%dma_start3A_574 : memref<1480x32xf32, #tpu.memory_space<vmem_shared>>) target(%dma_start3A_572 : memref<1480x32xf32, #tpu.memory_space<hbm>>) target_semaphore(%run_scoped3A : memref<!tpu.dma_semaphore, #tpu.memory_space<semaphore_mem>>)
          %dma_wait3A_575 = arith.constant 0 : i32
          %dma_wait3A_576 = tpu.memref_slice %arg18[%mul3A_0, %dma_wait3A_575] : memref<25000x128xf32, #tpu.memory_space<hbm>> -> memref<1480x32xf32, #tpu.memory_space<hbm>>
          %dma_wait3A_577 = arith.constant 0 : i32
          %dma_wait3A_578 = tpu.memref_slice %arg24[%mul3A_0, %dma_wait3A_577] : memref<25088x32xf32, #tpu.memory_space<vmem_shared>> -> memref<1480x32xf32, #tpu.memory_space<vmem_shared>>
          tpu.wait_dma2 semaphore(%run_scoped3A : memref<!tpu.dma_semaphore, #tpu.memory_space<semaphore_mem>>) src(%dma_wait3A_578 : memref<1480x32xf32, #tpu.memory_space<vmem_shared>>) dst(%dma_wait3A_576 : memref<1480x32xf32, #tpu.memory_space<hbm>>)
          tpu.yield
        }) : () -> ()
      } else {
      }
      %barrier3A_174 = arith.constant 0 : index
      tpu.barrier barrier_id(%barrier3A_174)
      "tpu.trace_stop"() : () -> ()
      "tpu.trace_start"() <{level = 10 : i32, message = "feat_pass1"}> : () -> ()
      "tpu.region"() ({
        %run_scoped3A = tpu.sem_alloc : memref<!tpu.dma_semaphore, #tpu.memory_space<semaphore_mem>>
        %dma_start3A_571 = arith.constant 0 : i32
        %dma_start3A_572 = tpu.memref_slice %arg24[%mul3A_0, %dma_start3A_571] : memref<25088x32xf32, #tpu.memory_space<vmem_shared>> -> memref<1568x32xf32, #tpu.memory_space<vmem_shared>>
        tpu.enqueue_dma source(%arg15 : memref<1568x32xf32, #tpu.memory_space<hbm>>) target(%dma_start3A_572 : memref<1568x32xf32, #tpu.memory_space<vmem_shared>>) target_semaphore(%run_scoped3A : memref<!tpu.dma_semaphore, #tpu.memory_space<semaphore_mem>>)
        %dma_wait3A_573 = arith.constant 0 : i32
        %dma_wait3A_574 = tpu.memref_slice %arg24[%mul3A_0, %dma_wait3A_573] : memref<25088x32xf32, #tpu.memory_space<vmem_shared>> -> memref<1568x32xf32, #tpu.memory_space<vmem_shared>>
        tpu.wait_dma2 semaphore(%run_scoped3A : memref<!tpu.dma_semaphore, #tpu.memory_space<semaphore_mem>>) src(%arg15 : memref<1568x32xf32, #tpu.memory_space<hbm>>) dst(%dma_wait3A_574 : memref<1568x32xf32, #tpu.memory_space<vmem_shared>>)
        tpu.yield
      }) : () -> ()
      %eq3A_175 = arith.constant 0 : i32
      %eq3A_176 = arith.cmpi eq, %arg1, %eq3A_175 : i32
      %convert_element_type3A_177 = arith.extui %eq3A_176 : i1 to i32
      %cond3A_178 = arith.constant 0 : i32
      %cond3A_179 = arith.cmpi ne, %convert_element_type3A_177, %cond3A_178 : i32
      scf.if %cond3A_179 {
        "tpu.region"() ({
          %run_scoped3A = tpu.sem_alloc : memref<!tpu.dma_semaphore, #tpu.memory_space<semaphore_mem>>
          tpu.enqueue_dma source(%arg7 : memref<5000x32xf32, #tpu.memory_space<hbm>>) target(%arg25 : memref<5000x32xf32, #tpu.memory_space<vmem_shared>>) target_semaphore(%run_scoped3A : memref<!tpu.dma_semaphore, #tpu.memory_space<semaphore_mem>>)
          tpu.wait_dma2 semaphore(%run_scoped3A : memref<!tpu.dma_semaphore, #tpu.memory_space<semaphore_mem>>) src(%arg7 : memref<5000x32xf32, #tpu.memory_space<hbm>>) dst(%arg25 : memref<5000x32xf32, #tpu.memory_space<vmem_shared>>)
          tpu.yield
        }) : () -> ()
      } else {
      }
      %barrier3A_180 = arith.constant 0 : index
      tpu.barrier barrier_id(%barrier3A_180)
      %dma_start3A_181 = arith.constant 0 : i32
      %dma_start3A_182 = arith.constant 0 : i32
      %dma_start3A_183 = arith.constant 0 : i32
      %dma_start3A_184 = arith.constant 0 : i32
      %dma_start3A_185 = tpu.memref_slice %arg22[%dma_start3A_182, %dma_start3A_183, %dma_start3A_184] : memref<6x128x32xf32, #tpu.memory_space<vmem>> -> memref<1x128x32xf32, #tpu.memory_space<vmem>>
      %dma_start3A_186 = tpu.memref_squeeze %dma_start3A_185 : memref<1x128x32xf32, #tpu.memory_space<vmem>> -> memref<128x32xf32, #tpu.memory_space<vmem>>
      %dma_start3A_187 = arith.constant 0 : i32
      %dma_start3A_188 = tpu.memref_slice %arg21[%dma_start3A_181, %dma_start3A_187] : memref<157x128xi32, #tpu.memory_space<vmem>> -> memref<1x128xi32, #tpu.memory_space<vmem>>
      %dma_start3A_189 = tpu.memref_squeeze %dma_start3A_188 : memref<1x128xi32, #tpu.memory_space<vmem>> -> memref<128xi32, #tpu.memory_space<vmem>>
      %dma_start3A_190 = arith.constant 0 : i32
      %dma_start3A_191 = arith.constant 0 : i32
      %dma_start3A_192 = tpu.memref_slice %arg25[%dma_start3A_190, %dma_start3A_191] : memref<5000x32xf32, #tpu.memory_space<vmem_shared>> -> memref<5000x32xf32, #tpu.memory_space<vmem_shared>>
      tpu.enqueue_indirect_dma source(%dma_start3A_192 : memref<5000x32xf32, #tpu.memory_space<vmem_shared>>) target(%dma_start3A_186 : memref<128x32xf32, #tpu.memory_space<vmem>>) offsets(%dma_start3A_189 : memref<128xi32, #tpu.memory_space<vmem>>) semaphore(%arg26 : memref<!tpu.dma_semaphore, #tpu.memory_space<semaphore_mem>>)
      %dma_start3A_193 = arith.constant 1 : i32
      %dma_start3A_194 = arith.constant 1 : i32
      %dma_start3A_195 = arith.constant 0 : i32
      %dma_start3A_196 = arith.constant 0 : i32
      %dma_start3A_197 = tpu.memref_slice %arg22[%dma_start3A_194, %dma_start3A_195, %dma_start3A_196] : memref<6x128x32xf32, #tpu.memory_space<vmem>> -> memref<1x128x32xf32, #tpu.memory_space<vmem>>
      %dma_start3A_198 = tpu.memref_squeeze %dma_start3A_197 : memref<1x128x32xf32, #tpu.memory_space<vmem>> -> memref<128x32xf32, #tpu.memory_space<vmem>>
      %dma_start3A_199 = arith.constant 0 : i32
      %dma_start3A_200 = tpu.memref_slice %arg21[%dma_start3A_193, %dma_start3A_199] : memref<157x128xi32, #tpu.memory_space<vmem>> -> memref<1x128xi32, #tpu.memory_space<vmem>>
      %dma_start3A_201 = tpu.memref_squeeze %dma_start3A_200 : memref<1x128xi32, #tpu.memory_space<vmem>> -> memref<128xi32, #tpu.memory_space<vmem>>
      %dma_start3A_202 = arith.constant 0 : i32
      %dma_start3A_203 = arith.constant 0 : i32
      %dma_start3A_204 = tpu.memref_slice %arg25[%dma_start3A_202, %dma_start3A_203] : memref<5000x32xf32, #tpu.memory_space<vmem_shared>> -> memref<5000x32xf32, #tpu.memory_space<vmem_shared>>
      tpu.enqueue_indirect_dma source(%dma_start3A_204 : memref<5000x32xf32, #tpu.memory_space<vmem_shared>>) target(%dma_start3A_198 : memref<128x32xf32, #tpu.memory_space<vmem>>) offsets(%dma_start3A_201 : memref<128xi32, #tpu.memory_space<vmem>>) semaphore(%arg26 : memref<!tpu.dma_semaphore, #tpu.memory_space<semaphore_mem>>)
      %dma_start3A_205 = arith.constant 2 : i32
      %dma_start3A_206 = arith.constant 2 : i32
      %dma_start3A_207 = arith.constant 0 : i32
      %dma_start3A_208 = arith.constant 0 : i32
      %dma_start3A_209 = tpu.memref_slice %arg22[%dma_start3A_206, %dma_start3A_207, %dma_start3A_208] : memref<6x128x32xf32, #tpu.memory_space<vmem>> -> memref<1x128x32xf32, #tpu.memory_space<vmem>>
      %dma_start3A_210 = tpu.memref_squeeze %dma_start3A_209 : memref<1x128x32xf32, #tpu.memory_space<vmem>> -> memref<128x32xf32, #tpu.memory_space<vmem>>
      %dma_start3A_211 = arith.constant 0 : i32
      %dma_start3A_212 = tpu.memref_slice %arg21[%dma_start3A_205, %dma_start3A_211] : memref<157x128xi32, #tpu.memory_space<vmem>> -> memref<1x128xi32, #tpu.memory_space<vmem>>
      %dma_start3A_213 = tpu.memref_squeeze %dma_start3A_212 : memref<1x128xi32, #tpu.memory_space<vmem>> -> memref<128xi32, #tpu.memory_space<vmem>>
      %dma_start3A_214 = arith.constant 0 : i32
      %dma_start3A_215 = arith.constant 0 : i32
      %dma_start3A_216 = tpu.memref_slice %arg25[%dma_start3A_214, %dma_start3A_215] : memref<5000x32xf32, #tpu.memory_space<vmem_shared>> -> memref<5000x32xf32, #tpu.memory_space<vmem_shared>>
      tpu.enqueue_indirect_dma source(%dma_start3A_216 : memref<5000x32xf32, #tpu.memory_space<vmem_shared>>) target(%dma_start3A_210 : memref<128x32xf32, #tpu.memory_space<vmem>>) offsets(%dma_start3A_213 : memref<128xi32, #tpu.memory_space<vmem>>) semaphore(%arg26 : memref<!tpu.dma_semaphore, #tpu.memory_space<semaphore_mem>>)
      %scan3A_217 = arith.constant 0 : i32
      %scan3A_218 = arith.constant 0 : i32
      %scan3A_219 = arith.constant 157 : i32
      %scan3A_220 = arith.addi %scan3A_218, %scan3A_219 : i32
      %scan3A_221 = arith.constant 1 : i32
      scf.for %scan3A_571 = %scan3A_218 to %scan3A_220 step %scan3A_221  : i32 {
        %rem3A = arith.constant 6 : i32
        %rem3A_572 = arith.remsi %scan3A_571, %rem3A : i32
        %dma_wait3A_573 = arith.constant 0 : i32
        %dma_wait3A_574 = arith.constant 0 : i32
        %dma_wait3A_575 = tpu.memref_slice %arg22[%rem3A_572, %dma_wait3A_573, %dma_wait3A_574] : memref<6x128x32xf32, #tpu.memory_space<vmem>> -> memref<1x128x32xf32, #tpu.memory_space<vmem>>
        %dma_wait3A_576 = tpu.memref_squeeze %dma_wait3A_575 : memref<1x128x32xf32, #tpu.memory_space<vmem>> -> memref<128x32xf32, #tpu.memory_space<vmem>>
        %dma_wait3A_577 = arith.constant 0 : i32
        %dma_wait3A_578 = tpu.memref_slice %arg21[%scan3A_571, %dma_wait3A_577] : memref<157x128xi32, #tpu.memory_space<vmem>> -> memref<1x128xi32, #tpu.memory_space<vmem>>
        %dma_wait3A_579 = tpu.memref_squeeze %dma_wait3A_578 : memref<1x128xi32, #tpu.memory_space<vmem>> -> memref<128xi32, #tpu.memory_space<vmem>>
        %dma_wait3A_580 = arith.constant 0 : i32
        %dma_wait3A_581 = arith.constant 0 : i32
        %dma_wait3A_582 = tpu.memref_slice %arg25[%dma_wait3A_580, %dma_wait3A_581] : memref<5000x32xf32, #tpu.memory_space<vmem_shared>> -> memref<5000x32xf32, #tpu.memory_space<vmem_shared>>
        tpu.wait_indirect_dma semaphore(%arg26 : memref<!tpu.dma_semaphore, #tpu.memory_space<semaphore_mem>>) src(%dma_wait3A_582 : memref<5000x32xf32, #tpu.memory_space<vmem_shared>>) dst(%dma_wait3A_576 : memref<128x32xf32, #tpu.memory_space<vmem>>)
        %dma_start3A_583 = arith.constant 0 : i32
        %dma_start3A_584 = arith.constant 0 : i32
        %dma_start3A_585 = tpu.memref_slice %arg22[%rem3A_572, %dma_start3A_583, %dma_start3A_584] : memref<6x128x32xf32, #tpu.memory_space<vmem>> -> memref<1x128x32xf32, #tpu.memory_space<vmem>>
        %dma_start3A_586 = tpu.memref_squeeze %dma_start3A_585 : memref<1x128x32xf32, #tpu.memory_space<vmem>> -> memref<128x32xf32, #tpu.memory_space<vmem>>
        %dma_start3A_587 = arith.constant 0 : i32
        %dma_start3A_588 = tpu.memref_slice %arg20[%scan3A_571, %dma_start3A_587] : memref<157x128xi32, #tpu.memory_space<vmem>> -> memref<1x128xi32, #tpu.memory_space<vmem>>
        %dma_start3A_589 = tpu.memref_squeeze %dma_start3A_588 : memref<1x128xi32, #tpu.memory_space<vmem>> -> memref<128xi32, #tpu.memory_space<vmem>>
        %dma_start3A_590 = arith.constant 0 : i32
        %dma_start3A_591 = arith.constant 0 : i32
        %dma_start3A_592 = tpu.memref_slice %arg24[%dma_start3A_590, %dma_start3A_591] : memref<25088x32xf32, #tpu.memory_space<vmem_shared>> -> memref<25088x32xf32, #tpu.memory_space<vmem_shared>>
        tpu.enqueue_indirect_dma source(%dma_start3A_586 : memref<128x32xf32, #tpu.memory_space<vmem>>) target(%dma_start3A_592 : memref<25088x32xf32, #tpu.memory_space<vmem_shared>>) offsets(%dma_start3A_589 : memref<128xi32, #tpu.memory_space<vmem>>) semaphore(%arg27 : memref<!tpu.dma_semaphore, #tpu.memory_space<semaphore_mem>>) {add = true}
        %add3A = arith.constant 3 : i32
        %add3A_593 = arith.addi %scan3A_571, %add3A : i32
        %lt3A_594 = arith.constant 157 : i32
        %lt3A_595 = arith.cmpi slt, %add3A_593, %lt3A_594 : i32
        %convert_element_type3A_596 = arith.extui %lt3A_595 : i1 to i32
        %cond3A_597 = arith.constant 0 : i32
        %cond3A_598 = arith.cmpi ne, %convert_element_type3A_596, %cond3A_597 : i32
        scf.if %cond3A_598 {
          %ge3A = arith.constant 3 : i32
          %ge3A_599 = arith.cmpi sge, %scan3A_571, %ge3A : i32
          %convert_element_type3A_600 = arith.extui %ge3A_599 : i1 to i32
          %cond3A_601 = arith.constant 0 : i32
          %cond3A_602 = arith.cmpi ne, %convert_element_type3A_600, %cond3A_601 : i32
          scf.if %cond3A_602 {
            %dma_wait3A_619 = arith.constant 0 : i32
            %dma_wait3A_620 = arith.constant 0 : i32
            %dma_wait3A_621 = arith.constant 0 : i32
            %dma_wait3A_622 = arith.constant 0 : i32
            %dma_wait3A_623 = tpu.memref_slice %arg22[%dma_wait3A_619, %dma_wait3A_621, %dma_wait3A_622] : memref<6x128x32xf32, #tpu.memory_space<vmem>> -> memref<1x128x32xf32, #tpu.memory_space<vmem>>
            %dma_wait3A_624 = tpu.memref_squeeze %dma_wait3A_623 : memref<1x128x32xf32, #tpu.memory_space<vmem>> -> memref<128x32xf32, #tpu.memory_space<vmem>>
            %dma_wait3A_625 = arith.constant 0 : i32
            %dma_wait3A_626 = tpu.memref_slice %arg20[%dma_wait3A_620, %dma_wait3A_625] : memref<157x128xi32, #tpu.memory_space<vmem>> -> memref<1x128xi32, #tpu.memory_space<vmem>>
            %dma_wait3A_627 = tpu.memref_squeeze %dma_wait3A_626 : memref<1x128xi32, #tpu.memory_space<vmem>> -> memref<128xi32, #tpu.memory_space<vmem>>
            %dma_wait3A_628 = arith.constant 0 : i32
            %dma_wait3A_629 = arith.constant 0 : i32
            %dma_wait3A_630 = tpu.memref_slice %arg24[%dma_wait3A_628, %dma_wait3A_629] : memref<25088x32xf32, #tpu.memory_space<vmem_shared>> -> memref<25088x32xf32, #tpu.memory_space<vmem_shared>>
            tpu.wait_indirect_dma semaphore(%arg27 : memref<!tpu.dma_semaphore, #tpu.memory_space<semaphore_mem>>) src(%dma_wait3A_624 : memref<128x32xf32, #tpu.memory_space<vmem>>) dst(%dma_wait3A_630 : memref<25088x32xf32, #tpu.memory_space<vmem_shared>>)
          } else {
          }
          %add3A_603 = arith.constant 3 : i32
          %add3A_604 = arith.addi %scan3A_571, %add3A_603 : i32
          %add3A_605 = arith.constant 3 : i32
          %add3A_606 = arith.addi %scan3A_571, %add3A_605 : i32
          %rem3A_607 = arith.constant 6 : i32
          %rem3A_608 = arith.remsi %add3A_606, %rem3A_607 : i32
          %dma_start3A_609 = arith.constant 0 : i32
          %dma_start3A_610 = arith.constant 0 : i32
          %dma_start3A_611 = tpu.memref_slice %arg22[%rem3A_608, %dma_start3A_609, %dma_start3A_610] : memref<6x128x32xf32, #tpu.memory_space<vmem>> -> memref<1x128x32xf32, #tpu.memory_space<vmem>>
          %dma_start3A_612 = tpu.memref_squeeze %dma_start3A_611 : memref<1x128x32xf32, #tpu.memory_space<vmem>> -> memref<128x32xf32, #tpu.memory_space<vmem>>
          %dma_start3A_613 = arith.constant 0 : i32
          %dma_start3A_614 = tpu.memref_slice %arg21[%add3A_604, %dma_start3A_613] : memref<157x128xi32, #tpu.memory_space<vmem>> -> memref<1x128xi32, #tpu.memory_space<vmem>>
          %dma_start3A_615 = tpu.memref_squeeze %dma_start3A_614 : memref<1x128xi32, #tpu.memory_space<vmem>> -> memref<128xi32, #tpu.memory_space<vmem>>
          %dma_start3A_616 = arith.constant 0 : i32
          %dma_start3A_617 = arith.constant 0 : i32
          %dma_start3A_618 = tpu.memref_slice %arg25[%dma_start3A_616, %dma_start3A_617] : memref<5000x32xf32, #tpu.memory_space<vmem_shared>> -> memref<5000x32xf32, #tpu.memory_space<vmem_shared>>
          tpu.enqueue_indirect_dma source(%dma_start3A_618 : memref<5000x32xf32, #tpu.memory_space<vmem_shared>>) target(%dma_start3A_612 : memref<128x32xf32, #tpu.memory_space<vmem>>) offsets(%dma_start3A_615 : memref<128xi32, #tpu.memory_space<vmem>>) semaphore(%arg26 : memref<!tpu.dma_semaphore, #tpu.memory_space<semaphore_mem>>)
        } else {
        }
      }
      %scan3A_222 = arith.constant 157 : i32
      %dma_wait3A_223 = arith.constant 0 : i32
      %dma_wait3A_224 = arith.constant 0 : i32
      %dma_wait3A_225 = arith.constant 0 : i32
      %dma_wait3A_226 = arith.constant 0 : i32
      %dma_wait3A_227 = tpu.memref_slice %arg22[%dma_wait3A_223, %dma_wait3A_225, %dma_wait3A_226] : memref<6x128x32xf32, #tpu.memory_space<vmem>> -> memref<1x128x32xf32, #tpu.memory_space<vmem>>
      %dma_wait3A_228 = tpu.memref_squeeze %dma_wait3A_227 : memref<1x128x32xf32, #tpu.memory_space<vmem>> -> memref<128x32xf32, #tpu.memory_space<vmem>>
      %dma_wait3A_229 = arith.constant 0 : i32
      %dma_wait3A_230 = tpu.memref_slice %arg20[%dma_wait3A_224, %dma_wait3A_229] : memref<157x128xi32, #tpu.memory_space<vmem>> -> memref<1x128xi32, #tpu.memory_space<vmem>>
      %dma_wait3A_231 = tpu.memref_squeeze %dma_wait3A_230 : memref<1x128xi32, #tpu.memory_space<vmem>> -> memref<128xi32, #tpu.memory_space<vmem>>
      %dma_wait3A_232 = arith.constant 0 : i32
      %dma_wait3A_233 = arith.constant 0 : i32
      %dma_wait3A_234 = tpu.memref_slice %arg24[%dma_wait3A_232, %dma_wait3A_233] : memref<25088x32xf32, #tpu.memory_space<vmem_shared>> -> memref<25088x32xf32, #tpu.memory_space<vmem_shared>>
      tpu.wait_indirect_dma semaphore(%arg27 : memref<!tpu.dma_semaphore, #tpu.memory_space<semaphore_mem>>) src(%dma_wait3A_228 : memref<128x32xf32, #tpu.memory_space<vmem>>) dst(%dma_wait3A_234 : memref<25088x32xf32, #tpu.memory_space<vmem_shared>>)
      %dma_wait3A_235 = arith.constant 1 : i32
      %dma_wait3A_236 = arith.constant 0 : i32
      %dma_wait3A_237 = arith.constant 0 : i32
      %dma_wait3A_238 = arith.constant 0 : i32
      %dma_wait3A_239 = tpu.memref_slice %arg22[%dma_wait3A_235, %dma_wait3A_237, %dma_wait3A_238] : memref<6x128x32xf32, #tpu.memory_space<vmem>> -> memref<1x128x32xf32, #tpu.memory_space<vmem>>
      %dma_wait3A_240 = tpu.memref_squeeze %dma_wait3A_239 : memref<1x128x32xf32, #tpu.memory_space<vmem>> -> memref<128x32xf32, #tpu.memory_space<vmem>>
      %dma_wait3A_241 = arith.constant 0 : i32
      %dma_wait3A_242 = tpu.memref_slice %arg20[%dma_wait3A_236, %dma_wait3A_241] : memref<157x128xi32, #tpu.memory_space<vmem>> -> memref<1x128xi32, #tpu.memory_space<vmem>>
      %dma_wait3A_243 = tpu.memref_squeeze %dma_wait3A_242 : memref<1x128xi32, #tpu.memory_space<vmem>> -> memref<128xi32, #tpu.memory_space<vmem>>
      %dma_wait3A_244 = arith.constant 0 : i32
      %dma_wait3A_245 = arith.constant 0 : i32
      %dma_wait3A_246 = tpu.memref_slice %arg24[%dma_wait3A_244, %dma_wait3A_245] : memref<25088x32xf32, #tpu.memory_space<vmem_shared>> -> memref<25088x32xf32, #tpu.memory_space<vmem_shared>>
      tpu.wait_indirect_dma semaphore(%arg27 : memref<!tpu.dma_semaphore, #tpu.memory_space<semaphore_mem>>) src(%dma_wait3A_240 : memref<128x32xf32, #tpu.memory_space<vmem>>) dst(%dma_wait3A_246 : memref<25088x32xf32, #tpu.memory_space<vmem_shared>>)
      %dma_wait3A_247 = arith.constant 2 : i32
      %dma_wait3A_248 = arith.constant 0 : i32
      %dma_wait3A_249 = arith.constant 0 : i32
      %dma_wait3A_250 = arith.constant 0 : i32
      %dma_wait3A_251 = tpu.memref_slice %arg22[%dma_wait3A_247, %dma_wait3A_249, %dma_wait3A_250] : memref<6x128x32xf32, #tpu.memory_space<vmem>> -> memref<1x128x32xf32, #tpu.memory_space<vmem>>
      %dma_wait3A_252 = tpu.memref_squeeze %dma_wait3A_251 : memref<1x128x32xf32, #tpu.memory_space<vmem>> -> memref<128x32xf32, #tpu.memory_space<vmem>>
      %dma_wait3A_253 = arith.constant 0 : i32
      %dma_wait3A_254 = tpu.memref_slice %arg20[%dma_wait3A_248, %dma_wait3A_253] : memref<157x128xi32, #tpu.memory_space<vmem>> -> memref<1x128xi32, #tpu.memory_space<vmem>>
      %dma_wait3A_255 = tpu.memref_squeeze %dma_wait3A_254 : memref<1x128xi32, #tpu.memory_space<vmem>> -> memref<128xi32, #tpu.memory_space<vmem>>
      %dma_wait3A_256 = arith.constant 0 : i32
      %dma_wait3A_257 = arith.constant 0 : i32
      %dma_wait3A_258 = tpu.memref_slice %arg24[%dma_wait3A_256, %dma_wait3A_257] : memref<25088x32xf32, #tpu.memory_space<vmem_shared>> -> memref<25088x32xf32, #tpu.memory_space<vmem_shared>>
      tpu.wait_indirect_dma semaphore(%arg27 : memref<!tpu.dma_semaphore, #tpu.memory_space<semaphore_mem>>) src(%dma_wait3A_252 : memref<128x32xf32, #tpu.memory_space<vmem>>) dst(%dma_wait3A_258 : memref<25088x32xf32, #tpu.memory_space<vmem_shared>>)
      %dma_wait3A_259 = arith.constant 3 : i32
      %dma_wait3A_260 = arith.constant 0 : i32
      %dma_wait3A_261 = arith.constant 0 : i32
      %dma_wait3A_262 = arith.constant 0 : i32
      %dma_wait3A_263 = tpu.memref_slice %arg22[%dma_wait3A_259, %dma_wait3A_261, %dma_wait3A_262] : memref<6x128x32xf32, #tpu.memory_space<vmem>> -> memref<1x128x32xf32, #tpu.memory_space<vmem>>
      %dma_wait3A_264 = tpu.memref_squeeze %dma_wait3A_263 : memref<1x128x32xf32, #tpu.memory_space<vmem>> -> memref<128x32xf32, #tpu.memory_space<vmem>>
      %dma_wait3A_265 = arith.constant 0 : i32
      %dma_wait3A_266 = tpu.memref_slice %arg20[%dma_wait3A_260, %dma_wait3A_265] : memref<157x128xi32, #tpu.memory_space<vmem>> -> memref<1x128xi32, #tpu.memory_space<vmem>>
      %dma_wait3A_267 = tpu.memref_squeeze %dma_wait3A_266 : memref<1x128xi32, #tpu.memory_space<vmem>> -> memref<128xi32, #tpu.memory_space<vmem>>
      %dma_wait3A_268 = arith.constant 0 : i32
      %dma_wait3A_269 = arith.constant 0 : i32
      %dma_wait3A_270 = tpu.memref_slice %arg24[%dma_wait3A_268, %dma_wait3A_269] : memref<25088x32xf32, #tpu.memory_space<vmem_shared>> -> memref<25088x32xf32, #tpu.memory_space<vmem_shared>>
      tpu.wait_indirect_dma semaphore(%arg27 : memref<!tpu.dma_semaphore, #tpu.memory_space<semaphore_mem>>) src(%dma_wait3A_264 : memref<128x32xf32, #tpu.memory_space<vmem>>) dst(%dma_wait3A_270 : memref<25088x32xf32, #tpu.memory_space<vmem_shared>>)
      %dma_wait3A_271 = arith.constant 4 : i32
      %dma_wait3A_272 = arith.constant 0 : i32
      %dma_wait3A_273 = arith.constant 0 : i32
      %dma_wait3A_274 = arith.constant 0 : i32
      %dma_wait3A_275 = tpu.memref_slice %arg22[%dma_wait3A_271, %dma_wait3A_273, %dma_wait3A_274] : memref<6x128x32xf32, #tpu.memory_space<vmem>> -> memref<1x128x32xf32, #tpu.memory_space<vmem>>
      %dma_wait3A_276 = tpu.memref_squeeze %dma_wait3A_275 : memref<1x128x32xf32, #tpu.memory_space<vmem>> -> memref<128x32xf32, #tpu.memory_space<vmem>>
      %dma_wait3A_277 = arith.constant 0 : i32
      %dma_wait3A_278 = tpu.memref_slice %arg20[%dma_wait3A_272, %dma_wait3A_277] : memref<157x128xi32, #tpu.memory_space<vmem>> -> memref<1x128xi32, #tpu.memory_space<vmem>>
      %dma_wait3A_279 = tpu.memref_squeeze %dma_wait3A_278 : memref<1x128xi32, #tpu.memory_space<vmem>> -> memref<128xi32, #tpu.memory_space<vmem>>
      %dma_wait3A_280 = arith.constant 0 : i32
      %dma_wait3A_281 = arith.constant 0 : i32
      %dma_wait3A_282 = tpu.memref_slice %arg24[%dma_wait3A_280, %dma_wait3A_281] : memref<25088x32xf32, #tpu.memory_space<vmem_shared>> -> memref<25088x32xf32, #tpu.memory_space<vmem_shared>>
      tpu.wait_indirect_dma semaphore(%arg27 : memref<!tpu.dma_semaphore, #tpu.memory_space<semaphore_mem>>) src(%dma_wait3A_276 : memref<128x32xf32, #tpu.memory_space<vmem>>) dst(%dma_wait3A_282 : memref<25088x32xf32, #tpu.memory_space<vmem_shared>>)
      %dma_wait3A_283 = arith.constant 5 : i32
      %dma_wait3A_284 = arith.constant 0 : i32
      %dma_wait3A_285 = arith.constant 0 : i32
      %dma_wait3A_286 = arith.constant 0 : i32
      %dma_wait3A_287 = tpu.memref_slice %arg22[%dma_wait3A_283, %dma_wait3A_285, %dma_wait3A_286] : memref<6x128x32xf32, #tpu.memory_space<vmem>> -> memref<1x128x32xf32, #tpu.memory_space<vmem>>
      %dma_wait3A_288 = tpu.memref_squeeze %dma_wait3A_287 : memref<1x128x32xf32, #tpu.memory_space<vmem>> -> memref<128x32xf32, #tpu.memory_space<vmem>>
      %dma_wait3A_289 = arith.constant 0 : i32
      %dma_wait3A_290 = tpu.memref_slice %arg20[%dma_wait3A_284, %dma_wait3A_289] : memref<157x128xi32, #tpu.memory_space<vmem>> -> memref<1x128xi32, #tpu.memory_space<vmem>>
      %dma_wait3A_291 = tpu.memref_squeeze %dma_wait3A_290 : memref<1x128xi32, #tpu.memory_space<vmem>> -> memref<128xi32, #tpu.memory_space<vmem>>
      %dma_wait3A_292 = arith.constant 0 : i32
      %dma_wait3A_293 = arith.constant 0 : i32
      %dma_wait3A_294 = tpu.memref_slice %arg24[%dma_wait3A_292, %dma_wait3A_293] : memref<25088x32xf32, #tpu.memory_space<vmem_shared>> -> memref<25088x32xf32, #tpu.memory_space<vmem_shared>>
      tpu.wait_indirect_dma semaphore(%arg27 : memref<!tpu.dma_semaphore, #tpu.memory_space<semaphore_mem>>) src(%dma_wait3A_288 : memref<128x32xf32, #tpu.memory_space<vmem>>) dst(%dma_wait3A_294 : memref<25088x32xf32, #tpu.memory_space<vmem_shared>>)
      %barrier3A_295 = arith.constant 0 : index
      tpu.barrier barrier_id(%barrier3A_295)
      %lt3A_296 = arith.constant 15 : i32
      %lt3A_297 = arith.cmpi slt, %arg1, %lt3A_296 : i32
      %convert_element_type3A_298 = arith.extui %lt3A_297 : i1 to i32
      %cond3A_299 = arith.constant 0 : i32
      %cond3A_300 = arith.cmpi ne, %convert_element_type3A_298, %cond3A_299 : i32
      scf.if %cond3A_300 {
        "tpu.region"() ({
          %run_scoped3A = tpu.sem_alloc : memref<!tpu.dma_semaphore, #tpu.memory_space<semaphore_mem>>
          %dma_start3A_571 = arith.constant 32 : i32
          %dma_start3A_572 = tpu.memref_slice %arg18[%mul3A_0, %dma_start3A_571] : memref<25000x128xf32, #tpu.memory_space<hbm>> -> memref<1568x32xf32, #tpu.memory_space<hbm>>
          %dma_start3A_573 = arith.constant 0 : i32
          %dma_start3A_574 = tpu.memref_slice %arg24[%mul3A_0, %dma_start3A_573] : memref<25088x32xf32, #tpu.memory_space<vmem_shared>> -> memref<1568x32xf32, #tpu.memory_space<vmem_shared>>
          tpu.enqueue_dma source(%dma_start3A_574 : memref<1568x32xf32, #tpu.memory_space<vmem_shared>>) target(%dma_start3A_572 : memref<1568x32xf32, #tpu.memory_space<hbm>>) target_semaphore(%run_scoped3A : memref<!tpu.dma_semaphore, #tpu.memory_space<semaphore_mem>>)
          %dma_wait3A_575 = arith.constant 32 : i32
          %dma_wait3A_576 = tpu.memref_slice %arg18[%mul3A_0, %dma_wait3A_575] : memref<25000x128xf32, #tpu.memory_space<hbm>> -> memref<1568x32xf32, #tpu.memory_space<hbm>>
          %dma_wait3A_577 = arith.constant 0 : i32
          %dma_wait3A_578 = tpu.memref_slice %arg24[%mul3A_0, %dma_wait3A_577] : memref<25088x32xf32, #tpu.memory_space<vmem_shared>> -> memref<1568x32xf32, #tpu.memory_space<vmem_shared>>
          tpu.wait_dma2 semaphore(%run_scoped3A : memref<!tpu.dma_semaphore, #tpu.memory_space<semaphore_mem>>) src(%dma_wait3A_578 : memref<1568x32xf32, #tpu.memory_space<vmem_shared>>) dst(%dma_wait3A_576 : memref<1568x32xf32, #tpu.memory_space<hbm>>)
          tpu.yield
        }) : () -> ()
      } else {
      }
      %eq3A_301 = arith.constant 15 : i32
      %eq3A_302 = arith.cmpi eq, %arg1, %eq3A_301 : i32
      %convert_element_type3A_303 = arith.extui %eq3A_302 : i1 to i32
      %cond3A_304 = arith.constant 0 : i32
      %cond3A_305 = arith.cmpi ne, %convert_element_type3A_303, %cond3A_304 : i32
      scf.if %cond3A_305 {
        "tpu.region"() ({
          %run_scoped3A = tpu.sem_alloc : memref<!tpu.dma_semaphore, #tpu.memory_space<semaphore_mem>>
          %dma_start3A_571 = arith.constant 32 : i32
          %dma_start3A_572 = tpu.memref_slice %arg18[%mul3A_0, %dma_start3A_571] : memref<25000x128xf32, #tpu.memory_space<hbm>> -> memref<1480x32xf32, #tpu.memory_space<hbm>>
          %dma_start3A_573 = arith.constant 0 : i32
          %dma_start3A_574 = tpu.memref_slice %arg24[%mul3A_0, %dma_start3A_573] : memref<25088x32xf32, #tpu.memory_space<vmem_shared>> -> memref<1480x32xf32, #tpu.memory_space<vmem_shared>>
          tpu.enqueue_dma source(%dma_start3A_574 : memref<1480x32xf32, #tpu.memory_space<vmem_shared>>) target(%dma_start3A_572 : memref<1480x32xf32, #tpu.memory_space<hbm>>) target_semaphore(%run_scoped3A : memref<!tpu.dma_semaphore, #tpu.memory_space<semaphore_mem>>)
          %dma_wait3A_575 = arith.constant 32 : i32
          %dma_wait3A_576 = tpu.memref_slice %arg18[%mul3A_0, %dma_wait3A_575] : memref<25000x128xf32, #tpu.memory_space<hbm>> -> memref<1480x32xf32, #tpu.memory_space<hbm>>
          %dma_wait3A_577 = arith.constant 0 : i32
          %dma_wait3A_578 = tpu.memref_slice %arg24[%mul3A_0, %dma_wait3A_577] : memref<25088x32xf32, #tpu.memory_space<vmem_shared>> -> memref<1480x32xf32, #tpu.memory_space<vmem_shared>>
          tpu.wait_dma2 semaphore(%run_scoped3A : memref<!tpu.dma_semaphore, #tpu.memory_space<semaphore_mem>>) src(%dma_wait3A_578 : memref<1480x32xf32, #tpu.memory_space<vmem_shared>>) dst(%dma_wait3A_576 : memref<1480x32xf32, #tpu.memory_space<hbm>>)
          tpu.yield
        }) : () -> ()
      } else {
      }
      %barrier3A_306 = arith.constant 0 : index
      tpu.barrier barrier_id(%barrier3A_306)
      "tpu.trace_stop"() : () -> ()
      "tpu.trace_start"() <{level = 10 : i32, message = "feat_pass2"}> : () -> ()
      "tpu.region"() ({
        %run_scoped3A = tpu.sem_alloc : memref<!tpu.dma_semaphore, #tpu.memory_space<semaphore_mem>>
        %dma_start3A_571 = arith.constant 0 : i32
        %dma_start3A_572 = tpu.memref_slice %arg24[%mul3A_0, %dma_start3A_571] : memref<25088x32xf32, #tpu.memory_space<vmem_shared>> -> memref<1568x32xf32, #tpu.memory_space<vmem_shared>>
        tpu.enqueue_dma source(%arg15 : memref<1568x32xf32, #tpu.memory_space<hbm>>) target(%dma_start3A_572 : memref<1568x32xf32, #tpu.memory_space<vmem_shared>>) target_semaphore(%run_scoped3A : memref<!tpu.dma_semaphore, #tpu.memory_space<semaphore_mem>>)
        %dma_wait3A_573 = arith.constant 0 : i32
        %dma_wait3A_574 = tpu.memref_slice %arg24[%mul3A_0, %dma_wait3A_573] : memref<25088x32xf32, #tpu.memory_space<vmem_shared>> -> memref<1568x32xf32, #tpu.memory_space<vmem_shared>>
        tpu.wait_dma2 semaphore(%run_scoped3A : memref<!tpu.dma_semaphore, #tpu.memory_space<semaphore_mem>>) src(%arg15 : memref<1568x32xf32, #tpu.memory_space<hbm>>) dst(%dma_wait3A_574 : memref<1568x32xf32, #tpu.memory_space<vmem_shared>>)
        tpu.yield
      }) : () -> ()
      %eq3A_307 = arith.constant 0 : i32
      %eq3A_308 = arith.cmpi eq, %arg1, %eq3A_307 : i32
      %convert_element_type3A_309 = arith.extui %eq3A_308 : i1 to i32
      %cond3A_310 = arith.constant 0 : i32
      %cond3A_311 = arith.cmpi ne, %convert_element_type3A_309, %cond3A_310 : i32
      scf.if %cond3A_311 {
        "tpu.region"() ({
          %run_scoped3A = tpu.sem_alloc : memref<!tpu.dma_semaphore, #tpu.memory_space<semaphore_mem>>
          tpu.enqueue_dma source(%arg8 : memref<5000x32xf32, #tpu.memory_space<hbm>>) target(%arg25 : memref<5000x32xf32, #tpu.memory_space<vmem_shared>>) target_semaphore(%run_scoped3A : memref<!tpu.dma_semaphore, #tpu.memory_space<semaphore_mem>>)
          tpu.wait_dma2 semaphore(%run_scoped3A : memref<!tpu.dma_semaphore, #tpu.memory_space<semaphore_mem>>) src(%arg8 : memref<5000x32xf32, #tpu.memory_space<hbm>>) dst(%arg25 : memref<5000x32xf32, #tpu.memory_space<vmem_shared>>)
          tpu.yield
        }) : () -> ()
      } else {
      }
      %barrier3A_312 = arith.constant 0 : index
      tpu.barrier barrier_id(%barrier3A_312)
      %dma_start3A_313 = arith.constant 0 : i32
      %dma_start3A_314 = arith.constant 0 : i32
      %dma_start3A_315 = arith.constant 0 : i32
      %dma_start3A_316 = arith.constant 0 : i32
      %dma_start3A_317 = tpu.memref_slice %arg22[%dma_start3A_314, %dma_start3A_315, %dma_start3A_316] : memref<6x128x32xf32, #tpu.memory_space<vmem>> -> memref<1x128x32xf32, #tpu.memory_space<vmem>>
      %dma_start3A_318 = tpu.memref_squeeze %dma_start3A_317 : memref<1x128x32xf32, #tpu.memory_space<vmem>> -> memref<128x32xf32, #tpu.memory_space<vmem>>
      %dma_start3A_319 = arith.constant 0 : i32
      %dma_start3A_320 = tpu.memref_slice %arg21[%dma_start3A_313, %dma_start3A_319] : memref<157x128xi32, #tpu.memory_space<vmem>> -> memref<1x128xi32, #tpu.memory_space<vmem>>
      %dma_start3A_321 = tpu.memref_squeeze %dma_start3A_320 : memref<1x128xi32, #tpu.memory_space<vmem>> -> memref<128xi32, #tpu.memory_space<vmem>>
      %dma_start3A_322 = arith.constant 0 : i32
      %dma_start3A_323 = arith.constant 0 : i32
      %dma_start3A_324 = tpu.memref_slice %arg25[%dma_start3A_322, %dma_start3A_323] : memref<5000x32xf32, #tpu.memory_space<vmem_shared>> -> memref<5000x32xf32, #tpu.memory_space<vmem_shared>>
      tpu.enqueue_indirect_dma source(%dma_start3A_324 : memref<5000x32xf32, #tpu.memory_space<vmem_shared>>) target(%dma_start3A_318 : memref<128x32xf32, #tpu.memory_space<vmem>>) offsets(%dma_start3A_321 : memref<128xi32, #tpu.memory_space<vmem>>) semaphore(%arg26 : memref<!tpu.dma_semaphore, #tpu.memory_space<semaphore_mem>>)
      %dma_start3A_325 = arith.constant 1 : i32
      %dma_start3A_326 = arith.constant 1 : i32
      %dma_start3A_327 = arith.constant 0 : i32
      %dma_start3A_328 = arith.constant 0 : i32
      %dma_start3A_329 = tpu.memref_slice %arg22[%dma_start3A_326, %dma_start3A_327, %dma_start3A_328] : memref<6x128x32xf32, #tpu.memory_space<vmem>> -> memref<1x128x32xf32, #tpu.memory_space<vmem>>
      %dma_start3A_330 = tpu.memref_squeeze %dma_start3A_329 : memref<1x128x32xf32, #tpu.memory_space<vmem>> -> memref<128x32xf32, #tpu.memory_space<vmem>>
      %dma_start3A_331 = arith.constant 0 : i32
      %dma_start3A_332 = tpu.memref_slice %arg21[%dma_start3A_325, %dma_start3A_331] : memref<157x128xi32, #tpu.memory_space<vmem>> -> memref<1x128xi32, #tpu.memory_space<vmem>>
      %dma_start3A_333 = tpu.memref_squeeze %dma_start3A_332 : memref<1x128xi32, #tpu.memory_space<vmem>> -> memref<128xi32, #tpu.memory_space<vmem>>
      %dma_start3A_334 = arith.constant 0 : i32
      %dma_start3A_335 = arith.constant 0 : i32
      %dma_start3A_336 = tpu.memref_slice %arg25[%dma_start3A_334, %dma_start3A_335] : memref<5000x32xf32, #tpu.memory_space<vmem_shared>> -> memref<5000x32xf32, #tpu.memory_space<vmem_shared>>
      tpu.enqueue_indirect_dma source(%dma_start3A_336 : memref<5000x32xf32, #tpu.memory_space<vmem_shared>>) target(%dma_start3A_330 : memref<128x32xf32, #tpu.memory_space<vmem>>) offsets(%dma_start3A_333 : memref<128xi32, #tpu.memory_space<vmem>>) semaphore(%arg26 : memref<!tpu.dma_semaphore, #tpu.memory_space<semaphore_mem>>)
      %dma_start3A_337 = arith.constant 2 : i32
      %dma_start3A_338 = arith.constant 2 : i32
      %dma_start3A_339 = arith.constant 0 : i32
      %dma_start3A_340 = arith.constant 0 : i32
      %dma_start3A_341 = tpu.memref_slice %arg22[%dma_start3A_338, %dma_start3A_339, %dma_start3A_340] : memref<6x128x32xf32, #tpu.memory_space<vmem>> -> memref<1x128x32xf32, #tpu.memory_space<vmem>>
      %dma_start3A_342 = tpu.memref_squeeze %dma_start3A_341 : memref<1x128x32xf32, #tpu.memory_space<vmem>> -> memref<128x32xf32, #tpu.memory_space<vmem>>
      %dma_start3A_343 = arith.constant 0 : i32
      %dma_start3A_344 = tpu.memref_slice %arg21[%dma_start3A_337, %dma_start3A_343] : memref<157x128xi32, #tpu.memory_space<vmem>> -> memref<1x128xi32, #tpu.memory_space<vmem>>
      %dma_start3A_345 = tpu.memref_squeeze %dma_start3A_344 : memref<1x128xi32, #tpu.memory_space<vmem>> -> memref<128xi32, #tpu.memory_space<vmem>>
      %dma_start3A_346 = arith.constant 0 : i32
      %dma_start3A_347 = arith.constant 0 : i32
      %dma_start3A_348 = tpu.memref_slice %arg25[%dma_start3A_346, %dma_start3A_347] : memref<5000x32xf32, #tpu.memory_space<vmem_shared>> -> memref<5000x32xf32, #tpu.memory_space<vmem_shared>>
      tpu.enqueue_indirect_dma source(%dma_start3A_348 : memref<5000x32xf32, #tpu.memory_space<vmem_shared>>) target(%dma_start3A_342 : memref<128x32xf32, #tpu.memory_space<vmem>>) offsets(%dma_start3A_345 : memref<128xi32, #tpu.memory_space<vmem>>) semaphore(%arg26 : memref<!tpu.dma_semaphore, #tpu.memory_space<semaphore_mem>>)
      %scan3A_349 = arith.constant 0 : i32
      %scan3A_350 = arith.constant 0 : i32
      %scan3A_351 = arith.constant 157 : i32
      %scan3A_352 = arith.addi %scan3A_350, %scan3A_351 : i32
      %scan3A_353 = arith.constant 1 : i32
      scf.for %scan3A_571 = %scan3A_350 to %scan3A_352 step %scan3A_353  : i32 {
        %rem3A = arith.constant 6 : i32
        %rem3A_572 = arith.remsi %scan3A_571, %rem3A : i32
        %dma_wait3A_573 = arith.constant 0 : i32
        %dma_wait3A_574 = arith.constant 0 : i32
        %dma_wait3A_575 = tpu.memref_slice %arg22[%rem3A_572, %dma_wait3A_573, %dma_wait3A_574] : memref<6x128x32xf32, #tpu.memory_space<vmem>> -> memref<1x128x32xf32, #tpu.memory_space<vmem>>
        %dma_wait3A_576 = tpu.memref_squeeze %dma_wait3A_575 : memref<1x128x32xf32, #tpu.memory_space<vmem>> -> memref<128x32xf32, #tpu.memory_space<vmem>>
        %dma_wait3A_577 = arith.constant 0 : i32
        %dma_wait3A_578 = tpu.memref_slice %arg21[%scan3A_571, %dma_wait3A_577] : memref<157x128xi32, #tpu.memory_space<vmem>> -> memref<1x128xi32, #tpu.memory_space<vmem>>
        %dma_wait3A_579 = tpu.memref_squeeze %dma_wait3A_578 : memref<1x128xi32, #tpu.memory_space<vmem>> -> memref<128xi32, #tpu.memory_space<vmem>>
        %dma_wait3A_580 = arith.constant 0 : i32
        %dma_wait3A_581 = arith.constant 0 : i32
        %dma_wait3A_582 = tpu.memref_slice %arg25[%dma_wait3A_580, %dma_wait3A_581] : memref<5000x32xf32, #tpu.memory_space<vmem_shared>> -> memref<5000x32xf32, #tpu.memory_space<vmem_shared>>
        tpu.wait_indirect_dma semaphore(%arg26 : memref<!tpu.dma_semaphore, #tpu.memory_space<semaphore_mem>>) src(%dma_wait3A_582 : memref<5000x32xf32, #tpu.memory_space<vmem_shared>>) dst(%dma_wait3A_576 : memref<128x32xf32, #tpu.memory_space<vmem>>)
        %dma_start3A_583 = arith.constant 0 : i32
        %dma_start3A_584 = arith.constant 0 : i32
        %dma_start3A_585 = tpu.memref_slice %arg22[%rem3A_572, %dma_start3A_583, %dma_start3A_584] : memref<6x128x32xf32, #tpu.memory_space<vmem>> -> memref<1x128x32xf32, #tpu.memory_space<vmem>>
        %dma_start3A_586 = tpu.memref_squeeze %dma_start3A_585 : memref<1x128x32xf32, #tpu.memory_space<vmem>> -> memref<128x32xf32, #tpu.memory_space<vmem>>
        %dma_start3A_587 = arith.constant 0 : i32
        %dma_start3A_588 = tpu.memref_slice %arg20[%scan3A_571, %dma_start3A_587] : memref<157x128xi32, #tpu.memory_space<vmem>> -> memref<1x128xi32, #tpu.memory_space<vmem>>
        %dma_start3A_589 = tpu.memref_squeeze %dma_start3A_588 : memref<1x128xi32, #tpu.memory_space<vmem>> -> memref<128xi32, #tpu.memory_space<vmem>>
        %dma_start3A_590 = arith.constant 0 : i32
        %dma_start3A_591 = arith.constant 0 : i32
        %dma_start3A_592 = tpu.memref_slice %arg24[%dma_start3A_590, %dma_start3A_591] : memref<25088x32xf32, #tpu.memory_space<vmem_shared>> -> memref<25088x32xf32, #tpu.memory_space<vmem_shared>>
        tpu.enqueue_indirect_dma source(%dma_start3A_586 : memref<128x32xf32, #tpu.memory_space<vmem>>) target(%dma_start3A_592 : memref<25088x32xf32, #tpu.memory_space<vmem_shared>>) offsets(%dma_start3A_589 : memref<128xi32, #tpu.memory_space<vmem>>) semaphore(%arg27 : memref<!tpu.dma_semaphore, #tpu.memory_space<semaphore_mem>>) {add = true}
        %add3A = arith.constant 3 : i32
        %add3A_593 = arith.addi %scan3A_571, %add3A : i32
        %lt3A_594 = arith.constant 157 : i32
        %lt3A_595 = arith.cmpi slt, %add3A_593, %lt3A_594 : i32
        %convert_element_type3A_596 = arith.extui %lt3A_595 : i1 to i32
        %cond3A_597 = arith.constant 0 : i32
        %cond3A_598 = arith.cmpi ne, %convert_element_type3A_596, %cond3A_597 : i32
        scf.if %cond3A_598 {
          %ge3A = arith.constant 3 : i32
          %ge3A_599 = arith.cmpi sge, %scan3A_571, %ge3A : i32
          %convert_element_type3A_600 = arith.extui %ge3A_599 : i1 to i32
          %cond3A_601 = arith.constant 0 : i32
          %cond3A_602 = arith.cmpi ne, %convert_element_type3A_600, %cond3A_601 : i32
          scf.if %cond3A_602 {
            %dma_wait3A_619 = arith.constant 0 : i32
            %dma_wait3A_620 = arith.constant 0 : i32
            %dma_wait3A_621 = arith.constant 0 : i32
            %dma_wait3A_622 = arith.constant 0 : i32
            %dma_wait3A_623 = tpu.memref_slice %arg22[%dma_wait3A_619, %dma_wait3A_621, %dma_wait3A_622] : memref<6x128x32xf32, #tpu.memory_space<vmem>> -> memref<1x128x32xf32, #tpu.memory_space<vmem>>
            %dma_wait3A_624 = tpu.memref_squeeze %dma_wait3A_623 : memref<1x128x32xf32, #tpu.memory_space<vmem>> -> memref<128x32xf32, #tpu.memory_space<vmem>>
            %dma_wait3A_625 = arith.constant 0 : i32
            %dma_wait3A_626 = tpu.memref_slice %arg20[%dma_wait3A_620, %dma_wait3A_625] : memref<157x128xi32, #tpu.memory_space<vmem>> -> memref<1x128xi32, #tpu.memory_space<vmem>>
            %dma_wait3A_627 = tpu.memref_squeeze %dma_wait3A_626 : memref<1x128xi32, #tpu.memory_space<vmem>> -> memref<128xi32, #tpu.memory_space<vmem>>
            %dma_wait3A_628 = arith.constant 0 : i32
            %dma_wait3A_629 = arith.constant 0 : i32
            %dma_wait3A_630 = tpu.memref_slice %arg24[%dma_wait3A_628, %dma_wait3A_629] : memref<25088x32xf32, #tpu.memory_space<vmem_shared>> -> memref<25088x32xf32, #tpu.memory_space<vmem_shared>>
            tpu.wait_indirect_dma semaphore(%arg27 : memref<!tpu.dma_semaphore, #tpu.memory_space<semaphore_mem>>) src(%dma_wait3A_624 : memref<128x32xf32, #tpu.memory_space<vmem>>) dst(%dma_wait3A_630 : memref<25088x32xf32, #tpu.memory_space<vmem_shared>>)
          } else {
          }
          %add3A_603 = arith.constant 3 : i32
          %add3A_604 = arith.addi %scan3A_571, %add3A_603 : i32
          %add3A_605 = arith.constant 3 : i32
          %add3A_606 = arith.addi %scan3A_571, %add3A_605 : i32
          %rem3A_607 = arith.constant 6 : i32
          %rem3A_608 = arith.remsi %add3A_606, %rem3A_607 : i32
          %dma_start3A_609 = arith.constant 0 : i32
          %dma_start3A_610 = arith.constant 0 : i32
          %dma_start3A_611 = tpu.memref_slice %arg22[%rem3A_608, %dma_start3A_609, %dma_start3A_610] : memref<6x128x32xf32, #tpu.memory_space<vmem>> -> memref<1x128x32xf32, #tpu.memory_space<vmem>>
          %dma_start3A_612 = tpu.memref_squeeze %dma_start3A_611 : memref<1x128x32xf32, #tpu.memory_space<vmem>> -> memref<128x32xf32, #tpu.memory_space<vmem>>
          %dma_start3A_613 = arith.constant 0 : i32
          %dma_start3A_614 = tpu.memref_slice %arg21[%add3A_604, %dma_start3A_613] : memref<157x128xi32, #tpu.memory_space<vmem>> -> memref<1x128xi32, #tpu.memory_space<vmem>>
          %dma_start3A_615 = tpu.memref_squeeze %dma_start3A_614 : memref<1x128xi32, #tpu.memory_space<vmem>> -> memref<128xi32, #tpu.memory_space<vmem>>
          %dma_start3A_616 = arith.constant 0 : i32
          %dma_start3A_617 = arith.constant 0 : i32
          %dma_start3A_618 = tpu.memref_slice %arg25[%dma_start3A_616, %dma_start3A_617] : memref<5000x32xf32, #tpu.memory_space<vmem_shared>> -> memref<5000x32xf32, #tpu.memory_space<vmem_shared>>
          tpu.enqueue_indirect_dma source(%dma_start3A_618 : memref<5000x32xf32, #tpu.memory_space<vmem_shared>>) target(%dma_start3A_612 : memref<128x32xf32, #tpu.memory_space<vmem>>) offsets(%dma_start3A_615 : memref<128xi32, #tpu.memory_space<vmem>>) semaphore(%arg26 : memref<!tpu.dma_semaphore, #tpu.memory_space<semaphore_mem>>)
        } else {
        }
      }
      %scan3A_354 = arith.constant 157 : i32
      %dma_wait3A_355 = arith.constant 0 : i32
      %dma_wait3A_356 = arith.constant 0 : i32
      %dma_wait3A_357 = arith.constant 0 : i32
      %dma_wait3A_358 = arith.constant 0 : i32
      %dma_wait3A_359 = tpu.memref_slice %arg22[%dma_wait3A_355, %dma_wait3A_357, %dma_wait3A_358] : memref<6x128x32xf32, #tpu.memory_space<vmem>> -> memref<1x128x32xf32, #tpu.memory_space<vmem>>
      %dma_wait3A_360 = tpu.memref_squeeze %dma_wait3A_359 : memref<1x128x32xf32, #tpu.memory_space<vmem>> -> memref<128x32xf32, #tpu.memory_space<vmem>>
      %dma_wait3A_361 = arith.constant 0 : i32
      %dma_wait3A_362 = tpu.memref_slice %arg20[%dma_wait3A_356, %dma_wait3A_361] : memref<157x128xi32, #tpu.memory_space<vmem>> -> memref<1x128xi32, #tpu.memory_space<vmem>>
      %dma_wait3A_363 = tpu.memref_squeeze %dma_wait3A_362 : memref<1x128xi32, #tpu.memory_space<vmem>> -> memref<128xi32, #tpu.memory_space<vmem>>
      %dma_wait3A_364 = arith.constant 0 : i32
      %dma_wait3A_365 = arith.constant 0 : i32
      %dma_wait3A_366 = tpu.memref_slice %arg24[%dma_wait3A_364, %dma_wait3A_365] : memref<25088x32xf32, #tpu.memory_space<vmem_shared>> -> memref<25088x32xf32, #tpu.memory_space<vmem_shared>>
      tpu.wait_indirect_dma semaphore(%arg27 : memref<!tpu.dma_semaphore, #tpu.memory_space<semaphore_mem>>) src(%dma_wait3A_360 : memref<128x32xf32, #tpu.memory_space<vmem>>) dst(%dma_wait3A_366 : memref<25088x32xf32, #tpu.memory_space<vmem_shared>>)
      %dma_wait3A_367 = arith.constant 1 : i32
      %dma_wait3A_368 = arith.constant 0 : i32
      %dma_wait3A_369 = arith.constant 0 : i32
      %dma_wait3A_370 = arith.constant 0 : i32
      %dma_wait3A_371 = tpu.memref_slice %arg22[%dma_wait3A_367, %dma_wait3A_369, %dma_wait3A_370] : memref<6x128x32xf32, #tpu.memory_space<vmem>> -> memref<1x128x32xf32, #tpu.memory_space<vmem>>
      %dma_wait3A_372 = tpu.memref_squeeze %dma_wait3A_371 : memref<1x128x32xf32, #tpu.memory_space<vmem>> -> memref<128x32xf32, #tpu.memory_space<vmem>>
      %dma_wait3A_373 = arith.constant 0 : i32
      %dma_wait3A_374 = tpu.memref_slice %arg20[%dma_wait3A_368, %dma_wait3A_373] : memref<157x128xi32, #tpu.memory_space<vmem>> -> memref<1x128xi32, #tpu.memory_space<vmem>>
      %dma_wait3A_375 = tpu.memref_squeeze %dma_wait3A_374 : memref<1x128xi32, #tpu.memory_space<vmem>> -> memref<128xi32, #tpu.memory_space<vmem>>
      %dma_wait3A_376 = arith.constant 0 : i32
      %dma_wait3A_377 = arith.constant 0 : i32
      %dma_wait3A_378 = tpu.memref_slice %arg24[%dma_wait3A_376, %dma_wait3A_377] : memref<25088x32xf32, #tpu.memory_space<vmem_shared>> -> memref<25088x32xf32, #tpu.memory_space<vmem_shared>>
      tpu.wait_indirect_dma semaphore(%arg27 : memref<!tpu.dma_semaphore, #tpu.memory_space<semaphore_mem>>) src(%dma_wait3A_372 : memref<128x32xf32, #tpu.memory_space<vmem>>) dst(%dma_wait3A_378 : memref<25088x32xf32, #tpu.memory_space<vmem_shared>>)
      %dma_wait3A_379 = arith.constant 2 : i32
      %dma_wait3A_380 = arith.constant 0 : i32
      %dma_wait3A_381 = arith.constant 0 : i32
      %dma_wait3A_382 = arith.constant 0 : i32
      %dma_wait3A_383 = tpu.memref_slice %arg22[%dma_wait3A_379, %dma_wait3A_381, %dma_wait3A_382] : memref<6x128x32xf32, #tpu.memory_space<vmem>> -> memref<1x128x32xf32, #tpu.memory_space<vmem>>
      %dma_wait3A_384 = tpu.memref_squeeze %dma_wait3A_383 : memref<1x128x32xf32, #tpu.memory_space<vmem>> -> memref<128x32xf32, #tpu.memory_space<vmem>>
      %dma_wait3A_385 = arith.constant 0 : i32
      %dma_wait3A_386 = tpu.memref_slice %arg20[%dma_wait3A_380, %dma_wait3A_385] : memref<157x128xi32, #tpu.memory_space<vmem>> -> memref<1x128xi32, #tpu.memory_space<vmem>>
      %dma_wait3A_387 = tpu.memref_squeeze %dma_wait3A_386 : memref<1x128xi32, #tpu.memory_space<vmem>> -> memref<128xi32, #tpu.memory_space<vmem>>
      %dma_wait3A_388 = arith.constant 0 : i32
      %dma_wait3A_389 = arith.constant 0 : i32
      %dma_wait3A_390 = tpu.memref_slice %arg24[%dma_wait3A_388, %dma_wait3A_389] : memref<25088x32xf32, #tpu.memory_space<vmem_shared>> -> memref<25088x32xf32, #tpu.memory_space<vmem_shared>>
      tpu.wait_indirect_dma semaphore(%arg27 : memref<!tpu.dma_semaphore, #tpu.memory_space<semaphore_mem>>) src(%dma_wait3A_384 : memref<128x32xf32, #tpu.memory_space<vmem>>) dst(%dma_wait3A_390 : memref<25088x32xf32, #tpu.memory_space<vmem_shared>>)
      %dma_wait3A_391 = arith.constant 3 : i32
      %dma_wait3A_392 = arith.constant 0 : i32
      %dma_wait3A_393 = arith.constant 0 : i32
      %dma_wait3A_394 = arith.constant 0 : i32
      %dma_wait3A_395 = tpu.memref_slice %arg22[%dma_wait3A_391, %dma_wait3A_393, %dma_wait3A_394] : memref<6x128x32xf32, #tpu.memory_space<vmem>> -> memref<1x128x32xf32, #tpu.memory_space<vmem>>
      %dma_wait3A_396 = tpu.memref_squeeze %dma_wait3A_395 : memref<1x128x32xf32, #tpu.memory_space<vmem>> -> memref<128x32xf32, #tpu.memory_space<vmem>>
      %dma_wait3A_397 = arith.constant 0 : i32
      %dma_wait3A_398 = tpu.memref_slice %arg20[%dma_wait3A_392, %dma_wait3A_397] : memref<157x128xi32, #tpu.memory_space<vmem>> -> memref<1x128xi32, #tpu.memory_space<vmem>>
      %dma_wait3A_399 = tpu.memref_squeeze %dma_wait3A_398 : memref<1x128xi32, #tpu.memory_space<vmem>> -> memref<128xi32, #tpu.memory_space<vmem>>
      %dma_wait3A_400 = arith.constant 0 : i32
      %dma_wait3A_401 = arith.constant 0 : i32
      %dma_wait3A_402 = tpu.memref_slice %arg24[%dma_wait3A_400, %dma_wait3A_401] : memref<25088x32xf32, #tpu.memory_space<vmem_shared>> -> memref<25088x32xf32, #tpu.memory_space<vmem_shared>>
      tpu.wait_indirect_dma semaphore(%arg27 : memref<!tpu.dma_semaphore, #tpu.memory_space<semaphore_mem>>) src(%dma_wait3A_396 : memref<128x32xf32, #tpu.memory_space<vmem>>) dst(%dma_wait3A_402 : memref<25088x32xf32, #tpu.memory_space<vmem_shared>>)
      %dma_wait3A_403 = arith.constant 4 : i32
      %dma_wait3A_404 = arith.constant 0 : i32
      %dma_wait3A_405 = arith.constant 0 : i32
      %dma_wait3A_406 = arith.constant 0 : i32
      %dma_wait3A_407 = tpu.memref_slice %arg22[%dma_wait3A_403, %dma_wait3A_405, %dma_wait3A_406] : memref<6x128x32xf32, #tpu.memory_space<vmem>> -> memref<1x128x32xf32, #tpu.memory_space<vmem>>
      %dma_wait3A_408 = tpu.memref_squeeze %dma_wait3A_407 : memref<1x128x32xf32, #tpu.memory_space<vmem>> -> memref<128x32xf32, #tpu.memory_space<vmem>>
      %dma_wait3A_409 = arith.constant 0 : i32
      %dma_wait3A_410 = tpu.memref_slice %arg20[%dma_wait3A_404, %dma_wait3A_409] : memref<157x128xi32, #tpu.memory_space<vmem>> -> memref<1x128xi32, #tpu.memory_space<vmem>>
      %dma_wait3A_411 = tpu.memref_squeeze %dma_wait3A_410 : memref<1x128xi32, #tpu.memory_space<vmem>> -> memref<128xi32, #tpu.memory_space<vmem>>
      %dma_wait3A_412 = arith.constant 0 : i32
      %dma_wait3A_413 = arith.constant 0 : i32
      %dma_wait3A_414 = tpu.memref_slice %arg24[%dma_wait3A_412, %dma_wait3A_413] : memref<25088x32xf32, #tpu.memory_space<vmem_shared>> -> memref<25088x32xf32, #tpu.memory_space<vmem_shared>>
      tpu.wait_indirect_dma semaphore(%arg27 : memref<!tpu.dma_semaphore, #tpu.memory_space<semaphore_mem>>) src(%dma_wait3A_408 : memref<128x32xf32, #tpu.memory_space<vmem>>) dst(%dma_wait3A_414 : memref<25088x32xf32, #tpu.memory_space<vmem_shared>>)
      %dma_wait3A_415 = arith.constant 5 : i32
      %dma_wait3A_416 = arith.constant 0 : i32
      %dma_wait3A_417 = arith.constant 0 : i32
      %dma_wait3A_418 = arith.constant 0 : i32
      %dma_wait3A_419 = tpu.memref_slice %arg22[%dma_wait3A_415, %dma_wait3A_417, %dma_wait3A_418] : memref<6x128x32xf32, #tpu.memory_space<vmem>> -> memref<1x128x32xf32, #tpu.memory_space<vmem>>
      %dma_wait3A_420 = tpu.memref_squeeze %dma_wait3A_419 : memref<1x128x32xf32, #tpu.memory_space<vmem>> -> memref<128x32xf32, #tpu.memory_space<vmem>>
      %dma_wait3A_421 = arith.constant 0 : i32
      %dma_wait3A_422 = tpu.memref_slice %arg20[%dma_wait3A_416, %dma_wait3A_421] : memref<157x128xi32, #tpu.memory_space<vmem>> -> memref<1x128xi32, #tpu.memory_space<vmem>>
      %dma_wait3A_423 = tpu.memref_squeeze %dma_wait3A_422 : memref<1x128xi32, #tpu.memory_space<vmem>> -> memref<128xi32, #tpu.memory_space<vmem>>
      %dma_wait3A_424 = arith.constant 0 : i32
      %dma_wait3A_425 = arith.constant 0 : i32
      %dma_wait3A_426 = tpu.memref_slice %arg24[%dma_wait3A_424, %dma_wait3A_425] : memref<25088x32xf32, #tpu.memory_space<vmem_shared>> -> memref<25088x32xf32, #tpu.memory_space<vmem_shared>>
      tpu.wait_indirect_dma semaphore(%arg27 : memref<!tpu.dma_semaphore, #tpu.memory_space<semaphore_mem>>) src(%dma_wait3A_420 : memref<128x32xf32, #tpu.memory_space<vmem>>) dst(%dma_wait3A_426 : memref<25088x32xf32, #tpu.memory_space<vmem_shared>>)
      %barrier3A_427 = arith.constant 0 : index
      tpu.barrier barrier_id(%barrier3A_427)
      %lt3A_428 = arith.constant 15 : i32
      %lt3A_429 = arith.cmpi slt, %arg1, %lt3A_428 : i32
      %convert_element_type3A_430 = arith.extui %lt3A_429 : i1 to i32
      %cond3A_431 = arith.constant 0 : i32
      %cond3A_432 = arith.cmpi ne, %convert_element_type3A_430, %cond3A_431 : i32
      scf.if %cond3A_432 {
        "tpu.region"() ({
          %run_scoped3A = tpu.sem_alloc : memref<!tpu.dma_semaphore, #tpu.memory_space<semaphore_mem>>
          %dma_start3A_571 = arith.constant 64 : i32
          %dma_start3A_572 = tpu.memref_slice %arg18[%mul3A_0, %dma_start3A_571] : memref<25000x128xf32, #tpu.memory_space<hbm>> -> memref<1568x32xf32, #tpu.memory_space<hbm>>
          %dma_start3A_573 = arith.constant 0 : i32
          %dma_start3A_574 = tpu.memref_slice %arg24[%mul3A_0, %dma_start3A_573] : memref<25088x32xf32, #tpu.memory_space<vmem_shared>> -> memref<1568x32xf32, #tpu.memory_space<vmem_shared>>
          tpu.enqueue_dma source(%dma_start3A_574 : memref<1568x32xf32, #tpu.memory_space<vmem_shared>>) target(%dma_start3A_572 : memref<1568x32xf32, #tpu.memory_space<hbm>>) target_semaphore(%run_scoped3A : memref<!tpu.dma_semaphore, #tpu.memory_space<semaphore_mem>>)
          %dma_wait3A_575 = arith.constant 64 : i32
          %dma_wait3A_576 = tpu.memref_slice %arg18[%mul3A_0, %dma_wait3A_575] : memref<25000x128xf32, #tpu.memory_space<hbm>> -> memref<1568x32xf32, #tpu.memory_space<hbm>>
          %dma_wait3A_577 = arith.constant 0 : i32
          %dma_wait3A_578 = tpu.memref_slice %arg24[%mul3A_0, %dma_wait3A_577] : memref<25088x32xf32, #tpu.memory_space<vmem_shared>> -> memref<1568x32xf32, #tpu.memory_space<vmem_shared>>
          tpu.wait_dma2 semaphore(%run_scoped3A : memref<!tpu.dma_semaphore, #tpu.memory_space<semaphore_mem>>) src(%dma_wait3A_578 : memref<1568x32xf32, #tpu.memory_space<vmem_shared>>) dst(%dma_wait3A_576 : memref<1568x32xf32, #tpu.memory_space<hbm>>)
          tpu.yield
        }) : () -> ()
      } else {
      }
      %eq3A_433 = arith.constant 15 : i32
      %eq3A_434 = arith.cmpi eq, %arg1, %eq3A_433 : i32
      %convert_element_type3A_435 = arith.extui %eq3A_434 : i1 to i32
      %cond3A_436 = arith.constant 0 : i32
      %cond3A_437 = arith.cmpi ne, %convert_element_type3A_435, %cond3A_436 : i32
      scf.if %cond3A_437 {
        "tpu.region"() ({
          %run_scoped3A = tpu.sem_alloc : memref<!tpu.dma_semaphore, #tpu.memory_space<semaphore_mem>>
          %dma_start3A_571 = arith.constant 64 : i32
          %dma_start3A_572 = tpu.memref_slice %arg18[%mul3A_0, %dma_start3A_571] : memref<25000x128xf32, #tpu.memory_space<hbm>> -> memref<1480x32xf32, #tpu.memory_space<hbm>>
          %dma_start3A_573 = arith.constant 0 : i32
          %dma_start3A_574 = tpu.memref_slice %arg24[%mul3A_0, %dma_start3A_573] : memref<25088x32xf32, #tpu.memory_space<vmem_shared>> -> memref<1480x32xf32, #tpu.memory_space<vmem_shared>>
          tpu.enqueue_dma source(%dma_start3A_574 : memref<1480x32xf32, #tpu.memory_space<vmem_shared>>) target(%dma_start3A_572 : memref<1480x32xf32, #tpu.memory_space<hbm>>) target_semaphore(%run_scoped3A : memref<!tpu.dma_semaphore, #tpu.memory_space<semaphore_mem>>)
          %dma_wait3A_575 = arith.constant 64 : i32
          %dma_wait3A_576 = tpu.memref_slice %arg18[%mul3A_0, %dma_wait3A_575] : memref<25000x128xf32, #tpu.memory_space<hbm>> -> memref<1480x32xf32, #tpu.memory_space<hbm>>
          %dma_wait3A_577 = arith.constant 0 : i32
          %dma_wait3A_578 = tpu.memref_slice %arg24[%mul3A_0, %dma_wait3A_577] : memref<25088x32xf32, #tpu.memory_space<vmem_shared>> -> memref<1480x32xf32, #tpu.memory_space<vmem_shared>>
          tpu.wait_dma2 semaphore(%run_scoped3A : memref<!tpu.dma_semaphore, #tpu.memory_space<semaphore_mem>>) src(%dma_wait3A_578 : memref<1480x32xf32, #tpu.memory_space<vmem_shared>>) dst(%dma_wait3A_576 : memref<1480x32xf32, #tpu.memory_space<hbm>>)
          tpu.yield
        }) : () -> ()
      } else {
      }
      %barrier3A_438 = arith.constant 0 : index
      tpu.barrier barrier_id(%barrier3A_438)
      "tpu.trace_stop"() : () -> ()
      "tpu.trace_start"() <{level = 10 : i32, message = "feat_pass3"}> : () -> ()
      "tpu.region"() ({
        %run_scoped3A = tpu.sem_alloc : memref<!tpu.dma_semaphore, #tpu.memory_space<semaphore_mem>>
        %dma_start3A_571 = arith.constant 0 : i32
        %dma_start3A_572 = tpu.memref_slice %arg24[%mul3A_0, %dma_start3A_571] : memref<25088x32xf32, #tpu.memory_space<vmem_shared>> -> memref<1568x32xf32, #tpu.memory_space<vmem_shared>>
        tpu.enqueue_dma source(%arg15 : memref<1568x32xf32, #tpu.memory_space<hbm>>) target(%dma_start3A_572 : memref<1568x32xf32, #tpu.memory_space<vmem_shared>>) target_semaphore(%run_scoped3A : memref<!tpu.dma_semaphore, #tpu.memory_space<semaphore_mem>>)
        %dma_wait3A_573 = arith.constant 0 : i32
        %dma_wait3A_574 = tpu.memref_slice %arg24[%mul3A_0, %dma_wait3A_573] : memref<25088x32xf32, #tpu.memory_space<vmem_shared>> -> memref<1568x32xf32, #tpu.memory_space<vmem_shared>>
        tpu.wait_dma2 semaphore(%run_scoped3A : memref<!tpu.dma_semaphore, #tpu.memory_space<semaphore_mem>>) src(%arg15 : memref<1568x32xf32, #tpu.memory_space<hbm>>) dst(%dma_wait3A_574 : memref<1568x32xf32, #tpu.memory_space<vmem_shared>>)
        tpu.yield
      }) : () -> ()
      %eq3A_439 = arith.constant 0 : i32
      %eq3A_440 = arith.cmpi eq, %arg1, %eq3A_439 : i32
      %convert_element_type3A_441 = arith.extui %eq3A_440 : i1 to i32
      %cond3A_442 = arith.constant 0 : i32
      %cond3A_443 = arith.cmpi ne, %convert_element_type3A_441, %cond3A_442 : i32
      scf.if %cond3A_443 {
        "tpu.region"() ({
          %run_scoped3A = tpu.sem_alloc : memref<!tpu.dma_semaphore, #tpu.memory_space<semaphore_mem>>
          tpu.enqueue_dma source(%arg9 : memref<5000x32xf32, #tpu.memory_space<hbm>>) target(%arg25 : memref<5000x32xf32, #tpu.memory_space<vmem_shared>>) target_semaphore(%run_scoped3A : memref<!tpu.dma_semaphore, #tpu.memory_space<semaphore_mem>>)
          tpu.wait_dma2 semaphore(%run_scoped3A : memref<!tpu.dma_semaphore, #tpu.memory_space<semaphore_mem>>) src(%arg9 : memref<5000x32xf32, #tpu.memory_space<hbm>>) dst(%arg25 : memref<5000x32xf32, #tpu.memory_space<vmem_shared>>)
          tpu.yield
        }) : () -> ()
      } else {
      }
      %barrier3A_444 = arith.constant 0 : index
      tpu.barrier barrier_id(%barrier3A_444)
      %dma_start3A_445 = arith.constant 0 : i32
      %dma_start3A_446 = arith.constant 0 : i32
      %dma_start3A_447 = arith.constant 0 : i32
      %dma_start3A_448 = arith.constant 0 : i32
      %dma_start3A_449 = tpu.memref_slice %arg22[%dma_start3A_446, %dma_start3A_447, %dma_start3A_448] : memref<6x128x32xf32, #tpu.memory_space<vmem>> -> memref<1x128x32xf32, #tpu.memory_space<vmem>>
      %dma_start3A_450 = tpu.memref_squeeze %dma_start3A_449 : memref<1x128x32xf32, #tpu.memory_space<vmem>> -> memref<128x32xf32, #tpu.memory_space<vmem>>
      %dma_start3A_451 = arith.constant 0 : i32
      %dma_start3A_452 = tpu.memref_slice %arg21[%dma_start3A_445, %dma_start3A_451] : memref<157x128xi32, #tpu.memory_space<vmem>> -> memref<1x128xi32, #tpu.memory_space<vmem>>
      %dma_start3A_453 = tpu.memref_squeeze %dma_start3A_452 : memref<1x128xi32, #tpu.memory_space<vmem>> -> memref<128xi32, #tpu.memory_space<vmem>>
      %dma_start3A_454 = arith.constant 0 : i32
      %dma_start3A_455 = arith.constant 0 : i32
      %dma_start3A_456 = tpu.memref_slice %arg25[%dma_start3A_454, %dma_start3A_455] : memref<5000x32xf32, #tpu.memory_space<vmem_shared>> -> memref<5000x32xf32, #tpu.memory_space<vmem_shared>>
      tpu.enqueue_indirect_dma source(%dma_start3A_456 : memref<5000x32xf32, #tpu.memory_space<vmem_shared>>) target(%dma_start3A_450 : memref<128x32xf32, #tpu.memory_space<vmem>>) offsets(%dma_start3A_453 : memref<128xi32, #tpu.memory_space<vmem>>) semaphore(%arg26 : memref<!tpu.dma_semaphore, #tpu.memory_space<semaphore_mem>>)
      %dma_start3A_457 = arith.constant 1 : i32
      %dma_start3A_458 = arith.constant 1 : i32
      %dma_start3A_459 = arith.constant 0 : i32
      %dma_start3A_460 = arith.constant 0 : i32
      %dma_start3A_461 = tpu.memref_slice %arg22[%dma_start3A_458, %dma_start3A_459, %dma_start3A_460] : memref<6x128x32xf32, #tpu.memory_space<vmem>> -> memref<1x128x32xf32, #tpu.memory_space<vmem>>
      %dma_start3A_462 = tpu.memref_squeeze %dma_start3A_461 : memref<1x128x32xf32, #tpu.memory_space<vmem>> -> memref<128x32xf32, #tpu.memory_space<vmem>>
      %dma_start3A_463 = arith.constant 0 : i32
      %dma_start3A_464 = tpu.memref_slice %arg21[%dma_start3A_457, %dma_start3A_463] : memref<157x128xi32, #tpu.memory_space<vmem>> -> memref<1x128xi32, #tpu.memory_space<vmem>>
      %dma_start3A_465 = tpu.memref_squeeze %dma_start3A_464 : memref<1x128xi32, #tpu.memory_space<vmem>> -> memref<128xi32, #tpu.memory_space<vmem>>
      %dma_start3A_466 = arith.constant 0 : i32
      %dma_start3A_467 = arith.constant 0 : i32
      %dma_start3A_468 = tpu.memref_slice %arg25[%dma_start3A_466, %dma_start3A_467] : memref<5000x32xf32, #tpu.memory_space<vmem_shared>> -> memref<5000x32xf32, #tpu.memory_space<vmem_shared>>
      tpu.enqueue_indirect_dma source(%dma_start3A_468 : memref<5000x32xf32, #tpu.memory_space<vmem_shared>>) target(%dma_start3A_462 : memref<128x32xf32, #tpu.memory_space<vmem>>) offsets(%dma_start3A_465 : memref<128xi32, #tpu.memory_space<vmem>>) semaphore(%arg26 : memref<!tpu.dma_semaphore, #tpu.memory_space<semaphore_mem>>)
      %dma_start3A_469 = arith.constant 2 : i32
      %dma_start3A_470 = arith.constant 2 : i32
      %dma_start3A_471 = arith.constant 0 : i32
      %dma_start3A_472 = arith.constant 0 : i32
      %dma_start3A_473 = tpu.memref_slice %arg22[%dma_start3A_470, %dma_start3A_471, %dma_start3A_472] : memref<6x128x32xf32, #tpu.memory_space<vmem>> -> memref<1x128x32xf32, #tpu.memory_space<vmem>>
      %dma_start3A_474 = tpu.memref_squeeze %dma_start3A_473 : memref<1x128x32xf32, #tpu.memory_space<vmem>> -> memref<128x32xf32, #tpu.memory_space<vmem>>
      %dma_start3A_475 = arith.constant 0 : i32
      %dma_start3A_476 = tpu.memref_slice %arg21[%dma_start3A_469, %dma_start3A_475] : memref<157x128xi32, #tpu.memory_space<vmem>> -> memref<1x128xi32, #tpu.memory_space<vmem>>
      %dma_start3A_477 = tpu.memref_squeeze %dma_start3A_476 : memref<1x128xi32, #tpu.memory_space<vmem>> -> memref<128xi32, #tpu.memory_space<vmem>>
      %dma_start3A_478 = arith.constant 0 : i32
      %dma_start3A_479 = arith.constant 0 : i32
      %dma_start3A_480 = tpu.memref_slice %arg25[%dma_start3A_478, %dma_start3A_479] : memref<5000x32xf32, #tpu.memory_space<vmem_shared>> -> memref<5000x32xf32, #tpu.memory_space<vmem_shared>>
      tpu.enqueue_indirect_dma source(%dma_start3A_480 : memref<5000x32xf32, #tpu.memory_space<vmem_shared>>) target(%dma_start3A_474 : memref<128x32xf32, #tpu.memory_space<vmem>>) offsets(%dma_start3A_477 : memref<128xi32, #tpu.memory_space<vmem>>) semaphore(%arg26 : memref<!tpu.dma_semaphore, #tpu.memory_space<semaphore_mem>>)
      %scan3A_481 = arith.constant 0 : i32
      %scan3A_482 = arith.constant 0 : i32
      %scan3A_483 = arith.constant 157 : i32
      %scan3A_484 = arith.addi %scan3A_482, %scan3A_483 : i32
      %scan3A_485 = arith.constant 1 : i32
      scf.for %scan3A_571 = %scan3A_482 to %scan3A_484 step %scan3A_485  : i32 {
        %rem3A = arith.constant 6 : i32
        %rem3A_572 = arith.remsi %scan3A_571, %rem3A : i32
        %dma_wait3A_573 = arith.constant 0 : i32
        %dma_wait3A_574 = arith.constant 0 : i32
        %dma_wait3A_575 = tpu.memref_slice %arg22[%rem3A_572, %dma_wait3A_573, %dma_wait3A_574] : memref<6x128x32xf32, #tpu.memory_space<vmem>> -> memref<1x128x32xf32, #tpu.memory_space<vmem>>
        %dma_wait3A_576 = tpu.memref_squeeze %dma_wait3A_575 : memref<1x128x32xf32, #tpu.memory_space<vmem>> -> memref<128x32xf32, #tpu.memory_space<vmem>>
        %dma_wait3A_577 = arith.constant 0 : i32
        %dma_wait3A_578 = tpu.memref_slice %arg21[%scan3A_571, %dma_wait3A_577] : memref<157x128xi32, #tpu.memory_space<vmem>> -> memref<1x128xi32, #tpu.memory_space<vmem>>
        %dma_wait3A_579 = tpu.memref_squeeze %dma_wait3A_578 : memref<1x128xi32, #tpu.memory_space<vmem>> -> memref<128xi32, #tpu.memory_space<vmem>>
        %dma_wait3A_580 = arith.constant 0 : i32
        %dma_wait3A_581 = arith.constant 0 : i32
        %dma_wait3A_582 = tpu.memref_slice %arg25[%dma_wait3A_580, %dma_wait3A_581] : memref<5000x32xf32, #tpu.memory_space<vmem_shared>> -> memref<5000x32xf32, #tpu.memory_space<vmem_shared>>
        tpu.wait_indirect_dma semaphore(%arg26 : memref<!tpu.dma_semaphore, #tpu.memory_space<semaphore_mem>>) src(%dma_wait3A_582 : memref<5000x32xf32, #tpu.memory_space<vmem_shared>>) dst(%dma_wait3A_576 : memref<128x32xf32, #tpu.memory_space<vmem>>)
        %dma_start3A_583 = arith.constant 0 : i32
        %dma_start3A_584 = arith.constant 0 : i32
        %dma_start3A_585 = tpu.memref_slice %arg22[%rem3A_572, %dma_start3A_583, %dma_start3A_584] : memref<6x128x32xf32, #tpu.memory_space<vmem>> -> memref<1x128x32xf32, #tpu.memory_space<vmem>>
        %dma_start3A_586 = tpu.memref_squeeze %dma_start3A_585 : memref<1x128x32xf32, #tpu.memory_space<vmem>> -> memref<128x32xf32, #tpu.memory_space<vmem>>
        %dma_start3A_587 = arith.constant 0 : i32
        %dma_start3A_588 = tpu.memref_slice %arg20[%scan3A_571, %dma_start3A_587] : memref<157x128xi32, #tpu.memory_space<vmem>> -> memref<1x128xi32, #tpu.memory_space<vmem>>
        %dma_start3A_589 = tpu.memref_squeeze %dma_start3A_588 : memref<1x128xi32, #tpu.memory_space<vmem>> -> memref<128xi32, #tpu.memory_space<vmem>>
        %dma_start3A_590 = arith.constant 0 : i32
        %dma_start3A_591 = arith.constant 0 : i32
        %dma_start3A_592 = tpu.memref_slice %arg24[%dma_start3A_590, %dma_start3A_591] : memref<25088x32xf32, #tpu.memory_space<vmem_shared>> -> memref<25088x32xf32, #tpu.memory_space<vmem_shared>>
        tpu.enqueue_indirect_dma source(%dma_start3A_586 : memref<128x32xf32, #tpu.memory_space<vmem>>) target(%dma_start3A_592 : memref<25088x32xf32, #tpu.memory_space<vmem_shared>>) offsets(%dma_start3A_589 : memref<128xi32, #tpu.memory_space<vmem>>) semaphore(%arg27 : memref<!tpu.dma_semaphore, #tpu.memory_space<semaphore_mem>>) {add = true}
        %add3A = arith.constant 3 : i32
        %add3A_593 = arith.addi %scan3A_571, %add3A : i32
        %lt3A_594 = arith.constant 157 : i32
        %lt3A_595 = arith.cmpi slt, %add3A_593, %lt3A_594 : i32
        %convert_element_type3A_596 = arith.extui %lt3A_595 : i1 to i32
        %cond3A_597 = arith.constant 0 : i32
        %cond3A_598 = arith.cmpi ne, %convert_element_type3A_596, %cond3A_597 : i32
        scf.if %cond3A_598 {
          %ge3A = arith.constant 3 : i32
          %ge3A_599 = arith.cmpi sge, %scan3A_571, %ge3A : i32
          %convert_element_type3A_600 = arith.extui %ge3A_599 : i1 to i32
          %cond3A_601 = arith.constant 0 : i32
          %cond3A_602 = arith.cmpi ne, %convert_element_type3A_600, %cond3A_601 : i32
          scf.if %cond3A_602 {
            %dma_wait3A_619 = arith.constant 0 : i32
            %dma_wait3A_620 = arith.constant 0 : i32
            %dma_wait3A_621 = arith.constant 0 : i32
            %dma_wait3A_622 = arith.constant 0 : i32
            %dma_wait3A_623 = tpu.memref_slice %arg22[%dma_wait3A_619, %dma_wait3A_621, %dma_wait3A_622] : memref<6x128x32xf32, #tpu.memory_space<vmem>> -> memref<1x128x32xf32, #tpu.memory_space<vmem>>
            %dma_wait3A_624 = tpu.memref_squeeze %dma_wait3A_623 : memref<1x128x32xf32, #tpu.memory_space<vmem>> -> memref<128x32xf32, #tpu.memory_space<vmem>>
            %dma_wait3A_625 = arith.constant 0 : i32
            %dma_wait3A_626 = tpu.memref_slice %arg20[%dma_wait3A_620, %dma_wait3A_625] : memref<157x128xi32, #tpu.memory_space<vmem>> -> memref<1x128xi32, #tpu.memory_space<vmem>>
            %dma_wait3A_627 = tpu.memref_squeeze %dma_wait3A_626 : memref<1x128xi32, #tpu.memory_space<vmem>> -> memref<128xi32, #tpu.memory_space<vmem>>
            %dma_wait3A_628 = arith.constant 0 : i32
            %dma_wait3A_629 = arith.constant 0 : i32
            %dma_wait3A_630 = tpu.memref_slice %arg24[%dma_wait3A_628, %dma_wait3A_629] : memref<25088x32xf32, #tpu.memory_space<vmem_shared>> -> memref<25088x32xf32, #tpu.memory_space<vmem_shared>>
            tpu.wait_indirect_dma semaphore(%arg27 : memref<!tpu.dma_semaphore, #tpu.memory_space<semaphore_mem>>) src(%dma_wait3A_624 : memref<128x32xf32, #tpu.memory_space<vmem>>) dst(%dma_wait3A_630 : memref<25088x32xf32, #tpu.memory_space<vmem_shared>>)
          } else {
          }
          %add3A_603 = arith.constant 3 : i32
          %add3A_604 = arith.addi %scan3A_571, %add3A_603 : i32
          %add3A_605 = arith.constant 3 : i32
          %add3A_606 = arith.addi %scan3A_571, %add3A_605 : i32
          %rem3A_607 = arith.constant 6 : i32
          %rem3A_608 = arith.remsi %add3A_606, %rem3A_607 : i32
          %dma_start3A_609 = arith.constant 0 : i32
          %dma_start3A_610 = arith.constant 0 : i32
          %dma_start3A_611 = tpu.memref_slice %arg22[%rem3A_608, %dma_start3A_609, %dma_start3A_610] : memref<6x128x32xf32, #tpu.memory_space<vmem>> -> memref<1x128x32xf32, #tpu.memory_space<vmem>>
          %dma_start3A_612 = tpu.memref_squeeze %dma_start3A_611 : memref<1x128x32xf32, #tpu.memory_space<vmem>> -> memref<128x32xf32, #tpu.memory_space<vmem>>
          %dma_start3A_613 = arith.constant 0 : i32
          %dma_start3A_614 = tpu.memref_slice %arg21[%add3A_604, %dma_start3A_613] : memref<157x128xi32, #tpu.memory_space<vmem>> -> memref<1x128xi32, #tpu.memory_space<vmem>>
          %dma_start3A_615 = tpu.memref_squeeze %dma_start3A_614 : memref<1x128xi32, #tpu.memory_space<vmem>> -> memref<128xi32, #tpu.memory_space<vmem>>
          %dma_start3A_616 = arith.constant 0 : i32
          %dma_start3A_617 = arith.constant 0 : i32
          %dma_start3A_618 = tpu.memref_slice %arg25[%dma_start3A_616, %dma_start3A_617] : memref<5000x32xf32, #tpu.memory_space<vmem_shared>> -> memref<5000x32xf32, #tpu.memory_space<vmem_shared>>
          tpu.enqueue_indirect_dma source(%dma_start3A_618 : memref<5000x32xf32, #tpu.memory_space<vmem_shared>>) target(%dma_start3A_612 : memref<128x32xf32, #tpu.memory_space<vmem>>) offsets(%dma_start3A_615 : memref<128xi32, #tpu.memory_space<vmem>>) semaphore(%arg26 : memref<!tpu.dma_semaphore, #tpu.memory_space<semaphore_mem>>)
        } else {
        }
      }
      %scan3A_486 = arith.constant 157 : i32
      %dma_wait3A_487 = arith.constant 0 : i32
      %dma_wait3A_488 = arith.constant 0 : i32
      %dma_wait3A_489 = arith.constant 0 : i32
      %dma_wait3A_490 = arith.constant 0 : i32
      %dma_wait3A_491 = tpu.memref_slice %arg22[%dma_wait3A_487, %dma_wait3A_489, %dma_wait3A_490] : memref<6x128x32xf32, #tpu.memory_space<vmem>> -> memref<1x128x32xf32, #tpu.memory_space<vmem>>
      %dma_wait3A_492 = tpu.memref_squeeze %dma_wait3A_491 : memref<1x128x32xf32, #tpu.memory_space<vmem>> -> memref<128x32xf32, #tpu.memory_space<vmem>>
      %dma_wait3A_493 = arith.constant 0 : i32
      %dma_wait3A_494 = tpu.memref_slice %arg20[%dma_wait3A_488, %dma_wait3A_493] : memref<157x128xi32, #tpu.memory_space<vmem>> -> memref<1x128xi32, #tpu.memory_space<vmem>>
      %dma_wait3A_495 = tpu.memref_squeeze %dma_wait3A_494 : memref<1x128xi32, #tpu.memory_space<vmem>> -> memref<128xi32, #tpu.memory_space<vmem>>
      %dma_wait3A_496 = arith.constant 0 : i32
      %dma_wait3A_497 = arith.constant 0 : i32
      %dma_wait3A_498 = tpu.memref_slice %arg24[%dma_wait3A_496, %dma_wait3A_497] : memref<25088x32xf32, #tpu.memory_space<vmem_shared>> -> memref<25088x32xf32, #tpu.memory_space<vmem_shared>>
      tpu.wait_indirect_dma semaphore(%arg27 : memref<!tpu.dma_semaphore, #tpu.memory_space<semaphore_mem>>) src(%dma_wait3A_492 : memref<128x32xf32, #tpu.memory_space<vmem>>) dst(%dma_wait3A_498 : memref<25088x32xf32, #tpu.memory_space<vmem_shared>>)
      %dma_wait3A_499 = arith.constant 1 : i32
      %dma_wait3A_500 = arith.constant 0 : i32
      %dma_wait3A_501 = arith.constant 0 : i32
      %dma_wait3A_502 = arith.constant 0 : i32
      %dma_wait3A_503 = tpu.memref_slice %arg22[%dma_wait3A_499, %dma_wait3A_501, %dma_wait3A_502] : memref<6x128x32xf32, #tpu.memory_space<vmem>> -> memref<1x128x32xf32, #tpu.memory_space<vmem>>
      %dma_wait3A_504 = tpu.memref_squeeze %dma_wait3A_503 : memref<1x128x32xf32, #tpu.memory_space<vmem>> -> memref<128x32xf32, #tpu.memory_space<vmem>>
      %dma_wait3A_505 = arith.constant 0 : i32
      %dma_wait3A_506 = tpu.memref_slice %arg20[%dma_wait3A_500, %dma_wait3A_505] : memref<157x128xi32, #tpu.memory_space<vmem>> -> memref<1x128xi32, #tpu.memory_space<vmem>>
      %dma_wait3A_507 = tpu.memref_squeeze %dma_wait3A_506 : memref<1x128xi32, #tpu.memory_space<vmem>> -> memref<128xi32, #tpu.memory_space<vmem>>
      %dma_wait3A_508 = arith.constant 0 : i32
      %dma_wait3A_509 = arith.constant 0 : i32
      %dma_wait3A_510 = tpu.memref_slice %arg24[%dma_wait3A_508, %dma_wait3A_509] : memref<25088x32xf32, #tpu.memory_space<vmem_shared>> -> memref<25088x32xf32, #tpu.memory_space<vmem_shared>>
      tpu.wait_indirect_dma semaphore(%arg27 : memref<!tpu.dma_semaphore, #tpu.memory_space<semaphore_mem>>) src(%dma_wait3A_504 : memref<128x32xf32, #tpu.memory_space<vmem>>) dst(%dma_wait3A_510 : memref<25088x32xf32, #tpu.memory_space<vmem_shared>>)
      %dma_wait3A_511 = arith.constant 2 : i32
      %dma_wait3A_512 = arith.constant 0 : i32
      %dma_wait3A_513 = arith.constant 0 : i32
      %dma_wait3A_514 = arith.constant 0 : i32
      %dma_wait3A_515 = tpu.memref_slice %arg22[%dma_wait3A_511, %dma_wait3A_513, %dma_wait3A_514] : memref<6x128x32xf32, #tpu.memory_space<vmem>> -> memref<1x128x32xf32, #tpu.memory_space<vmem>>
      %dma_wait3A_516 = tpu.memref_squeeze %dma_wait3A_515 : memref<1x128x32xf32, #tpu.memory_space<vmem>> -> memref<128x32xf32, #tpu.memory_space<vmem>>
      %dma_wait3A_517 = arith.constant 0 : i32
      %dma_wait3A_518 = tpu.memref_slice %arg20[%dma_wait3A_512, %dma_wait3A_517] : memref<157x128xi32, #tpu.memory_space<vmem>> -> memref<1x128xi32, #tpu.memory_space<vmem>>
      %dma_wait3A_519 = tpu.memref_squeeze %dma_wait3A_518 : memref<1x128xi32, #tpu.memory_space<vmem>> -> memref<128xi32, #tpu.memory_space<vmem>>
      %dma_wait3A_520 = arith.constant 0 : i32
      %dma_wait3A_521 = arith.constant 0 : i32
      %dma_wait3A_522 = tpu.memref_slice %arg24[%dma_wait3A_520, %dma_wait3A_521] : memref<25088x32xf32, #tpu.memory_space<vmem_shared>> -> memref<25088x32xf32, #tpu.memory_space<vmem_shared>>
      tpu.wait_indirect_dma semaphore(%arg27 : memref<!tpu.dma_semaphore, #tpu.memory_space<semaphore_mem>>) src(%dma_wait3A_516 : memref<128x32xf32, #tpu.memory_space<vmem>>) dst(%dma_wait3A_522 : memref<25088x32xf32, #tpu.memory_space<vmem_shared>>)
      %dma_wait3A_523 = arith.constant 3 : i32
      %dma_wait3A_524 = arith.constant 0 : i32
      %dma_wait3A_525 = arith.constant 0 : i32
      %dma_wait3A_526 = arith.constant 0 : i32
      %dma_wait3A_527 = tpu.memref_slice %arg22[%dma_wait3A_523, %dma_wait3A_525, %dma_wait3A_526] : memref<6x128x32xf32, #tpu.memory_space<vmem>> -> memref<1x128x32xf32, #tpu.memory_space<vmem>>
      %dma_wait3A_528 = tpu.memref_squeeze %dma_wait3A_527 : memref<1x128x32xf32, #tpu.memory_space<vmem>> -> memref<128x32xf32, #tpu.memory_space<vmem>>
      %dma_wait3A_529 = arith.constant 0 : i32
      %dma_wait3A_530 = tpu.memref_slice %arg20[%dma_wait3A_524, %dma_wait3A_529] : memref<157x128xi32, #tpu.memory_space<vmem>> -> memref<1x128xi32, #tpu.memory_space<vmem>>
      %dma_wait3A_531 = tpu.memref_squeeze %dma_wait3A_530 : memref<1x128xi32, #tpu.memory_space<vmem>> -> memref<128xi32, #tpu.memory_space<vmem>>
      %dma_wait3A_532 = arith.constant 0 : i32
      %dma_wait3A_533 = arith.constant 0 : i32
      %dma_wait3A_534 = tpu.memref_slice %arg24[%dma_wait3A_532, %dma_wait3A_533] : memref<25088x32xf32, #tpu.memory_space<vmem_shared>> -> memref<25088x32xf32, #tpu.memory_space<vmem_shared>>
      tpu.wait_indirect_dma semaphore(%arg27 : memref<!tpu.dma_semaphore, #tpu.memory_space<semaphore_mem>>) src(%dma_wait3A_528 : memref<128x32xf32, #tpu.memory_space<vmem>>) dst(%dma_wait3A_534 : memref<25088x32xf32, #tpu.memory_space<vmem_shared>>)
      %dma_wait3A_535 = arith.constant 4 : i32
      %dma_wait3A_536 = arith.constant 0 : i32
      %dma_wait3A_537 = arith.constant 0 : i32
      %dma_wait3A_538 = arith.constant 0 : i32
      %dma_wait3A_539 = tpu.memref_slice %arg22[%dma_wait3A_535, %dma_wait3A_537, %dma_wait3A_538] : memref<6x128x32xf32, #tpu.memory_space<vmem>> -> memref<1x128x32xf32, #tpu.memory_space<vmem>>
      %dma_wait3A_540 = tpu.memref_squeeze %dma_wait3A_539 : memref<1x128x32xf32, #tpu.memory_space<vmem>> -> memref<128x32xf32, #tpu.memory_space<vmem>>
      %dma_wait3A_541 = arith.constant 0 : i32
      %dma_wait3A_542 = tpu.memref_slice %arg20[%dma_wait3A_536, %dma_wait3A_541] : memref<157x128xi32, #tpu.memory_space<vmem>> -> memref<1x128xi32, #tpu.memory_space<vmem>>
      %dma_wait3A_543 = tpu.memref_squeeze %dma_wait3A_542 : memref<1x128xi32, #tpu.memory_space<vmem>> -> memref<128xi32, #tpu.memory_space<vmem>>
      %dma_wait3A_544 = arith.constant 0 : i32
      %dma_wait3A_545 = arith.constant 0 : i32
      %dma_wait3A_546 = tpu.memref_slice %arg24[%dma_wait3A_544, %dma_wait3A_545] : memref<25088x32xf32, #tpu.memory_space<vmem_shared>> -> memref<25088x32xf32, #tpu.memory_space<vmem_shared>>
      tpu.wait_indirect_dma semaphore(%arg27 : memref<!tpu.dma_semaphore, #tpu.memory_space<semaphore_mem>>) src(%dma_wait3A_540 : memref<128x32xf32, #tpu.memory_space<vmem>>) dst(%dma_wait3A_546 : memref<25088x32xf32, #tpu.memory_space<vmem_shared>>)
      %dma_wait3A_547 = arith.constant 5 : i32
      %dma_wait3A_548 = arith.constant 0 : i32
      %dma_wait3A_549 = arith.constant 0 : i32
      %dma_wait3A_550 = arith.constant 0 : i32
      %dma_wait3A_551 = tpu.memref_slice %arg22[%dma_wait3A_547, %dma_wait3A_549, %dma_wait3A_550] : memref<6x128x32xf32, #tpu.memory_space<vmem>> -> memref<1x128x32xf32, #tpu.memory_space<vmem>>
      %dma_wait3A_552 = tpu.memref_squeeze %dma_wait3A_551 : memref<1x128x32xf32, #tpu.memory_space<vmem>> -> memref<128x32xf32, #tpu.memory_space<vmem>>
      %dma_wait3A_553 = arith.constant 0 : i32
      %dma_wait3A_554 = tpu.memref_slice %arg20[%dma_wait3A_548, %dma_wait3A_553] : memref<157x128xi32, #tpu.memory_space<vmem>> -> memref<1x128xi32, #tpu.memory_space<vmem>>
      %dma_wait3A_555 = tpu.memref_squeeze %dma_wait3A_554 : memref<1x128xi32, #tpu.memory_space<vmem>> -> memref<128xi32, #tpu.memory_space<vmem>>
      %dma_wait3A_556 = arith.constant 0 : i32
      %dma_wait3A_557 = arith.constant 0 : i32
      %dma_wait3A_558 = tpu.memref_slice %arg24[%dma_wait3A_556, %dma_wait3A_557] : memref<25088x32xf32, #tpu.memory_space<vmem_shared>> -> memref<25088x32xf32, #tpu.memory_space<vmem_shared>>
      tpu.wait_indirect_dma semaphore(%arg27 : memref<!tpu.dma_semaphore, #tpu.memory_space<semaphore_mem>>) src(%dma_wait3A_552 : memref<128x32xf32, #tpu.memory_space<vmem>>) dst(%dma_wait3A_558 : memref<25088x32xf32, #tpu.memory_space<vmem_shared>>)
      %barrier3A_559 = arith.constant 0 : index
      tpu.barrier barrier_id(%barrier3A_559)
      %lt3A_560 = arith.constant 15 : i32
      %lt3A_561 = arith.cmpi slt, %arg1, %lt3A_560 : i32
      %convert_element_type3A_562 = arith.extui %lt3A_561 : i1 to i32
      %cond3A_563 = arith.constant 0 : i32
      %cond3A_564 = arith.cmpi ne, %convert_element_type3A_562, %cond3A_563 : i32
      scf.if %cond3A_564 {
        "tpu.region"() ({
          %run_scoped3A = tpu.sem_alloc : memref<!tpu.dma_semaphore, #tpu.memory_space<semaphore_mem>>
          %dma_start3A_571 = arith.constant 96 : i32
          %dma_start3A_572 = tpu.memref_slice %arg18[%mul3A_0, %dma_start3A_571] : memref<25000x128xf32, #tpu.memory_space<hbm>> -> memref<1568x32xf32, #tpu.memory_space<hbm>>
          %dma_start3A_573 = arith.constant 0 : i32
          %dma_start3A_574 = tpu.memref_slice %arg24[%mul3A_0, %dma_start3A_573] : memref<25088x32xf32, #tpu.memory_space<vmem_shared>> -> memref<1568x32xf32, #tpu.memory_space<vmem_shared>>
          tpu.enqueue_dma source(%dma_start3A_574 : memref<1568x32xf32, #tpu.memory_space<vmem_shared>>) target(%dma_start3A_572 : memref<1568x32xf32, #tpu.memory_space<hbm>>) target_semaphore(%run_scoped3A : memref<!tpu.dma_semaphore, #tpu.memory_space<semaphore_mem>>)
          %dma_wait3A_575 = arith.constant 96 : i32
          %dma_wait3A_576 = tpu.memref_slice %arg18[%mul3A_0, %dma_wait3A_575] : memref<25000x128xf32, #tpu.memory_space<hbm>> -> memref<1568x32xf32, #tpu.memory_space<hbm>>
          %dma_wait3A_577 = arith.constant 0 : i32
          %dma_wait3A_578 = tpu.memref_slice %arg24[%mul3A_0, %dma_wait3A_577] : memref<25088x32xf32, #tpu.memory_space<vmem_shared>> -> memref<1568x32xf32, #tpu.memory_space<vmem_shared>>
          tpu.wait_dma2 semaphore(%run_scoped3A : memref<!tpu.dma_semaphore, #tpu.memory_space<semaphore_mem>>) src(%dma_wait3A_578 : memref<1568x32xf32, #tpu.memory_space<vmem_shared>>) dst(%dma_wait3A_576 : memref<1568x32xf32, #tpu.memory_space<hbm>>)
          tpu.yield
        }) : () -> ()
      } else {
      }
      %eq3A_565 = arith.constant 15 : i32
      %eq3A_566 = arith.cmpi eq, %arg1, %eq3A_565 : i32
      %convert_element_type3A_567 = arith.extui %eq3A_566 : i1 to i32
      %cond3A_568 = arith.constant 0 : i32
      %cond3A_569 = arith.cmpi ne, %convert_element_type3A_567, %cond3A_568 : i32
      scf.if %cond3A_569 {
        "tpu.region"() ({
          %run_scoped3A = tpu.sem_alloc : memref<!tpu.dma_semaphore, #tpu.memory_space<semaphore_mem>>
          %dma_start3A_571 = arith.constant 96 : i32
          %dma_start3A_572 = tpu.memref_slice %arg18[%mul3A_0, %dma_start3A_571] : memref<25000x128xf32, #tpu.memory_space<hbm>> -> memref<1480x32xf32, #tpu.memory_space<hbm>>
          %dma_start3A_573 = arith.constant 0 : i32
          %dma_start3A_574 = tpu.memref_slice %arg24[%mul3A_0, %dma_start3A_573] : memref<25088x32xf32, #tpu.memory_space<vmem_shared>> -> memref<1480x32xf32, #tpu.memory_space<vmem_shared>>
          tpu.enqueue_dma source(%dma_start3A_574 : memref<1480x32xf32, #tpu.memory_space<vmem_shared>>) target(%dma_start3A_572 : memref<1480x32xf32, #tpu.memory_space<hbm>>) target_semaphore(%run_scoped3A : memref<!tpu.dma_semaphore, #tpu.memory_space<semaphore_mem>>)
          %dma_wait3A_575 = arith.constant 96 : i32
          %dma_wait3A_576 = tpu.memref_slice %arg18[%mul3A_0, %dma_wait3A_575] : memref<25000x128xf32, #tpu.memory_space<hbm>> -> memref<1480x32xf32, #tpu.memory_space<hbm>>
          %dma_wait3A_577 = arith.constant 0 : i32
          %dma_wait3A_578 = tpu.memref_slice %arg24[%mul3A_0, %dma_wait3A_577] : memref<25088x32xf32, #tpu.memory_space<vmem_shared>> -> memref<1480x32xf32, #tpu.memory_space<vmem_shared>>
          tpu.wait_dma2 semaphore(%run_scoped3A : memref<!tpu.dma_semaphore, #tpu.memory_space<semaphore_mem>>) src(%dma_wait3A_578 : memref<1480x32xf32, #tpu.memory_space<vmem_shared>>) dst(%dma_wait3A_576 : memref<1480x32xf32, #tpu.memory_space<hbm>>)
          tpu.yield
        }) : () -> ()
      } else {
      }
      %barrier3A_570 = arith.constant 0 : index
      tpu.barrier barrier_id(%barrier3A_570)
      "tpu.trace_stop"() : () -> ()
    } else {
    }
    return
  }
}

module attributes {stable_mosaic.version = 14 : i64} {
  func.func @_tc_body(%arg0: i32, %arg1: memref<5x1000x128xf32, #tpu.memory_space<vmem>>, %arg2: memref<5x1000x32xf32, #tpu.memory_space<vmem>>, %arg3: memref<5x1000x128xf32, #tpu.memory_space<vmem>>, %arg4: memref<5x1000x32xf32, #tpu.memory_space<vmem>>, %arg5: memref<5x128x128xf32, #tpu.memory_space<vmem>>, %arg6: memref<1000x128xf32, #tpu.memory_space<vmem>>, %arg7: memref<1000x128xf32, #tpu.memory_space<vmem>>) attributes {dimension_semantics = [#tpu.dimension_semantics<arbitrary>], iteration_bounds = array<i64: 5>, scalar_prefetch = 0 : i64, scratch_operands = 0 : i64, tpu.core_type = #tpu.core_type<tc>, window_params = [{transform_indices = @transform_0, window_bounds = array<i64: 5, 1000, 128>}, {transform_indices = @transform_1, window_bounds = array<i64: 5, 1000, 32>}, {transform_indices = @transform_2, window_bounds = array<i64: 5, 1000, 128>}, {transform_indices = @transform_3, window_bounds = array<i64: 5, 1000, 32>}, {pipeline_mode = #tpu.pipeline_mode<synchronous>, transform_indices = @transform_4, window_bounds = array<i64: 5, 128, 128>}, {transform_indices = @transform_5, window_bounds = array<i64: 1000, 128>}, {transform_indices = @transform_6, window_bounds = array<i64: 1000, 128>}]} {
    %broadcast_in_dim3A = arith.constant 0.000000e+00 : f32
    %broadcast_in_dim3A_0 = vector.broadcast %broadcast_in_dim3A : f32 to vector<1000x128xf32>
    %get3A = arith.constant 0 : index
    %get3A_1 = arith.constant 0 : index
    %get3A_2 = arith.constant 0 : index
    %get3A_3 = vector.load %arg2[%get3A, %get3A_1, %get3A_2] : memref<5x1000x32xf32, #tpu.memory_space<vmem>>, vector<1x1000x1xf32>
    %get3A_4 = vector.shape_cast %get3A_3 : vector<1x1000x1xf32> to vector<1000x1xf32>
    %gt3A = arith.constant 5.000000e-01 : f32
    %gt3A_5 = vector.broadcast %gt3A : f32 to vector<1000x1xf32>
    %gt3A_6 = arith.cmpf ogt, %get3A_4, %gt3A_5 : vector<1000x1xf32>
    %div3A = arith.constant 1.000000e+00 : f32
    %div3A_7 = vector.broadcast %div3A : f32 to vector<1000x1xf32>
    %div3A_8 = arith.divf %div3A_7, %get3A_4 : vector<1000x1xf32>
    %jit3A = arith.constant 0.000000e+00 : f32
    %broadcast_in_dim3A_9 = vector.broadcast %jit3A : f32 to vector<1000x1xf32>
    %select_n3A = arith.select %gt3A_6, %div3A_8, %broadcast_in_dim3A_9 : vector<1000x1xi1>, vector<1000x1xf32>
    %get3A_10 = arith.constant 0 : index
    %get3A_11 = arith.constant 0 : index
    %get3A_12 = arith.constant 0 : index
    %get3A_13 = vector.load %arg1[%get3A_10, %get3A_11, %get3A_12] : memref<5x1000x128xf32, #tpu.memory_space<vmem>>, vector<1x1000x128xf32>
    %get3A_14 = vector.shape_cast %get3A_13 : vector<1x1000x128xf32> to vector<1000x128xf32>
    %mul3A = vector.broadcast %select_n3A : vector<1000x1xf32> to vector<1000x128xf32>
    %mul3A_15 = arith.mulf %get3A_14, %mul3A : vector<1000x128xf32>
    %get3A_16 = arith.constant 0 : index
    %get3A_17 = arith.constant 0 : index
    %get3A_18 = arith.constant 0 : index
    %get3A_19 = vector.load %arg5[%get3A_16, %get3A_17, %get3A_18] : memref<5x128x128xf32, #tpu.memory_space<vmem>>, vector<1x128x128xf32>
    %get3A_20 = vector.shape_cast %get3A_19 : vector<1x128x128xf32> to vector<128x128xf32>
    %dot_general3A = arith.constant dense<0.000000e+00> : vector<1000x128xf32>
    %dot_general3A_21 = tpu.matmul %mul3A_15, %get3A_20, %dot_general3A {dimension_numbers = #tpu.dot_dimension_numbers<[1], [0], [0], [1], [0, 0, 1, 1], [], []>, transpose_lhs_hint = false} : vector<1000x128xf32>, vector<128x128xf32>, vector<1000x128xf32> -> vector<1000x128xf32>
    %add3A = arith.addf %broadcast_in_dim3A_0, %dot_general3A_21 : vector<1000x128xf32>
    %get3A_22 = arith.constant 1 : index
    %get3A_23 = arith.constant 0 : index
    %get3A_24 = arith.constant 0 : index
    %get3A_25 = vector.load %arg2[%get3A_22, %get3A_23, %get3A_24] : memref<5x1000x32xf32, #tpu.memory_space<vmem>>, vector<1x1000x1xf32>
    %get3A_26 = vector.shape_cast %get3A_25 : vector<1x1000x1xf32> to vector<1000x1xf32>
    %gt3A_27 = arith.constant 5.000000e-01 : f32
    %gt3A_28 = vector.broadcast %gt3A_27 : f32 to vector<1000x1xf32>
    %gt3A_29 = arith.cmpf ogt, %get3A_26, %gt3A_28 : vector<1000x1xf32>
    %div3A_30 = arith.constant 1.000000e+00 : f32
    %div3A_31 = vector.broadcast %div3A_30 : f32 to vector<1000x1xf32>
    %div3A_32 = arith.divf %div3A_31, %get3A_26 : vector<1000x1xf32>
    %jit3A_33 = arith.constant 0.000000e+00 : f32
    %broadcast_in_dim3A_34 = vector.broadcast %jit3A_33 : f32 to vector<1000x1xf32>
    %select_n3A_35 = arith.select %gt3A_29, %div3A_32, %broadcast_in_dim3A_34 : vector<1000x1xi1>, vector<1000x1xf32>
    %get3A_36 = arith.constant 1 : index
    %get3A_37 = arith.constant 0 : index
    %get3A_38 = arith.constant 0 : index
    %get3A_39 = vector.load %arg1[%get3A_36, %get3A_37, %get3A_38] : memref<5x1000x128xf32, #tpu.memory_space<vmem>>, vector<1x1000x128xf32>
    %get3A_40 = vector.shape_cast %get3A_39 : vector<1x1000x128xf32> to vector<1000x128xf32>
    %mul3A_41 = vector.broadcast %select_n3A_35 : vector<1000x1xf32> to vector<1000x128xf32>
    %mul3A_42 = arith.mulf %get3A_40, %mul3A_41 : vector<1000x128xf32>
    %get3A_43 = arith.constant 1 : index
    %get3A_44 = arith.constant 0 : index
    %get3A_45 = arith.constant 0 : index
    %get3A_46 = vector.load %arg5[%get3A_43, %get3A_44, %get3A_45] : memref<5x128x128xf32, #tpu.memory_space<vmem>>, vector<1x128x128xf32>
    %get3A_47 = vector.shape_cast %get3A_46 : vector<1x128x128xf32> to vector<128x128xf32>
    %dot_general3A_48 = arith.constant dense<0.000000e+00> : vector<1000x128xf32>
    %dot_general3A_49 = tpu.matmul %mul3A_42, %get3A_47, %dot_general3A_48 {dimension_numbers = #tpu.dot_dimension_numbers<[1], [0], [0], [1], [0, 0, 1, 1], [], []>, transpose_lhs_hint = false} : vector<1000x128xf32>, vector<128x128xf32>, vector<1000x128xf32> -> vector<1000x128xf32>
    %add3A_50 = arith.addf %add3A, %dot_general3A_49 : vector<1000x128xf32>
    %get3A_51 = arith.constant 2 : index
    %get3A_52 = arith.constant 0 : index
    %get3A_53 = arith.constant 0 : index
    %get3A_54 = vector.load %arg2[%get3A_51, %get3A_52, %get3A_53] : memref<5x1000x32xf32, #tpu.memory_space<vmem>>, vector<1x1000x1xf32>
    %get3A_55 = vector.shape_cast %get3A_54 : vector<1x1000x1xf32> to vector<1000x1xf32>
    %gt3A_56 = arith.constant 5.000000e-01 : f32
    %gt3A_57 = vector.broadcast %gt3A_56 : f32 to vector<1000x1xf32>
    %gt3A_58 = arith.cmpf ogt, %get3A_55, %gt3A_57 : vector<1000x1xf32>
    %div3A_59 = arith.constant 1.000000e+00 : f32
    %div3A_60 = vector.broadcast %div3A_59 : f32 to vector<1000x1xf32>
    %div3A_61 = arith.divf %div3A_60, %get3A_55 : vector<1000x1xf32>
    %jit3A_62 = arith.constant 0.000000e+00 : f32
    %broadcast_in_dim3A_63 = vector.broadcast %jit3A_62 : f32 to vector<1000x1xf32>
    %select_n3A_64 = arith.select %gt3A_58, %div3A_61, %broadcast_in_dim3A_63 : vector<1000x1xi1>, vector<1000x1xf32>
    %get3A_65 = arith.constant 2 : index
    %get3A_66 = arith.constant 0 : index
    %get3A_67 = arith.constant 0 : index
    %get3A_68 = vector.load %arg1[%get3A_65, %get3A_66, %get3A_67] : memref<5x1000x128xf32, #tpu.memory_space<vmem>>, vector<1x1000x128xf32>
    %get3A_69 = vector.shape_cast %get3A_68 : vector<1x1000x128xf32> to vector<1000x128xf32>
    %mul3A_70 = vector.broadcast %select_n3A_64 : vector<1000x1xf32> to vector<1000x128xf32>
    %mul3A_71 = arith.mulf %get3A_69, %mul3A_70 : vector<1000x128xf32>
    %get3A_72 = arith.constant 2 : index
    %get3A_73 = arith.constant 0 : index
    %get3A_74 = arith.constant 0 : index
    %get3A_75 = vector.load %arg5[%get3A_72, %get3A_73, %get3A_74] : memref<5x128x128xf32, #tpu.memory_space<vmem>>, vector<1x128x128xf32>
    %get3A_76 = vector.shape_cast %get3A_75 : vector<1x128x128xf32> to vector<128x128xf32>
    %dot_general3A_77 = arith.constant dense<0.000000e+00> : vector<1000x128xf32>
    %dot_general3A_78 = tpu.matmul %mul3A_71, %get3A_76, %dot_general3A_77 {dimension_numbers = #tpu.dot_dimension_numbers<[1], [0], [0], [1], [0, 0, 1, 1], [], []>, transpose_lhs_hint = false} : vector<1000x128xf32>, vector<128x128xf32>, vector<1000x128xf32> -> vector<1000x128xf32>
    %add3A_79 = arith.addf %add3A_50, %dot_general3A_78 : vector<1000x128xf32>
    %get3A_80 = arith.constant 3 : index
    %get3A_81 = arith.constant 0 : index
    %get3A_82 = arith.constant 0 : index
    %get3A_83 = vector.load %arg2[%get3A_80, %get3A_81, %get3A_82] : memref<5x1000x32xf32, #tpu.memory_space<vmem>>, vector<1x1000x1xf32>
    %get3A_84 = vector.shape_cast %get3A_83 : vector<1x1000x1xf32> to vector<1000x1xf32>
    %gt3A_85 = arith.constant 5.000000e-01 : f32
    %gt3A_86 = vector.broadcast %gt3A_85 : f32 to vector<1000x1xf32>
    %gt3A_87 = arith.cmpf ogt, %get3A_84, %gt3A_86 : vector<1000x1xf32>
    %div3A_88 = arith.constant 1.000000e+00 : f32
    %div3A_89 = vector.broadcast %div3A_88 : f32 to vector<1000x1xf32>
    %div3A_90 = arith.divf %div3A_89, %get3A_84 : vector<1000x1xf32>
    %jit3A_91 = arith.constant 0.000000e+00 : f32
    %broadcast_in_dim3A_92 = vector.broadcast %jit3A_91 : f32 to vector<1000x1xf32>
    %select_n3A_93 = arith.select %gt3A_87, %div3A_90, %broadcast_in_dim3A_92 : vector<1000x1xi1>, vector<1000x1xf32>
    %get3A_94 = arith.constant 3 : index
    %get3A_95 = arith.constant 0 : index
    %get3A_96 = arith.constant 0 : index
    %get3A_97 = vector.load %arg1[%get3A_94, %get3A_95, %get3A_96] : memref<5x1000x128xf32, #tpu.memory_space<vmem>>, vector<1x1000x128xf32>
    %get3A_98 = vector.shape_cast %get3A_97 : vector<1x1000x128xf32> to vector<1000x128xf32>
    %mul3A_99 = vector.broadcast %select_n3A_93 : vector<1000x1xf32> to vector<1000x128xf32>
    %mul3A_100 = arith.mulf %get3A_98, %mul3A_99 : vector<1000x128xf32>
    %get3A_101 = arith.constant 3 : index
    %get3A_102 = arith.constant 0 : index
    %get3A_103 = arith.constant 0 : index
    %get3A_104 = vector.load %arg5[%get3A_101, %get3A_102, %get3A_103] : memref<5x128x128xf32, #tpu.memory_space<vmem>>, vector<1x128x128xf32>
    %get3A_105 = vector.shape_cast %get3A_104 : vector<1x128x128xf32> to vector<128x128xf32>
    %dot_general3A_106 = arith.constant dense<0.000000e+00> : vector<1000x128xf32>
    %dot_general3A_107 = tpu.matmul %mul3A_100, %get3A_105, %dot_general3A_106 {dimension_numbers = #tpu.dot_dimension_numbers<[1], [0], [0], [1], [0, 0, 1, 1], [], []>, transpose_lhs_hint = false} : vector<1000x128xf32>, vector<128x128xf32>, vector<1000x128xf32> -> vector<1000x128xf32>
    %add3A_108 = arith.addf %add3A_79, %dot_general3A_107 : vector<1000x128xf32>
    %get3A_109 = arith.constant 4 : index
    %get3A_110 = arith.constant 0 : index
    %get3A_111 = arith.constant 0 : index
    %get3A_112 = vector.load %arg2[%get3A_109, %get3A_110, %get3A_111] : memref<5x1000x32xf32, #tpu.memory_space<vmem>>, vector<1x1000x1xf32>
    %get3A_113 = vector.shape_cast %get3A_112 : vector<1x1000x1xf32> to vector<1000x1xf32>
    %gt3A_114 = arith.constant 5.000000e-01 : f32
    %gt3A_115 = vector.broadcast %gt3A_114 : f32 to vector<1000x1xf32>
    %gt3A_116 = arith.cmpf ogt, %get3A_113, %gt3A_115 : vector<1000x1xf32>
    %div3A_117 = arith.constant 1.000000e+00 : f32
    %div3A_118 = vector.broadcast %div3A_117 : f32 to vector<1000x1xf32>
    %div3A_119 = arith.divf %div3A_118, %get3A_113 : vector<1000x1xf32>
    %jit3A_120 = arith.constant 0.000000e+00 : f32
    %broadcast_in_dim3A_121 = vector.broadcast %jit3A_120 : f32 to vector<1000x1xf32>
    %select_n3A_122 = arith.select %gt3A_116, %div3A_119, %broadcast_in_dim3A_121 : vector<1000x1xi1>, vector<1000x1xf32>
    %get3A_123 = arith.constant 4 : index
    %get3A_124 = arith.constant 0 : index
    %get3A_125 = arith.constant 0 : index
    %get3A_126 = vector.load %arg1[%get3A_123, %get3A_124, %get3A_125] : memref<5x1000x128xf32, #tpu.memory_space<vmem>>, vector<1x1000x128xf32>
    %get3A_127 = vector.shape_cast %get3A_126 : vector<1x1000x128xf32> to vector<1000x128xf32>
    %mul3A_128 = vector.broadcast %select_n3A_122 : vector<1000x1xf32> to vector<1000x128xf32>
    %mul3A_129 = arith.mulf %get3A_127, %mul3A_128 : vector<1000x128xf32>
    %get3A_130 = arith.constant 4 : index
    %get3A_131 = arith.constant 0 : index
    %get3A_132 = arith.constant 0 : index
    %get3A_133 = vector.load %arg5[%get3A_130, %get3A_131, %get3A_132] : memref<5x128x128xf32, #tpu.memory_space<vmem>>, vector<1x128x128xf32>
    %get3A_134 = vector.shape_cast %get3A_133 : vector<1x128x128xf32> to vector<128x128xf32>
    %dot_general3A_135 = arith.constant dense<0.000000e+00> : vector<1000x128xf32>
    %dot_general3A_136 = tpu.matmul %mul3A_129, %get3A_134, %dot_general3A_135 {dimension_numbers = #tpu.dot_dimension_numbers<[1], [0], [0], [1], [0, 0, 1, 1], [], []>, transpose_lhs_hint = false} : vector<1000x128xf32>, vector<128x128xf32>, vector<1000x128xf32> -> vector<1000x128xf32>
    %add3A_137 = arith.addf %add3A_108, %dot_general3A_136 : vector<1000x128xf32>
    %swap3A = arith.constant 0 : index
    %swap3A_138 = arith.constant 0 : index
    %swap3A_139 = vector.load %arg6[%swap3A, %swap3A_138] : memref<1000x128xf32, #tpu.memory_space<vmem>>, vector<1000x128xf32>
    tpu.vector_store %arg6[%swap3A, %swap3A_138], %add3A_137 {strides = array<i32>} : memref<1000x128xf32, #tpu.memory_space<vmem>>, vector<1000x128xf32>,
    %broadcast_in_dim3A_140 = arith.constant 0.000000e+00 : f32
    %broadcast_in_dim3A_141 = vector.broadcast %broadcast_in_dim3A_140 : f32 to vector<1000x128xf32>
    %get3A_142 = arith.constant 0 : index
    %get3A_143 = arith.constant 0 : index
    %get3A_144 = arith.constant 0 : index
    %get3A_145 = vector.load %arg4[%get3A_142, %get3A_143, %get3A_144] : memref<5x1000x32xf32, #tpu.memory_space<vmem>>, vector<1x1000x1xf32>
    %get3A_146 = vector.shape_cast %get3A_145 : vector<1x1000x1xf32> to vector<1000x1xf32>
    %gt3A_147 = arith.constant 5.000000e-01 : f32
    %gt3A_148 = vector.broadcast %gt3A_147 : f32 to vector<1000x1xf32>
    %gt3A_149 = arith.cmpf ogt, %get3A_146, %gt3A_148 : vector<1000x1xf32>
    %div3A_150 = arith.constant 1.000000e+00 : f32
    %div3A_151 = vector.broadcast %div3A_150 : f32 to vector<1000x1xf32>
    %div3A_152 = arith.divf %div3A_151, %get3A_146 : vector<1000x1xf32>
    %jit3A_153 = arith.constant 0.000000e+00 : f32
    %broadcast_in_dim3A_154 = vector.broadcast %jit3A_153 : f32 to vector<1000x1xf32>
    %select_n3A_155 = arith.select %gt3A_149, %div3A_152, %broadcast_in_dim3A_154 : vector<1000x1xi1>, vector<1000x1xf32>
    %get3A_156 = arith.constant 0 : index
    %get3A_157 = arith.constant 0 : index
    %get3A_158 = arith.constant 0 : index
    %get3A_159 = vector.load %arg3[%get3A_156, %get3A_157, %get3A_158] : memref<5x1000x128xf32, #tpu.memory_space<vmem>>, vector<1x1000x128xf32>
    %get3A_160 = vector.shape_cast %get3A_159 : vector<1x1000x128xf32> to vector<1000x128xf32>
    %mul3A_161 = vector.broadcast %select_n3A_155 : vector<1000x1xf32> to vector<1000x128xf32>
    %mul3A_162 = arith.mulf %get3A_160, %mul3A_161 : vector<1000x128xf32>
    %get3A_163 = arith.constant 0 : index
    %get3A_164 = arith.constant 0 : index
    %get3A_165 = arith.constant 0 : index
    %get3A_166 = vector.load %arg5[%get3A_163, %get3A_164, %get3A_165] : memref<5x128x128xf32, #tpu.memory_space<vmem>>, vector<1x128x128xf32>
    %get3A_167 = vector.shape_cast %get3A_166 : vector<1x128x128xf32> to vector<128x128xf32>
    %dot_general3A_168 = arith.constant dense<0.000000e+00> : vector<1000x128xf32>
    %dot_general3A_169 = tpu.matmul %mul3A_162, %get3A_167, %dot_general3A_168 {dimension_numbers = #tpu.dot_dimension_numbers<[1], [0], [0], [1], [0, 0, 1, 1], [], []>, transpose_lhs_hint = false} : vector<1000x128xf32>, vector<128x128xf32>, vector<1000x128xf32> -> vector<1000x128xf32>
    %add3A_170 = arith.addf %broadcast_in_dim3A_141, %dot_general3A_169 : vector<1000x128xf32>
    %get3A_171 = arith.constant 1 : index
    %get3A_172 = arith.constant 0 : index
    %get3A_173 = arith.constant 0 : index
    %get3A_174 = vector.load %arg4[%get3A_171, %get3A_172, %get3A_173] : memref<5x1000x32xf32, #tpu.memory_space<vmem>>, vector<1x1000x1xf32>
    %get3A_175 = vector.shape_cast %get3A_174 : vector<1x1000x1xf32> to vector<1000x1xf32>
    %gt3A_176 = arith.constant 5.000000e-01 : f32
    %gt3A_177 = vector.broadcast %gt3A_176 : f32 to vector<1000x1xf32>
    %gt3A_178 = arith.cmpf ogt, %get3A_175, %gt3A_177 : vector<1000x1xf32>
    %div3A_179 = arith.constant 1.000000e+00 : f32
    %div3A_180 = vector.broadcast %div3A_179 : f32 to vector<1000x1xf32>
    %div3A_181 = arith.divf %div3A_180, %get3A_175 : vector<1000x1xf32>
    %jit3A_182 = arith.constant 0.000000e+00 : f32
    %broadcast_in_dim3A_183 = vector.broadcast %jit3A_182 : f32 to vector<1000x1xf32>
    %select_n3A_184 = arith.select %gt3A_178, %div3A_181, %broadcast_in_dim3A_183 : vector<1000x1xi1>, vector<1000x1xf32>
    %get3A_185 = arith.constant 1 : index
    %get3A_186 = arith.constant 0 : index
    %get3A_187 = arith.constant 0 : index
    %get3A_188 = vector.load %arg3[%get3A_185, %get3A_186, %get3A_187] : memref<5x1000x128xf32, #tpu.memory_space<vmem>>, vector<1x1000x128xf32>
    %get3A_189 = vector.shape_cast %get3A_188 : vector<1x1000x128xf32> to vector<1000x128xf32>
    %mul3A_190 = vector.broadcast %select_n3A_184 : vector<1000x1xf32> to vector<1000x128xf32>
    %mul3A_191 = arith.mulf %get3A_189, %mul3A_190 : vector<1000x128xf32>
    %get3A_192 = arith.constant 1 : index
    %get3A_193 = arith.constant 0 : index
    %get3A_194 = arith.constant 0 : index
    %get3A_195 = vector.load %arg5[%get3A_192, %get3A_193, %get3A_194] : memref<5x128x128xf32, #tpu.memory_space<vmem>>, vector<1x128x128xf32>
    %get3A_196 = vector.shape_cast %get3A_195 : vector<1x128x128xf32> to vector<128x128xf32>
    %dot_general3A_197 = arith.constant dense<0.000000e+00> : vector<1000x128xf32>
    %dot_general3A_198 = tpu.matmul %mul3A_191, %get3A_196, %dot_general3A_197 {dimension_numbers = #tpu.dot_dimension_numbers<[1], [0], [0], [1], [0, 0, 1, 1], [], []>, transpose_lhs_hint = false} : vector<1000x128xf32>, vector<128x128xf32>, vector<1000x128xf32> -> vector<1000x128xf32>
    %add3A_199 = arith.addf %add3A_170, %dot_general3A_198 : vector<1000x128xf32>
    %get3A_200 = arith.constant 2 : index
    %get3A_201 = arith.constant 0 : index
    %get3A_202 = arith.constant 0 : index
    %get3A_203 = vector.load %arg4[%get3A_200, %get3A_201, %get3A_202] : memref<5x1000x32xf32, #tpu.memory_space<vmem>>, vector<1x1000x1xf32>
    %get3A_204 = vector.shape_cast %get3A_203 : vector<1x1000x1xf32> to vector<1000x1xf32>
    %gt3A_205 = arith.constant 5.000000e-01 : f32
    %gt3A_206 = vector.broadcast %gt3A_205 : f32 to vector<1000x1xf32>
    %gt3A_207 = arith.cmpf ogt, %get3A_204, %gt3A_206 : vector<1000x1xf32>
    %div3A_208 = arith.constant 1.000000e+00 : f32
    %div3A_209 = vector.broadcast %div3A_208 : f32 to vector<1000x1xf32>
    %div3A_210 = arith.divf %div3A_209, %get3A_204 : vector<1000x1xf32>
    %jit3A_211 = arith.constant 0.000000e+00 : f32
    %broadcast_in_dim3A_212 = vector.broadcast %jit3A_211 : f32 to vector<1000x1xf32>
    %select_n3A_213 = arith.select %gt3A_207, %div3A_210, %broadcast_in_dim3A_212 : vector<1000x1xi1>, vector<1000x1xf32>
    %get3A_214 = arith.constant 2 : index
    %get3A_215 = arith.constant 0 : index
    %get3A_216 = arith.constant 0 : index
    %get3A_217 = vector.load %arg3[%get3A_214, %get3A_215, %get3A_216] : memref<5x1000x128xf32, #tpu.memory_space<vmem>>, vector<1x1000x128xf32>
    %get3A_218 = vector.shape_cast %get3A_217 : vector<1x1000x128xf32> to vector<1000x128xf32>
    %mul3A_219 = vector.broadcast %select_n3A_213 : vector<1000x1xf32> to vector<1000x128xf32>
    %mul3A_220 = arith.mulf %get3A_218, %mul3A_219 : vector<1000x128xf32>
    %get3A_221 = arith.constant 2 : index
    %get3A_222 = arith.constant 0 : index
    %get3A_223 = arith.constant 0 : index
    %get3A_224 = vector.load %arg5[%get3A_221, %get3A_222, %get3A_223] : memref<5x128x128xf32, #tpu.memory_space<vmem>>, vector<1x128x128xf32>
    %get3A_225 = vector.shape_cast %get3A_224 : vector<1x128x128xf32> to vector<128x128xf32>
    %dot_general3A_226 = arith.constant dense<0.000000e+00> : vector<1000x128xf32>
    %dot_general3A_227 = tpu.matmul %mul3A_220, %get3A_225, %dot_general3A_226 {dimension_numbers = #tpu.dot_dimension_numbers<[1], [0], [0], [1], [0, 0, 1, 1], [], []>, transpose_lhs_hint = false} : vector<1000x128xf32>, vector<128x128xf32>, vector<1000x128xf32> -> vector<1000x128xf32>
    %add3A_228 = arith.addf %add3A_199, %dot_general3A_227 : vector<1000x128xf32>
    %get3A_229 = arith.constant 3 : index
    %get3A_230 = arith.constant 0 : index
    %get3A_231 = arith.constant 0 : index
    %get3A_232 = vector.load %arg4[%get3A_229, %get3A_230, %get3A_231] : memref<5x1000x32xf32, #tpu.memory_space<vmem>>, vector<1x1000x1xf32>
    %get3A_233 = vector.shape_cast %get3A_232 : vector<1x1000x1xf32> to vector<1000x1xf32>
    %gt3A_234 = arith.constant 5.000000e-01 : f32
    %gt3A_235 = vector.broadcast %gt3A_234 : f32 to vector<1000x1xf32>
    %gt3A_236 = arith.cmpf ogt, %get3A_233, %gt3A_235 : vector<1000x1xf32>
    %div3A_237 = arith.constant 1.000000e+00 : f32
    %div3A_238 = vector.broadcast %div3A_237 : f32 to vector<1000x1xf32>
    %div3A_239 = arith.divf %div3A_238, %get3A_233 : vector<1000x1xf32>
    %jit3A_240 = arith.constant 0.000000e+00 : f32
    %broadcast_in_dim3A_241 = vector.broadcast %jit3A_240 : f32 to vector<1000x1xf32>
    %select_n3A_242 = arith.select %gt3A_236, %div3A_239, %broadcast_in_dim3A_241 : vector<1000x1xi1>, vector<1000x1xf32>
    %get3A_243 = arith.constant 3 : index
    %get3A_244 = arith.constant 0 : index
    %get3A_245 = arith.constant 0 : index
    %get3A_246 = vector.load %arg3[%get3A_243, %get3A_244, %get3A_245] : memref<5x1000x128xf32, #tpu.memory_space<vmem>>, vector<1x1000x128xf32>
    %get3A_247 = vector.shape_cast %get3A_246 : vector<1x1000x128xf32> to vector<1000x128xf32>
    %mul3A_248 = vector.broadcast %select_n3A_242 : vector<1000x1xf32> to vector<1000x128xf32>
    %mul3A_249 = arith.mulf %get3A_247, %mul3A_248 : vector<1000x128xf32>
    %get3A_250 = arith.constant 3 : index
    %get3A_251 = arith.constant 0 : index
    %get3A_252 = arith.constant 0 : index
    %get3A_253 = vector.load %arg5[%get3A_250, %get3A_251, %get3A_252] : memref<5x128x128xf32, #tpu.memory_space<vmem>>, vector<1x128x128xf32>
    %get3A_254 = vector.shape_cast %get3A_253 : vector<1x128x128xf32> to vector<128x128xf32>
    %dot_general3A_255 = arith.constant dense<0.000000e+00> : vector<1000x128xf32>
    %dot_general3A_256 = tpu.matmul %mul3A_249, %get3A_254, %dot_general3A_255 {dimension_numbers = #tpu.dot_dimension_numbers<[1], [0], [0], [1], [0, 0, 1, 1], [], []>, transpose_lhs_hint = false} : vector<1000x128xf32>, vector<128x128xf32>, vector<1000x128xf32> -> vector<1000x128xf32>
    %add3A_257 = arith.addf %add3A_228, %dot_general3A_256 : vector<1000x128xf32>
    %get3A_258 = arith.constant 4 : index
    %get3A_259 = arith.constant 0 : index
    %get3A_260 = arith.constant 0 : index
    %get3A_261 = vector.load %arg4[%get3A_258, %get3A_259, %get3A_260] : memref<5x1000x32xf32, #tpu.memory_space<vmem>>, vector<1x1000x1xf32>
    %get3A_262 = vector.shape_cast %get3A_261 : vector<1x1000x1xf32> to vector<1000x1xf32>
    %gt3A_263 = arith.constant 5.000000e-01 : f32
    %gt3A_264 = vector.broadcast %gt3A_263 : f32 to vector<1000x1xf32>
    %gt3A_265 = arith.cmpf ogt, %get3A_262, %gt3A_264 : vector<1000x1xf32>
    %div3A_266 = arith.constant 1.000000e+00 : f32
    %div3A_267 = vector.broadcast %div3A_266 : f32 to vector<1000x1xf32>
    %div3A_268 = arith.divf %div3A_267, %get3A_262 : vector<1000x1xf32>
    %jit3A_269 = arith.constant 0.000000e+00 : f32
    %broadcast_in_dim3A_270 = vector.broadcast %jit3A_269 : f32 to vector<1000x1xf32>
    %select_n3A_271 = arith.select %gt3A_265, %div3A_268, %broadcast_in_dim3A_270 : vector<1000x1xi1>, vector<1000x1xf32>
    %get3A_272 = arith.constant 4 : index
    %get3A_273 = arith.constant 0 : index
    %get3A_274 = arith.constant 0 : index
    %get3A_275 = vector.load %arg3[%get3A_272, %get3A_273, %get3A_274] : memref<5x1000x128xf32, #tpu.memory_space<vmem>>, vector<1x1000x128xf32>
    %get3A_276 = vector.shape_cast %get3A_275 : vector<1x1000x128xf32> to vector<1000x128xf32>
    %mul3A_277 = vector.broadcast %select_n3A_271 : vector<1000x1xf32> to vector<1000x128xf32>
    %mul3A_278 = arith.mulf %get3A_276, %mul3A_277 : vector<1000x128xf32>
    %get3A_279 = arith.constant 4 : index
    %get3A_280 = arith.constant 0 : index
    %get3A_281 = arith.constant 0 : index
    %get3A_282 = vector.load %arg5[%get3A_279, %get3A_280, %get3A_281] : memref<5x128x128xf32, #tpu.memory_space<vmem>>, vector<1x128x128xf32>
    %get3A_283 = vector.shape_cast %get3A_282 : vector<1x128x128xf32> to vector<128x128xf32>
    %dot_general3A_284 = arith.constant dense<0.000000e+00> : vector<1000x128xf32>
    %dot_general3A_285 = tpu.matmul %mul3A_278, %get3A_283, %dot_general3A_284 {dimension_numbers = #tpu.dot_dimension_numbers<[1], [0], [0], [1], [0, 0, 1, 1], [], []>, transpose_lhs_hint = false} : vector<1000x128xf32>, vector<128x128xf32>, vector<1000x128xf32> -> vector<1000x128xf32>
    %add3A_286 = arith.addf %add3A_257, %dot_general3A_285 : vector<1000x128xf32>
    %swap3A_287 = arith.constant 0 : index
    %swap3A_288 = arith.constant 0 : index
    %swap3A_289 = vector.load %arg7[%swap3A_287, %swap3A_288] : memref<1000x128xf32, #tpu.memory_space<vmem>>, vector<1000x128xf32>
    tpu.vector_store %arg7[%swap3A_287, %swap3A_288], %add3A_286 {strides = array<i32>} : memref<1000x128xf32, #tpu.memory_space<vmem>>, vector<1000x128xf32>,
    return
  }
  func.func @transform_0(%arg0: i32) -> (i32, i32, i32) {
    %c0_i32 = arith.constant 0 : i32
    %c0_i32_0 = arith.constant 0 : i32
    %c0_i32_1 = arith.constant 0 : i32
    return %c0_i32, %arg0, %c0_i32_0 : i32, i32, i32
  }
  func.func @transform_1(%arg0: i32) -> (i32, i32, i32) {
    %c0_i32 = arith.constant 0 : i32
    %c0_i32_0 = arith.constant 0 : i32
    %c0_i32_1 = arith.constant 0 : i32
    return %c0_i32, %arg0, %c0_i32_0 : i32, i32, i32
  }
  func.func @transform_2(%arg0: i32) -> (i32, i32, i32) {
    %c0_i32 = arith.constant 0 : i32
    %c0_i32_0 = arith.constant 0 : i32
    %c0_i32_1 = arith.constant 0 : i32
    return %c0_i32, %arg0, %c0_i32_0 : i32, i32, i32
  }
  func.func @transform_3(%arg0: i32) -> (i32, i32, i32) {
    %c0_i32 = arith.constant 0 : i32
    %c0_i32_0 = arith.constant 0 : i32
    %c0_i32_1 = arith.constant 0 : i32
    return %c0_i32, %arg0, %c0_i32_0 : i32, i32, i32
  }
  func.func @transform_4(%arg0: i32) -> (i32, i32, i32) {
    %c0_i32 = arith.constant 0 : i32
    %c0_i32_0 = arith.constant 0 : i32
    %c0_i32_1 = arith.constant 0 : i32
    %c0_i32_2 = arith.constant 0 : i32
    return %c0_i32, %c0_i32_0, %c0_i32_1 : i32, i32, i32
  }
  func.func @transform_5(%arg0: i32) -> (i32, i32) {
    %c0_i32 = arith.constant 0 : i32
    %c0_i32_0 = arith.constant 0 : i32
    return %arg0, %c0_i32 : i32, i32
  }
  func.func @transform_6(%arg0: i32) -> (i32, i32) {
    %c0_i32 = arith.constant 0 : i32
    %c0_i32_0 = arith.constant 0 : i32
    return %arg0, %c0_i32 : i32, i32
  }
}

</mosaic_0001>

<sc_bundles>
// kernel: kernel.4.cloned.1.call-start
scs
__scs_entry_jumppad:
0x0: {  	(pc) =	sbr.rel $0x88, $3  }
0x1: {  	(tag) =	ssettag $0x0;
	lr =	simm.s32 $0x1  }
0x2: {  	[smem:$0x3F9B] =	sst lr;
	_ =	strace $0xD0000000  }
0x3: {  	_ = 	snop  }
0x4: {  	_ = 	snop  }
0x5: {  	_ = 	snop  }
0x6: {  	_ = 	snop  }
0x7: {  	_ = 	snop  }
__scs_overlays_trampoline_lowered:
0x8: {  	[smem:$0x3FAA] =	sst s0  }
0x9: {  	[smem:$0x3FAB] =	sst s1  }
0xa: {  	[smem:$0x3FAC] =	sst s2  }
0xb: {  	[smem:$0x3FAD] =	sst s3  }
0xc: {  	[smem:$0x3FAE] =	sst s4  }
0xd: {  	[smem:$0x3FAF] =	sst s5  }
0xe: {  	[smem:$0x3FB0] =	sst s6  }
0xf: {  	[smem:$0x3FB1] =	sst s7  }
0x10: {  	[smem:$0x3FB2] =	sst s8  }
0x11: {  	[smem:$0x3FB3] =	sst s9;
	s0 =	simm.s32 @!p0 $0x0  }
0x12: {  	s1 =	sld [smem:$0x3F99];
	s0 =	simm.s32 @p0 $0x1  }
0x13: {  	[smem:$0x3FB4] =	sst s0;
	s0 =	simm.s32 @!p1 $0x0  }
0x14: {  	s2 =	sld [smem:$0x3F98];
	s0 =	simm.s32 @p1 $0x1  }
0x15: {  	[smem:$0x3FB5] =	sst s0;
	s0 =	simm.s32 @!p2 $0x0  }
0x16: {  	s3 =	sld [smem:$0x3FDB];
	s0 =	simm.s32 @p2 $0x1  }
0x17: {  	s4 =	simm.s32 $0x1BF5;
	[smem:$0x3FB7] =	sst s0  }
0x18: {  	s0 =	sld [smem:$0x3F9A];
	_ =	swait.ge [sflag:s4], $0x0  }
0x19: {  	s7 =	sld [smem:$0x3F9B]  }
0x1a: {  	s8 =	sadd.s32 $0xFFFFE003, lr  }
0x1b: {  	s9 =	sadd.s32 $0xFFFFFEF7, lr;
	s5 =	simm.s32 $0xFFFFFFFF;
	p2 =	slt.u32 s8, $0xFFFFF086  }
0x1c: {  	p1 =	slt.u32 s9, $0xF7A;
	s5 =	simm.s32 @!p2 $0x0  }
0x1d: {  	s5 =	simm.s32 @p1 $0x1;
	p0 =	seq.s32 s7, s2  }
0x1e: {  	s7 =	smul.u32 @!p0 $0xF7A, s2;
	p2 =	seq.s32 @!p0 s5, $0x0  }
0x1f: {  	s9 =	smul.u32 $0xF7A, s1;
	s8 =	simm.s32 @!p0 $0x1BF5;
	p2 =	por !p2, p0  }
0x20: {  	[sflag:s8] =	ssyncset.s32 @!p0 $0xFFFFF086;
	s6 =	sadd.s32 @!p0 s3, s7;
	s7 =	simm.s32 @!p0 $0x108  }
0x21: {  	s3 =	sadd.s32 s3, s9;
	s6 =	sadd.s32 @!p0 $0x88, s6;
	s7 =	simm.s32 @p2 $0x1082  }
0x22: {  	[simem:s7], [sflag:s8] =	dma.local @!p0 [hbm:s6], $0xF7A  }
0x23: {  	s9 =	sor.u32 $0xD0000000, s2;
	s6 =	simm.s32 $0x108;
	_ =	swait.ge @!p0 [sflag:s8], $0x0  }
0x24: {  	s3 =	sadd.s32 $0x88, s3;
	s6 =	simm.s32 @!p1 $0x1082;
	[sflag:s4] =	ssyncset.s32 $0xFFFFF086  }
0x25: {  	[simem:s6], [sflag:s4] =	dma.local [hbm:s3], $0xF7A  }
0x26: {  	[smem:$0x3F9B] =	sst s1;
	(tag) =	ssettag s2;
	_ =	strace s9  }
0x27: {  	s1 =	sld [smem:$0x3FAB]  }
0x28: {  	s2 =	sld [smem:$0x3FAC]  }
0x29: {  	s4 =	sld [smem:$0x3FAE]  }
0x2a: {  	p0 =	seq.s32 s5, $0x0;
	s5 =	sld [smem:$0x3FAF]  }
0x2b: {  	s6 =	sld [smem:$0x3FB0]  }
0x2c: {  	s7 =	sld [smem:$0x3FB1]  }
0x2d: {  	s3 =	simm.s32 $0x108;
	s8 =	sld [smem:$0x3FB2]  }
0x2e: {  	s3 =	simm.s32 @!p0 $0x1082;
	s9 =	sld [smem:$0x3FB3]  }
0x2f: {  	lr =	sadd.s32 s0, s3;
	s0 =	sld [smem:$0x3FAA]  }
0x30: {  	s3 =	sld [smem:$0x3FAD]  }
0x31: {  	[smem:$0x3FB6] =	sst s10  }
0x32: {  	s10 =	sld [smem:$0x3FB4];
	_ =	sdelay $0x3  }
0x33: {  	p0 =	seq.s32 s10, $0x1;
	s10 =	sld [smem:$0x3FB6];
	_ =	sdelay $0x3  }
0x34: {  	[smem:$0x3FB6] =	sst s10  }
0x35: {  	s10 =	sld [smem:$0x3FB5];
	_ =	sdelay $0x3  }
0x36: {  	p1 =	seq.s32 s10, $0x1;
	s10 =	sld [smem:$0x3FB6];
	_ =	sdelay $0x3  }
0x37: {  	[smem:$0x3FB6] =	sst s10  }
0x38: {  	s10 =	sld [smem:$0x3FB7]  }
0x39: {  	_ = 	snop;
	(pc) =	sbr.ind lr, $3  }
0x3a: {  	_ = 	snop  }
0x3b: {  	_ = 	snop  }
0x3c: {  	p2 =	seq.s32 s10, $0x1;
	s10 =	sld [smem:$0x3FB6]  }
0x3d: {  	_ =	shalt  }
0x3e: {  	_ =	shalt  }
0x3f: {  	_ =	shalt  }
0x40: {  	_ =	shalt  }
0x41: {  	_ =	shalt  }
0x42: {  	_ =	shalt  }
0x43: {  	_ =	shalt  }
0x44: {  	_ =	shalt  }
0x45: {  	_ =	shalt  }
0x46: {  	_ =	shalt  }
0x47: {  	_ =	shalt  }
0x48: {  	_ =	shalt  }
0x49: {  	_ =	shalt  }
0x4a: {  	_ =	shalt  }
0x4b: {  	_ =	shalt  }
0x4c: {  	_ =	shalt  }
0x4d: {  	_ =	shalt  }
0x4e: {  	_ =	shalt  }
0x4f: {  	_ =	shalt  }
0x50: {  	_ =	shalt  }
0x51: {  	_ =	shalt  }
0x52: {  	_ =	shalt  }
0x53: {  	_ =	shalt  }
0x54: {  	_ =	shalt  }
0x55: {  	_ =	shalt  }
0x56: {  	_ =	shalt  }
0x57: {  	_ =	shalt  }
0x58: {  	_ =	shalt  }
0x59: {  	_ =	shalt  }
0x5a: {  	_ =	shalt  }
0x5b: {  	_ =	shalt  }
0x5c: {  	_ =	shalt  }
0x5d: {  	_ =	shalt  }
0x5e: {  	_ =	shalt  }
0x5f: {  	_ =	shalt  }
0x60: {  	_ =	shalt  }
0x61: {  	_ =	shalt  }
0x62: {  	_ =	shalt  }
0x63: {  	_ =	shalt  }
0x64: {  	_ =	shalt  }
0x65: {  	_ =	shalt  }
0x66: {  	_ =	shalt  }
0x67: {  	_ =	shalt  }
0x68: {  	_ =	shalt  }
0x69: {  	_ =	shalt  }
0x6a: {  	_ =	shalt  }
0x6b: {  	_ =	shalt  }
0x6c: {  	_ =	shalt  }
0x6d: {  	_ =	shalt  }
0x6e: {  	_ =	shalt  }
0x6f: {  	_ =	shalt  }
0x70: {  	_ =	shalt  }
0x71: {  	_ =	shalt  }
0x72: {  	_ =	shalt  }
0x73: {  	_ =	shalt  }
0x74: {  	_ =	shalt  }
0x75: {  	_ =	shalt  }
0x76: {  	_ =	shalt  }
0x77: {  	_ =	shalt  }
0x78: {  	_ =	shalt  }
0x79: {  	_ =	shalt  }
0x7a: {  	_ =	shalt  }
0x7b: {  	_ =	shalt  }
0x7c: {  	_ =	shalt  }
0x7d: {  	_ =	shalt  }
0x7e: {  	_ =	shalt  }
0x7f: {  	_ =	shalt  }
0x80: {  	_ =	shalt  }
0x81: {  	_ =	shalt  }
0x82: {  	_ =	shalt  }
0x83: {  	_ =	shalt  }
0x84: {  	_ =	shalt  }
0x85: {  	_ =	shalt  }
0x86: {  	_ =	shalt  }
0x87: {  	_ =	shalt  }
.Lfunc_end0:
.L_simem_size_0:
called_computation_lowered:
.L_overlay_start_0:
0x88: {  	s2 =	sld [smem:$0x3FD9]  }
0x89: {  	s3 =	sld [smem:$0x3FFE];
	_ =	sdelay $0x1  }
0x8a: {  	s1 =	srdreg.scid  }
0x8b: {  	s0 =	sand.u32 $0x1, s1  }
0x8c: {  	s14 =	sshll.u32 s0, $0xA;
	s2 =	sadd.s32 s3, s2  }
0x8d: {  	s2 =	sadd.s32 s2, s14  }
0x8e: {  	[smem:$0x3FC2] =	sst s2  }
0x8f: {  	_ = 	snop  }
0x90: {  	s2 =	sld [smem:$0x3FD0];
	_ =	sdelay $0x2  }
0x91: {  	s15 =	simm.s32 $0xA;
	s4 =	simm.s32 $0x10  }
0x92: {  	[smem:s4], [sflag:s15] =	dma.local [hbm:s2], $0x1  }
0x93: {  	_ =	swait.eq [sflag:s15], $0x1  }
0x94: {  	[sflag:s15] =	ssyncset.done $0x0  }
0x95: {  	s16 =	sld [smem:$0x10];
	[sflag:s15] =	ssyncadd.s32 $0xFFFFFFFF  }
0x96: {  	s17 =	sld [smem:$0x11];
	(tm) =	ssettm $0x1  }
0x97: {  	s18 =	sld [smem:$0x3FFB];
	_ =	sdelay $0x3  }
0x98: {  	_ =	strace s18  }
0x99: {  	s4 =	sld [smem:$0x3FFC];
	_ =	sdelay $0x3  }
0x9a: {  	_ =	strace s4  }
0x9b: {  	s4 =	sld [smem:$0x3FFD];
	_ =	sdelay $0x3  }
0x9c: {  	_ =	strace s4  }
0x9d: {  	_ =	strace $0x8FFFFFFF  }
0x9e: {  	s19 =	sld [smem:$0x3FDB];
	_ =	sdelay $0x1  }
0x9f: {  	s5 =	simm.s32 $_scs_section_size  }
0xa0: {  	s6 =	simm.s32 $_size__tile_overlayer_lowered;
	s7 =	simm.s32 $_tile_overlayer_lowered  }
0xa1: {  	s22 =	simm.s32 $0x1BFF;
	s21 =	sshll.u32 s7, $0x1;
	s4 =	sadd.s32 s5, s19  }
0xa2: {  	s8 =	simm.s32 $0x0;
	s20 =	sshll.u32 s6, $0x1;
	s6 =	sadd.s32 s21, s4  }
0xa3: {  	[timem:s8], [sflag:s22] =	dma.local [hbm:s6], s20  }
0xa4: {  	_ =	swait.ge [sflag:s22], s20  }
0xa5: {  	s5 =	ssub.s32 $0x0, s20;
	[sflag:s22] =	ssyncset.done $0x0  }
0xa6: {  	[sflag:s22] =	ssyncadd.s32 s5;
	_ =	sdelay $0x1  }
0xa7: {  	s23 =	simm.s32 $0x1B8B  }
0xa8: {  	_ =	swait.ge [sflag:s23], $0x1  }
0xa9: {  	[sflag:s23] =	ssyncset.done $0x0  }
0xaa: {  	s25 =	simm.s32 $0x1B8E;
	s24 =	sld [smem:$0x3FFE];
	[sflag:s23] =	ssyncadd.s32 $0xFFFFFFFF  }
0xab: {  	s26 =	simm.s32 $execute0_lowered;
	[smem:$0x3FD2] =	sst s25  }
0xac: {  	s6 =	sshll.u32 s26, $0x1;
	_ =	strace $0x80000046;
	[dreg:$0x1] =	wrdreg $0xFFFFFFFF  }
0xad: {  	s28 =	simm.s32 $_size_execute0_lowered;
	s4 =	sadd.s32 s4, s6;
	[dreg:$0x0] =	wrdreg $0x0  }
0xae: {  	s6 =	sshll.u32 s28, $0x1;
	[dreg:$0x2] =	wrdreg s4  }
0xaf: {  	[dreg:$0x3] =	wrdreg s6  }
0xb0: {  	[dreg:$0x4] =	wrdreg $0xC0  }
0xb1: {  	_ =	task [dreg:s8], $0x5FFFF  }
0xb2: {  	[dreg:$0x1] =	wrdreg $0xFFFFFFFF  }
0xb3: {  	[dreg:$0x0] =	wrdreg $0x60  }
0xb4: {  	[dreg:$0x2] =	wrdreg s24  }
0xb5: {  	[dreg:$0x3] =	wrdreg s17  }
0xb6: {  	[dreg:$0x4] =	wrdreg s16  }
0xb7: {  	[dreg:$0x5] =	wrdreg $0x10D000  }
0xb8: {  	[dreg:$0x6] =	wrdreg $0x1D1000  }
0xb9: {  	[dreg:$0x7] =	wrdreg $0x9  }
0xba: {  	_ =	task.clear_ibuf [dreg:s8], $0x8FFFF;
	_ =	strace $0x90000046  }
0xbb: {  	s29 =	simm.s32 $0x9;
	_ =	strace $0x80000052  }
0xbc: {  	_ =	swait.ge [sflag:s29], $0x1  }
0xbd: {  	[sflag:s29] =	ssyncadd.s32 $0xFFFFFFFF  }
0xbe: {  	_ =	strace $0x90000052  }
0xbf: {  	_ =	sfence  }
0xc0: {  	s30 =	sld [smem:$0x0];
	_ =	sdelay $0x2  }
0xc1: {  	s31 =	sshll.u32 s1, $0xD;
	s1 =	sshrl.u32 s1, $0x2  }
0xc2: {  	s3 =	sand.u32 $0x4000, s31;
	s1 =	sadd.s32 s1, s30  }
0xc3: {  	s0 =	sor.u32 s3, s0;
	s1 =	sshll.u32 s1, $0x11  }
0xc4: {  	s0 =	sor.u32 s1, s0  }
0xc5: {  	s0 =	sadd.s32 $0x8F2B, s0  }
0xc6: {  	[sflag:s0] =	ssyncadd.remote.s32 $0x1  }
0xc7: {  	_ =	sfence.sel $0xFFFF  }
0xc8: {  	[dreg:$0x0] =	wrdreg $0xFFFFFFFF;
	(pc) =	sbr.abs _section_cstart, $3  }
0xc9: {  	[dreg:$0x1] =	wrdreg $0xFFFFFFFF  }
0xca: {  	_ =	task.clear_ibuf [dreg:s8], $0x2FFFF;
	_ =	strace $0x9FFFFFFF  }
0xcb: {  	(tm) =	ssettm $0x7FFFFFFF  }
tec
execute0_lowered:
.L_overlay_start_1:
0x0: {  	(tag) =	ssettag $0x1  }
0x1: {  	s0 =	rddreg [dreg:$0x0]  }
0x2: {  	s4 =	rddreg [dreg:$0x1]  }
0x3: {  	s5 =	rddreg [dreg:$0x2]  }
0x4: {  	s1 =	rddreg [dreg:$0x3]  }
0x5: {  	s2 =	rddreg [dreg:$0x4];
	s3 =	simm.s32 $0x0  }
0x6: {  	[smem:$0x7FF] =	sst s3;
	s19 =	sadd.s32 $0x38A00, s0  }
0x7: {  	s6 =	sadd.s32 $0x33A00, s0;
	_ =	strace $0x80000047;
	[dreg:$0x6] =	wrdreg s19  }
0x8: {  	s8 =	sadd.s32 $0x2EA00, s0;
	[dreg:$0x7] =	wrdreg s6  }
0x9: {  	s9 =	sadd.s32 $0x29A00, s0;
	[dreg:$0x8] =	wrdreg s8  }
0xa: {  	s15 =	sadd.s32 $0x24A00, s0;
	[dreg:$0x9] =	wrdreg s9  }
0xb: {  	s16 =	sadd.s32 $0x1FA00, s0;
	[dreg:$0x18] =	wrdreg s15  }
0xc: {  	s3 =	stileid.u32;
	s17 =	sadd.s32 $0x1AA00, s0;
	[dreg:$0x19] =	wrdreg s16  }
0xd: {  	s18 =	sadd.s32 $0x15A00, s0;
	s20 =	smul.u32 $0x9D0, s3;
	[dreg:$0x1a] =	wrdreg s17  }
0xe: {  	s7 =	srdreg.scid;
	[dreg:$0x1b] =	wrdreg s18;
	s19 =	sadd.s32 $0x3DA00, s0  }
0xf: {  	s7 =	sand.u32 $0x1, s7;
	[dreg:$0x1c] =	wrdreg s19;
	s4 =	sadd.s32 s4, s20  }
0x10: {  	s22 =	smul.u32 $0x6200, s3;
	s6 =	sadd.s32 s5, s20;
	[dreg:$0xb] =	wrdreg s4  }
0x11: {  	s12 =	sadd.s32 s20, s0;
	s20 =	sadd.s32 $0x56580, s0;
	[dreg:$0x12] =	wrdreg s6  }
0x12: {  	s9 =	sadd.s32 s22, s0;
	s22 =	sadd.s32 $0xCC404, s0;
	[dreg:$0x1d] =	wrdreg s20  }
0x13: {  	s30 =	sadd.s32 $0x3DC00, s0;
	s23 =	sadd.s32 $0xBC00, s12;
	[dreg:$0x1f] =	wrdreg s22  }
0x14: {  	s21 =	smul.u32 $0xC400, s3;
	s25 =	sadd.s32 $0x70600, s9;
	[dreg:$0xa] =	wrdreg s23  }
0x15: {  	s10 =	ssub.s32 $0x2, s7;
	s26 =	sadd.s32 $0x70604, s9;
	[dreg:$0xd] =	wrdreg s25  }
0x16: {  	p0 =	seq.s32 s7, $0x1;
	s28 =	sadd.s32 $0x70608, s9;
	[dreg:$0xe] =	wrdreg s26  }
0x17: {  	p2 =	seq.s32 s3, $0xF;
	s29 =	sadd.s32 $0x7060C, s9;
	[dreg:$0xf] =	wrdreg s28  }
0x18: {  	s13 =	sshrl.u32 s10, $0x1;
	s31 =	sadd.s32 $0x1E00, s12;
	[dreg:$0x10] =	wrdreg s29  }
0x19: {  	s11 =	sshrl.u32 s21, $0x3;
	s8 =	sadd.s32 $0xD2200, s9;
	[dreg:$0x11] =	wrdreg s31  }
0x1a: {  	s10 =	ssub.s32 s10, s13;
	s12 =	sadd.s32 $0xD2204, s9;
	[dreg:$0x14] =	wrdreg s8  }
0x1b: {  	s14 =	sadd.s32 s11, s0;
	s13 =	sadd.s32 $0xD2208, s9;
	[dreg:$0x15] =	wrdreg s12  }
0x1c: {  	s11 =	sadd.s32 s21, s1;
	s21 =	sadd.s32 $0xCC400, s0;
	[dreg:$0x16] =	wrdreg s13  }
0x1d: {  	p1 =	sne.s32 s3, $0x0;
	s24 =	sadd.s32 $0x3F600, s14;
	[dreg:$0x1e] =	wrdreg s21  }
0x1e: {  	s15 =	simm.s32 $0x3;
	s7 =	sadd.s32 $0x57E00, s14;
	[dreg:$0xc] =	wrdreg s24  }
0x1f: {  	s16 =	simm.s32 $0x4E80;
	s14 =	sadd.s32 $0xD220C, s9;
	[dreg:$0x13] =	wrdreg s7  }
0x20: {  	s17 =	simm.s32 $0xFD00;
	s23 =	sadd.s32 $0xCC408, s0;
	[dreg:$0x17] =	wrdreg s14  }
0x21: {  	s18 =	simm.s32 $0x80;
	s25 =	sadd.s32 $0x6ED80, s0;
	[smem:$0x7F6] =	sst s23  }
0x22: {  	s19 =	simm.s32 $0x2;
	s26 =	sadd.s32 $0x12E000, s0;
	[smem:$0x7F8] =	sst s25  }
0x23: {  	s22 =	simm.s32 $0xAD00;
	s28 =	sadd.s32 $0x12E004, s0;
	[smem:$0x7F9] =	sst s26  }
.Ltmp0:
0x24: {  	s29 =	sadd.s32 $0x12E008, s0;
	[smem:$0x7FA] =	sst s28;
	(pc) =	sbr.rel .LBB2_1-.Ltmp0, $4  }
0x25: {  	s31 =	smax.u32 s10, $0x1;
	s21 =	simm.s32 $0x4F00;
	[smem:$0x7FB] =	sst s29  }
0x26: {  	s24 =	sadd.s32 $0xCC40C, s0;
	s0 =	sadd.s32 $0x12E00C, s0;
	[smem:$0x7FD] =	sst s31  }
0x27: {  	s23 =	simm.s32 $0x4F80;
	s25 =	simm.s32 $0x1;
	[smem:$0x7F7] =	sst s24  }
0x28: {  	s26 =	simm.s32 $0x0;
	[smem:$0x7FC] =	sst s0;
	s24 =	simm.s32 $0xBD00  }
.LBB2_23:
0x29: {  	[sflag:s12] =	ssyncadd.s32 @!p4 $0xFFFFF000;
	s3 =	sadd.s32 @!p3 $0x9D00, s13;
	s20 =	sshrl.u32 s6, $0xA  }
0x2a: {  	[tilespmem:s3], [sflag:$0x1] =	stream.indirect.gather @!p3 [spmem:s2], $0x20, s10, s5, $0x2000b8;
	[tilespmem:$0x1F810] =	vst v63  }
0x2b: {  	s3 =	sand.u32 $0x3F, s20  }
0x2c: {  	s5 =	sadd.s32 $0x3, s0;
	p3 =	sgt.u32 s0, $0x99;
	s3 =	smul.u32 $0x6, s3  }
0x2d: {  	s6 =	smul.u32 @!p3 $0xAB, s5  }
0x2e: {  	p4 =	slt.u32 @!p3 s0, $0x3;
	_ =	swait.ge [sflag:s25], $0x1000;
	s29 =	ssub.s32 s0, s3  }
0x2f: {  	p4 =	por p4, p3;
	s3 =	sshrl.u32 @!p3 s6, $0xA;
	s0 =	sand.u32 $0xFF, s29  }
0x30: {  	[sflag:s25] =	ssyncset.done $0x0;
	s3 =	sand.u32 @!p3 $0x3F, s3;
	s0 =	sshll.u32 s0, $0xC  }
0x31: {  	[sflag:s25] =	ssyncadd.s32 $0xFFFFF000;
	s3 =	smul.u32 @!p3 $0x6, s3;
	s0 =	sadd.s32 $0x9D00, s0  }
0x32: {  	[spmem:s1] =	stream.indirect.scatter.add.f32 [tilespmem:s0], [sflag:$0x2], $0x20, s8, s18, $0x2000b8;
	[tilespmem:$0x1F810] =	vst v63  }
0x33: {  	s0 =	simm.s32 @!p4 $0x2;
	s3 =	ssub.s32 @!p3 s5, s3  }
0x34: {  	_ =	swait.ge @!p4 [sflag:s0], $0x1000;
	s3 =	sand.u32 @!p3 $0xFF, s3  }
0x35: {  	[sflag:s0] =	ssyncset.done @!p4 $0x0;
	s3 =	sshll.u32 @!p3 s3, $0xC  }
0x36: {  	s5 =	simm.s32 @!p3 $0x80;
	[sflag:s0] =	ssyncadd.s32 @!p4 $0xFFFFF000;
	s0 =	sadd.s32 @!p3 $0x9D00, s3  }
0x37: {  	[tilespmem:s0], [sflag:$0x1] =	stream.indirect.gather @!p3 [spmem:s2], $0x20, s7, s5, $0x2000b8;
	[tilespmem:$0x1F810] =	vst v63  }
0x38: {  	_ =	swait.ge [sflag:s19], $0x1000  }
0x39: {  	[sflag:s19] =	ssyncset.done $0x0  }
0x3a: {  	[sflag:s19] =	ssyncadd.s32 $0xFFFFF000  }
0x3b: {  	_ =	swait.ge [sflag:s19], $0x1000  }
0x3c: {  	[sflag:s19] =	ssyncset.done $0x0  }
0x3d: {  	[sflag:s19] =	ssyncadd.s32 $0xFFFFF000  }
0x3e: {  	_ =	swait.ge [sflag:s19], $0x1000  }
0x3f: {  	[sflag:s19] =	ssyncset.done $0x0  }
0x40: {  	[sflag:s19] =	ssyncadd.s32 $0xFFFFF000  }
0x41: {  	_ =	swait.ge [sflag:s19], $0x1000  }
0x42: {  	[sflag:s19] =	ssyncset.done $0x0  }
0x43: {  	[sflag:s19] =	ssyncadd.s32 $0xFFFFF000  }
0x44: {  	_ =	swait.ge [sflag:s19], $0x1000  }
0x45: {  	[sflag:s19] =	ssyncset.done $0x0  }
0x46: {  	[sflag:s19] =	ssyncadd.s32 $0xFFFFF000  }
0x47: {  	_ =	swait.ge [sflag:s19], $0x1000  }
0x48: {  	[sflag:s19] =	ssyncset.done $0x0  }
0x49: {  	[sflag:s19] =	ssyncadd.s32 $0xFFFFF000  }
0x4a: {  	[bflag:$0x0] =	sbarrier.arrive $0xFFFF  }
0x4b: {  	s6 =	sld [smem:$0x7FC];
	_ =	sdelay $0x1  }
0x4c: {  	s3 =	simm.s32 @p2 $0x10;
	s0 =	simm.s32 @p2 $0x1;
	s5 =	simm.s32 @p2 $0x4  }
0x4d: {  	[hbm:s6@s3], [sflag:s4] =	dma.strided @p2 [spmem:s31@s5], $0x1720, s0, $0x4   }
0x4e: {  	s0 =	simm.s32 @p2 $0x3  }
0x4f: {  	_ =	swait.ge @p2 [sflag:s0], $0x1720  }
0x50: {  	s3 =	simm.s32 @!p2 $0x10;
	s5 =	simm.s32 @!p2 $0x4;
	[sflag:s0] =	ssyncset.done @p2 $0x0  }
0x51: {  	s6 =	rddreg [dreg:$0x17];
	[sflag:s0] =	ssyncadd.s32 @p2 $0xFFFFE8E0;
	s0 =	simm.s32 @!p2 $0x1  }
0x52: {  	[hbm:s6@s3], [sflag:s4] =	dma.strided @!p2 [spmem:s28@s5], $0x1880, s0, $0x4   }
0x53: {  	s0 =	simm.s32 @!p2 $0x3  }
0x54: {  	_ =	swait.ge @!p2 [sflag:s0], $0x1880  }
0x55: {  	[sflag:s0] =	ssyncset.done @!p2 $0x0  }
0x56: {  	[sflag:s0] =	ssyncadd.s32 @!p2 $0xFFFFE780  }
0x57: {  	[bflag:$0x0] =	sbarrier.arrive $0xFFFF  }
0x58: {  	_ =	strace $0x90000051  }
.LBB2_24:
0x59: {  	s0 =	sld [smem:$0x7FD];
	_ =	sdelay $0x1  }
0x5a: {  	s26 =	sadd.s32 $0x1, s26  }
0x5b: {  	p3 =	sne.s32 s26, s0  }
.Ltmp1:
0x5c: {  	_ = 	snop;
	(pc) =	sbr.rel @!p3 .LBB2_25-.Ltmp1, $1  }
0x5d: {  	_ =	sdelay $0x3  }
.LBB2_1:
.Ltmp2:
0x5e: {  	(pc) =	sbr.rel @!p0 .LBB2_2-.Ltmp2, $2  }
0x5f: {  	_ =	sdelay $0x2  }
0x60: {  	s31 =	sshrl.u32 @p2 s11, $0x3;
	s28 =	sshrl.u32 @!p2 s11, $0x3;
	s0 =	sshrl.u32 @!p1 s2, $0x3  }
0x61: {  	s5 =	simm.s32 $0x0;
	s3 =	rddreg [dreg:$0x11]  }
0x62: {  	[tilespmem:s5], [sflag:$0x3] =	stream.linear.gather [hbm4b:s3+s5], $0x4E80, $0x38;
	[tilespmem:$0x1F810] =	vst v63  }
0x63: {  	_ =	swait.ge [sflag:s15], $0x4E80  }
0x64: {  	[sflag:s15] =	ssyncset.done $0x0  }
0x65: {  	s12 =	rddreg [dreg:$0x12];
	[sflag:s15] =	ssyncadd.s32 $0xFFFFB180  }
0x66: {  	[tilespmem:s16], [sflag:$0x3] =	stream.linear.gather [hbm4b:s12+s5], $0x4E80, $0x38;
	[tilespmem:$0x1F810] =	vst v63  }
0x67: {  	_ =	swait.ge [sflag:s15], $0x4E80  }
0x68: {  	[sflag:s15] =	ssyncset.done $0x0  }
0x69: {  	s13 =	rddreg [dreg:$0x1c];
	[sflag:s15] =	ssyncadd.s32 $0xFFFFB180  }
0x6a: {  	[tilespmem:s17], [sflag:$0x3] =	stream.linear.gather [hbm4b:s13+s5], $0x1000, $0x38;
	[tilespmem:$0x1F810] =	vst v63  }
0x6b: {  	_ =	swait.ge [sflag:s15], $0x1000  }
0x6c: {  	s14 =	stileid.u32;
	[sflag:s15] =	ssyncset.done $0x0  }
0x6d: {  	s3 =	sshll.u32 s14, $0x6;
	[sflag:s15] =	ssyncadd.s32 $0xFFFFF000  }
0x6e: {  	s6 =	sshrl.u32 s11, $0x3;
	s4 =	sor.u32 $0x1C03, s3;
	_ =	strace $0x8000004D  }
0x6f: {  	[spmem:s6], [sflag:s4] =	dma.local [hbm:s30], $0x1880  }
0x70: {  	_ =	swait.ge [sflag:s15], $0x1880  }
0x71: {  	[sflag:s15] =	ssyncset.done $0x0  }
0x72: {  	[sflag:s15] =	ssyncadd.s32 $0xFFFFE780  }
0x73: {  	[bflag:$0x0] =	sbarrier.arrive $0xFFFF  }
0x74: {  	[spmem:s1] =	stream.indirect.scatter.add.f32 [tilespmem:s17], [sflag:$0x2], $0x20, s5, s18, $0x2000b8;
	[tilespmem:$0x1F810] =	vst v63  }
0x75: {  	_ = 	snop  }
0x76: {  	[spmem:s1] =	stream.indirect.scatter.add.f32 [tilespmem:s17], [sflag:$0x2], $0x20, s18, s18, $0x2000b8;
	[tilespmem:$0x1F810] =	vst v63  }
0x77: {  	s20 =	simm.s32 $0x100  }
0x78: {  	[spmem:s1] =	stream.indirect.scatter.add.f32 [tilespmem:s17], [sflag:$0x2], $0x20, s20, s18, $0x2000b8;
	[tilespmem:$0x1F810] =	vst v63  }
0x79: {  	s29 =	simm.s32 $0x180  }
0x7a: {  	[spmem:s1] =	stream.indirect.scatter.add.f32 [tilespmem:s17], [sflag:$0x2], $0x20, s29, s18, $0x2000b8;
	[tilespmem:$0x1F810] =	vst v63  }
0x7b: {  	_ =	swait.ge [sflag:s19], $0x1000  }
0x7c: {  	s5 =	simm.s32 $0x800;
	[sflag:s19] =	ssyncset.done $0x0  }
.LBB2_14:
0x7d: {  	s3 =	sshra.s32 s5, $0x2;
	[sflag:s19] =	ssyncadd.s32 $0xFFFFF000;
	p3 =	sne.s32 s5, $0x13800  }
0x7e: {  	[spmem:s1] =	stream.indirect.scatter.add.f32 [tilespmem:s17], [sflag:$0x2], $0x20, s3, s18, $0x2000b8;
	[tilespmem:$0x1F810] =	vst v63  }
.Ltmp3:
0x7f: {  	_ = 	snop;
	(pc) =	sbr.rel @p3 .LBB2_14-.Ltmp3, $4  }
0x80: {  	_ = 	snop  }
0x81: {  	s5 =	sadd.s32 $0x200, s5  }
0x82: {  	_ =	swait.ge [sflag:s19], $0x1000  }
0x83: {  	[sflag:s19] =	ssyncset.done $0x0  }
0x84: {  	[sflag:s19] =	ssyncadd.s32 $0xFFFFF000  }
0x85: {  	_ =	swait.ge [sflag:s19], $0x1000  }
0x86: {  	[sflag:s19] =	ssyncset.done $0x0  }
0x87: {  	[sflag:s19] =	ssyncadd.s32 $0xFFFFF000  }
0x88: {  	_ =	swait.ge [sflag:s19], $0x1000  }
0x89: {  	[sflag:s19] =	ssyncset.done $0x0  }
0x8a: {  	[sflag:s19] =	ssyncadd.s32 $0xFFFFF000  }
0x8b: {  	_ =	swait.ge [sflag:s19], $0x1000  }
0x8c: {  	[sflag:s19] =	ssyncset.done $0x0  }
0x8d: {  	[sflag:s19] =	ssyncadd.s32 $0xFFFFF000  }
0x8e: {  	[bflag:$0x0] =	sbarrier.arrive $0xFFFF  }
0x8f: {  	s3 =	sld [smem:$0x7F8];
	_ =	sdelay $0x2  }
0x90: {  	[hbm:s3], [sflag:s4] =	dma.local @p2 [spmem:s31], $0x1720  }
0x91: {  	s3 =	simm.s32 @p2 $0x3  }
0x92: {  	_ =	swait.ge @p2 [sflag:s3], $0x1720  }
0x93: {  	[sflag:s3] =	ssyncset.done @p2 $0x0  }
0x94: {  	[sflag:s3] =	ssyncadd.s32 @p2 $0xFFFFE8E0;
	s3 =	rddreg [dreg:$0x13]  }
0x95: {  	[hbm:s3], [sflag:s4] =	dma.local @!p2 [spmem:s28], $0x1880  }
0x96: {  	s3 =	simm.s32 @!p2 $0x3  }
0x97: {  	_ =	swait.ge @!p2 [sflag:s3], $0x1880  }
0x98: {  	[sflag:s3] =	ssyncset.done @!p2 $0x0  }
0x99: {  	[sflag:s3] =	ssyncadd.s32 @!p2 $0xFFFFE780  }
0x9a: {  	[bflag:$0x0] =	sbarrier.arrive $0xFFFF  }
0x9b: {  	_ =	strace $0x9000004D  }
0x9c: {  	_ =	strace $0x8000004E  }
0x9d: {  	[spmem:s6], [sflag:s4] =	dma.local [hbm:s30], $0x1880  }
0x9e: {  	_ =	swait.ge [sflag:s15], $0x1880  }
0x9f: {  	s14 =	simm.s32 $0x9D00;
	s20 =	simm.s32 $0x0;
	[sflag:s15] =	ssyncset.done $0x0  }
0xa0: {  	s7 =	simm.s32 $0x1;
	s3 =	rddreg [dreg:$0x18];
	[sflag:s15] =	ssyncadd.s32 $0xFFFFE780  }
0xa1: {  	[spmem:s0], [sflag:s4] =	dma.local @!p1 [hbm:s3], $0x4E20  }
0xa2: {  	s9 =	simm.s32 $0x3;
	p3 =	por $0x0, $0x0;
	s3 =	simm.s32 @!p1 $0x3  }
0xa3: {  	s13 =	simm.s32 $0x5000;
	s5 =	smul.u32 $0xAB, s20;
	_ =	swait.ge @!p1 [sflag:s3], $0x4E20  }
0xa4: {  	s12 =	simm.s32 $0x2;
	s10 =	simm.s32 $0x80;
	[sflag:s3] =	ssyncset.done @!p1 $0x0  }
0xa5: {  	s8 =	smul.u32 $0xAB, s7;
	s5 =	sshrl.u32 s5, $0xA;
	[sflag:s3] =	ssyncadd.s32 @!p1 $0xFFFFB1E0  }
0xa6: {  	s9 =	smul.u32 @!p3 $0xAB, s9;
	s5 =	sand.u32 $0x3F, s5;
	[bflag:$0x0] =	sbarrier.arrive $0xFFFF  }
0xa7: {  	[tilespmem:s14], [sflag:$0x1] =	stream.indirect.gather [spmem:s2], $0x20, s16, s18, $0x2000b8;
	[tilespmem:$0x1F810] =	vst v63  }
0xa8: {  	p4 =	por @!p3 $0x1, $0x1;
	s9 =	sshrl.u32 @!p3 s9, $0xA;
	s5 =	smul.u32 $0x6, s5  }
0xa9: {  	[tilespmem:s22], [sflag:$0x1] =	stream.indirect.gather [spmem:s2], $0x20, s21, s18, $0x2000b8;
	[tilespmem:$0x1F810] =	vst v63  }
0xaa: {  	p4 =	por p4, p3;
	s9 =	sand.u32 @!p3 $0x3F, s9;
	s5 =	ssub.s32 $0x0, s5  }
0xab: {  	[tilespmem:s24], [sflag:$0x1] =	stream.indirect.gather [spmem:s2], $0x20, s23, s18, $0x2000b8;
	[tilespmem:$0x1F810] =	vst v63  }
0xac: {  	s9 =	smul.u32 @!p3 $0x6, s9;
	s5 =	sand.u32 $0xFF, s5;
	_ =	swait.ge [sflag:s25], $0x1000  }
0xad: {  	s29 =	simm.s32 @!p4 $0x2;
	s5 =	sshll.u32 s5, $0xC;
	[sflag:s25] =	ssyncset.done $0x0  }
0xae: {  	s5 =	sadd.s32 $0x9D00, s5;
	s3 =	ssub.s32 @!p3 $0x3, s9;
	[sflag:s25] =	ssyncadd.s32 $0xFFFFF000  }
0xaf: {  	[spmem:s1] =	stream.indirect.scatter.add.f32 [tilespmem:s5], [sflag:$0x2], $0x20, s20, s18, $0x2000b8;
	[tilespmem:$0x1F810] =	vst v63  }
0xb0: {  	s9 =	simm.s32 $0x5080;
	s3 =	sand.u32 @!p3 $0xFF, s3;
	_ =	swait.ge @!p4 [sflag:s29], $0x1000  }
0xb1: {  	s14 =	sshll.u32 @!p3 s3, $0xC;
	s5 =	simm.s32 @!p3 $0x80;
	[sflag:s29] =	ssyncset.done @!p4 $0x0  }
.LBB2_16:
0xb2: {  	s3 =	smul.u32 $0xAB, s12  }
0xb3: {  	[sflag:s29] =	ssyncadd.s32 @!p4 $0xFFFFF000;
	s14 =	sadd.s32 @!p3 $0x9D00, s14;
	s20 =	smov.u32 s12  }
0xb4: {  	[tilespmem:s14], [sflag:$0x1] =	stream.indirect.gather @!p3 [spmem:s2], $0x20, s13, s5, $0x2000b8;
	[tilespmem:$0x1F810] =	vst v63  }
0xb5: {  	s12 =	sadd.s32 $0x1, s12;
	s5 =	sshrl.u32 s8, $0xA  }
0xb6: {  	s14 =	sadd.s32 $0x3, s7;
	p3 =	sgt.u32 s7, $0x99;
	s8 =	smov.u32 s3  }
0xb7: {  	s3 =	sand.u32 $0x3F, s5;
	s29 =	smul.u32 @!p3 $0xAB, s14  }
0xb8: {  	p4 =	slt.u32 @!p3 s7, $0x3;
	s5 =	simm.s32 @!p3 $0x80;
	s3 =	smul.u32 $0x6, s3  }
0xb9: {  	p5 =	sne.s32 s12, $0x9D;
	s13 =	smov.u32 s9;
	p4 =	por p4, p3  }
0xba: {  	s3 =	ssub.s32 s7, s3;
	s7 =	smov.u32 s20;
	s20 =	sshrl.u32 @!p3 s29, $0xA  }
0xbb: {  	s3 =	sand.u32 $0xFF, s3;
	s20 =	sand.u32 @!p3 $0x3F, s20;
	_ =	swait.ge [sflag:s25], $0x1000  }
0xbc: {  	s3 =	sshll.u32 s3, $0xC;
	s20 =	smul.u32 @!p3 $0x6, s20;
	[sflag:s25] =	ssyncset.done $0x0  }
.Ltmp4:
0xbd: {  	s3 =	sadd.s32 $0x9D00, s3;
	[sflag:s25] =	ssyncadd.s32 $0xFFFFF000;
	(pc) =	sbr.rel @p5 .LBB2_16-.Ltmp4, $4  }
0xbe: {  	[spmem:s1] =	stream.indirect.scatter.add.f32 [tilespmem:s3], [sflag:$0x2], $0x20, s10, s18, $0x2000b8;
	[tilespmem:$0x1F810] =	vst v63  }
0xbf: {  	s29 =	simm.s32 @!p4 $0x2;
	s3 =	ssub.s32 @!p3 s14, s20  }
0xc0: {  	s10 =	sadd.s32 $0x80, s10;
	s3 =	sand.u32 @!p3 $0xFF, s3;
	_ =	swait.ge @!p4 [sflag:s29], $0x1000  }
0xc1: {  	s9 =	sadd.s32 $0x80, s9;
	s14 =	sshll.u32 @!p3 s3, $0xC;
	[sflag:s29] =	ssyncset.done @!p4 $0x0  }
0xc2: {  	[sflag:s29] =	ssyncadd.s32 @!p4 $0xFFFFF000;
	s3 =	sadd.s32 @!p3 $0x9D00, s14;
	s12 =	sshrl.u32 s8, $0xA  }
0xc3: {  	[tilespmem:s3], [sflag:$0x1] =	stream.indirect.gather @!p3 [spmem:s2], $0x20, s13, s5, $0x2000b8;
	[tilespmem:$0x1F810] =	vst v63  }
0xc4: {  	s3 =	sand.u32 $0x3F, s12  }
0xc5: {  	s5 =	sadd.s32 $0x3, s7;
	p3 =	sgt.u32 s7, $0x99;
	s3 =	smul.u32 $0x6, s3  }
0xc6: {  	s8 =	smul.u32 @!p3 $0xAB, s5  }
0xc7: {  	p4 =	slt.u32 @!p3 s7, $0x3;
	_ =	swait.ge [sflag:s25], $0x1000;
	s3 =	ssub.s32 s7, s3  }
0xc8: {  	p4 =	por p4, p3;
	s7 =	sshrl.u32 @!p3 s8, $0xA;
	s3 =	sand.u32 $0xFF, s3  }
0xc9: {  	[sflag:s25] =	ssyncset.done $0x0;
	s7 =	sand.u32 @!p3 $0x3F, s7;
	s3 =	sshll.u32 s3, $0xC  }
0xca: {  	[sflag:s25] =	ssyncadd.s32 $0xFFFFF000;
	s7 =	smul.u32 @!p3 $0x6, s7;
	s3 =	sadd.s32 $0x9D00, s3  }
0xcb: {  	[spmem:s1] =	stream.indirect.scatter.add.f32 [tilespmem:s3], [sflag:$0x2], $0x20, s10, s18, $0x2000b8;
	[tilespmem:$0x1F810] =	vst v63  }
0xcc: {  	s3 =	simm.s32 @!p4 $0x2;
	s5 =	ssub.s32 @!p3 s5, s7  }
0xcd: {  	_ =	swait.ge @!p4 [sflag:s3], $0x1000;
	s5 =	sand.u32 @!p3 $0xFF, s5  }
0xce: {  	[sflag:s3] =	ssyncset.done @!p4 $0x0;
	s5 =	sshll.u32 @!p3 s5, $0xC  }
0xcf: {  	s7 =	simm.s32 @!p3 $0x80;
	[sflag:s3] =	ssyncadd.s32 @!p4 $0xFFFFF000;
	s3 =	sadd.s32 @!p3 $0x9D00, s5  }
0xd0: {  	[tilespmem:s3], [sflag:$0x1] =	stream.indirect.gather @!p3 [spmem:s2], $0x20, s9, s7, $0x2000b8;
	[tilespmem:$0x1F810] =	vst v63  }
0xd1: {  	_ =	swait.ge [sflag:s19], $0x1000  }
0xd2: {  	[sflag:s19] =	ssyncset.done $0x0  }
0xd3: {  	[sflag:s19] =	ssyncadd.s32 $0xFFFFF000  }
0xd4: {  	_ =	swait.ge [sflag:s19], $0x1000  }
0xd5: {  	[sflag:s19] =	ssyncset.done $0x0  }
0xd6: {  	[sflag:s19] =	ssyncadd.s32 $0xFFFFF000  }
0xd7: {  	_ =	swait.ge [sflag:s19], $0x1000  }
0xd8: {  	[sflag:s19] =	ssyncset.done $0x0  }
0xd9: {  	[sflag:s19] =	ssyncadd.s32 $0xFFFFF000  }
0xda: {  	_ =	swait.ge [sflag:s19], $0x1000  }
0xdb: {  	[sflag:s19] =	ssyncset.done $0x0  }
0xdc: {  	[sflag:s19] =	ssyncadd.s32 $0xFFFFF000  }
0xdd: {  	_ =	swait.ge [sflag:s19], $0x1000  }
0xde: {  	[sflag:s19] =	ssyncset.done $0x0  }
0xdf: {  	[sflag:s19] =	ssyncadd.s32 $0xFFFFF000  }
0xe0: {  	_ =	swait.ge [sflag:s19], $0x1000  }
0xe1: {  	[sflag:s19] =	ssyncset.done $0x0  }
0xe2: {  	[sflag:s19] =	ssyncadd.s32 $0xFFFFF000  }
0xe3: {  	[bflag:$0x0] =	sbarrier.arrive $0xFFFF  }
0xe4: {  	s8 =	sld [smem:$0x7F9];
	_ =	sdelay $0x1  }
0xe5: {  	s5 =	simm.s32 @p2 $0x10;
	s3 =	simm.s32 @p2 $0x1;
	s7 =	simm.s32 @p2 $0x4  }
0xe6: {  	[hbm:s8@s5], [sflag:s4] =	dma.strided @p2 [spmem:s31@s7], $0x1720, s3, $0x4   }
0xe7: {  	s3 =	simm.s32 @p2 $0x3  }
0xe8: {  	_ =	swait.ge @p2 [sflag:s3], $0x1720  }
0xe9: {  	s5 =	simm.s32 @!p2 $0x10;
	s7 =	simm.s32 @!p2 $0x4;
	[sflag:s3] =	ssyncset.done @p2 $0x0  }
0xea: {  	s8 =	rddreg [dreg:$0x14];
	[sflag:s3] =	ssyncadd.s32 @p2 $0xFFFFE8E0;
	s3 =	simm.s32 @!p2 $0x1  }
0xeb: {  	[hbm:s8@s5], [sflag:s4] =	dma.strided @!p2 [spmem:s28@s7], $0x1880, s3, $0x4   }
0xec: {  	s3 =	simm.s32 @!p2 $0x3  }
0xed: {  	_ =	swait.ge @!p2 [sflag:s3], $0x1880  }
0xee: {  	[sflag:s3] =	ssyncset.done @!p2 $0x0  }
0xef: {  	[sflag:s3] =	ssyncadd.s32 @!p2 $0xFFFFE780  }
0xf0: {  	[bflag:$0x0] =	sbarrier.arrive $0xFFFF  }
0xf1: {  	_ =	strace $0x9000004E  }
0xf2: {  	_ =	strace $0x8000004F  }
0xf3: {  	[spmem:s6], [sflag:s4] =	dma.local [hbm:s30], $0x1880  }
0xf4: {  	_ =	swait.ge [sflag:s15], $0x1880  }
0xf5: {  	s14 =	simm.s32 $0x0;
	s13 =	simm.s32 $0x9D00;
	[sflag:s15] =	ssyncset.done $0x0  }
0xf6: {  	s20 =	smul.u32 $0xAB, s14;
	s3 =	rddreg [dreg:$0x19];
	[sflag:s15] =	ssyncadd.s32 $0xFFFFE780  }
0xf7: {  	[spmem:s0], [sflag:s4] =	dma.local @!p1 [hbm:s3], $0x4E20  }
0xf8: {  	s12 =	simm.s32 $0x2;
	s10 =	simm.s32 $0x80;
	s3 =	simm.s32 @!p1 $0x3  }
0xf9: {  	s9 =	simm.s32 $0x3;
	p3 =	por $0x0, $0x0;
	_ =	swait.ge @!p1 [sflag:s3], $0x4E20  }
0xfa: {  	s9 =	smul.u32 @!p3 $0xAB, s9;
	s5 =	sshrl.u32 s20, $0xA;
	[sflag:s3] =	ssyncset.done @!p1 $0x0  }
0xfb: {  	p4 =	por @!p3 $0x1, $0x1;
	s5 =	sand.u32 $0x3F, s5;
	[sflag:s3] =	ssyncadd.s32 @!p1 $0xFFFFB1E0  }
0xfc: {  	s9 =	sshrl.u32 @!p3 s9, $0xA;
	s5 =	smul.u32 $0x6, s5;
	[bflag:$0x0] =	sbarrier.arrive $0xFFFF  }
0xfd: {  	[tilespmem:s13], [sflag:$0x1] =	stream.indirect.gather [spmem:s2], $0x20, s16, s18, $0x2000b8;
	[tilespmem:$0x1F810] =	vst v63  }
0xfe: {  	p4 =	por p4, p3;
	s9 =	sand.u32 @!p3 $0x3F, s9;
	s5 =	ssub.s32 $0x0, s5  }
0xff: {  	[tilespmem:s22], [sflag:$0x1] =	stream.indirect.gather [spmem:s2], $0x20, s21, s18, $0x2000b8;
	[tilespmem:$0x1F810] =	vst v63  }
0x100: {  	s29 =	simm.s32 @!p4 $0x2;
	s9 =	smul.u32 @!p3 $0x6, s9;
	s5 =	sand.u32 $0xFF, s5  }
0x101: {  	[tilespmem:s24], [sflag:$0x1] =	stream.indirect.gather [spmem:s2], $0x20, s23, s18, $0x2000b8;
	[tilespmem:$0x1F810] =	vst v63  }
0x102: {  	s7 =	simm.s32 $0x1;
	s5 =	sshll.u32 s5, $0xC;
	_ =	swait.ge [sflag:s25], $0x1000  }
0x103: {  	s8 =	smul.u32 $0xAB, s7;
	s5 =	sadd.s32 $0x9D00, s5;
	[sflag:s25] =	ssyncset.done $0x0  }
0x104: {  	s3 =	ssub.s32 @!p3 $0x3, s9;
	s9 =	simm.s32 $0x5080;
	[sflag:s25] =	ssyncadd.s32 $0xFFFFF000  }
0x105: {  	[spmem:s1] =	stream.indirect.scatter.add.f32 [tilespmem:s5], [sflag:$0x2], $0x20, s14, s18, $0x2000b8;
	[tilespmem:$0x1F810] =	vst v63  }
0x106: {  	s3 =	sand.u32 @!p3 $0xFF, s3;
	s13 =	simm.s32 $0x5000;
	_ =	swait.ge @!p4 [sflag:s29], $0x1000  }
0x107: {  	s5 =	simm.s32 @!p3 $0x80;
	s14 =	sshll.u32 @!p3 s3, $0xC;
	[sflag:s29] =	ssyncset.done @!p4 $0x0  }
.LBB2_18:
0x108: {  	s3 =	smul.u32 $0xAB, s12  }
0x109: {  	[sflag:s29] =	ssyncadd.s32 @!p4 $0xFFFFF000;
	s14 =	sadd.s32 @!p3 $0x9D00, s14;
	s20 =	smov.u32 s12  }
0x10a: {  	[tilespmem:s14], [sflag:$0x1] =	stream.indirect.gather @!p3 [spmem:s2], $0x20, s13, s5, $0x2000b8;
	[tilespmem:$0x1F810] =	vst v63  }
0x10b: {  	s12 =	sadd.s32 $0x1, s12;
	s5 =	sshrl.u32 s8, $0xA  }
0x10c: {  	s14 =	sadd.s32 $0x3, s7;
	p3 =	sgt.u32 s7, $0x99;
	s8 =	smov.u32 s3  }
0x10d: {  	s3 =	sand.u32 $0x3F, s5;
	s29 =	smul.u32 @!p3 $0xAB, s14  }
0x10e: {  	p4 =	slt.u32 @!p3 s7, $0x3;
	s5 =	simm.s32 @!p3 $0x80;
	s3 =	smul.u32 $0x6, s3  }
0x10f: {  	p5 =	sne.s32 s12, $0x9D;
	s13 =	smov.u32 s9;
	p4 =	por p4, p3  }
0x110: {  	s3 =	ssub.s32 s7, s3;
	s7 =	smov.u32 s20;
	s20 =	sshrl.u32 @!p3 s29, $0xA  }
0x111: {  	s3 =	sand.u32 $0xFF, s3;
	s20 =	sand.u32 @!p3 $0x3F, s20;
	_ =	swait.ge [sflag:s25], $0x1000  }
0x112: {  	s3 =	sshll.u32 s3, $0xC;
	s20 =	smul.u32 @!p3 $0x6, s20;
	[sflag:s25] =	ssyncset.done $0x0  }
.Ltmp5:
0x113: {  	s3 =	sadd.s32 $0x9D00, s3;
	[sflag:s25] =	ssyncadd.s32 $0xFFFFF000;
	(pc) =	sbr.rel @p5 .LBB2_18-.Ltmp5, $4  }
0x114: {  	[spmem:s1] =	stream.indirect.scatter.add.f32 [tilespmem:s3], [sflag:$0x2], $0x20, s10, s18, $0x2000b8;
	[tilespmem:$0x1F810] =	vst v63  }
0x115: {  	s29 =	simm.s32 @!p4 $0x2;
	s3 =	ssub.s32 @!p3 s14, s20  }
0x116: {  	s10 =	sadd.s32 $0x80, s10;
	s3 =	sand.u32 @!p3 $0xFF, s3;
	_ =	swait.ge @!p4 [sflag:s29], $0x1000  }
0x117: {  	s9 =	sadd.s32 $0x80, s9;
	s14 =	sshll.u32 @!p3 s3, $0xC;
	[sflag:s29] =	ssyncset.done @!p4 $0x0  }
0x118: {  	[sflag:s29] =	ssyncadd.s32 @!p4 $0xFFFFF000;
	s3 =	sadd.s32 @!p3 $0x9D00, s14;
	s12 =	sshrl.u32 s8, $0xA  }
0x119: {  	[tilespmem:s3], [sflag:$0x1] =	stream.indirect.gather @!p3 [spmem:s2], $0x20, s13, s5, $0x2000b8;
	[tilespmem:$0x1F810] =	vst v63  }
0x11a: {  	s3 =	sand.u32 $0x3F, s12  }
0x11b: {  	s5 =	sadd.s32 $0x3, s7;
	p3 =	sgt.u32 s7, $0x99;
	s3 =	smul.u32 $0x6, s3  }
0x11c: {  	s8 =	smul.u32 @!p3 $0xAB, s5  }
0x11d: {  	p4 =	slt.u32 @!p3 s7, $0x3;
	_ =	swait.ge [sflag:s25], $0x1000;
	s3 =	ssub.s32 s7, s3  }
0x11e: {  	p4 =	por p4, p3;
	s7 =	sshrl.u32 @!p3 s8, $0xA;
	s3 =	sand.u32 $0xFF, s3  }
0x11f: {  	[sflag:s25] =	ssyncset.done $0x0;
	s7 =	sand.u32 @!p3 $0x3F, s7;
	s3 =	sshll.u32 s3, $0xC  }
0x120: {  	[sflag:s25] =	ssyncadd.s32 $0xFFFFF000;
	s7 =	smul.u32 @!p3 $0x6, s7;
	s3 =	sadd.s32 $0x9D00, s3  }
0x121: {  	[spmem:s1] =	stream.indirect.scatter.add.f32 [tilespmem:s3], [sflag:$0x2], $0x20, s10, s18, $0x2000b8;
	[tilespmem:$0x1F810] =	vst v63  }
0x122: {  	s3 =	simm.s32 @!p4 $0x2;
	s5 =	ssub.s32 @!p3 s5, s7  }
0x123: {  	_ =	swait.ge @!p4 [sflag:s3], $0x1000;
	s5 =	sand.u32 @!p3 $0xFF, s5  }
0x124: {  	[sflag:s3] =	ssyncset.done @!p4 $0x0;
	s5 =	sshll.u32 @!p3 s5, $0xC  }
0x125: {  	s7 =	simm.s32 @!p3 $0x80;
	[sflag:s3] =	ssyncadd.s32 @!p4 $0xFFFFF000;
	s3 =	sadd.s32 @!p3 $0x9D00, s5  }
0x126: {  	[tilespmem:s3], [sflag:$0x1] =	stream.indirect.gather @!p3 [spmem:s2], $0x20, s9, s7, $0x2000b8;
	[tilespmem:$0x1F810] =	vst v63  }
0x127: {  	_ =	swait.ge [sflag:s19], $0x1000  }
0x128: {  	[sflag:s19] =	ssyncset.done $0x0  }
0x129: {  	[sflag:s19] =	ssyncadd.s32 $0xFFFFF000  }
0x12a: {  	_ =	swait.ge [sflag:s19], $0x1000  }
0x12b: {  	[sflag:s19] =	ssyncset.done $0x0  }
0x12c: {  	[sflag:s19] =	ssyncadd.s32 $0xFFFFF000  }
0x12d: {  	_ =	swait.ge [sflag:s19], $0x1000  }
0x12e: {  	[sflag:s19] =	ssyncset.done $0x0  }
0x12f: {  	[sflag:s19] =	ssyncadd.s32 $0xFFFFF000  }
0x130: {  	_ =	swait.ge [sflag:s19], $0x1000  }
0x131: {  	[sflag:s19] =	ssyncset.done $0x0  }
0x132: {  	[sflag:s19] =	ssyncadd.s32 $0xFFFFF000  }
0x133: {  	_ =	swait.ge [sflag:s19], $0x1000  }
0x134: {  	[sflag:s19] =	ssyncset.done $0x0  }
0x135: {  	[sflag:s19] =	ssyncadd.s32 $0xFFFFF000  }
0x136: {  	_ =	swait.ge [sflag:s19], $0x1000  }
0x137: {  	[sflag:s19] =	ssyncset.done $0x0  }
0x138: {  	[sflag:s19] =	ssyncadd.s32 $0xFFFFF000  }
0x139: {  	[bflag:$0x0] =	sbarrier.arrive $0xFFFF  }
0x13a: {  	s8 =	sld [smem:$0x7FA];
	_ =	sdelay $0x1  }
0x13b: {  	s5 =	simm.s32 @p2 $0x10;
	s3 =	simm.s32 @p2 $0x1;
	s7 =	simm.s32 @p2 $0x4  }
0x13c: {  	[hbm:s8@s5], [sflag:s4] =	dma.strided @p2 [spmem:s31@s7], $0x1720, s3, $0x4   }
0x13d: {  	s3 =	simm.s32 @p2 $0x3  }
0x13e: {  	_ =	swait.ge @p2 [sflag:s3], $0x1720  }
0x13f: {  	s5 =	simm.s32 @!p2 $0x10;
	s7 =	simm.s32 @!p2 $0x4;
	[sflag:s3] =	ssyncset.done @p2 $0x0  }
0x140: {  	s8 =	rddreg [dreg:$0x15];
	[sflag:s3] =	ssyncadd.s32 @p2 $0xFFFFE8E0;
	s3 =	simm.s32 @!p2 $0x1  }
0x141: {  	[hbm:s8@s5], [sflag:s4] =	dma.strided @!p2 [spmem:s28@s7], $0x1880, s3, $0x4   }
0x142: {  	s3 =	simm.s32 @!p2 $0x3  }
0x143: {  	_ =	swait.ge @!p2 [sflag:s3], $0x1880  }
0x144: {  	[sflag:s3] =	ssyncset.done @!p2 $0x0  }
0x145: {  	[sflag:s3] =	ssyncadd.s32 @!p2 $0xFFFFE780  }
0x146: {  	[bflag:$0x0] =	sbarrier.arrive $0xFFFF  }
0x147: {  	_ =	strace $0x9000004F  }
0x148: {  	_ =	strace $0x80000050  }
0x149: {  	[spmem:s6], [sflag:s4] =	dma.local [hbm:s30], $0x1880  }
0x14a: {  	_ =	swait.ge [sflag:s15], $0x1880  }
0x14b: {  	s14 =	simm.s32 $0x0;
	s13 =	simm.s32 $0x9D00;
	[sflag:s15] =	ssyncset.done $0x0  }
0x14c: {  	s20 =	smul.u32 $0xAB, s14;
	s3 =	rddreg [dreg:$0x1a];
	[sflag:s15] =	ssyncadd.s32 $0xFFFFE780  }
0x14d: {  	[spmem:s0], [sflag:s4] =	dma.local @!p1 [hbm:s3], $0x4E20  }
0x14e: {  	s12 =	simm.s32 $0x2;
	s10 =	simm.s32 $0x80;
	s3 =	simm.s32 @!p1 $0x3  }
0x14f: {  	s9 =	simm.s32 $0x3;
	p3 =	por $0x0, $0x0;
	_ =	swait.ge @!p1 [sflag:s3], $0x4E20  }
0x150: {  	s9 =	smul.u32 @!p3 $0xAB, s9;
	s5 =	sshrl.u32 s20, $0xA;
	[sflag:s3] =	ssyncset.done @!p1 $0x0  }
0x151: {  	p4 =	por @!p3 $0x1, $0x1;
	s5 =	sand.u32 $0x3F, s5;
	[sflag:s3] =	ssyncadd.s32 @!p1 $0xFFFFB1E0  }
0x152: {  	s9 =	sshrl.u32 @!p3 s9, $0xA;
	s5 =	smul.u32 $0x6, s5;
	[bflag:$0x0] =	sbarrier.arrive $0xFFFF  }
0x153: {  	[tilespmem:s13], [sflag:$0x1] =	stream.indirect.gather [spmem:s2], $0x20, s16, s18, $0x2000b8;
	[tilespmem:$0x1F810] =	vst v63  }
0x154: {  	p4 =	por p4, p3;
	s9 =	sand.u32 @!p3 $0x3F, s9;
	s5 =	ssub.s32 $0x0, s5  }
0x155: {  	[tilespmem:s22], [sflag:$0x1] =	stream.indirect.gather [spmem:s2], $0x20, s21, s18, $0x2000b8;
	[tilespmem:$0x1F810] =	vst v63  }
0x156: {  	s29 =	simm.s32 @!p4 $0x2;
	s9 =	smul.u32 @!p3 $0x6, s9;
	s5 =	sand.u32 $0xFF, s5  }
0x157: {  	[tilespmem:s24], [sflag:$0x1] =	stream.indirect.gather [spmem:s2], $0x20, s23, s18, $0x2000b8;
	[tilespmem:$0x1F810] =	vst v63  }
0x158: {  	s7 =	simm.s32 $0x1;
	s5 =	sshll.u32 s5, $0xC;
	_ =	swait.ge [sflag:s25], $0x1000  }
0x159: {  	s8 =	smul.u32 $0xAB, s7;
	s5 =	sadd.s32 $0x9D00, s5;
	[sflag:s25] =	ssyncset.done $0x0  }
0x15a: {  	s3 =	ssub.s32 @!p3 $0x3, s9;
	s9 =	simm.s32 $0x5080;
	[sflag:s25] =	ssyncadd.s32 $0xFFFFF000  }
0x15b: {  	[spmem:s1] =	stream.indirect.scatter.add.f32 [tilespmem:s5], [sflag:$0x2], $0x20, s14, s18, $0x2000b8;
	[tilespmem:$0x1F810] =	vst v63  }
0x15c: {  	s3 =	sand.u32 @!p3 $0xFF, s3;
	s13 =	simm.s32 $0x5000;
	_ =	swait.ge @!p4 [sflag:s29], $0x1000  }
0x15d: {  	s5 =	simm.s32 @!p3 $0x80;
	s14 =	sshll.u32 @!p3 s3, $0xC;
	[sflag:s29] =	ssyncset.done @!p4 $0x0  }
.LBB2_20:
0x15e: {  	s3 =	smul.u32 $0xAB, s12  }
0x15f: {  	[sflag:s29] =	ssyncadd.s32 @!p4 $0xFFFFF000;
	s14 =	sadd.s32 @!p3 $0x9D00, s14;
	s20 =	smov.u32 s12  }
0x160: {  	[tilespmem:s14], [sflag:$0x1] =	stream.indirect.gather @!p3 [spmem:s2], $0x20, s13, s5, $0x2000b8;
	[tilespmem:$0x1F810] =	vst v63  }
0x161: {  	s12 =	sadd.s32 $0x1, s12;
	s5 =	sshrl.u32 s8, $0xA  }
0x162: {  	s14 =	sadd.s32 $0x3, s7;
	p3 =	sgt.u32 s7, $0x99;
	s8 =	smov.u32 s3  }
0x163: {  	s3 =	sand.u32 $0x3F, s5;
	s29 =	smul.u32 @!p3 $0xAB, s14  }
0x164: {  	p4 =	slt.u32 @!p3 s7, $0x3;
	s5 =	simm.s32 @!p3 $0x80;
	s3 =	smul.u32 $0x6, s3  }
0x165: {  	p5 =	sne.s32 s12, $0x9D;
	s13 =	smov.u32 s9;
	p4 =	por p4, p3  }
0x166: {  	s3 =	ssub.s32 s7, s3;
	s7 =	smov.u32 s20;
	s20 =	sshrl.u32 @!p3 s29, $0xA  }
0x167: {  	s3 =	sand.u32 $0xFF, s3;
	s20 =	sand.u32 @!p3 $0x3F, s20;
	_ =	swait.ge [sflag:s25], $0x1000  }
0x168: {  	s3 =	sshll.u32 s3, $0xC;
	s20 =	smul.u32 @!p3 $0x6, s20;
	[sflag:s25] =	ssyncset.done $0x0  }
.Ltmp6:
0x169: {  	s3 =	sadd.s32 $0x9D00, s3;
	[sflag:s25] =	ssyncadd.s32 $0xFFFFF000;
	(pc) =	sbr.rel @p5 .LBB2_20-.Ltmp6, $4  }
0x16a: {  	[spmem:s1] =	stream.indirect.scatter.add.f32 [tilespmem:s3], [sflag:$0x2], $0x20, s10, s18, $0x2000b8;
	[tilespmem:$0x1F810] =	vst v63  }
0x16b: {  	s29 =	simm.s32 @!p4 $0x2;
	s3 =	ssub.s32 @!p3 s14, s20  }
0x16c: {  	s10 =	sadd.s32 $0x80, s10;
	s3 =	sand.u32 @!p3 $0xFF, s3;
	_ =	swait.ge @!p4 [sflag:s29], $0x1000  }
0x16d: {  	s9 =	sadd.s32 $0x80, s9;
	s14 =	sshll.u32 @!p3 s3, $0xC;
	[sflag:s29] =	ssyncset.done @!p4 $0x0  }
0x16e: {  	[sflag:s29] =	ssyncadd.s32 @!p4 $0xFFFFF000;
	s3 =	sadd.s32 @!p3 $0x9D00, s14  }
0x16f: {  	[tilespmem:s3], [sflag:$0x1] =	stream.indirect.gather @!p3 [spmem:s2], $0x20, s13, s5, $0x2000b8;
	[tilespmem:$0x1F810] =	vst v63  }
0x170: {  	s13 =	sshrl.u32 s8, $0xA  }
0x171: {  	s3 =	sand.u32 $0x3F, s13  }
0x172: {  	s5 =	sadd.s32 $0x3, s7;
	p3 =	sgt.u32 s7, $0x99;
	s3 =	smul.u32 $0x6, s3  }
0x173: {  	s8 =	smul.u32 @!p3 $0xAB, s5  }
0x174: {  	p4 =	slt.u32 @!p3 s7, $0x3;
	_ =	swait.ge [sflag:s25], $0x1000;
	s3 =	ssub.s32 s7, s3  }
0x175: {  	p4 =	por p4, p3;
	s7 =	sshrl.u32 @!p3 s8, $0xA;
	s3 =	sand.u32 $0xFF, s3  }
0x176: {  	[sflag:s25] =	ssyncset.done $0x0;
	s7 =	sand.u32 @!p3 $0x3F, s7;
	s3 =	sshll.u32 s3, $0xC  }
0x177: {  	[sflag:s25] =	ssyncadd.s32 $0xFFFFF000;
	s7 =	smul.u32 @!p3 $0x6, s7;
	s3 =	sadd.s32 $0x9D00, s3  }
0x178: {  	[spmem:s1] =	stream.indirect.scatter.add.f32 [tilespmem:s3], [sflag:$0x2], $0x20, s10, s18, $0x2000b8;
	[tilespmem:$0x1F810] =	vst v63  }
0x179: {  	s3 =	simm.s32 @!p4 $0x2;
	s5 =	ssub.s32 @!p3 s5, s7  }
0x17a: {  	_ =	swait.ge @!p4 [sflag:s3], $0x1000;
	s5 =	sand.u32 @!p3 $0xFF, s5  }
0x17b: {  	[sflag:s3] =	ssyncset.done @!p4 $0x0;
	s5 =	sshll.u32 @!p3 s5, $0xC  }
0x17c: {  	s7 =	simm.s32 @!p3 $0x80;
	[sflag:s3] =	ssyncadd.s32 @!p4 $0xFFFFF000;
	s3 =	sadd.s32 @!p3 $0x9D00, s5  }
0x17d: {  	[tilespmem:s3], [sflag:$0x1] =	stream.indirect.gather @!p3 [spmem:s2], $0x20, s9, s7, $0x2000b8;
	[tilespmem:$0x1F810] =	vst v63  }
0x17e: {  	_ =	swait.ge [sflag:s19], $0x1000  }
0x17f: {  	[sflag:s19] =	ssyncset.done $0x0  }
0x180: {  	[sflag:s19] =	ssyncadd.s32 $0xFFFFF000  }
0x181: {  	_ =	swait.ge [sflag:s19], $0x1000  }
0x182: {  	[sflag:s19] =	ssyncset.done $0x0  }
0x183: {  	[sflag:s19] =	ssyncadd.s32 $0xFFFFF000  }
0x184: {  	_ =	swait.ge [sflag:s19], $0x1000  }
0x185: {  	[sflag:s19] =	ssyncset.done $0x0  }
0x186: {  	[sflag:s19] =	ssyncadd.s32 $0xFFFFF000  }
0x187: {  	_ =	swait.ge [sflag:s19], $0x1000  }
0x188: {  	[sflag:s19] =	ssyncset.done $0x0  }
0x189: {  	[sflag:s19] =	ssyncadd.s32 $0xFFFFF000  }
0x18a: {  	_ =	swait.ge [sflag:s19], $0x1000  }
0x18b: {  	[sflag:s19] =	ssyncset.done $0x0  }
0x18c: {  	[sflag:s19] =	ssyncadd.s32 $0xFFFFF000  }
0x18d: {  	_ =	swait.ge [sflag:s19], $0x1000  }
0x18e: {  	[sflag:s19] =	ssyncset.done $0x0  }
0x18f: {  	[sflag:s19] =	ssyncadd.s32 $0xFFFFF000  }
0x190: {  	[bflag:$0x0] =	sbarrier.arrive $0xFFFF  }
0x191: {  	s8 =	sld [smem:$0x7FB];
	_ =	sdelay $0x1  }
0x192: {  	s5 =	simm.s32 @p2 $0x10;
	s3 =	simm.s32 @p2 $0x1;
	s7 =	simm.s32 @p2 $0x4  }
0x193: {  	[hbm:s8@s5], [sflag:s4] =	dma.strided @p2 [spmem:s31@s7], $0x1720, s3, $0x4   }
0x194: {  	s3 =	simm.s32 @p2 $0x3  }
0x195: {  	_ =	swait.ge @p2 [sflag:s3], $0x1720  }
0x196: {  	s5 =	simm.s32 @!p2 $0x10;
	s7 =	simm.s32 @!p2 $0x4;
	[sflag:s3] =	ssyncset.done @p2 $0x0  }
0x197: {  	s8 =	rddreg [dreg:$0x16];
	[sflag:s3] =	ssyncadd.s32 @p2 $0xFFFFE8E0;
	s3 =	simm.s32 @!p2 $0x1  }
0x198: {  	[hbm:s8@s5], [sflag:s4] =	dma.strided @!p2 [spmem:s28@s7], $0x1880, s3, $0x4   }
0x199: {  	s3 =	simm.s32 @!p2 $0x3  }
0x19a: {  	_ =	swait.ge @!p2 [sflag:s3], $0x1880  }
0x19b: {  	[sflag:s3] =	ssyncset.done @!p2 $0x0  }
0x19c: {  	[sflag:s3] =	ssyncadd.s32 @!p2 $0xFFFFE780  }
0x19d: {  	[bflag:$0x0] =	sbarrier.arrive $0xFFFF  }
0x19e: {  	_ =	strace $0x90000050  }
0x19f: {  	_ =	strace $0x80000051  }
0x1a0: {  	[spmem:s6], [sflag:s4] =	dma.local [hbm:s30], $0x1880  }
0x1a1: {  	_ =	swait.ge [sflag:s15], $0x1880  }
0x1a2: {  	s14 =	simm.s32 $0x9D00;
	s20 =	simm.s32 $0x0;
	[sflag:s15] =	ssyncset.done $0x0  }
0x1a3: {  	s29 =	smul.u32 $0xAB, s20;
	s3 =	rddreg [dreg:$0x1b];
	[sflag:s15] =	ssyncadd.s32 $0xFFFFE780  }
0x1a4: {  	[spmem:s0], [sflag:s4] =	dma.local @!p1 [hbm:s3], $0x4E20  }
0x1a5: {  	s10 =	simm.s32 $0x5000;
	p3 =	por $0x0, $0x0;
	s0 =	simm.s32 @!p1 $0x3  }
0x1a6: {  	s9 =	simm.s32 $0x2;
	s7 =	simm.s32 $0x3;
	_ =	swait.ge @!p1 [sflag:s0], $0x4E20  }
0x1a7: {  	s5 =	sshrl.u32 s29, $0xA;
	s7 =	smul.u32 @!p3 $0xAB, s7;
	[sflag:s0] =	ssyncset.done @!p1 $0x0  }
0x1a8: {  	p4 =	por @!p3 $0x1, $0x1;
	s5 =	sand.u32 $0x3F, s5;
	[sflag:s0] =	ssyncadd.s32 @!p1 $0xFFFFB1E0  }
0x1a9: {  	s5 =	smul.u32 $0x6, s5;
	s7 =	sshrl.u32 @!p3 s7, $0xA;
	[bflag:$0x0] =	sbarrier.arrive $0xFFFF  }
0x1aa: {  	[tilespmem:s14], [sflag:$0x1] =	stream.indirect.gather [spmem:s2], $0x20, s16, s18, $0x2000b8;
	[tilespmem:$0x1F810] =	vst v63  }
0x1ab: {  	p4 =	por p4, p3;
	s5 =	ssub.s32 $0x0, s5;
	s7 =	sand.u32 @!p3 $0x3F, s7  }
0x1ac: {  	[tilespmem:s22], [sflag:$0x1] =	stream.indirect.gather [spmem:s2], $0x20, s21, s18, $0x2000b8;
	[tilespmem:$0x1F810] =	vst v63  }
0x1ad: {  	s12 =	simm.s32 @!p4 $0x2;
	s5 =	sand.u32 $0xFF, s5;
	s7 =	smul.u32 @!p3 $0x6, s7  }
0x1ae: {  	[tilespmem:s24], [sflag:$0x1] =	stream.indirect.gather [spmem:s2], $0x20, s23, s18, $0x2000b8;
	[tilespmem:$0x1F810] =	vst v63  }
0x1af: {  	s8 =	simm.s32 $0x80;
	s5 =	sshll.u32 s5, $0xC;
	_ =	swait.ge [sflag:s25], $0x1000  }
0x1b0: {  	s5 =	sadd.s32 $0x9D00, s5;
	s3 =	ssub.s32 @!p3 $0x3, s7;
	[sflag:s25] =	ssyncset.done $0x0  }
0x1b1: {  	s7 =	simm.s32 $0x5080;
	s3 =	sand.u32 @!p3 $0xFF, s3;
	[sflag:s25] =	ssyncadd.s32 $0xFFFFF000  }
0x1b2: {  	[spmem:s1] =	stream.indirect.scatter.add.f32 [tilespmem:s5], [sflag:$0x2], $0x20, s20, s18, $0x2000b8;
	[tilespmem:$0x1F810] =	vst v63  }
0x1b3: {  	s13 =	sshll.u32 @!p3 s3, $0xC;
	s0 =	simm.s32 $0x1;
	_ =	swait.ge @!p4 [sflag:s12], $0x1000  }
0x1b4: {  	s6 =	smul.u32 $0xAB, s0;
	s5 =	simm.s32 @!p3 $0x80;
	[sflag:s12] =	ssyncset.done @!p4 $0x0  }
.LBB2_22:
0x1b5: {  	s3 =	smul.u32 $0xAB, s9;
	[sflag:s12] =	ssyncadd.s32 @!p4 $0xFFFFF000;
	s12 =	sadd.s32 @!p3 $0x9D00, s13  }
0x1b6: {  	s13 =	smov.u32 s9;
	s9 =	sadd.s32 $0x1, s9;
	s14 =	sadd.s32 $0x3, s0  }
0x1b7: {  	[tilespmem:s12], [sflag:$0x1] =	stream.indirect.gather @!p3 [spmem:s2], $0x20, s10, s5, $0x2000b8;
	[tilespmem:$0x1F810] =	vst v63  }
0x1b8: {  	s5 =	sshrl.u32 s6, $0xA;
	p3 =	sgt.u32 s0, $0x99;
	s6 =	smov.u32 s3  }
0x1b9: {  	s3 =	sand.u32 $0x3F, s5;
	s12 =	smul.u32 @!p3 $0xAB, s14  }
0x1ba: {  	p4 =	slt.u32 @!p3 s0, $0x3;
	s5 =	simm.s32 @!p3 $0x80;
	s3 =	smul.u32 $0x6, s3  }
0x1bb: {  	p5 =	sne.s32 s9, $0x9D;
	s10 =	smov.u32 s7;
	p4 =	por p4, p3  }
0x1bc: {  	s12 =	sshrl.u32 @!p3 s12, $0xA;
	s3 =	ssub.s32 s0, s3;
	s0 =	smov.u32 s13  }
0x1bd: {  	s12 =	sand.u32 @!p3 $0x3F, s12;
	s3 =	sand.u32 $0xFF, s3;
	_ =	swait.ge [sflag:s25], $0x1000  }
0x1be: {  	s13 =	smul.u32 @!p3 $0x6, s12;
	s3 =	sshll.u32 s3, $0xC;
	[sflag:s25] =	ssyncset.done $0x0  }
.Ltmp7:
0x1bf: {  	s3 =	sadd.s32 $0x9D00, s3;
	[sflag:s25] =	ssyncadd.s32 $0xFFFFF000;
	(pc) =	sbr.rel @p5 .LBB2_22-.Ltmp7, $4  }
0x1c0: {  	[spmem:s1] =	stream.indirect.scatter.add.f32 [tilespmem:s3], [sflag:$0x2], $0x20, s8, s18, $0x2000b8;
	[tilespmem:$0x1F810] =	vst v63  }
0x1c1: {  	s12 =	simm.s32 @!p4 $0x2;
	s3 =	ssub.s32 @!p3 s14, s13  }
0x1c2: {  	s8 =	sadd.s32 $0x80, s8;
	s3 =	sand.u32 @!p3 $0xFF, s3;
	_ =	swait.ge @!p4 [sflag:s12], $0x1000  }
0x1c3: {  	s7 =	sadd.s32 $0x80, s7;
	s13 =	sshll.u32 @!p3 s3, $0xC;
	[sflag:s12] =	ssyncset.done @!p4 $0x0  }
.Ltmp8:
0x1c4: {  	_ = 	snop;
	(pc) =	sbr.rel .LBB2_23-.Ltmp8, $1  }
0x1c5: {  	_ =	sdelay $0x3  }
.LBB2_2:
0x1c6: {  	s3 =	simm.s32 $0x0;
	s4 =	rddreg [dreg:$0xa]  }
0x1c7: {  	[tilespmem:s3], [sflag:$0x3] =	stream.linear.gather [hbm4b:s4+s3], $0x4E80, $0x38;
	[tilespmem:$0x1F810] =	vst v63  }
0x1c8: {  	_ =	swait.ge [sflag:s15], $0x4E80  }
0x1c9: {  	[sflag:s15] =	ssyncset.done $0x0  }
0x1ca: {  	s13 =	rddreg [dreg:$0xb];
	[sflag:s15] =	ssyncadd.s32 $0xFFFFB180  }
0x1cb: {  	[tilespmem:s16], [sflag:$0x3] =	stream.linear.gather [hbm4b:s13+s3], $0x4E80, $0x38;
	[tilespmem:$0x1F810] =	vst v63  }
0x1cc: {  	_ =	swait.ge [sflag:s15], $0x4E80  }
0x1cd: {  	[sflag:s15] =	ssyncset.done $0x0  }
0x1ce: {  	s14 =	rddreg [dreg:$0x1c];
	[sflag:s15] =	ssyncadd.s32 $0xFFFFB180  }
0x1cf: {  	[tilespmem:s17], [sflag:$0x3] =	stream.linear.gather [hbm4b:s14+s3], $0x1000, $0x38;
	[tilespmem:$0x1F810] =	vst v63  }
0x1d0: {  	_ =	swait.ge [sflag:s15], $0x1000  }
0x1d1: {  	s20 =	stileid.u32;
	[sflag:s15] =	ssyncset.done $0x0  }
0x1d2: {  	s4 =	sshll.u32 s20, $0x6;
	[sflag:s15] =	ssyncadd.s32 $0xFFFFF000  }
0x1d3: {  	s6 =	sshrl.u32 s11, $0x3;
	s4 =	sor.u32 $0x1C03, s4;
	_ =	strace $0x80000048  }
0x1d4: {  	[spmem:s6], [sflag:s4] =	dma.local [hbm:s30], $0x1880  }
0x1d5: {  	_ =	swait.ge [sflag:s15], $0x1880  }
0x1d6: {  	[sflag:s15] =	ssyncset.done $0x0  }
0x1d7: {  	[sflag:s15] =	ssyncadd.s32 $0xFFFFE780  }
0x1d8: {  	[bflag:$0x0] =	sbarrier.arrive $0xFFFF  }
0x1d9: {  	[spmem:s1] =	stream.indirect.scatter.add.f32 [tilespmem:s17], [sflag:$0x2], $0x20, s3, s18, $0x2000b8;
	[tilespmem:$0x1F810] =	vst v63  }
0x1da: {  	_ = 	snop  }
0x1db: {  	[spmem:s1] =	stream.indirect.scatter.add.f32 [tilespmem:s17], [sflag:$0x2], $0x20, s18, s18, $0x2000b8;
	[tilespmem:$0x1F810] =	vst v63  }
0x1dc: {  	s29 =	simm.s32 $0x100  }
0x1dd: {  	[spmem:s1] =	stream.indirect.scatter.add.f32 [tilespmem:s17], [sflag:$0x2], $0x20, s29, s18, $0x2000b8;
	[tilespmem:$0x1F810] =	vst v63  }
0x1de: {  	s5 =	simm.s32 $0x180  }
0x1df: {  	[spmem:s1] =	stream.indirect.scatter.add.f32 [tilespmem:s17], [sflag:$0x2], $0x20, s5, s18, $0x2000b8;
	[tilespmem:$0x1F810] =	vst v63  }
0x1e0: {  	_ =	swait.ge [sflag:s19], $0x1000  }
0x1e1: {  	s5 =	simm.s32 $0x800;
	[sflag:s19] =	ssyncset.done $0x0  }
.LBB2_3:
0x1e2: {  	s7 =	sshra.s32 s5, $0x2;
	[sflag:s19] =	ssyncadd.s32 $0xFFFFF000;
	p3 =	sne.s32 s5, $0x13800  }
0x1e3: {  	[spmem:s1] =	stream.indirect.scatter.add.f32 [tilespmem:s17], [sflag:$0x2], $0x20, s7, s18, $0x2000b8;
	[tilespmem:$0x1F810] =	vst v63  }
.Ltmp9:
0x1e4: {  	_ = 	snop;
	(pc) =	sbr.rel @p3 .LBB2_3-.Ltmp9, $4  }
0x1e5: {  	_ = 	snop  }
0x1e6: {  	s5 =	sadd.s32 $0x200, s5  }
0x1e7: {  	_ =	swait.ge [sflag:s19], $0x1000  }
0x1e8: {  	[sflag:s19] =	ssyncset.done $0x0  }
0x1e9: {  	[sflag:s19] =	ssyncadd.s32 $0xFFFFF000  }
0x1ea: {  	_ =	swait.ge [sflag:s19], $0x1000  }
0x1eb: {  	[sflag:s19] =	ssyncset.done $0x0  }
0x1ec: {  	[sflag:s19] =	ssyncadd.s32 $0xFFFFF000  }
0x1ed: {  	_ =	swait.ge [sflag:s19], $0x1000  }
0x1ee: {  	[sflag:s19] =	ssyncset.done $0x0  }
0x1ef: {  	[sflag:s19] =	ssyncadd.s32 $0xFFFFF000  }
0x1f0: {  	_ =	swait.ge [sflag:s19], $0x1000  }
0x1f1: {  	[sflag:s19] =	ssyncset.done $0x0  }
0x1f2: {  	[sflag:s19] =	ssyncadd.s32 $0xFFFFF000  }
0x1f3: {  	[bflag:$0x0] =	sbarrier.arrive $0xFFFF  }
0x1f4: {  	s5 =	simm.s32 @p2 $0x3;
	s3 =	rddreg [dreg:$0x1d]  }
0x1f5: {  	[hbm:s3], [sflag:s4] =	dma.local @p2 [spmem:s31], $0x1720  }
0x1f6: {  	_ =	swait.ge @p2 [sflag:s5], $0x1720  }
0x1f7: {  	[sflag:s5] =	ssyncset.done @p2 $0x0  }
0x1f8: {  	s3 =	rddreg [dreg:$0xc];
	[sflag:s5] =	ssyncadd.s32 @p2 $0xFFFFE8E0;
	s5 =	simm.s32 @!p2 $0x3  }
0x1f9: {  	[hbm:s3], [sflag:s4] =	dma.local @!p2 [spmem:s28], $0x1880  }
0x1fa: {  	_ =	swait.ge @!p2 [sflag:s5], $0x1880  }
0x1fb: {  	[sflag:s5] =	ssyncset.done @!p2 $0x0  }
0x1fc: {  	[sflag:s5] =	ssyncadd.s32 @!p2 $0xFFFFE780  }
0x1fd: {  	[bflag:$0x0] =	sbarrier.arrive $0xFFFF  }
0x1fe: {  	_ =	strace $0x90000048  }
0x1ff: {  	_ =	strace $0x80000049  }
0x200: {  	[spmem:s6], [sflag:s4] =	dma.local [hbm:s30], $0x1880  }
0x201: {  	_ =	swait.ge [sflag:s15], $0x1880  }
0x202: {  	s14 =	simm.s32 $0x9D00;
	s20 =	simm.s32 $0x0;
	[sflag:s15] =	ssyncset.done $0x0  }
0x203: {  	s5 =	simm.s32 @!p1 $0x3;
	s3 =	rddreg [dreg:$0x6];
	[sflag:s15] =	ssyncadd.s32 $0xFFFFE780  }
0x204: {  	[spmem:s0], [sflag:s4] =	dma.local @!p1 [hbm:s3], $0x4E20  }
0x205: {  	s7 =	simm.s32 $0x1;
	s8 =	smul.u32 $0xAB, s20;
	_ =	swait.ge @!p1 [sflag:s5], $0x4E20  }
0x206: {  	s10 =	simm.s32 $0x3;
	p3 =	por $0x0, $0x0;
	[sflag:s5] =	ssyncset.done @!p1 $0x0  }
0x207: {  	s13 =	simm.s32 $0x5000;
	s9 =	sshrl.u32 s8, $0xA;
	[sflag:s5] =	ssyncadd.s32 @!p1 $0xFFFFB1E0  }
0x208: {  	s10 =	smul.u32 @!p3 $0xAB, s10;
	s9 =	sand.u32 $0x3F, s9;
	[bflag:$0x0] =	sbarrier.arrive $0xFFFF  }
0x209: {  	[tilespmem:s14], [sflag:$0x1] =	stream.indirect.gather [spmem:s2], $0x20, s16, s18, $0x2000b8;
	[tilespmem:$0x1F810] =	vst v63  }
0x20a: {  	s12 =	simm.s32 $0x2;
	p4 =	por @!p3 $0x1, $0x1;
	s9 =	smul.u32 $0x6, s9  }
0x20b: {  	[tilespmem:s22], [sflag:$0x1] =	stream.indirect.gather [spmem:s2], $0x20, s21, s18, $0x2000b8;
	[tilespmem:$0x1F810] =	vst v63  }
0x20c: {  	p4 =	por p4, p3;
	s8 =	smul.u32 $0xAB, s7;
	s9 =	ssub.s32 $0x0, s9  }
0x20d: {  	[tilespmem:s24], [sflag:$0x1] =	stream.indirect.gather [spmem:s2], $0x20, s23, s18, $0x2000b8;
	[tilespmem:$0x1F810] =	vst v63  }
0x20e: {  	s10 =	sshrl.u32 @!p3 s10, $0xA;
	s9 =	sand.u32 $0xFF, s9;
	_ =	swait.ge [sflag:s25], $0x1000  }
0x20f: {  	s10 =	sand.u32 @!p3 $0x3F, s10;
	s9 =	sshll.u32 s9, $0xC;
	[sflag:s25] =	ssyncset.done $0x0  }
0x210: {  	s10 =	smul.u32 @!p3 $0x6, s10;
	s9 =	sadd.s32 $0x9D00, s9;
	[sflag:s25] =	ssyncadd.s32 $0xFFFFF000  }
0x211: {  	[spmem:s1] =	stream.indirect.scatter.add.f32 [tilespmem:s9], [sflag:$0x2], $0x20, s20, s18, $0x2000b8;
	[tilespmem:$0x1F810] =	vst v63  }
0x212: {  	s29 =	simm.s32 @!p4 $0x2;
	s5 =	simm.s32 @!p3 $0x80;
	s9 =	ssub.s32 @!p3 $0x3, s10  }
0x213: {  	s10 =	simm.s32 $0x80;
	_ =	swait.ge @!p4 [sflag:s29], $0x1000;
	s9 =	sand.u32 @!p3 $0xFF, s9  }
0x214: {  	[sflag:s29] =	ssyncset.done @!p4 $0x0;
	s14 =	sshll.u32 @!p3 s9, $0xC;
	s9 =	simm.s32 $0x5080  }
.LBB2_5:
0x215: {  	s3 =	smul.u32 $0xAB, s12  }
0x216: {  	[sflag:s29] =	ssyncadd.s32 @!p4 $0xFFFFF000;
	s14 =	sadd.s32 @!p3 $0x9D00, s14;
	s29 =	smov.u32 s12  }
0x217: {  	[tilespmem:s14], [sflag:$0x1] =	stream.indirect.gather @!p3 [spmem:s2], $0x20, s13, s5, $0x2000b8;
	[tilespmem:$0x1F810] =	vst v63  }
0x218: {  	s12 =	sadd.s32 $0x1, s12;
	s5 =	sshrl.u32 s8, $0xA  }
0x219: {  	s14 =	sadd.s32 $0x3, s7;
	p3 =	sgt.u32 s7, $0x99;
	s8 =	smov.u32 s3  }
0x21a: {  	s3 =	sand.u32 $0x3F, s5;
	s20 =	smul.u32 @!p3 $0xAB, s14  }
0x21b: {  	p4 =	slt.u32 @!p3 s7, $0x3;
	s5 =	simm.s32 @!p3 $0x80;
	s3 =	smul.u32 $0x6, s3  }
0x21c: {  	p5 =	sne.s32 s12, $0x9D;
	s13 =	smov.u32 s9;
	p4 =	por p4, p3  }
0x21d: {  	s20 =	sshrl.u32 @!p3 s20, $0xA;
	s3 =	ssub.s32 s7, s3;
	s7 =	smov.u32 s29  }
0x21e: {  	s20 =	sand.u32 @!p3 $0x3F, s20;
	s3 =	sand.u32 $0xFF, s3;
	_ =	swait.ge [sflag:s25], $0x1000  }
0x21f: {  	s20 =	smul.u32 @!p3 $0x6, s20;
	s3 =	sshll.u32 s3, $0xC;
	[sflag:s25] =	ssyncset.done $0x0  }
.Ltmp10:
0x220: {  	s3 =	sadd.s32 $0x9D00, s3;
	[sflag:s25] =	ssyncadd.s32 $0xFFFFF000;
	(pc) =	sbr.rel @p5 .LBB2_5-.Ltmp10, $4  }
0x221: {  	[spmem:s1] =	stream.indirect.scatter.add.f32 [tilespmem:s3], [sflag:$0x2], $0x20, s10, s18, $0x2000b8;
	[tilespmem:$0x1F810] =	vst v63  }
0x222: {  	s29 =	simm.s32 @!p4 $0x2;
	s3 =	ssub.s32 @!p3 s14, s20  }
0x223: {  	s10 =	sadd.s32 $0x80, s10;
	s3 =	sand.u32 @!p3 $0xFF, s3;
	_ =	swait.ge @!p4 [sflag:s29], $0x1000  }
0x224: {  	s9 =	sadd.s32 $0x80, s9;
	s14 =	sshll.u32 @!p3 s3, $0xC;
	[sflag:s29] =	ssyncset.done @!p4 $0x0  }
0x225: {  	[sflag:s29] =	ssyncadd.s32 @!p4 $0xFFFFF000;
	s3 =	sadd.s32 @!p3 $0x9D00, s14;
	s12 =	sshrl.u32 s8, $0xA  }
0x226: {  	[tilespmem:s3], [sflag:$0x1] =	stream.indirect.gather @!p3 [spmem:s2], $0x20, s13, s5, $0x2000b8;
	[tilespmem:$0x1F810] =	vst v63  }
0x227: {  	s3 =	sand.u32 $0x3F, s12  }
0x228: {  	s5 =	sadd.s32 $0x3, s7;
	p3 =	sgt.u32 s7, $0x99;
	s3 =	smul.u32 $0x6, s3  }
0x229: {  	s8 =	smul.u32 @!p3 $0xAB, s5  }
0x22a: {  	p4 =	slt.u32 @!p3 s7, $0x3;
	_ =	swait.ge [sflag:s25], $0x1000;
	s3 =	ssub.s32 s7, s3  }
0x22b: {  	p4 =	por p4, p3;
	s7 =	sshrl.u32 @!p3 s8, $0xA;
	s3 =	sand.u32 $0xFF, s3  }
0x22c: {  	[sflag:s25] =	ssyncset.done $0x0;
	s7 =	sand.u32 @!p3 $0x3F, s7;
	s3 =	sshll.u32 s3, $0xC  }
0x22d: {  	[sflag:s25] =	ssyncadd.s32 $0xFFFFF000;
	s7 =	smul.u32 @!p3 $0x6, s7;
	s3 =	sadd.s32 $0x9D00, s3  }
0x22e: {  	[spmem:s1] =	stream.indirect.scatter.add.f32 [tilespmem:s3], [sflag:$0x2], $0x20, s10, s18, $0x2000b8;
	[tilespmem:$0x1F810] =	vst v63  }
0x22f: {  	s3 =	simm.s32 @!p4 $0x2;
	s5 =	ssub.s32 @!p3 s5, s7  }
0x230: {  	_ =	swait.ge @!p4 [sflag:s3], $0x1000;
	s5 =	sand.u32 @!p3 $0xFF, s5  }
0x231: {  	[sflag:s3] =	ssyncset.done @!p4 $0x0;
	s5 =	sshll.u32 @!p3 s5, $0xC  }
0x232: {  	s7 =	simm.s32 @!p3 $0x80;
	[sflag:s3] =	ssyncadd.s32 @!p4 $0xFFFFF000;
	s3 =	sadd.s32 @!p3 $0x9D00, s5  }
0x233: {  	[tilespmem:s3], [sflag:$0x1] =	stream.indirect.gather @!p3 [spmem:s2], $0x20, s9, s7, $0x2000b8;
	[tilespmem:$0x1F810] =	vst v63  }
0x234: {  	_ =	swait.ge [sflag:s19], $0x1000  }
0x235: {  	[sflag:s19] =	ssyncset.done $0x0  }
0x236: {  	[sflag:s19] =	ssyncadd.s32 $0xFFFFF000  }
0x237: {  	_ =	swait.ge [sflag:s19], $0x1000  }
0x238: {  	[sflag:s19] =	ssyncset.done $0x0  }
0x239: {  	[sflag:s19] =	ssyncadd.s32 $0xFFFFF000  }
0x23a: {  	_ =	swait.ge [sflag:s19], $0x1000  }
0x23b: {  	[sflag:s19] =	ssyncset.done $0x0  }
0x23c: {  	[sflag:s19] =	ssyncadd.s32 $0xFFFFF000  }
0x23d: {  	_ =	swait.ge [sflag:s19], $0x1000  }
0x23e: {  	[sflag:s19] =	ssyncset.done $0x0  }
0x23f: {  	[sflag:s19] =	ssyncadd.s32 $0xFFFFF000  }
0x240: {  	_ =	swait.ge [sflag:s19], $0x1000  }
0x241: {  	[sflag:s19] =	ssyncset.done $0x0  }
0x242: {  	[sflag:s19] =	ssyncadd.s32 $0xFFFFF000  }
0x243: {  	_ =	swait.ge [sflag:s19], $0x1000  }
0x244: {  	[sflag:s19] =	ssyncset.done $0x0  }
0x245: {  	[sflag:s19] =	ssyncadd.s32 $0xFFFFF000  }
0x246: {  	s5 =	simm.s32 @p2 $0x10;
	[bflag:$0x0] =	sbarrier.arrive $0xFFFF  }
0x247: {  	s3 =	simm.s32 @p2 $0x1;
	s7 =	simm.s32 @p2 $0x4;
	s8 =	rddreg [dreg:$0x1e]  }
0x248: {  	[hbm:s8@s5], [sflag:s4] =	dma.strided @p2 [spmem:s31@s7], $0x1720, s3, $0x4   }
0x249: {  	s3 =	simm.s32 @p2 $0x3  }
0x24a: {  	_ =	swait.ge @p2 [sflag:s3], $0x1720  }
0x24b: {  	s5 =	simm.s32 @!p2 $0x10;
	s7 =	simm.s32 @!p2 $0x4;
	[sflag:s3] =	ssyncset.done @p2 $0x0  }
0x24c: {  	s8 =	rddreg [dreg:$0xd];
	[sflag:s3] =	ssyncadd.s32 @p2 $0xFFFFE8E0;
	s3 =	simm.s32 @!p2 $0x1  }
0x24d: {  	[hbm:s8@s5], [sflag:s4] =	dma.strided @!p2 [spmem:s28@s7], $0x1880, s3, $0x4   }
0x24e: {  	s3 =	simm.s32 @!p2 $0x3  }
0x24f: {  	_ =	swait.ge @!p2 [sflag:s3], $0x1880  }
0x250: {  	[sflag:s3] =	ssyncset.done @!p2 $0x0  }
0x251: {  	[sflag:s3] =	ssyncadd.s32 @!p2 $0xFFFFE780  }
0x252: {  	[bflag:$0x0] =	sbarrier.arrive $0xFFFF  }
0x253: {  	_ =	strace $0x90000049  }
0x254: {  	_ =	strace $0x8000004A  }
0x255: {  	[spmem:s6], [sflag:s4] =	dma.local [hbm:s30], $0x1880  }
0x256: {  	_ =	swait.ge [sflag:s15], $0x1880  }
0x257: {  	s14 =	simm.s32 $0x0;
	s13 =	simm.s32 $0x9D00;
	[sflag:s15] =	ssyncset.done $0x0  }
0x258: {  	s20 =	smul.u32 $0xAB, s14;
	s3 =	rddreg [dreg:$0x7];
	[sflag:s15] =	ssyncadd.s32 $0xFFFFE780  }
0x259: {  	[spmem:s0], [sflag:s4] =	dma.local @!p1 [hbm:s3], $0x4E20  }
0x25a: {  	s12 =	simm.s32 $0x2;
	s10 =	simm.s32 $0x80;
	s3 =	simm.s32 @!p1 $0x3  }
0x25b: {  	s9 =	simm.s32 $0x3;
	p3 =	por $0x0, $0x0;
	_ =	swait.ge @!p1 [sflag:s3], $0x4E20  }
0x25c: {  	s9 =	smul.u32 @!p3 $0xAB, s9;
	s5 =	sshrl.u32 s20, $0xA;
	[sflag:s3] =	ssyncset.done @!p1 $0x0  }
0x25d: {  	p4 =	por @!p3 $0x1, $0x1;
	s5 =	sand.u32 $0x3F, s5;
	[sflag:s3] =	ssyncadd.s32 @!p1 $0xFFFFB1E0  }
0x25e: {  	s9 =	sshrl.u32 @!p3 s9, $0xA;
	s5 =	smul.u32 $0x6, s5;
	[bflag:$0x0] =	sbarrier.arrive $0xFFFF  }
0x25f: {  	[tilespmem:s13], [sflag:$0x1] =	stream.indirect.gather [spmem:s2], $0x20, s16, s18, $0x2000b8;
	[tilespmem:$0x1F810] =	vst v63  }
0x260: {  	p4 =	por p4, p3;
	s9 =	sand.u32 @!p3 $0x3F, s9;
	s5 =	ssub.s32 $0x0, s5  }
0x261: {  	[tilespmem:s22], [sflag:$0x1] =	stream.indirect.gather [spmem:s2], $0x20, s21, s18, $0x2000b8;
	[tilespmem:$0x1F810] =	vst v63  }
0x262: {  	s29 =	simm.s32 @!p4 $0x2;
	s9 =	smul.u32 @!p3 $0x6, s9;
	s5 =	sand.u32 $0xFF, s5  }
0x263: {  	[tilespmem:s24], [sflag:$0x1] =	stream.indirect.gather [spmem:s2], $0x20, s23, s18, $0x2000b8;
	[tilespmem:$0x1F810] =	vst v63  }
0x264: {  	s7 =	simm.s32 $0x1;
	s5 =	sshll.u32 s5, $0xC;
	_ =	swait.ge [sflag:s25], $0x1000  }
0x265: {  	s8 =	smul.u32 $0xAB, s7;
	s5 =	sadd.s32 $0x9D00, s5;
	[sflag:s25] =	ssyncset.done $0x0  }
0x266: {  	s3 =	ssub.s32 @!p3 $0x3, s9;
	s9 =	simm.s32 $0x5080;
	[sflag:s25] =	ssyncadd.s32 $0xFFFFF000  }
0x267: {  	[spmem:s1] =	stream.indirect.scatter.add.f32 [tilespmem:s5], [sflag:$0x2], $0x20, s14, s18, $0x2000b8;
	[tilespmem:$0x1F810] =	vst v63  }
0x268: {  	s3 =	sand.u32 @!p3 $0xFF, s3;
	s13 =	simm.s32 $0x5000;
	_ =	swait.ge @!p4 [sflag:s29], $0x1000  }
0x269: {  	s5 =	simm.s32 @!p3 $0x80;
	s14 =	sshll.u32 @!p3 s3, $0xC;
	[sflag:s29] =	ssyncset.done @!p4 $0x0  }
.LBB2_7:
0x26a: {  	s3 =	smul.u32 $0xAB, s12  }
0x26b: {  	[sflag:s29] =	ssyncadd.s32 @!p4 $0xFFFFF000;
	s14 =	sadd.s32 @!p3 $0x9D00, s14;
	s20 =	smov.u32 s12  }
0x26c: {  	[tilespmem:s14], [sflag:$0x1] =	stream.indirect.gather @!p3 [spmem:s2], $0x20, s13, s5, $0x2000b8;
	[tilespmem:$0x1F810] =	vst v63  }
0x26d: {  	s12 =	sadd.s32 $0x1, s12;
	s5 =	sshrl.u32 s8, $0xA  }
0x26e: {  	s14 =	sadd.s32 $0x3, s7;
	p3 =	sgt.u32 s7, $0x99;
	s8 =	smov.u32 s3  }
0x26f: {  	s3 =	sand.u32 $0x3F, s5;
	s29 =	smul.u32 @!p3 $0xAB, s14  }
0x270: {  	p4 =	slt.u32 @!p3 s7, $0x3;
	s5 =	simm.s32 @!p3 $0x80;
	s3 =	smul.u32 $0x6, s3  }
0x271: {  	p5 =	sne.s32 s12, $0x9D;
	s13 =	smov.u32 s9;
	p4 =	por p4, p3  }
0x272: {  	s3 =	ssub.s32 s7, s3;
	s7 =	smov.u32 s20;
	s20 =	sshrl.u32 @!p3 s29, $0xA  }
0x273: {  	s3 =	sand.u32 $0xFF, s3;
	s20 =	sand.u32 @!p3 $0x3F, s20;
	_ =	swait.ge [sflag:s25], $0x1000  }
0x274: {  	s3 =	sshll.u32 s3, $0xC;
	s20 =	smul.u32 @!p3 $0x6, s20;
	[sflag:s25] =	ssyncset.done $0x0  }
.Ltmp11:
0x275: {  	s3 =	sadd.s32 $0x9D00, s3;
	[sflag:s25] =	ssyncadd.s32 $0xFFFFF000;
	(pc) =	sbr.rel @p5 .LBB2_7-.Ltmp11, $4  }
0x276: {  	[spmem:s1] =	stream.indirect.scatter.add.f32 [tilespmem:s3], [sflag:$0x2], $0x20, s10, s18, $0x2000b8;
	[tilespmem:$0x1F810] =	vst v63  }
0x277: {  	s29 =	simm.s32 @!p4 $0x2;
	s3 =	ssub.s32 @!p3 s14, s20  }
0x278: {  	s10 =	sadd.s32 $0x80, s10;
	s3 =	sand.u32 @!p3 $0xFF, s3;
	_ =	swait.ge @!p4 [sflag:s29], $0x1000  }
0x279: {  	s9 =	sadd.s32 $0x80, s9;
	s14 =	sshll.u32 @!p3 s3, $0xC;
	[sflag:s29] =	ssyncset.done @!p4 $0x0  }
0x27a: {  	[sflag:s29] =	ssyncadd.s32 @!p4 $0xFFFFF000;
	s3 =	sadd.s32 @!p3 $0x9D00, s14;
	s12 =	sshrl.u32 s8, $0xA  }
0x27b: {  	[tilespmem:s3], [sflag:$0x1] =	stream.indirect.gather @!p3 [spmem:s2], $0x20, s13, s5, $0x2000b8;
	[tilespmem:$0x1F810] =	vst v63  }
0x27c: {  	s3 =	sand.u32 $0x3F, s12  }
0x27d: {  	s5 =	sadd.s32 $0x3, s7;
	p3 =	sgt.u32 s7, $0x99;
	s3 =	smul.u32 $0x6, s3  }
0x27e: {  	s8 =	smul.u32 @!p3 $0xAB, s5  }
0x27f: {  	p4 =	slt.u32 @!p3 s7, $0x3;
	_ =	swait.ge [sflag:s25], $0x1000;
	s3 =	ssub.s32 s7, s3  }
0x280: {  	p4 =	por p4, p3;
	s7 =	sshrl.u32 @!p3 s8, $0xA;
	s3 =	sand.u32 $0xFF, s3  }
0x281: {  	[sflag:s25] =	ssyncset.done $0x0;
	s7 =	sand.u32 @!p3 $0x3F, s7;
	s3 =	sshll.u32 s3, $0xC  }
0x282: {  	[sflag:s25] =	ssyncadd.s32 $0xFFFFF000;
	s7 =	smul.u32 @!p3 $0x6, s7;
	s3 =	sadd.s32 $0x9D00, s3  }
0x283: {  	[spmem:s1] =	stream.indirect.scatter.add.f32 [tilespmem:s3], [sflag:$0x2], $0x20, s10, s18, $0x2000b8;
	[tilespmem:$0x1F810] =	vst v63  }
0x284: {  	s3 =	simm.s32 @!p4 $0x2;
	s5 =	ssub.s32 @!p3 s5, s7  }
0x285: {  	_ =	swait.ge @!p4 [sflag:s3], $0x1000;
	s5 =	sand.u32 @!p3 $0xFF, s5  }
0x286: {  	[sflag:s3] =	ssyncset.done @!p4 $0x0;
	s5 =	sshll.u32 @!p3 s5, $0xC  }
0x287: {  	s7 =	simm.s32 @!p3 $0x80;
	[sflag:s3] =	ssyncadd.s32 @!p4 $0xFFFFF000;
	s3 =	sadd.s32 @!p3 $0x9D00, s5  }
0x288: {  	[tilespmem:s3], [sflag:$0x1] =	stream.indirect.gather @!p3 [spmem:s2], $0x20, s9, s7, $0x2000b8;
	[tilespmem:$0x1F810] =	vst v63  }
0x289: {  	_ =	swait.ge [sflag:s19], $0x1000  }
0x28a: {  	[sflag:s19] =	ssyncset.done $0x0  }
0x28b: {  	[sflag:s19] =	ssyncadd.s32 $0xFFFFF000  }
0x28c: {  	_ =	swait.ge [sflag:s19], $0x1000  }
0x28d: {  	[sflag:s19] =	ssyncset.done $0x0  }
0x28e: {  	[sflag:s19] =	ssyncadd.s32 $0xFFFFF000  }
0x28f: {  	_ =	swait.ge [sflag:s19], $0x1000  }
0x290: {  	[sflag:s19] =	ssyncset.done $0x0  }
0x291: {  	[sflag:s19] =	ssyncadd.s32 $0xFFFFF000  }
0x292: {  	_ =	swait.ge [sflag:s19], $0x1000  }
0x293: {  	[sflag:s19] =	ssyncset.done $0x0  }
0x294: {  	[sflag:s19] =	ssyncadd.s32 $0xFFFFF000  }
0x295: {  	_ =	swait.ge [sflag:s19], $0x1000  }
0x296: {  	[sflag:s19] =	ssyncset.done $0x0  }
0x297: {  	[sflag:s19] =	ssyncadd.s32 $0xFFFFF000  }
0x298: {  	_ =	swait.ge [sflag:s19], $0x1000  }
0x299: {  	[sflag:s19] =	ssyncset.done $0x0  }
0x29a: {  	[sflag:s19] =	ssyncadd.s32 $0xFFFFF000  }
0x29b: {  	s5 =	simm.s32 @p2 $0x10;
	[bflag:$0x0] =	sbarrier.arrive $0xFFFF  }
0x29c: {  	s3 =	simm.s32 @p2 $0x1;
	s7 =	simm.s32 @p2 $0x4;
	s8 =	rddreg [dreg:$0x1f]  }
0x29d: {  	[hbm:s8@s5], [sflag:s4] =	dma.strided @p2 [spmem:s31@s7], $0x1720, s3, $0x4   }
0x29e: {  	s3 =	simm.s32 @p2 $0x3  }
0x29f: {  	_ =	swait.ge @p2 [sflag:s3], $0x1720  }
0x2a0: {  	s5 =	simm.s32 @!p2 $0x10;
	s7 =	simm.s32 @!p2 $0x4;
	[sflag:s3] =	ssyncset.done @p2 $0x0  }
0x2a1: {  	s8 =	rddreg [dreg:$0xe];
	[sflag:s3] =	ssyncadd.s32 @p2 $0xFFFFE8E0;
	s3 =	simm.s32 @!p2 $0x1  }
0x2a2: {  	[hbm:s8@s5], [sflag:s4] =	dma.strided @!p2 [spmem:s28@s7], $0x1880, s3, $0x4   }
0x2a3: {  	s3 =	simm.s32 @!p2 $0x3  }
0x2a4: {  	_ =	swait.ge @!p2 [sflag:s3], $0x1880  }
0x2a5: {  	[sflag:s3] =	ssyncset.done @!p2 $0x0  }
0x2a6: {  	[sflag:s3] =	ssyncadd.s32 @!p2 $0xFFFFE780  }
0x2a7: {  	[bflag:$0x0] =	sbarrier.arrive $0xFFFF  }
0x2a8: {  	_ =	strace $0x9000004A  }
0x2a9: {  	_ =	strace $0x8000004B  }
0x2aa: {  	[spmem:s6], [sflag:s4] =	dma.local [hbm:s30], $0x1880  }
0x2ab: {  	_ =	swait.ge [sflag:s15], $0x1880  }
0x2ac: {  	s14 =	simm.s32 $0x0;
	s13 =	simm.s32 $0x9D00;
	[sflag:s15] =	ssyncset.done $0x0  }
0x2ad: {  	s20 =	smul.u32 $0xAB, s14;
	s3 =	rddreg [dreg:$0x8];
	[sflag:s15] =	ssyncadd.s32 $0xFFFFE780  }
0x2ae: {  	[spmem:s0], [sflag:s4] =	dma.local @!p1 [hbm:s3], $0x4E20  }
0x2af: {  	s12 =	simm.s32 $0x2;
	s10 =	simm.s32 $0x80;
	s3 =	simm.s32 @!p1 $0x3  }
0x2b0: {  	s9 =	simm.s32 $0x3;
	p3 =	por $0x0, $0x0;
	_ =	swait.ge @!p1 [sflag:s3], $0x4E20  }
0x2b1: {  	s9 =	smul.u32 @!p3 $0xAB, s9;
	s5 =	sshrl.u32 s20, $0xA;
	[sflag:s3] =	ssyncset.done @!p1 $0x0  }
0x2b2: {  	p4 =	por @!p3 $0x1, $0x1;
	s5 =	sand.u32 $0x3F, s5;
	[sflag:s3] =	ssyncadd.s32 @!p1 $0xFFFFB1E0  }
0x2b3: {  	s9 =	sshrl.u32 @!p3 s9, $0xA;
	s5 =	smul.u32 $0x6, s5;
	[bflag:$0x0] =	sbarrier.arrive $0xFFFF  }
0x2b4: {  	[tilespmem:s13], [sflag:$0x1] =	stream.indirect.gather [spmem:s2], $0x20, s16, s18, $0x2000b8;
	[tilespmem:$0x1F810] =	vst v63  }
0x2b5: {  	p4 =	por p4, p3;
	s9 =	sand.u32 @!p3 $0x3F, s9;
	s5 =	ssub.s32 $0x0, s5  }
0x2b6: {  	[tilespmem:s22], [sflag:$0x1] =	stream.indirect.gather [spmem:s2], $0x20, s21, s18, $0x2000b8;
	[tilespmem:$0x1F810] =	vst v63  }
0x2b7: {  	s29 =	simm.s32 @!p4 $0x2;
	s9 =	smul.u32 @!p3 $0x6, s9;
	s5 =	sand.u32 $0xFF, s5  }
0x2b8: {  	[tilespmem:s24], [sflag:$0x1] =	stream.indirect.gather [spmem:s2], $0x20, s23, s18, $0x2000b8;
	[tilespmem:$0x1F810] =	vst v63  }
0x2b9: {  	s7 =	simm.s32 $0x1;
	s5 =	sshll.u32 s5, $0xC;
	_ =	swait.ge [sflag:s25], $0x1000  }
0x2ba: {  	s8 =	smul.u32 $0xAB, s7;
	s5 =	sadd.s32 $0x9D00, s5;
	[sflag:s25] =	ssyncset.done $0x0  }
0x2bb: {  	s3 =	ssub.s32 @!p3 $0x3, s9;
	s9 =	simm.s32 $0x5080;
	[sflag:s25] =	ssyncadd.s32 $0xFFFFF000  }
0x2bc: {  	[spmem:s1] =	stream.indirect.scatter.add.f32 [tilespmem:s5], [sflag:$0x2], $0x20, s14, s18, $0x2000b8;
	[tilespmem:$0x1F810] =	vst v63  }
0x2bd: {  	s3 =	sand.u32 @!p3 $0xFF, s3;
	s13 =	simm.s32 $0x5000;
	_ =	swait.ge @!p4 [sflag:s29], $0x1000  }
0x2be: {  	s5 =	simm.s32 @!p3 $0x80;
	s14 =	sshll.u32 @!p3 s3, $0xC;
	[sflag:s29] =	ssyncset.done @!p4 $0x0  }
.LBB2_9:
0x2bf: {  	s3 =	smul.u32 $0xAB, s12  }
0x2c0: {  	[sflag:s29] =	ssyncadd.s32 @!p4 $0xFFFFF000;
	s14 =	sadd.s32 @!p3 $0x9D00, s14;
	s20 =	smov.u32 s12  }
0x2c1: {  	[tilespmem:s14], [sflag:$0x1] =	stream.indirect.gather @!p3 [spmem:s2], $0x20, s13, s5, $0x2000b8;
	[tilespmem:$0x1F810] =	vst v63  }
0x2c2: {  	s12 =	sadd.s32 $0x1, s12;
	s5 =	sshrl.u32 s8, $0xA  }
0x2c3: {  	s14 =	sadd.s32 $0x3, s7;
	p3 =	sgt.u32 s7, $0x99;
	s8 =	smov.u32 s3  }
0x2c4: {  	s3 =	sand.u32 $0x3F, s5;
	s29 =	smul.u32 @!p3 $0xAB, s14  }
0x2c5: {  	p4 =	slt.u32 @!p3 s7, $0x3;
	s5 =	simm.s32 @!p3 $0x80;
	s3 =	smul.u32 $0x6, s3  }
0x2c6: {  	p5 =	sne.s32 s12, $0x9D;
	s13 =	smov.u32 s9;
	p4 =	por p4, p3  }
0x2c7: {  	s3 =	ssub.s32 s7, s3;
	s7 =	smov.u32 s20;
	s20 =	sshrl.u32 @!p3 s29, $0xA  }
0x2c8: {  	s3 =	sand.u32 $0xFF, s3;
	s20 =	sand.u32 @!p3 $0x3F, s20;
	_ =	swait.ge [sflag:s25], $0x1000  }
0x2c9: {  	s3 =	sshll.u32 s3, $0xC;
	s20 =	smul.u32 @!p3 $0x6, s20;
	[sflag:s25] =	ssyncset.done $0x0  }
.Ltmp12:
0x2ca: {  	s3 =	sadd.s32 $0x9D00, s3;
	[sflag:s25] =	ssyncadd.s32 $0xFFFFF000;
	(pc) =	sbr.rel @p5 .LBB2_9-.Ltmp12, $4  }
0x2cb: {  	[spmem:s1] =	stream.indirect.scatter.add.f32 [tilespmem:s3], [sflag:$0x2], $0x20, s10, s18, $0x2000b8;
	[tilespmem:$0x1F810] =	vst v63  }
0x2cc: {  	s29 =	simm.s32 @!p4 $0x2;
	s3 =	ssub.s32 @!p3 s14, s20  }
0x2cd: {  	s10 =	sadd.s32 $0x80, s10;
	s3 =	sand.u32 @!p3 $0xFF, s3;
	_ =	swait.ge @!p4 [sflag:s29], $0x1000  }
0x2ce: {  	s9 =	sadd.s32 $0x80, s9;
	s14 =	sshll.u32 @!p3 s3, $0xC;
	[sflag:s29] =	ssyncset.done @!p4 $0x0  }
0x2cf: {  	[sflag:s29] =	ssyncadd.s32 @!p4 $0xFFFFF000;
	s3 =	sadd.s32 @!p3 $0x9D00, s14  }
0x2d0: {  	[tilespmem:s3], [sflag:$0x1] =	stream.indirect.gather @!p3 [spmem:s2], $0x20, s13, s5, $0x2000b8;
	[tilespmem:$0x1F810] =	vst v63  }
0x2d1: {  	s13 =	sshrl.u32 s8, $0xA  }
0x2d2: {  	s3 =	sand.u32 $0x3F, s13  }
0x2d3: {  	s5 =	sadd.s32 $0x3, s7;
	p3 =	sgt.u32 s7, $0x99;
	s3 =	smul.u32 $0x6, s3  }
0x2d4: {  	s8 =	smul.u32 @!p3 $0xAB, s5  }
0x2d5: {  	p4 =	slt.u32 @!p3 s7, $0x3;
	_ =	swait.ge [sflag:s25], $0x1000;
	s3 =	ssub.s32 s7, s3  }
0x2d6: {  	p4 =	por p4, p3;
	s7 =	sshrl.u32 @!p3 s8, $0xA;
	s3 =	sand.u32 $0xFF, s3  }
0x2d7: {  	[sflag:s25] =	ssyncset.done $0x0;
	s7 =	sand.u32 @!p3 $0x3F, s7;
	s3 =	sshll.u32 s3, $0xC  }
0x2d8: {  	[sflag:s25] =	ssyncadd.s32 $0xFFFFF000;
	s7 =	smul.u32 @!p3 $0x6, s7;
	s3 =	sadd.s32 $0x9D00, s3  }
0x2d9: {  	[spmem:s1] =	stream.indirect.scatter.add.f32 [tilespmem:s3], [sflag:$0x2], $0x20, s10, s18, $0x2000b8;
	[tilespmem:$0x1F810] =	vst v63  }
0x2da: {  	s3 =	simm.s32 @!p4 $0x2;
	s5 =	ssub.s32 @!p3 s5, s7  }
0x2db: {  	_ =	swait.ge @!p4 [sflag:s3], $0x1000;
	s5 =	sand.u32 @!p3 $0xFF, s5  }
0x2dc: {  	[sflag:s3] =	ssyncset.done @!p4 $0x0;
	s5 =	sshll.u32 @!p3 s5, $0xC  }
0x2dd: {  	s7 =	simm.s32 @!p3 $0x80;
	[sflag:s3] =	ssyncadd.s32 @!p4 $0xFFFFF000;
	s3 =	sadd.s32 @!p3 $0x9D00, s5  }
0x2de: {  	[tilespmem:s3], [sflag:$0x1] =	stream.indirect.gather @!p3 [spmem:s2], $0x20, s9, s7, $0x2000b8;
	[tilespmem:$0x1F810] =	vst v63  }
0x2df: {  	_ =	swait.ge [sflag:s19], $0x1000  }
0x2e0: {  	[sflag:s19] =	ssyncset.done $0x0  }
0x2e1: {  	[sflag:s19] =	ssyncadd.s32 $0xFFFFF000  }
0x2e2: {  	_ =	swait.ge [sflag:s19], $0x1000  }
0x2e3: {  	[sflag:s19] =	ssyncset.done $0x0  }
0x2e4: {  	[sflag:s19] =	ssyncadd.s32 $0xFFFFF000  }
0x2e5: {  	_ =	swait.ge [sflag:s19], $0x1000  }
0x2e6: {  	[sflag:s19] =	ssyncset.done $0x0  }
0x2e7: {  	[sflag:s19] =	ssyncadd.s32 $0xFFFFF000  }
0x2e8: {  	_ =	swait.ge [sflag:s19], $0x1000  }
0x2e9: {  	[sflag:s19] =	ssyncset.done $0x0  }
0x2ea: {  	[sflag:s19] =	ssyncadd.s32 $0xFFFFF000  }
0x2eb: {  	_ =	swait.ge [sflag:s19], $0x1000  }
0x2ec: {  	[sflag:s19] =	ssyncset.done $0x0  }
0x2ed: {  	[sflag:s19] =	ssyncadd.s32 $0xFFFFF000  }
0x2ee: {  	_ =	swait.ge [sflag:s19], $0x1000  }
0x2ef: {  	[sflag:s19] =	ssyncset.done $0x0  }
0x2f0: {  	[sflag:s19] =	ssyncadd.s32 $0xFFFFF000  }
0x2f1: {  	[bflag:$0x0] =	sbarrier.arrive $0xFFFF  }
0x2f2: {  	s8 =	sld [smem:$0x7F6];
	_ =	sdelay $0x1  }
0x2f3: {  	s5 =	simm.s32 @p2 $0x10;
	s3 =	simm.s32 @p2 $0x1;
	s7 =	simm.s32 @p2 $0x4  }
0x2f4: {  	[hbm:s8@s5], [sflag:s4] =	dma.strided @p2 [spmem:s31@s7], $0x1720, s3, $0x4   }
0x2f5: {  	s3 =	simm.s32 @p2 $0x3  }
0x2f6: {  	_ =	swait.ge @p2 [sflag:s3], $0x1720  }
0x2f7: {  	s5 =	simm.s32 @!p2 $0x10;
	s7 =	simm.s32 @!p2 $0x4;
	[sflag:s3] =	ssyncset.done @p2 $0x0  }
0x2f8: {  	s8 =	rddreg [dreg:$0xf];
	[sflag:s3] =	ssyncadd.s32 @p2 $0xFFFFE8E0;
	s3 =	simm.s32 @!p2 $0x1  }
0x2f9: {  	[hbm:s8@s5], [sflag:s4] =	dma.strided @!p2 [spmem:s28@s7], $0x1880, s3, $0x4   }
0x2fa: {  	s3 =	simm.s32 @!p2 $0x3  }
0x2fb: {  	_ =	swait.ge @!p2 [sflag:s3], $0x1880  }
0x2fc: {  	[sflag:s3] =	ssyncset.done @!p2 $0x0  }
0x2fd: {  	[sflag:s3] =	ssyncadd.s32 @!p2 $0xFFFFE780  }
0x2fe: {  	[bflag:$0x0] =	sbarrier.arrive $0xFFFF  }
0x2ff: {  	_ =	strace $0x9000004B  }
0x300: {  	_ =	strace $0x8000004C  }
0x301: {  	[spmem:s6], [sflag:s4] =	dma.local [hbm:s30], $0x1880  }
0x302: {  	_ =	swait.ge [sflag:s15], $0x1880  }
0x303: {  	s14 =	simm.s32 $0x9D00;
	s20 =	simm.s32 $0x0;
	[sflag:s15] =	ssyncset.done $0x0  }
0x304: {  	s29 =	smul.u32 $0xAB, s20;
	s3 =	rddreg [dreg:$0x9];
	[sflag:s15] =	ssyncadd.s32 $0xFFFFE780  }
0x305: {  	[spmem:s0], [sflag:s4] =	dma.local @!p1 [hbm:s3], $0x4E20  }
0x306: {  	s10 =	simm.s32 $0x5000;
	p3 =	por $0x0, $0x0;
	s0 =	simm.s32 @!p1 $0x3  }
0x307: {  	s9 =	simm.s32 $0x2;
	s7 =	simm.s32 $0x3;
	_ =	swait.ge @!p1 [sflag:s0], $0x4E20  }
0x308: {  	s5 =	sshrl.u32 s29, $0xA;
	s7 =	smul.u32 @!p3 $0xAB, s7;
	[sflag:s0] =	ssyncset.done @!p1 $0x0  }
0x309: {  	p4 =	por @!p3 $0x1, $0x1;
	s5 =	sand.u32 $0x3F, s5;
	[sflag:s0] =	ssyncadd.s32 @!p1 $0xFFFFB1E0  }
0x30a: {  	s5 =	smul.u32 $0x6, s5;
	s7 =	sshrl.u32 @!p3 s7, $0xA;
	[bflag:$0x0] =	sbarrier.arrive $0xFFFF  }
0x30b: {  	[tilespmem:s14], [sflag:$0x1] =	stream.indirect.gather [spmem:s2], $0x20, s16, s18, $0x2000b8;
	[tilespmem:$0x1F810] =	vst v63  }
0x30c: {  	p4 =	por p4, p3;
	s5 =	ssub.s32 $0x0, s5;
	s7 =	sand.u32 @!p3 $0x3F, s7  }
0x30d: {  	[tilespmem:s22], [sflag:$0x1] =	stream.indirect.gather [spmem:s2], $0x20, s21, s18, $0x2000b8;
	[tilespmem:$0x1F810] =	vst v63  }
0x30e: {  	s12 =	simm.s32 @!p4 $0x2;
	s5 =	sand.u32 $0xFF, s5;
	s7 =	smul.u32 @!p3 $0x6, s7  }
0x30f: {  	[tilespmem:s24], [sflag:$0x1] =	stream.indirect.gather [spmem:s2], $0x20, s23, s18, $0x2000b8;
	[tilespmem:$0x1F810] =	vst v63  }
0x310: {  	s8 =	simm.s32 $0x80;
	s5 =	sshll.u32 s5, $0xC;
	_ =	swait.ge [sflag:s25], $0x1000  }
0x311: {  	s5 =	sadd.s32 $0x9D00, s5;
	s3 =	ssub.s32 @!p3 $0x3, s7;
	[sflag:s25] =	ssyncset.done $0x0  }
0x312: {  	s7 =	simm.s32 $0x5080;
	s3 =	sand.u32 @!p3 $0xFF, s3;
	[sflag:s25] =	ssyncadd.s32 $0xFFFFF000  }
0x313: {  	[spmem:s1] =	stream.indirect.scatter.add.f32 [tilespmem:s5], [sflag:$0x2], $0x20, s20, s18, $0x2000b8;
	[tilespmem:$0x1F810] =	vst v63  }
0x314: {  	s13 =	sshll.u32 @!p3 s3, $0xC;
	s0 =	simm.s32 $0x1;
	_ =	swait.ge @!p4 [sflag:s12], $0x1000  }
0x315: {  	s6 =	smul.u32 $0xAB, s0;
	s5 =	simm.s32 @!p3 $0x80;
	[sflag:s12] =	ssyncset.done @!p4 $0x0  }
.LBB2_11:
0x316: {  	s3 =	smul.u32 $0xAB, s9;
	[sflag:s12] =	ssyncadd.s32 @!p4 $0xFFFFF000;
	s12 =	sadd.s32 @!p3 $0x9D00, s13  }
0x317: {  	s13 =	smov.u32 s9;
	s9 =	sadd.s32 $0x1, s9;
	s14 =	sadd.s32 $0x3, s0  }
0x318: {  	[tilespmem:s12], [sflag:$0x1] =	stream.indirect.gather @!p3 [spmem:s2], $0x20, s10, s5, $0x2000b8;
	[tilespmem:$0x1F810] =	vst v63  }
0x319: {  	s5 =	sshrl.u32 s6, $0xA;
	p3 =	sgt.u32 s0, $0x99;
	s6 =	smov.u32 s3  }
0x31a: {  	s3 =	sand.u32 $0x3F, s5;
	s12 =	smul.u32 @!p3 $0xAB, s14  }
0x31b: {  	p4 =	slt.u32 @!p3 s0, $0x3;
	s5 =	simm.s32 @!p3 $0x80;
	s3 =	smul.u32 $0x6, s3  }
0x31c: {  	p5 =	sne.s32 s9, $0x9D;
	s10 =	smov.u32 s7;
	p4 =	por p4, p3  }
0x31d: {  	s12 =	sshrl.u32 @!p3 s12, $0xA;
	s3 =	ssub.s32 s0, s3;
	s0 =	smov.u32 s13  }
0x31e: {  	s12 =	sand.u32 @!p3 $0x3F, s12;
	s3 =	sand.u32 $0xFF, s3;
	_ =	swait.ge [sflag:s25], $0x1000  }
0x31f: {  	s13 =	smul.u32 @!p3 $0x6, s12;
	s3 =	sshll.u32 s3, $0xC;
	[sflag:s25] =	ssyncset.done $0x0  }
.Ltmp13:
0x320: {  	s3 =	sadd.s32 $0x9D00, s3;
	[sflag:s25] =	ssyncadd.s32 $0xFFFFF000;
	(pc) =	sbr.rel @p5 .LBB2_11-.Ltmp13, $4  }
0x321: {  	[spmem:s1] =	stream.indirect.scatter.add.f32 [tilespmem:s3], [sflag:$0x2], $0x20, s8, s18, $0x2000b8;
	[tilespmem:$0x1F810] =	vst v63  }
0x322: {  	s12 =	simm.s32 @!p4 $0x2;
	s3 =	ssub.s32 @!p3 s14, s13  }
0x323: {  	s8 =	sadd.s32 $0x80, s8;
	s3 =	sand.u32 @!p3 $0xFF, s3;
	_ =	swait.ge @!p4 [sflag:s12], $0x1000  }
0x324: {  	s7 =	sadd.s32 $0x80, s7;
	s13 =	sshll.u32 @!p3 s3, $0xC;
	[sflag:s12] =	ssyncset.done @!p4 $0x0  }
0x325: {  	[sflag:s12] =	ssyncadd.s32 @!p4 $0xFFFFF000;
	s3 =	sadd.s32 @!p3 $0x9D00, s13;
	s20 =	sshrl.u32 s6, $0xA  }
0x326: {  	[tilespmem:s3], [sflag:$0x1] =	stream.indirect.gather @!p3 [spmem:s2], $0x20, s10, s5, $0x2000b8;
	[tilespmem:$0x1F810] =	vst v63  }
0x327: {  	s3 =	sand.u32 $0x3F, s20  }
0x328: {  	s5 =	sadd.s32 $0x3, s0;
	p3 =	sgt.u32 s0, $0x99;
	s3 =	smul.u32 $0x6, s3  }
0x329: {  	s6 =	smul.u32 @!p3 $0xAB, s5  }
0x32a: {  	p4 =	slt.u32 @!p3 s0, $0x3;
	_ =	swait.ge [sflag:s25], $0x1000;
	s29 =	ssub.s32 s0, s3  }
0x32b: {  	p4 =	por p4, p3;
	s3 =	sshrl.u32 @!p3 s6, $0xA;
	s0 =	sand.u32 $0xFF, s29  }
0x32c: {  	[sflag:s25] =	ssyncset.done $0x0;
	s3 =	sand.u32 @!p3 $0x3F, s3;
	s0 =	sshll.u32 s0, $0xC  }
0x32d: {  	[sflag:s25] =	ssyncadd.s32 $0xFFFFF000;
	s3 =	smul.u32 @!p3 $0x6, s3;
	s0 =	sadd.s32 $0x9D00, s0  }
0x32e: {  	[spmem:s1] =	stream.indirect.scatter.add.f32 [tilespmem:s0], [sflag:$0x2], $0x20, s8, s18, $0x2000b8;
	[tilespmem:$0x1F810] =	vst v63  }
0x32f: {  	s0 =	simm.s32 @!p4 $0x2;
	s3 =	ssub.s32 @!p3 s5, s3  }
0x330: {  	_ =	swait.ge @!p4 [sflag:s0], $0x1000;
	s3 =	sand.u32 @!p3 $0xFF, s3  }
0x331: {  	[sflag:s0] =	ssyncset.done @!p4 $0x0;
	s3 =	sshll.u32 @!p3 s3, $0xC  }
0x332: {  	s5 =	simm.s32 @!p3 $0x80;
	[sflag:s0] =	ssyncadd.s32 @!p4 $0xFFFFF000;
	s0 =	sadd.s32 @!p3 $0x9D00, s3  }
0x333: {  	[tilespmem:s0], [sflag:$0x1] =	stream.indirect.gather @!p3 [spmem:s2], $0x20, s7, s5, $0x2000b8;
	[tilespmem:$0x1F810] =	vst v63  }
0x334: {  	_ =	swait.ge [sflag:s19], $0x1000  }
0x335: {  	[sflag:s19] =	ssyncset.done $0x0  }
0x336: {  	[sflag:s19] =	ssyncadd.s32 $0xFFFFF000  }
0x337: {  	_ =	swait.ge [sflag:s19], $0x1000  }
0x338: {  	[sflag:s19] =	ssyncset.done $0x0  }
0x339: {  	[sflag:s19] =	ssyncadd.s32 $0xFFFFF000  }
0x33a: {  	_ =	swait.ge [sflag:s19], $0x1000  }
0x33b: {  	[sflag:s19] =	ssyncset.done $0x0  }
0x33c: {  	[sflag:s19] =	ssyncadd.s32 $0xFFFFF000  }
0x33d: {  	_ =	swait.ge [sflag:s19], $0x1000  }
0x33e: {  	[sflag:s19] =	ssyncset.done $0x0  }
0x33f: {  	[sflag:s19] =	ssyncadd.s32 $0xFFFFF000  }
0x340: {  	_ =	swait.ge [sflag:s19], $0x1000  }
0x341: {  	[sflag:s19] =	ssyncset.done $0x0  }
0x342: {  	[sflag:s19] =	ssyncadd.s32 $0xFFFFF000  }
0x343: {  	_ =	swait.ge [sflag:s19], $0x1000  }
0x344: {  	[sflag:s19] =	ssyncset.done $0x0  }
0x345: {  	[sflag:s19] =	ssyncadd.s32 $0xFFFFF000  }
0x346: {  	[bflag:$0x0] =	sbarrier.arrive $0xFFFF  }
0x347: {  	s6 =	sld [smem:$0x7F7];
	_ =	sdelay $0x1  }
0x348: {  	s3 =	simm.s32 @p2 $0x10;
	s0 =	simm.s32 @p2 $0x1;
	s5 =	simm.s32 @p2 $0x4  }
0x349: {  	[hbm:s6@s3], [sflag:s4] =	dma.strided @p2 [spmem:s31@s5], $0x1720, s0, $0x4   }
0x34a: {  	s0 =	simm.s32 @p2 $0x3  }
0x34b: {  	_ =	swait.ge @p2 [sflag:s0], $0x1720  }
0x34c: {  	s3 =	simm.s32 @!p2 $0x10;
	s5 =	simm.s32 @!p2 $0x4;
	[sflag:s0] =	ssyncset.done @p2 $0x0  }
0x34d: {  	s6 =	rddreg [dreg:$0x10];
	[sflag:s0] =	ssyncadd.s32 @p2 $0xFFFFE8E0;
	s0 =	simm.s32 @!p2 $0x1  }
0x34e: {  	[hbm:s6@s3], [sflag:s4] =	dma.strided @!p2 [spmem:s28@s5], $0x1880, s0, $0x4   }
0x34f: {  	s0 =	simm.s32 @!p2 $0x3  }
.Ltmp14:
0x350: {  	_ =	swait.ge @!p2 [sflag:s0], $0x1880;
	(pc) =	sbr.rel .LBB2_24-.Ltmp14, $4  }
0x351: {  	[sflag:s0] =	ssyncset.done @!p2 $0x0  }
0x352: {  	[sflag:s0] =	ssyncadd.s32 @!p2 $0xFFFFE780  }
0x353: {  	[bflag:$0x0] =	sbarrier.arrive $0xFFFF  }
0x354: {  	_ =	strace $0x9000004C  }
.LBB2_25:
0x355: {  	_ =	sfence.sel $0x180000  }
0x356: {  	[bflag:$0x0] =	sbarrier.arrive $0xFFFF  }
0x357: {  	_ =	strace $0x90000047  }
0x358: {  	[bflag:$0x2] =	sbarrier.arrive $0xFFFF  }
0x359: {  	s0 =	rddreg [dreg:$0x5]  }
0x35a: {  	s0 =	sadd.s32 @!p1 $0x100000, s0  }
0x35b: {  	[sflag:s0] =	ssyncadd.tile.s32 @!p1 $0x1;
	_ =	shalt  }
.Lfunc_end2:
_tile_overlayer_lowered:
.L_overlay_start_2:
0x35c: {  	(tag) =	ssettag $0x2  }
0x35d: {  	s0 =	rddreg [dreg:$0x0];
	s2 =	stileid.u32  }
0x35e: {  	s1 =	rddreg [dreg:$0x1];
	p0 =	sne.s32 s2, $0x0  }
0x35f: {  	s3 =	rddreg [dreg:$0x2];
	[bflag:$0x3] =	sbarrier.arrive $0xFFFF;
	s2 =	simm.s32 @!p0 $0x1C03  }
0x360: {  	[timem:s3], [sflag:s2] =	dma.local @!p0 [hbm:s0], s1  }
0x361: {  	s0 =	simm.s32 @!p0 $0x3  }
0x362: {  	_ =	swait.ge @!p0 [sflag:s0], s1  }
0x363: {  	s1 =	ssub.s32 @!p0 $0x0, s1;
	[sflag:s0] =	ssyncset.done @!p0 $0x0  }
0x364: {  	[sflag:s0] =	ssyncadd.s32 @!p0 s1  }
0x365: {  	[bflag:$0x3] =	sbarrier.arrive $0xFFFF  }
0x366: {  	_ =	shalt  }

</sc_bundles>
